<compile_context>
chip_gen: v7x
topology: tpu7x:2x2x1
jax: 0.10.2.dev20260603
libtpu: 0.0.44.dev20260713+nightly
codegen_flags: <defaults>
</compile_context>

<pallas_src>
import functools

import jax
import jax.numpy as jnp
from jax import lax
from jax.experimental import pallas as pl
from jax.experimental.pallas import tpu as pltpu
from jax.experimental.pallas import tpu_sc as plsc

B, L, V, D, H, C = 4096, 200, 100000, 128, 1024, 3

NC, NS, LANES = 2, 16, 16
NW = NC * NS
HALF = L // 2
DCH = D // LANES

NCHUNK = 1
CB = B // NCHUNK
SPW = CB // NW
NUNIT = 6
CP = 8


def _pool_body(sent_hbm, table_hbm, out_hbm, idx_v, rows_v, out_v, sem0, sem1,
               sem2, sem3, sem4, sem5):
    wid = lax.axis_index("s") * NC + lax.axis_index("c")
    base = wid * SPW
    pltpu.sync_copy(sent_hbm.at[pl.ds(base, SPW)], idx_v)

    sems = (sem0, sem1, sem2, sem3, sem4, sem5)

    def fire(j, k, b):
        pltpu.async_copy(table_hbm.at[idx_v.at[j, k]], rows_v.at[b],
                         sems[b])

    def drain(b):
        pltpu.make_async_copy(table_hbm.at[idx_v.at[0, 0]],
                              rows_v.at[b], sems[b]).wait()

    def reduce_half(b, accs):
        def rbody(r, a):
            new = []
            for c in range(DCH):
                new.append(a[c] + rows_v[b, r, pl.ds(c * LANES, LANES)])
            return tuple(new)

        return lax.fori_loop(0, HALF, rbody, accs, unroll=5)

    def store_accs(j, accs):
        for c in range(DCH):
            out_v[j, pl.ds(c * LANES, LANES)] = accs[c]

    for b in range(NUNIT):
        fire(b // 2, b % 2, b)

    zeros = tuple(jnp.zeros((LANES,), jnp.float32) for _ in range(DCH))

    def do_sentence(j, m):
        drain(2 * m)
        accs = reduce_half(2 * m, zeros)

        @pl.when(j + 3 < SPW)
        def _():
            fire(j + 3, 0, 2 * m)

        drain(2 * m + 1)
        accs = reduce_half(2 * m + 1, accs)

        @pl.when(j + 3 < SPW)
        def _():
            fire(j + 3, 1, 2 * m + 1)

        store_accs(j, accs)

    def loop_body(p, _):
        for m in range(3):
            do_sentence(3 * p + m, m)
        return _

    lax.fori_loop(0, SPW // 3, loop_body, None)
    for m, j in enumerate(range(3 * (SPW // 3), SPW)):
        do_sentence(j, m)
    pltpu.sync_copy(out_v, out_hbm.at[pl.ds(base, SPW)])


@functools.partial(
    pl.kernel,
    out_type=jax.ShapeDtypeStruct((CB, D), jnp.float32),
    mesh=plsc.VectorSubcoreMesh(core_axis_name="c", subcore_axis_name="s",
                                num_cores=NC, num_subcores=NS),
    scratch_types=[
        pltpu.VMEM((SPW, 2, HALF), jnp.int32),
        pltpu.VMEM((NUNIT, HALF, D), jnp.float32),
        pltpu.VMEM((SPW, D), jnp.float32),
    ] + [pltpu.SemaphoreType.DMA] * 6,
    name="sc_embed_pool",
)
def _pool(sent_hbm, table_hbm, out_hbm, idx_v, rows_v, out_v, sem0, sem1,
          sem2, sem3, sem4, sem5):
    _pool_body(sent_hbm, table_hbm, out_hbm, idx_v, rows_v, out_v, sem0, sem1,
               sem2, sem3, sem4, sem5)


def _mlp_body(x_ref, w1_ref, b1_ref, w2_ref, b2_ref, w3_ref, b3_ref, o_ref):
    bf = jnp.bfloat16
    z = jnp.dot(x_ref[...].astype(bf), w1_ref[...],
                preferred_element_type=jnp.float32)
    z = jnp.maximum(z + b1_ref[...], 0.0)
    z = jnp.dot(z.astype(bf), w2_ref[...], preferred_element_type=jnp.float32)
    z = jnp.maximum(z + b2_ref[...], 0.0)
    o_ref[...] = (jnp.dot(z.astype(bf), w3_ref[...],
                          preferred_element_type=jnp.float32) + b3_ref[...])


def _mlp(pooled, W1, b1, W2, b2, W3p, b3p):
    BM = 512
    return pl.pallas_call(
        _mlp_body,
        grid=(CB // BM,),
        in_specs=[
            pl.BlockSpec((BM, D), lambda i: (i, 0)),
            pl.BlockSpec((D, H), lambda i: (0, 0)),
            pl.BlockSpec((1, H), lambda i: (0, 0)),
            pl.BlockSpec((H, H), lambda i: (0, 0)),
            pl.BlockSpec((1, H), lambda i: (0, 0)),
            pl.BlockSpec((H, CP), lambda i: (0, 0)),
            pl.BlockSpec((1, CP), lambda i: (0, 0)),
        ],
        out_specs=pl.BlockSpec((BM, CP), lambda i: (i, 0)),
        out_shape=jax.ShapeDtypeStruct((CB, CP), jnp.float32),
    )(pooled, W1, b1, W2, b2, W3p, b3p)


def kernel(sentences, transitions, table, W1, b1, W2, b2, W3, b3):
    del transitions
    bf = jnp.bfloat16
    sent = sentences.reshape(NCHUNK, CB, 2, HALF)
    W3p = jnp.zeros((H, CP), bf).at[:, :C].set(W3.astype(bf))
    b3p = jnp.zeros((CP,), b3.dtype).at[:C].set(b3)
    b1r, b2r, b3r = b1.reshape(1, H), b2.reshape(1, H), b3p.reshape(1, CP)
    W1b, W2b = W1.astype(bf), W2.astype(bf)
    outs = []
    for k in range(NCHUNK):
        pooled = _pool(sent[k], table)
        outs.append(_mlp(pooled, W1b, b1r, W2b, b2r, W3p, b3r))
    return jnp.concatenate(outs, axis=0)[:, :C]

# --- scband reference (transcript-rebuilt; emitter-appended) ---
"""Pipeline reference for scband-base-model-37014028157107 (READ-ONLY COPY).

The authoritative reference and input builder live on the scoring server;
editing this copy changes nothing except your own understanding.
"""

import jax, jax.numpy as jnp
import numpy as np

B, L, V, D, H, C = 4096, 200, 100000, 128, 1024, 3

def setup_inputs(seed: int = 0) -> dict:
    key = jax.random.key(seed)
    ks = jax.random.split(key, 9)
    sentences = jax.random.randint(ks[0], (B, L), 0, V, dtype=jnp.int32)
    transitions = jax.random.randint(ks[1], (B, L), 0, 2, dtype=jnp.int32)
    table = jax.random.normal(ks[2], (V, D), dtype=jnp.float32) * 0.02
    W1 = jax.random.normal(ks[3], (D, H), dtype=jnp.float32) * (1.0 / np.sqrt(D))
    b1 = jnp.zeros((H,), dtype=jnp.float32)
    W2 = jax.random.normal(ks[4], (H, H), dtype=jnp.float32) * (1.0 / np.sqrt(H))
    b2 = jnp.zeros((H,), dtype=jnp.float32)
    W3 = jax.random.normal(ks[5], (H, C), dtype=jnp.float32) * (1.0 / np.sqrt(H))
    b3 = jnp.zeros((C,), dtype=jnp.float32)
    return {"sentences": sentences, "transitions": transitions, "table": table,
            "W1": W1, "b1": b1, "W2": W2, "b2": b2, "W3": W3, "b3": b3}

def reference(sentences, transitions, table, W1, b1, W2, b2, W3, b3):
    # run_embed: embedding lookup (chunk/cat in original is an identity reshape)
    emb = jnp.take(table, sentences, axis=0)            # [B, L, D]
    # sum over sequence, squeeze
    hh = jnp.sum(emb, axis=1)                           # [B, D]
    h = hh                                              # wrap_sentence (no pair)
    # MLP: num_mlp_layers=2 hidden ReLU layers + linear classifier (eval mode, dropout off)
    z = jnp.maximum(jnp.dot(h, W1) + b1, 0.0)
    z = jnp.maximum(jnp.dot(z, W2) + b2, 0.0)
    out = jnp.dot(z, W3) + b3                           # [B, C]
    return out

if __name__ == "__main__":
    import jax
    _d = setup_inputs()
    print(jax.jit(kernel)(*tuple(_d.values())))

</pallas_src>

<mosaic_0001>
#map = affine_map<(d0, d1) -> (0, 0, 0)>
#map1 = affine_map<(d0, d1) -> (0, 0)>
module attributes {stable_mosaic.version = 14 : i64} {
  func.func @sc_embed_pool(%arg0: i32, %arg1: i32, %arg2: memref<4096x2x100xi32, #tpu.memory_space<hbm>>, %arg3: memref<100000x128xf32, #tpu.memory_space<hbm>>, %arg4: memref<4096x128xf32, #tpu.memory_space<hbm>>, %arg5: memref<128x2x100xi32, #tpu.memory_space<vmem>>, %arg6: memref<6x100x128xf32, #tpu.memory_space<vmem>>, %arg7: memref<128x128xf32, #tpu.memory_space<vmem>>, %arg8: memref<!tpu.dma_semaphore, #tpu.memory_space<semaphore_mem>>, %arg9: memref<!tpu.dma_semaphore, #tpu.memory_space<semaphore_mem>>, %arg10: memref<!tpu.dma_semaphore, #tpu.memory_space<semaphore_mem>>, %arg11: memref<!tpu.dma_semaphore, #tpu.memory_space<semaphore_mem>>, %arg12: memref<!tpu.dma_semaphore, #tpu.memory_space<semaphore_mem>>, %arg13: memref<!tpu.dma_semaphore, #tpu.memory_space<semaphore_mem>>) attributes {dimension_semantics = [#tpu.dimension_semantics<core_parallel>, #tpu.dimension_semantics<subcore_parallel>], iteration_bounds = array<i64: 2, 16>, scalar_prefetch = 0 : i64, scratch_operands = 9 : i64, tpu.core_type = #tpu.core_type<sc_vector_subcore>, window_params = [{transform_indices = #map}, {transform_indices = #map1}, {transform_indices = #map1}]} {
    %mul3A = arith.constant 2 : i32
    %mul3A_0 = arith.muli %arg1, %mul3A : i32
    %add3A = arith.addi %mul3A_0, %arg0 : i32
    %mul3A_1 = arith.constant 128 : i32
    %mul3A_2 = arith.muli %add3A, %mul3A_1 : i32
    "tpu.region"() ({
      %run_scoped3A = tpu.sem_alloc : memref<!tpu.dma_semaphore, #tpu.memory_space<semaphore_mem>>
      %dma_start3A_269 = arith.constant 0 : i32
      %dma_start3A_270 = arith.constant 0 : i32
      %dma_start3A_271 = tpu.memref_slice %arg2[%mul3A_2, %dma_start3A_269, %dma_start3A_270] : memref<4096x2x100xi32, #tpu.memory_space<hbm>> -> memref<128x2x100xi32, #tpu.memory_space<hbm>>
      %dma_start3A_272 = arith.constant 0 : i32
      %dma_start3A_273 = arith.constant 0 : i32
      %dma_start3A_274 = tpu.memref_slice %arg2[%mul3A_2, %dma_start3A_272, %dma_start3A_273] : memref<4096x2x100xi32, #tpu.memory_space<hbm>> -> memref<128x2x100xi32, #tpu.memory_space<hbm>>
      tpu.enqueue_dma source(%dma_start3A_274 : memref<128x2x100xi32, #tpu.memory_space<hbm>>) target(%arg5 : memref<128x2x100xi32, #tpu.memory_space<vmem>>) target_semaphore(%run_scoped3A : memref<!tpu.dma_semaphore, #tpu.memory_space<semaphore_mem>>)
      %dma_wait3A_275 = arith.constant 0 : i32
      %dma_wait3A_276 = arith.constant 0 : i32
      %dma_wait3A_277 = tpu.memref_slice %arg2[%mul3A_2, %dma_wait3A_275, %dma_wait3A_276] : memref<4096x2x100xi32, #tpu.memory_space<hbm>> -> memref<128x2x100xi32, #tpu.memory_space<hbm>>
      %dma_wait3A_278 = arith.constant 0 : i32
      %dma_wait3A_279 = arith.constant 0 : i32
      %dma_wait3A_280 = tpu.memref_slice %arg2[%mul3A_2, %dma_wait3A_278, %dma_wait3A_279] : memref<4096x2x100xi32, #tpu.memory_space<hbm>> -> memref<128x2x100xi32, #tpu.memory_space<hbm>>
      tpu.wait_dma2 semaphore(%run_scoped3A : memref<!tpu.dma_semaphore, #tpu.memory_space<semaphore_mem>>) src(%dma_wait3A_280 : memref<128x2x100xi32, #tpu.memory_space<hbm>>) dst(%arg5 : memref<128x2x100xi32, #tpu.memory_space<vmem>>)
      tpu.yield
    }) : () -> ()
    %dma_start3A = arith.constant 0 : i32
    %dma_start3A_3 = arith.constant 0 : i32
    %dma_start3A_4 = arith.constant 0 : i32
    %dma_start3A_5 = arith.constant 0 : i32
    %dma_start3A_6 = arith.constant 0 : i32
    %dma_start3A_7 = tpu.memref_slice %arg6[%dma_start3A_4, %dma_start3A_5, %dma_start3A_6] : memref<6x100x128xf32, #tpu.memory_space<vmem>> -> memref<1x100x128xf32, #tpu.memory_space<vmem>>
    %dma_start3A_8 = tpu.memref_squeeze %dma_start3A_7 : memref<1x100x128xf32, #tpu.memory_space<vmem>> -> memref<100x128xf32, #tpu.memory_space<vmem>>
    %dma_start3A_9 = arith.constant 0 : i32
    %dma_start3A_10 = tpu.memref_slice %arg5[%dma_start3A, %dma_start3A_3, %dma_start3A_9] : memref<128x2x100xi32, #tpu.memory_space<vmem>> -> memref<1x1x100xi32, #tpu.memory_space<vmem>>
    %dma_start3A_11 = tpu.memref_squeeze %dma_start3A_10 : memref<1x1x100xi32, #tpu.memory_space<vmem>> -> memref<100xi32, #tpu.memory_space<vmem>>
    %dma_start3A_12 = arith.constant 0 : i32
    %dma_start3A_13 = arith.constant 0 : i32
    %dma_start3A_14 = tpu.memref_slice %arg3[%dma_start3A_12, %dma_start3A_13] : memref<100000x128xf32, #tpu.memory_space<hbm>> -> memref<100000x128xf32, #tpu.memory_space<hbm>>
    tpu.enqueue_indirect_dma source(%dma_start3A_14 : memref<100000x128xf32, #tpu.memory_space<hbm>>) target(%dma_start3A_8 : memref<100x128xf32, #tpu.memory_space<vmem>>) offsets(%dma_start3A_11 : memref<100xi32, #tpu.memory_space<vmem>>) semaphore(%arg8 : memref<!tpu.dma_semaphore, #tpu.memory_space<semaphore_mem>>)
    %dma_start3A_15 = arith.constant 0 : i32
    %dma_start3A_16 = arith.constant 1 : i32
    %dma_start3A_17 = arith.constant 1 : i32
    %dma_start3A_18 = arith.constant 0 : i32
    %dma_start3A_19 = arith.constant 0 : i32
    %dma_start3A_20 = tpu.memref_slice %arg6[%dma_start3A_17, %dma_start3A_18, %dma_start3A_19] : memref<6x100x128xf32, #tpu.memory_space<vmem>> -> memref<1x100x128xf32, #tpu.memory_space<vmem>>
    %dma_start3A_21 = tpu.memref_squeeze %dma_start3A_20 : memref<1x100x128xf32, #tpu.memory_space<vmem>> -> memref<100x128xf32, #tpu.memory_space<vmem>>
    %dma_start3A_22 = arith.constant 0 : i32
    %dma_start3A_23 = tpu.memref_slice %arg5[%dma_start3A_15, %dma_start3A_16, %dma_start3A_22] : memref<128x2x100xi32, #tpu.memory_space<vmem>> -> memref<1x1x100xi32, #tpu.memory_space<vmem>>
    %dma_start3A_24 = tpu.memref_squeeze %dma_start3A_23 : memref<1x1x100xi32, #tpu.memory_space<vmem>> -> memref<100xi32, #tpu.memory_space<vmem>>
    %dma_start3A_25 = arith.constant 0 : i32
    %dma_start3A_26 = arith.constant 0 : i32
    %dma_start3A_27 = tpu.memref_slice %arg3[%dma_start3A_25, %dma_start3A_26] : memref<100000x128xf32, #tpu.memory_space<hbm>> -> memref<100000x128xf32, #tpu.memory_space<hbm>>
    tpu.enqueue_indirect_dma source(%dma_start3A_27 : memref<100000x128xf32, #tpu.memory_space<hbm>>) target(%dma_start3A_21 : memref<100x128xf32, #tpu.memory_space<vmem>>) offsets(%dma_start3A_24 : memref<100xi32, #tpu.memory_space<vmem>>) semaphore(%arg9 : memref<!tpu.dma_semaphore, #tpu.memory_space<semaphore_mem>>)
    %dma_start3A_28 = arith.constant 1 : i32
    %dma_start3A_29 = arith.constant 0 : i32
    %dma_start3A_30 = arith.constant 2 : i32
    %dma_start3A_31 = arith.constant 0 : i32
    %dma_start3A_32 = arith.constant 0 : i32
    %dma_start3A_33 = tpu.memref_slice %arg6[%dma_start3A_30, %dma_start3A_31, %dma_start3A_32] : memref<6x100x128xf32, #tpu.memory_space<vmem>> -> memref<1x100x128xf32, #tpu.memory_space<vmem>>
    %dma_start3A_34 = tpu.memref_squeeze %dma_start3A_33 : memref<1x100x128xf32, #tpu.memory_space<vmem>> -> memref<100x128xf32, #tpu.memory_space<vmem>>
    %dma_start3A_35 = arith.constant 0 : i32
    %dma_start3A_36 = tpu.memref_slice %arg5[%dma_start3A_28, %dma_start3A_29, %dma_start3A_35] : memref<128x2x100xi32, #tpu.memory_space<vmem>> -> memref<1x1x100xi32, #tpu.memory_space<vmem>>
    %dma_start3A_37 = tpu.memref_squeeze %dma_start3A_36 : memref<1x1x100xi32, #tpu.memory_space<vmem>> -> memref<100xi32, #tpu.memory_space<vmem>>
    %dma_start3A_38 = arith.constant 0 : i32
    %dma_start3A_39 = arith.constant 0 : i32
    %dma_start3A_40 = tpu.memref_slice %arg3[%dma_start3A_38, %dma_start3A_39] : memref<100000x128xf32, #tpu.memory_space<hbm>> -> memref<100000x128xf32, #tpu.memory_space<hbm>>
    tpu.enqueue_indirect_dma source(%dma_start3A_40 : memref<100000x128xf32, #tpu.memory_space<hbm>>) target(%dma_start3A_34 : memref<100x128xf32, #tpu.memory_space<vmem>>) offsets(%dma_start3A_37 : memref<100xi32, #tpu.memory_space<vmem>>) semaphore(%arg10 : memref<!tpu.dma_semaphore, #tpu.memory_space<semaphore_mem>>)
    %dma_start3A_41 = arith.constant 1 : i32
    %dma_start3A_42 = arith.constant 1 : i32
    %dma_start3A_43 = arith.constant 3 : i32
    %dma_start3A_44 = arith.constant 0 : i32
    %dma_start3A_45 = arith.constant 0 : i32
    %dma_start3A_46 = tpu.memref_slice %arg6[%dma_start3A_43, %dma_start3A_44, %dma_start3A_45] : memref<6x100x128xf32, #tpu.memory_space<vmem>> -> memref<1x100x128xf32, #tpu.memory_space<vmem>>
    %dma_start3A_47 = tpu.memref_squeeze %dma_start3A_46 : memref<1x100x128xf32, #tpu.memory_space<vmem>> -> memref<100x128xf32, #tpu.memory_space<vmem>>
    %dma_start3A_48 = arith.constant 0 : i32
    %dma_start3A_49 = tpu.memref_slice %arg5[%dma_start3A_41, %dma_start3A_42, %dma_start3A_48] : memref<128x2x100xi32, #tpu.memory_space<vmem>> -> memref<1x1x100xi32, #tpu.memory_space<vmem>>
    %dma_start3A_50 = tpu.memref_squeeze %dma_start3A_49 : memref<1x1x100xi32, #tpu.memory_space<vmem>> -> memref<100xi32, #tpu.memory_space<vmem>>
    %dma_start3A_51 = arith.constant 0 : i32
    %dma_start3A_52 = arith.constant 0 : i32
    %dma_start3A_53 = tpu.memref_slice %arg3[%dma_start3A_51, %dma_start3A_52] : memref<100000x128xf32, #tpu.memory_space<hbm>> -> memref<100000x128xf32, #tpu.memory_space<hbm>>
    tpu.enqueue_indirect_dma source(%dma_start3A_53 : memref<100000x128xf32, #tpu.memory_space<hbm>>) target(%dma_start3A_47 : memref<100x128xf32, #tpu.memory_space<vmem>>) offsets(%dma_start3A_50 : memref<100xi32, #tpu.memory_space<vmem>>) semaphore(%arg11 : memref<!tpu.dma_semaphore, #tpu.memory_space<semaphore_mem>>)
    %dma_start3A_54 = arith.constant 2 : i32
    %dma_start3A_55 = arith.constant 0 : i32
    %dma_start3A_56 = arith.constant 4 : i32
    %dma_start3A_57 = arith.constant 0 : i32
    %dma_start3A_58 = arith.constant 0 : i32
    %dma_start3A_59 = tpu.memref_slice %arg6[%dma_start3A_56, %dma_start3A_57, %dma_start3A_58] : memref<6x100x128xf32, #tpu.memory_space<vmem>> -> memref<1x100x128xf32, #tpu.memory_space<vmem>>
    %dma_start3A_60 = tpu.memref_squeeze %dma_start3A_59 : memref<1x100x128xf32, #tpu.memory_space<vmem>> -> memref<100x128xf32, #tpu.memory_space<vmem>>
    %dma_start3A_61 = arith.constant 0 : i32
    %dma_start3A_62 = tpu.memref_slice %arg5[%dma_start3A_54, %dma_start3A_55, %dma_start3A_61] : memref<128x2x100xi32, #tpu.memory_space<vmem>> -> memref<1x1x100xi32, #tpu.memory_space<vmem>>
    %dma_start3A_63 = tpu.memref_squeeze %dma_start3A_62 : memref<1x1x100xi32, #tpu.memory_space<vmem>> -> memref<100xi32, #tpu.memory_space<vmem>>
    %dma_start3A_64 = arith.constant 0 : i32
    %dma_start3A_65 = arith.constant 0 : i32
    %dma_start3A_66 = tpu.memref_slice %arg3[%dma_start3A_64, %dma_start3A_65] : memref<100000x128xf32, #tpu.memory_space<hbm>> -> memref<100000x128xf32, #tpu.memory_space<hbm>>
    tpu.enqueue_indirect_dma source(%dma_start3A_66 : memref<100000x128xf32, #tpu.memory_space<hbm>>) target(%dma_start3A_60 : memref<100x128xf32, #tpu.memory_space<vmem>>) offsets(%dma_start3A_63 : memref<100xi32, #tpu.memory_space<vmem>>) semaphore(%arg12 : memref<!tpu.dma_semaphore, #tpu.memory_space<semaphore_mem>>)
    %dma_start3A_67 = arith.constant 2 : i32
    %dma_start3A_68 = arith.constant 1 : i32
    %dma_start3A_69 = arith.constant 5 : i32
    %dma_start3A_70 = arith.constant 0 : i32
    %dma_start3A_71 = arith.constant 0 : i32
    %dma_start3A_72 = tpu.memref_slice %arg6[%dma_start3A_69, %dma_start3A_70, %dma_start3A_71] : memref<6x100x128xf32, #tpu.memory_space<vmem>> -> memref<1x100x128xf32, #tpu.memory_space<vmem>>
    %dma_start3A_73 = tpu.memref_squeeze %dma_start3A_72 : memref<1x100x128xf32, #tpu.memory_space<vmem>> -> memref<100x128xf32, #tpu.memory_space<vmem>>
    %dma_start3A_74 = arith.constant 0 : i32
    %dma_start3A_75 = tpu.memref_slice %arg5[%dma_start3A_67, %dma_start3A_68, %dma_start3A_74] : memref<128x2x100xi32, #tpu.memory_space<vmem>> -> memref<1x1x100xi32, #tpu.memory_space<vmem>>
    %dma_start3A_76 = tpu.memref_squeeze %dma_start3A_75 : memref<1x1x100xi32, #tpu.memory_space<vmem>> -> memref<100xi32, #tpu.memory_space<vmem>>
    %dma_start3A_77 = arith.constant 0 : i32
    %dma_start3A_78 = arith.constant 0 : i32
    %dma_start3A_79 = tpu.memref_slice %arg3[%dma_start3A_77, %dma_start3A_78] : memref<100000x128xf32, #tpu.memory_space<hbm>> -> memref<100000x128xf32, #tpu.memory_space<hbm>>
    tpu.enqueue_indirect_dma source(%dma_start3A_79 : memref<100000x128xf32, #tpu.memory_space<hbm>>) target(%dma_start3A_73 : memref<100x128xf32, #tpu.memory_space<vmem>>) offsets(%dma_start3A_76 : memref<100xi32, #tpu.memory_space<vmem>>) semaphore(%arg13 : memref<!tpu.dma_semaphore, #tpu.memory_space<semaphore_mem>>)
    %broadcast_in_dim3A = arith.constant 0.000000e+00 : f32
    %broadcast_in_dim3A_80 = vector.broadcast %broadcast_in_dim3A : f32 to vector<16xf32>
    %broadcast_in_dim3A_81 = arith.constant 0.000000e+00 : f32
    %broadcast_in_dim3A_82 = vector.broadcast %broadcast_in_dim3A_81 : f32 to vector<16xf32>
    %broadcast_in_dim3A_83 = arith.constant 0.000000e+00 : f32
    %broadcast_in_dim3A_84 = vector.broadcast %broadcast_in_dim3A_83 : f32 to vector<16xf32>
    %broadcast_in_dim3A_85 = arith.constant 0.000000e+00 : f32
    %broadcast_in_dim3A_86 = vector.broadcast %broadcast_in_dim3A_85 : f32 to vector<16xf32>
    %broadcast_in_dim3A_87 = arith.constant 0.000000e+00 : f32
    %broadcast_in_dim3A_88 = vector.broadcast %broadcast_in_dim3A_87 : f32 to vector<16xf32>
    %broadcast_in_dim3A_89 = arith.constant 0.000000e+00 : f32
    %broadcast_in_dim3A_90 = vector.broadcast %broadcast_in_dim3A_89 : f32 to vector<16xf32>
    %broadcast_in_dim3A_91 = arith.constant 0.000000e+00 : f32
    %broadcast_in_dim3A_92 = vector.broadcast %broadcast_in_dim3A_91 : f32 to vector<16xf32>
    %broadcast_in_dim3A_93 = arith.constant 0.000000e+00 : f32
    %broadcast_in_dim3A_94 = vector.broadcast %broadcast_in_dim3A_93 : f32 to vector<16xf32>
    %scan3A = arith.constant 0 : i32
    %scan3A_95 = arith.constant 42 : i32
    %scan3A_96 = arith.addi %scan3A, %scan3A_95 : i32
    %scan3A_97 = arith.constant 1 : i32
    scf.for %scan3A_269 = %scan3A to %scan3A_96 step %scan3A_97  : i32 {
      %mul3A_270 = arith.constant 3 : i32
      %mul3A_271 = arith.muli %mul3A_270, %scan3A_269 : i32
      %add3A_272 = arith.constant 0 : i32
      %add3A_273 = arith.addi %mul3A_271, %add3A_272 : i32
      %dma_wait3A_274 = arith.constant 0 : i32
      %dma_wait3A_275 = arith.constant 0 : i32
      %dma_wait3A_276 = arith.constant 0 : i32
      %dma_wait3A_277 = arith.constant 0 : i32
      %dma_wait3A_278 = arith.constant 0 : i32
      %dma_wait3A_279 = tpu.memref_slice %arg6[%dma_wait3A_276, %dma_wait3A_277, %dma_wait3A_278] : memref<6x100x128xf32, #tpu.memory_space<vmem>> -> memref<1x100x128xf32, #tpu.memory_space<vmem>>
      %dma_wait3A_280 = tpu.memref_squeeze %dma_wait3A_279 : memref<1x100x128xf32, #tpu.memory_space<vmem>> -> memref<100x128xf32, #tpu.memory_space<vmem>>
      %dma_wait3A_281 = arith.constant 0 : i32
      %dma_wait3A_282 = tpu.memref_slice %arg5[%dma_wait3A_274, %dma_wait3A_275, %dma_wait3A_281] : memref<128x2x100xi32, #tpu.memory_space<vmem>> -> memref<1x1x100xi32, #tpu.memory_space<vmem>>
      %dma_wait3A_283 = tpu.memref_squeeze %dma_wait3A_282 : memref<1x1x100xi32, #tpu.memory_space<vmem>> -> memref<100xi32, #tpu.memory_space<vmem>>
      %dma_wait3A_284 = arith.constant 0 : i32
      %dma_wait3A_285 = arith.constant 0 : i32
      %dma_wait3A_286 = tpu.memref_slice %arg3[%dma_wait3A_284, %dma_wait3A_285] : memref<100000x128xf32, #tpu.memory_space<hbm>> -> memref<100000x128xf32, #tpu.memory_space<hbm>>
      tpu.wait_indirect_dma semaphore(%arg8 : memref<!tpu.dma_semaphore, #tpu.memory_space<semaphore_mem>>) src(%dma_wait3A_286 : memref<100000x128xf32, #tpu.memory_space<hbm>>) dst(%dma_wait3A_280 : memref<100x128xf32, #tpu.memory_space<vmem>>)
      %scan3A_287 = arith.constant 0 : i32
      %scan3A_288 = arith.constant 100 : i32
      %scan3A_289 = arith.addi %scan3A_287, %scan3A_288 : i32
      %scan3A_290 = arith.constant 5 : i32
      %scan3A_291:8 = scf.for %scan3A_555 = %scan3A_287 to %scan3A_289 step %scan3A_290 iter_args(%scan3A_556 = %broadcast_in_dim3A_80, %scan3A_557 = %broadcast_in_dim3A_82, %scan3A_558 = %broadcast_in_dim3A_84, %scan3A_559 = %broadcast_in_dim3A_86, %scan3A_560 = %broadcast_in_dim3A_88, %scan3A_561 = %broadcast_in_dim3A_90, %scan3A_562 = %broadcast_in_dim3A_92, %scan3A_563 = %broadcast_in_dim3A_94) -> (vector<16xf32>, vector<16xf32>, vector<16xf32>, vector<16xf32>, vector<16xf32>, vector<16xf32>, vector<16xf32>, vector<16xf32>)  : i32 {
        %get3A = arith.constant 0 : i32
        %get3A_564 = arith.index_cast %get3A : i32 to index
        %get3A_565 = arith.index_cast %scan3A_555 : i32 to index
        %get3A_566 = arith.constant 0 : index
        %get3A_567 = tpu.vector_load %arg6[%get3A_564, %get3A_565, %get3A_566] {strides = array<i32>} : memref<6x100x128xf32, #tpu.memory_space<vmem>>, vector<1x1x16xf32>,
        %get3A_568 = vector.shape_cast %get3A_567 : vector<1x1x16xf32> to vector<16xf32>
        %add3A_569 = arith.addf %scan3A_556, %get3A_568 : vector<16xf32>
        %get3A_570 = arith.constant 0 : i32
        %get3A_571 = arith.index_cast %get3A_570 : i32 to index
        %get3A_572 = arith.index_cast %scan3A_555 : i32 to index
        %get3A_573 = arith.constant 16 : index
        %get3A_574 = tpu.vector_load %arg6[%get3A_571, %get3A_572, %get3A_573] {strides = array<i32>} : memref<6x100x128xf32, #tpu.memory_space<vmem>>, vector<1x1x16xf32>,
        %get3A_575 = vector.shape_cast %get3A_574 : vector<1x1x16xf32> to vector<16xf32>
        %add3A_576 = arith.addf %scan3A_557, %get3A_575 : vector<16xf32>
        %get3A_577 = arith.constant 0 : i32
        %get3A_578 = arith.index_cast %get3A_577 : i32 to index
        %get3A_579 = arith.index_cast %scan3A_555 : i32 to index
        %get3A_580 = arith.constant 32 : index
        %get3A_581 = tpu.vector_load %arg6[%get3A_578, %get3A_579, %get3A_580] {strides = array<i32>} : memref<6x100x128xf32, #tpu.memory_space<vmem>>, vector<1x1x16xf32>,
        %get3A_582 = vector.shape_cast %get3A_581 : vector<1x1x16xf32> to vector<16xf32>
        %add3A_583 = arith.addf %scan3A_558, %get3A_582 : vector<16xf32>
        %get3A_584 = arith.constant 0 : i32
        %get3A_585 = arith.index_cast %get3A_584 : i32 to index
        %get3A_586 = arith.index_cast %scan3A_555 : i32 to index
        %get3A_587 = arith.constant 48 : index
        %get3A_588 = tpu.vector_load %arg6[%get3A_585, %get3A_586, %get3A_587] {strides = array<i32>} : memref<6x100x128xf32, #tpu.memory_space<vmem>>, vector<1x1x16xf32>,
        %get3A_589 = vector.shape_cast %get3A_588 : vector<1x1x16xf32> to vector<16xf32>
        %add3A_590 = arith.addf %scan3A_559, %get3A_589 : vector<16xf32>
        %get3A_591 = arith.constant 0 : i32
        %get3A_592 = arith.index_cast %get3A_591 : i32 to index
        %get3A_593 = arith.index_cast %scan3A_555 : i32 to index
        %get3A_594 = arith.constant 64 : index
        %get3A_595 = tpu.vector_load %arg6[%get3A_592, %get3A_593, %get3A_594] {strides = array<i32>} : memref<6x100x128xf32, #tpu.memory_space<vmem>>, vector<1x1x16xf32>,
        %get3A_596 = vector.shape_cast %get3A_595 : vector<1x1x16xf32> to vector<16xf32>
        %add3A_597 = arith.addf %scan3A_560, %get3A_596 : vector<16xf32>
        %get3A_598 = arith.constant 0 : i32
        %get3A_599 = arith.index_cast %get3A_598 : i32 to index
        %get3A_600 = arith.index_cast %scan3A_555 : i32 to index
        %get3A_601 = arith.constant 80 : index
        %get3A_602 = tpu.vector_load %arg6[%get3A_599, %get3A_600, %get3A_601] {strides = array<i32>} : memref<6x100x128xf32, #tpu.memory_space<vmem>>, vector<1x1x16xf32>,
        %get3A_603 = vector.shape_cast %get3A_602 : vector<1x1x16xf32> to vector<16xf32>
        %add3A_604 = arith.addf %scan3A_561, %get3A_603 : vector<16xf32>
        %get3A_605 = arith.constant 0 : i32
        %get3A_606 = arith.index_cast %get3A_605 : i32 to index
        %get3A_607 = arith.index_cast %scan3A_555 : i32 to index
        %get3A_608 = arith.constant 96 : index
        %get3A_609 = tpu.vector_load %arg6[%get3A_606, %get3A_607, %get3A_608] {strides = array<i32>} : memref<6x100x128xf32, #tpu.memory_space<vmem>>, vector<1x1x16xf32>,
        %get3A_610 = vector.shape_cast %get3A_609 : vector<1x1x16xf32> to vector<16xf32>
        %add3A_611 = arith.addf %scan3A_562, %get3A_610 : vector<16xf32>
        %get3A_612 = arith.constant 0 : i32
        %get3A_613 = arith.index_cast %get3A_612 : i32 to index
        %get3A_614 = arith.index_cast %scan3A_555 : i32 to index
        %get3A_615 = arith.constant 112 : index
        %get3A_616 = tpu.vector_load %arg6[%get3A_613, %get3A_614, %get3A_615] {strides = array<i32>} : memref<6x100x128xf32, #tpu.memory_space<vmem>>, vector<1x1x16xf32>,
        %get3A_617 = vector.shape_cast %get3A_616 : vector<1x1x16xf32> to vector<16xf32>
        %add3A_618 = arith.addf %scan3A_563, %get3A_617 : vector<16xf32>
        %scan3A_619 = arith.constant 1 : i32
        %scan3A_620 = arith.addi %scan3A_555, %scan3A_619 : i32
        %get3A_621 = arith.constant 0 : i32
        %get3A_622 = arith.index_cast %get3A_621 : i32 to index
        %get3A_623 = arith.index_cast %scan3A_620 : i32 to index
        %get3A_624 = arith.constant 0 : index
        %get3A_625 = tpu.vector_load %arg6[%get3A_622, %get3A_623, %get3A_624] {strides = array<i32>} : memref<6x100x128xf32, #tpu.memory_space<vmem>>, vector<1x1x16xf32>,
        %get3A_626 = vector.shape_cast %get3A_625 : vector<1x1x16xf32> to vector<16xf32>
        %add3A_627 = arith.addf %add3A_569, %get3A_626 : vector<16xf32>
        %get3A_628 = arith.constant 0 : i32
        %get3A_629 = arith.index_cast %get3A_628 : i32 to index
        %get3A_630 = arith.index_cast %scan3A_620 : i32 to index
        %get3A_631 = arith.constant 16 : index
        %get3A_632 = tpu.vector_load %arg6[%get3A_629, %get3A_630, %get3A_631] {strides = array<i32>} : memref<6x100x128xf32, #tpu.memory_space<vmem>>, vector<1x1x16xf32>,
        %get3A_633 = vector.shape_cast %get3A_632 : vector<1x1x16xf32> to vector<16xf32>
        %add3A_634 = arith.addf %add3A_576, %get3A_633 : vector<16xf32>
        %get3A_635 = arith.constant 0 : i32
        %get3A_636 = arith.index_cast %get3A_635 : i32 to index
        %get3A_637 = arith.index_cast %scan3A_620 : i32 to index
        %get3A_638 = arith.constant 32 : index
        %get3A_639 = tpu.vector_load %arg6[%get3A_636, %get3A_637, %get3A_638] {strides = array<i32>} : memref<6x100x128xf32, #tpu.memory_space<vmem>>, vector<1x1x16xf32>,
        %get3A_640 = vector.shape_cast %get3A_639 : vector<1x1x16xf32> to vector<16xf32>
        %add3A_641 = arith.addf %add3A_583, %get3A_640 : vector<16xf32>
        %get3A_642 = arith.constant 0 : i32
        %get3A_643 = arith.index_cast %get3A_642 : i32 to index
        %get3A_644 = arith.index_cast %scan3A_620 : i32 to index
        %get3A_645 = arith.constant 48 : index
        %get3A_646 = tpu.vector_load %arg6[%get3A_643, %get3A_644, %get3A_645] {strides = array<i32>} : memref<6x100x128xf32, #tpu.memory_space<vmem>>, vector<1x1x16xf32>,
        %get3A_647 = vector.shape_cast %get3A_646 : vector<1x1x16xf32> to vector<16xf32>
        %add3A_648 = arith.addf %add3A_590, %get3A_647 : vector<16xf32>
        %get3A_649 = arith.constant 0 : i32
        %get3A_650 = arith.index_cast %get3A_649 : i32 to index
        %get3A_651 = arith.index_cast %scan3A_620 : i32 to index
        %get3A_652 = arith.constant 64 : index
        %get3A_653 = tpu.vector_load %arg6[%get3A_650, %get3A_651, %get3A_652] {strides = array<i32>} : memref<6x100x128xf32, #tpu.memory_space<vmem>>, vector<1x1x16xf32>,
        %get3A_654 = vector.shape_cast %get3A_653 : vector<1x1x16xf32> to vector<16xf32>
        %add3A_655 = arith.addf %add3A_597, %get3A_654 : vector<16xf32>
        %get3A_656 = arith.constant 0 : i32
        %get3A_657 = arith.index_cast %get3A_656 : i32 to index
        %get3A_658 = arith.index_cast %scan3A_620 : i32 to index
        %get3A_659 = arith.constant 80 : index
        %get3A_660 = tpu.vector_load %arg6[%get3A_657, %get3A_658, %get3A_659] {strides = array<i32>} : memref<6x100x128xf32, #tpu.memory_space<vmem>>, vector<1x1x16xf32>,
        %get3A_661 = vector.shape_cast %get3A_660 : vector<1x1x16xf32> to vector<16xf32>
        %add3A_662 = arith.addf %add3A_604, %get3A_661 : vector<16xf32>
        %get3A_663 = arith.constant 0 : i32
        %get3A_664 = arith.index_cast %get3A_663 : i32 to index
        %get3A_665 = arith.index_cast %scan3A_620 : i32 to index
        %get3A_666 = arith.constant 96 : index
        %get3A_667 = tpu.vector_load %arg6[%get3A_664, %get3A_665, %get3A_666] {strides = array<i32>} : memref<6x100x128xf32, #tpu.memory_space<vmem>>, vector<1x1x16xf32>,
        %get3A_668 = vector.shape_cast %get3A_667 : vector<1x1x16xf32> to vector<16xf32>
        %add3A_669 = arith.addf %add3A_611, %get3A_668 : vector<16xf32>
        %get3A_670 = arith.constant 0 : i32
        %get3A_671 = arith.index_cast %get3A_670 : i32 to index
        %get3A_672 = arith.index_cast %scan3A_620 : i32 to index
        %get3A_673 = arith.constant 112 : index
        %get3A_674 = tpu.vector_load %arg6[%get3A_671, %get3A_672, %get3A_673] {strides = array<i32>} : memref<6x100x128xf32, #tpu.memory_space<vmem>>, vector<1x1x16xf32>,
        %get3A_675 = vector.shape_cast %get3A_674 : vector<1x1x16xf32> to vector<16xf32>
        %add3A_676 = arith.addf %add3A_618, %get3A_675 : vector<16xf32>
        %scan3A_677 = arith.constant 2 : i32
        %scan3A_678 = arith.addi %scan3A_555, %scan3A_677 : i32
        %get3A_679 = arith.constant 0 : i32
        %get3A_680 = arith.index_cast %get3A_679 : i32 to index
        %get3A_681 = arith.index_cast %scan3A_678 : i32 to index
        %get3A_682 = arith.constant 0 : index
        %get3A_683 = tpu.vector_load %arg6[%get3A_680, %get3A_681, %get3A_682] {strides = array<i32>} : memref<6x100x128xf32, #tpu.memory_space<vmem>>, vector<1x1x16xf32>,
        %get3A_684 = vector.shape_cast %get3A_683 : vector<1x1x16xf32> to vector<16xf32>
        %add3A_685 = arith.addf %add3A_627, %get3A_684 : vector<16xf32>
        %get3A_686 = arith.constant 0 : i32
        %get3A_687 = arith.index_cast %get3A_686 : i32 to index
        %get3A_688 = arith.index_cast %scan3A_678 : i32 to index
        %get3A_689 = arith.constant 16 : index
        %get3A_690 = tpu.vector_load %arg6[%get3A_687, %get3A_688, %get3A_689] {strides = array<i32>} : memref<6x100x128xf32, #tpu.memory_space<vmem>>, vector<1x1x16xf32>,
        %get3A_691 = vector.shape_cast %get3A_690 : vector<1x1x16xf32> to vector<16xf32>
        %add3A_692 = arith.addf %add3A_634, %get3A_691 : vector<16xf32>
        %get3A_693 = arith.constant 0 : i32
        %get3A_694 = arith.index_cast %get3A_693 : i32 to index
        %get3A_695 = arith.index_cast %scan3A_678 : i32 to index
        %get3A_696 = arith.constant 32 : index
        %get3A_697 = tpu.vector_load %arg6[%get3A_694, %get3A_695, %get3A_696] {strides = array<i32>} : memref<6x100x128xf32, #tpu.memory_space<vmem>>, vector<1x1x16xf32>,
        %get3A_698 = vector.shape_cast %get3A_697 : vector<1x1x16xf32> to vector<16xf32>
        %add3A_699 = arith.addf %add3A_641, %get3A_698 : vector<16xf32>
        %get3A_700 = arith.constant 0 : i32
        %get3A_701 = arith.index_cast %get3A_700 : i32 to index
        %get3A_702 = arith.index_cast %scan3A_678 : i32 to index
        %get3A_703 = arith.constant 48 : index
        %get3A_704 = tpu.vector_load %arg6[%get3A_701, %get3A_702, %get3A_703] {strides = array<i32>} : memref<6x100x128xf32, #tpu.memory_space<vmem>>, vector<1x1x16xf32>,
        %get3A_705 = vector.shape_cast %get3A_704 : vector<1x1x16xf32> to vector<16xf32>
        %add3A_706 = arith.addf %add3A_648, %get3A_705 : vector<16xf32>
        %get3A_707 = arith.constant 0 : i32
        %get3A_708 = arith.index_cast %get3A_707 : i32 to index
        %get3A_709 = arith.index_cast %scan3A_678 : i32 to index
        %get3A_710 = arith.constant 64 : index
        %get3A_711 = tpu.vector_load %arg6[%get3A_708, %get3A_709, %get3A_710] {strides = array<i32>} : memref<6x100x128xf32, #tpu.memory_space<vmem>>, vector<1x1x16xf32>,
        %get3A_712 = vector.shape_cast %get3A_711 : vector<1x1x16xf32> to vector<16xf32>
        %add3A_713 = arith.addf %add3A_655, %get3A_712 : vector<16xf32>
        %get3A_714 = arith.constant 0 : i32
        %get3A_715 = arith.index_cast %get3A_714 : i32 to index
        %get3A_716 = arith.index_cast %scan3A_678 : i32 to index
        %get3A_717 = arith.constant 80 : index
        %get3A_718 = tpu.vector_load %arg6[%get3A_715, %get3A_716, %get3A_717] {strides = array<i32>} : memref<6x100x128xf32, #tpu.memory_space<vmem>>, vector<1x1x16xf32>,
        %get3A_719 = vector.shape_cast %get3A_718 : vector<1x1x16xf32> to vector<16xf32>
        %add3A_720 = arith.addf %add3A_662, %get3A_719 : vector<16xf32>
        %get3A_721 = arith.constant 0 : i32
        %get3A_722 = arith.index_cast %get3A_721 : i32 to index
        %get3A_723 = arith.index_cast %scan3A_678 : i32 to index
        %get3A_724 = arith.constant 96 : index
        %get3A_725 = tpu.vector_load %arg6[%get3A_722, %get3A_723, %get3A_724] {strides = array<i32>} : memref<6x100x128xf32, #tpu.memory_space<vmem>>, vector<1x1x16xf32>,
        %get3A_726 = vector.shape_cast %get3A_725 : vector<1x1x16xf32> to vector<16xf32>
        %add3A_727 = arith.addf %add3A_669, %get3A_726 : vector<16xf32>
        %get3A_728 = arith.constant 0 : i32
        %get3A_729 = arith.index_cast %get3A_728 : i32 to index
        %get3A_730 = arith.index_cast %scan3A_678 : i32 to index
        %get3A_731 = arith.constant 112 : index
        %get3A_732 = tpu.vector_load %arg6[%get3A_729, %get3A_730, %get3A_731] {strides = array<i32>} : memref<6x100x128xf32, #tpu.memory_space<vmem>>, vector<1x1x16xf32>,
        %get3A_733 = vector.shape_cast %get3A_732 : vector<1x1x16xf32> to vector<16xf32>
        %add3A_734 = arith.addf %add3A_676, %get3A_733 : vector<16xf32>
        %scan3A_735 = arith.constant 3 : i32
        %scan3A_736 = arith.addi %scan3A_555, %scan3A_735 : i32
        %get3A_737 = arith.constant 0 : i32
        %get3A_738 = arith.index_cast %get3A_737 : i32 to index
        %get3A_739 = arith.index_cast %scan3A_736 : i32 to index
        %get3A_740 = arith.constant 0 : index
        %get3A_741 = tpu.vector_load %arg6[%get3A_738, %get3A_739, %get3A_740] {strides = array<i32>} : memref<6x100x128xf32, #tpu.memory_space<vmem>>, vector<1x1x16xf32>,
        %get3A_742 = vector.shape_cast %get3A_741 : vector<1x1x16xf32> to vector<16xf32>
        %add3A_743 = arith.addf %add3A_685, %get3A_742 : vector<16xf32>
        %get3A_744 = arith.constant 0 : i32
        %get3A_745 = arith.index_cast %get3A_744 : i32 to index
        %get3A_746 = arith.index_cast %scan3A_736 : i32 to index
        %get3A_747 = arith.constant 16 : index
        %get3A_748 = tpu.vector_load %arg6[%get3A_745, %get3A_746, %get3A_747] {strides = array<i32>} : memref<6x100x128xf32, #tpu.memory_space<vmem>>, vector<1x1x16xf32>,
        %get3A_749 = vector.shape_cast %get3A_748 : vector<1x1x16xf32> to vector<16xf32>
        %add3A_750 = arith.addf %add3A_692, %get3A_749 : vector<16xf32>
        %get3A_751 = arith.constant 0 : i32
        %get3A_752 = arith.index_cast %get3A_751 : i32 to index
        %get3A_753 = arith.index_cast %scan3A_736 : i32 to index
        %get3A_754 = arith.constant 32 : index
        %get3A_755 = tpu.vector_load %arg6[%get3A_752, %get3A_753, %get3A_754] {strides = array<i32>} : memref<6x100x128xf32, #tpu.memory_space<vmem>>, vector<1x1x16xf32>,
        %get3A_756 = vector.shape_cast %get3A_755 : vector<1x1x16xf32> to vector<16xf32>
        %add3A_757 = arith.addf %add3A_699, %get3A_756 : vector<16xf32>
        %get3A_758 = arith.constant 0 : i32
        %get3A_759 = arith.index_cast %get3A_758 : i32 to index
        %get3A_760 = arith.index_cast %scan3A_736 : i32 to index
        %get3A_761 = arith.constant 48 : index
        %get3A_762 = tpu.vector_load %arg6[%get3A_759, %get3A_760, %get3A_761] {strides = array<i32>} : memref<6x100x128xf32, #tpu.memory_space<vmem>>, vector<1x1x16xf32>,
        %get3A_763 = vector.shape_cast %get3A_762 : vector<1x1x16xf32> to vector<16xf32>
        %add3A_764 = arith.addf %add3A_706, %get3A_763 : vector<16xf32>
        %get3A_765 = arith.constant 0 : i32
        %get3A_766 = arith.index_cast %get3A_765 : i32 to index
        %get3A_767 = arith.index_cast %scan3A_736 : i32 to index
        %get3A_768 = arith.constant 64 : index
        %get3A_769 = tpu.vector_load %arg6[%get3A_766, %get3A_767, %get3A_768] {strides = array<i32>} : memref<6x100x128xf32, #tpu.memory_space<vmem>>, vector<1x1x16xf32>,
        %get3A_770 = vector.shape_cast %get3A_769 : vector<1x1x16xf32> to vector<16xf32>
        %add3A_771 = arith.addf %add3A_713, %get3A_770 : vector<16xf32>
        %get3A_772 = arith.constant 0 : i32
        %get3A_773 = arith.index_cast %get3A_772 : i32 to index
        %get3A_774 = arith.index_cast %scan3A_736 : i32 to index
        %get3A_775 = arith.constant 80 : index
        %get3A_776 = tpu.vector_load %arg6[%get3A_773, %get3A_774, %get3A_775] {strides = array<i32>} : memref<6x100x128xf32, #tpu.memory_space<vmem>>, vector<1x1x16xf32>,
        %get3A_777 = vector.shape_cast %get3A_776 : vector<1x1x16xf32> to vector<16xf32>
        %add3A_778 = arith.addf %add3A_720, %get3A_777 : vector<16xf32>
        %get3A_779 = arith.constant 0 : i32
        %get3A_780 = arith.index_cast %get3A_779 : i32 to index
        %get3A_781 = arith.index_cast %scan3A_736 : i32 to index
        %get3A_782 = arith.constant 96 : index
        %get3A_783 = tpu.vector_load %arg6[%get3A_780, %get3A_781, %get3A_782] {strides = array<i32>} : memref<6x100x128xf32, #tpu.memory_space<vmem>>, vector<1x1x16xf32>,
        %get3A_784 = vector.shape_cast %get3A_783 : vector<1x1x16xf32> to vector<16xf32>
        %add3A_785 = arith.addf %add3A_727, %get3A_784 : vector<16xf32>
        %get3A_786 = arith.constant 0 : i32
        %get3A_787 = arith.index_cast %get3A_786 : i32 to index
        %get3A_788 = arith.index_cast %scan3A_736 : i32 to index
        %get3A_789 = arith.constant 112 : index
        %get3A_790 = tpu.vector_load %arg6[%get3A_787, %get3A_788, %get3A_789] {strides = array<i32>} : memref<6x100x128xf32, #tpu.memory_space<vmem>>, vector<1x1x16xf32>,
        %get3A_791 = vector.shape_cast %get3A_790 : vector<1x1x16xf32> to vector<16xf32>
        %add3A_792 = arith.addf %add3A_734, %get3A_791 : vector<16xf32>
        %scan3A_793 = arith.constant 4 : i32
        %scan3A_794 = arith.addi %scan3A_555, %scan3A_793 : i32
        %get3A_795 = arith.constant 0 : i32
        %get3A_796 = arith.index_cast %get3A_795 : i32 to index
        %get3A_797 = arith.index_cast %scan3A_794 : i32 to index
        %get3A_798 = arith.constant 0 : index
        %get3A_799 = tpu.vector_load %arg6[%get3A_796, %get3A_797, %get3A_798] {strides = array<i32>} : memref<6x100x128xf32, #tpu.memory_space<vmem>>, vector<1x1x16xf32>,
        %get3A_800 = vector.shape_cast %get3A_799 : vector<1x1x16xf32> to vector<16xf32>
        %add3A_801 = arith.addf %add3A_743, %get3A_800 : vector<16xf32>
        %get3A_802 = arith.constant 0 : i32
        %get3A_803 = arith.index_cast %get3A_802 : i32 to index
        %get3A_804 = arith.index_cast %scan3A_794 : i32 to index
        %get3A_805 = arith.constant 16 : index
        %get3A_806 = tpu.vector_load %arg6[%get3A_803, %get3A_804, %get3A_805] {strides = array<i32>} : memref<6x100x128xf32, #tpu.memory_space<vmem>>, vector<1x1x16xf32>,
        %get3A_807 = vector.shape_cast %get3A_806 : vector<1x1x16xf32> to vector<16xf32>
        %add3A_808 = arith.addf %add3A_750, %get3A_807 : vector<16xf32>
        %get3A_809 = arith.constant 0 : i32
        %get3A_810 = arith.index_cast %get3A_809 : i32 to index
        %get3A_811 = arith.index_cast %scan3A_794 : i32 to index
        %get3A_812 = arith.constant 32 : index
        %get3A_813 = tpu.vector_load %arg6[%get3A_810, %get3A_811, %get3A_812] {strides = array<i32>} : memref<6x100x128xf32, #tpu.memory_space<vmem>>, vector<1x1x16xf32>,
        %get3A_814 = vector.shape_cast %get3A_813 : vector<1x1x16xf32> to vector<16xf32>
        %add3A_815 = arith.addf %add3A_757, %get3A_814 : vector<16xf32>
        %get3A_816 = arith.constant 0 : i32
        %get3A_817 = arith.index_cast %get3A_816 : i32 to index
        %get3A_818 = arith.index_cast %scan3A_794 : i32 to index
        %get3A_819 = arith.constant 48 : index
        %get3A_820 = tpu.vector_load %arg6[%get3A_817, %get3A_818, %get3A_819] {strides = array<i32>} : memref<6x100x128xf32, #tpu.memory_space<vmem>>, vector<1x1x16xf32>,
        %get3A_821 = vector.shape_cast %get3A_820 : vector<1x1x16xf32> to vector<16xf32>
        %add3A_822 = arith.addf %add3A_764, %get3A_821 : vector<16xf32>
        %get3A_823 = arith.constant 0 : i32
        %get3A_824 = arith.index_cast %get3A_823 : i32 to index
        %get3A_825 = arith.index_cast %scan3A_794 : i32 to index
        %get3A_826 = arith.constant 64 : index
        %get3A_827 = tpu.vector_load %arg6[%get3A_824, %get3A_825, %get3A_826] {strides = array<i32>} : memref<6x100x128xf32, #tpu.memory_space<vmem>>, vector<1x1x16xf32>,
        %get3A_828 = vector.shape_cast %get3A_827 : vector<1x1x16xf32> to vector<16xf32>
        %add3A_829 = arith.addf %add3A_771, %get3A_828 : vector<16xf32>
        %get3A_830 = arith.constant 0 : i32
        %get3A_831 = arith.index_cast %get3A_830 : i32 to index
        %get3A_832 = arith.index_cast %scan3A_794 : i32 to index
        %get3A_833 = arith.constant 80 : index
        %get3A_834 = tpu.vector_load %arg6[%get3A_831, %get3A_832, %get3A_833] {strides = array<i32>} : memref<6x100x128xf32, #tpu.memory_space<vmem>>, vector<1x1x16xf32>,
        %get3A_835 = vector.shape_cast %get3A_834 : vector<1x1x16xf32> to vector<16xf32>
        %add3A_836 = arith.addf %add3A_778, %get3A_835 : vector<16xf32>
        %get3A_837 = arith.constant 0 : i32
        %get3A_838 = arith.index_cast %get3A_837 : i32 to index
        %get3A_839 = arith.index_cast %scan3A_794 : i32 to index
        %get3A_840 = arith.constant 96 : index
        %get3A_841 = tpu.vector_load %arg6[%get3A_838, %get3A_839, %get3A_840] {strides = array<i32>} : memref<6x100x128xf32, #tpu.memory_space<vmem>>, vector<1x1x16xf32>,
        %get3A_842 = vector.shape_cast %get3A_841 : vector<1x1x16xf32> to vector<16xf32>
        %add3A_843 = arith.addf %add3A_785, %get3A_842 : vector<16xf32>
        %get3A_844 = arith.constant 0 : i32
        %get3A_845 = arith.index_cast %get3A_844 : i32 to index
        %get3A_846 = arith.index_cast %scan3A_794 : i32 to index
        %get3A_847 = arith.constant 112 : index
        %get3A_848 = tpu.vector_load %arg6[%get3A_845, %get3A_846, %get3A_847] {strides = array<i32>} : memref<6x100x128xf32, #tpu.memory_space<vmem>>, vector<1x1x16xf32>,
        %get3A_849 = vector.shape_cast %get3A_848 : vector<1x1x16xf32> to vector<16xf32>
        %add3A_850 = arith.addf %add3A_792, %get3A_849 : vector<16xf32>
        scf.yield %add3A_801, %add3A_808, %add3A_815, %add3A_822, %add3A_829, %add3A_836, %add3A_843, %add3A_850 : vector<16xf32>, vector<16xf32>, vector<16xf32>, vector<16xf32>, vector<16xf32>, vector<16xf32>, vector<16xf32>, vector<16xf32>
      }
      %scan3A_292 = arith.constant 100 : i32
      %add3A_293 = arith.constant 3 : i32
      %add3A_294 = arith.addi %add3A_273, %add3A_293 : i32
      %lt3A = arith.constant 128 : i32
      %lt3A_295 = arith.cmpi slt, %add3A_294, %lt3A : i32
      %convert_element_type3A = arith.extui %lt3A_295 : i1 to i32
      %cond3A = arith.constant 0 : i32
      %cond3A_296 = arith.cmpi ne, %convert_element_type3A, %cond3A : i32
      scf.if %cond3A_296 {
        %add3A_555 = arith.constant 3 : i32
        %add3A_556 = arith.addi %add3A_273, %add3A_555 : i32
        %dma_start3A_557 = arith.constant 0 : i32
        %dma_start3A_558 = arith.constant 0 : i32
        %dma_start3A_559 = arith.constant 0 : i32
        %dma_start3A_560 = arith.constant 0 : i32
        %dma_start3A_561 = tpu.memref_slice %arg6[%dma_start3A_558, %dma_start3A_559, %dma_start3A_560] : memref<6x100x128xf32, #tpu.memory_space<vmem>> -> memref<1x100x128xf32, #tpu.memory_space<vmem>>
        %dma_start3A_562 = tpu.memref_squeeze %dma_start3A_561 : memref<1x100x128xf32, #tpu.memory_space<vmem>> -> memref<100x128xf32, #tpu.memory_space<vmem>>
        %dma_start3A_563 = arith.constant 0 : i32
        %dma_start3A_564 = tpu.memref_slice %arg5[%add3A_556, %dma_start3A_557, %dma_start3A_563] : memref<128x2x100xi32, #tpu.memory_space<vmem>> -> memref<1x1x100xi32, #tpu.memory_space<vmem>>
        %dma_start3A_565 = tpu.memref_squeeze %dma_start3A_564 : memref<1x1x100xi32, #tpu.memory_space<vmem>> -> memref<100xi32, #tpu.memory_space<vmem>>
        %dma_start3A_566 = arith.constant 0 : i32
        %dma_start3A_567 = arith.constant 0 : i32
        %dma_start3A_568 = tpu.memref_slice %arg3[%dma_start3A_566, %dma_start3A_567] : memref<100000x128xf32, #tpu.memory_space<hbm>> -> memref<100000x128xf32, #tpu.memory_space<hbm>>
        tpu.enqueue_indirect_dma source(%dma_start3A_568 : memref<100000x128xf32, #tpu.memory_space<hbm>>) target(%dma_start3A_562 : memref<100x128xf32, #tpu.memory_space<vmem>>) offsets(%dma_start3A_565 : memref<100xi32, #tpu.memory_space<vmem>>) semaphore(%arg8 : memref<!tpu.dma_semaphore, #tpu.memory_space<semaphore_mem>>)
      } else {
      }
      %dma_wait3A_297 = arith.constant 0 : i32
      %dma_wait3A_298 = arith.constant 0 : i32
      %dma_wait3A_299 = arith.constant 1 : i32
      %dma_wait3A_300 = arith.constant 0 : i32
      %dma_wait3A_301 = arith.constant 0 : i32
      %dma_wait3A_302 = tpu.memref_slice %arg6[%dma_wait3A_299, %dma_wait3A_300, %dma_wait3A_301] : memref<6x100x128xf32, #tpu.memory_space<vmem>> -> memref<1x100x128xf32, #tpu.memory_space<vmem>>
      %dma_wait3A_303 = tpu.memref_squeeze %dma_wait3A_302 : memref<1x100x128xf32, #tpu.memory_space<vmem>> -> memref<100x128xf32, #tpu.memory_space<vmem>>
      %dma_wait3A_304 = arith.constant 0 : i32
      %dma_wait3A_305 = tpu.memref_slice %arg5[%dma_wait3A_297, %dma_wait3A_298, %dma_wait3A_304] : memref<128x2x100xi32, #tpu.memory_space<vmem>> -> memref<1x1x100xi32, #tpu.memory_space<vmem>>
      %dma_wait3A_306 = tpu.memref_squeeze %dma_wait3A_305 : memref<1x1x100xi32, #tpu.memory_space<vmem>> -> memref<100xi32, #tpu.memory_space<vmem>>
      %dma_wait3A_307 = arith.constant 0 : i32
      %dma_wait3A_308 = arith.constant 0 : i32
      %dma_wait3A_309 = tpu.memref_slice %arg3[%dma_wait3A_307, %dma_wait3A_308] : memref<100000x128xf32, #tpu.memory_space<hbm>> -> memref<100000x128xf32, #tpu.memory_space<hbm>>
      tpu.wait_indirect_dma semaphore(%arg9 : memref<!tpu.dma_semaphore, #tpu.memory_space<semaphore_mem>>) src(%dma_wait3A_309 : memref<100000x128xf32, #tpu.memory_space<hbm>>) dst(%dma_wait3A_303 : memref<100x128xf32, #tpu.memory_space<vmem>>)
      %scan3A_310 = arith.constant 0 : i32
      %scan3A_311 = arith.constant 100 : i32
      %scan3A_312 = arith.addi %scan3A_310, %scan3A_311 : i32
      %scan3A_313 = arith.constant 5 : i32
      %scan3A_314:8 = scf.for %scan3A_555 = %scan3A_310 to %scan3A_312 step %scan3A_313 iter_args(%scan3A_556 = %scan3A_291#0, %scan3A_557 = %scan3A_291#1, %scan3A_558 = %scan3A_291#2, %scan3A_559 = %scan3A_291#3, %scan3A_560 = %scan3A_291#4, %scan3A_561 = %scan3A_291#5, %scan3A_562 = %scan3A_291#6, %scan3A_563 = %scan3A_291#7) -> (vector<16xf32>, vector<16xf32>, vector<16xf32>, vector<16xf32>, vector<16xf32>, vector<16xf32>, vector<16xf32>, vector<16xf32>)  : i32 {
        %get3A = arith.constant 1 : i32
        %get3A_564 = arith.index_cast %get3A : i32 to index
        %get3A_565 = arith.index_cast %scan3A_555 : i32 to index
        %get3A_566 = arith.constant 0 : index
        %get3A_567 = tpu.vector_load %arg6[%get3A_564, %get3A_565, %get3A_566] {strides = array<i32>} : memref<6x100x128xf32, #tpu.memory_space<vmem>>, vector<1x1x16xf32>,
        %get3A_568 = vector.shape_cast %get3A_567 : vector<1x1x16xf32> to vector<16xf32>
        %add3A_569 = arith.addf %scan3A_556, %get3A_568 : vector<16xf32>
        %get3A_570 = arith.constant 1 : i32
        %get3A_571 = arith.index_cast %get3A_570 : i32 to index
        %get3A_572 = arith.index_cast %scan3A_555 : i32 to index
        %get3A_573 = arith.constant 16 : index
        %get3A_574 = tpu.vector_load %arg6[%get3A_571, %get3A_572, %get3A_573] {strides = array<i32>} : memref<6x100x128xf32, #tpu.memory_space<vmem>>, vector<1x1x16xf32>,
        %get3A_575 = vector.shape_cast %get3A_574 : vector<1x1x16xf32> to vector<16xf32>
        %add3A_576 = arith.addf %scan3A_557, %get3A_575 : vector<16xf32>
        %get3A_577 = arith.constant 1 : i32
        %get3A_578 = arith.index_cast %get3A_577 : i32 to index
        %get3A_579 = arith.index_cast %scan3A_555 : i32 to index
        %get3A_580 = arith.constant 32 : index
        %get3A_581 = tpu.vector_load %arg6[%get3A_578, %get3A_579, %get3A_580] {strides = array<i32>} : memref<6x100x128xf32, #tpu.memory_space<vmem>>, vector<1x1x16xf32>,
        %get3A_582 = vector.shape_cast %get3A_581 : vector<1x1x16xf32> to vector<16xf32>
        %add3A_583 = arith.addf %scan3A_558, %get3A_582 : vector<16xf32>
        %get3A_584 = arith.constant 1 : i32
        %get3A_585 = arith.index_cast %get3A_584 : i32 to index
        %get3A_586 = arith.index_cast %scan3A_555 : i32 to index
        %get3A_587 = arith.constant 48 : index
        %get3A_588 = tpu.vector_load %arg6[%get3A_585, %get3A_586, %get3A_587] {strides = array<i32>} : memref<6x100x128xf32, #tpu.memory_space<vmem>>, vector<1x1x16xf32>,
        %get3A_589 = vector.shape_cast %get3A_588 : vector<1x1x16xf32> to vector<16xf32>
        %add3A_590 = arith.addf %scan3A_559, %get3A_589 : vector<16xf32>
        %get3A_591 = arith.constant 1 : i32
        %get3A_592 = arith.index_cast %get3A_591 : i32 to index
        %get3A_593 = arith.index_cast %scan3A_555 : i32 to index
        %get3A_594 = arith.constant 64 : index
        %get3A_595 = tpu.vector_load %arg6[%get3A_592, %get3A_593, %get3A_594] {strides = array<i32>} : memref<6x100x128xf32, #tpu.memory_space<vmem>>, vector<1x1x16xf32>,
        %get3A_596 = vector.shape_cast %get3A_595 : vector<1x1x16xf32> to vector<16xf32>
        %add3A_597 = arith.addf %scan3A_560, %get3A_596 : vector<16xf32>
        %get3A_598 = arith.constant 1 : i32
        %get3A_599 = arith.index_cast %get3A_598 : i32 to index
        %get3A_600 = arith.index_cast %scan3A_555 : i32 to index
        %get3A_601 = arith.constant 80 : index
        %get3A_602 = tpu.vector_load %arg6[%get3A_599, %get3A_600, %get3A_601] {strides = array<i32>} : memref<6x100x128xf32, #tpu.memory_space<vmem>>, vector<1x1x16xf32>,
        %get3A_603 = vector.shape_cast %get3A_602 : vector<1x1x16xf32> to vector<16xf32>
        %add3A_604 = arith.addf %scan3A_561, %get3A_603 : vector<16xf32>
        %get3A_605 = arith.constant 1 : i32
        %get3A_606 = arith.index_cast %get3A_605 : i32 to index
        %get3A_607 = arith.index_cast %scan3A_555 : i32 to index
        %get3A_608 = arith.constant 96 : index
        %get3A_609 = tpu.vector_load %arg6[%get3A_606, %get3A_607, %get3A_608] {strides = array<i32>} : memref<6x100x128xf32, #tpu.memory_space<vmem>>, vector<1x1x16xf32>,
        %get3A_610 = vector.shape_cast %get3A_609 : vector<1x1x16xf32> to vector<16xf32>
        %add3A_611 = arith.addf %scan3A_562, %get3A_610 : vector<16xf32>
        %get3A_612 = arith.constant 1 : i32
        %get3A_613 = arith.index_cast %get3A_612 : i32 to index
        %get3A_614 = arith.index_cast %scan3A_555 : i32 to index
        %get3A_615 = arith.constant 112 : index
        %get3A_616 = tpu.vector_load %arg6[%get3A_613, %get3A_614, %get3A_615] {strides = array<i32>} : memref<6x100x128xf32, #tpu.memory_space<vmem>>, vector<1x1x16xf32>,
        %get3A_617 = vector.shape_cast %get3A_616 : vector<1x1x16xf32> to vector<16xf32>
        %add3A_618 = arith.addf %scan3A_563, %get3A_617 : vector<16xf32>
        %scan3A_619 = arith.constant 1 : i32
        %scan3A_620 = arith.addi %scan3A_555, %scan3A_619 : i32
        %get3A_621 = arith.constant 1 : i32
        %get3A_622 = arith.index_cast %get3A_621 : i32 to index
        %get3A_623 = arith.index_cast %scan3A_620 : i32 to index
        %get3A_624 = arith.constant 0 : index
        %get3A_625 = tpu.vector_load %arg6[%get3A_622, %get3A_623, %get3A_624] {strides = array<i32>} : memref<6x100x128xf32, #tpu.memory_space<vmem>>, vector<1x1x16xf32>,
        %get3A_626 = vector.shape_cast %get3A_625 : vector<1x1x16xf32> to vector<16xf32>
        %add3A_627 = arith.addf %add3A_569, %get3A_626 : vector<16xf32>
        %get3A_628 = arith.constant 1 : i32
        %get3A_629 = arith.index_cast %get3A_628 : i32 to index
        %get3A_630 = arith.index_cast %scan3A_620 : i32 to index
        %get3A_631 = arith.constant 16 : index
        %get3A_632 = tpu.vector_load %arg6[%get3A_629, %get3A_630, %get3A_631] {strides = array<i32>} : memref<6x100x128xf32, #tpu.memory_space<vmem>>, vector<1x1x16xf32>,
        %get3A_633 = vector.shape_cast %get3A_632 : vector<1x1x16xf32> to vector<16xf32>
        %add3A_634 = arith.addf %add3A_576, %get3A_633 : vector<16xf32>
        %get3A_635 = arith.constant 1 : i32
        %get3A_636 = arith.index_cast %get3A_635 : i32 to index
        %get3A_637 = arith.index_cast %scan3A_620 : i32 to index
        %get3A_638 = arith.constant 32 : index
        %get3A_639 = tpu.vector_load %arg6[%get3A_636, %get3A_637, %get3A_638] {strides = array<i32>} : memref<6x100x128xf32, #tpu.memory_space<vmem>>, vector<1x1x16xf32>,
        %get3A_640 = vector.shape_cast %get3A_639 : vector<1x1x16xf32> to vector<16xf32>
        %add3A_641 = arith.addf %add3A_583, %get3A_640 : vector<16xf32>
        %get3A_642 = arith.constant 1 : i32
        %get3A_643 = arith.index_cast %get3A_642 : i32 to index
        %get3A_644 = arith.index_cast %scan3A_620 : i32 to index
        %get3A_645 = arith.constant 48 : index
        %get3A_646 = tpu.vector_load %arg6[%get3A_643, %get3A_644, %get3A_645] {strides = array<i32>} : memref<6x100x128xf32, #tpu.memory_space<vmem>>, vector<1x1x16xf32>,
        %get3A_647 = vector.shape_cast %get3A_646 : vector<1x1x16xf32> to vector<16xf32>
        %add3A_648 = arith.addf %add3A_590, %get3A_647 : vector<16xf32>
        %get3A_649 = arith.constant 1 : i32
        %get3A_650 = arith.index_cast %get3A_649 : i32 to index
        %get3A_651 = arith.index_cast %scan3A_620 : i32 to index
        %get3A_652 = arith.constant 64 : index
        %get3A_653 = tpu.vector_load %arg6[%get3A_650, %get3A_651, %get3A_652] {strides = array<i32>} : memref<6x100x128xf32, #tpu.memory_space<vmem>>, vector<1x1x16xf32>,
        %get3A_654 = vector.shape_cast %get3A_653 : vector<1x1x16xf32> to vector<16xf32>
        %add3A_655 = arith.addf %add3A_597, %get3A_654 : vector<16xf32>
        %get3A_656 = arith.constant 1 : i32
        %get3A_657 = arith.index_cast %get3A_656 : i32 to index
        %get3A_658 = arith.index_cast %scan3A_620 : i32 to index
        %get3A_659 = arith.constant 80 : index
        %get3A_660 = tpu.vector_load %arg6[%get3A_657, %get3A_658, %get3A_659] {strides = array<i32>} : memref<6x100x128xf32, #tpu.memory_space<vmem>>, vector<1x1x16xf32>,
        %get3A_661 = vector.shape_cast %get3A_660 : vector<1x1x16xf32> to vector<16xf32>
        %add3A_662 = arith.addf %add3A_604, %get3A_661 : vector<16xf32>
        %get3A_663 = arith.constant 1 : i32
        %get3A_664 = arith.index_cast %get3A_663 : i32 to index
        %get3A_665 = arith.index_cast %scan3A_620 : i32 to index
        %get3A_666 = arith.constant 96 : index
        %get3A_667 = tpu.vector_load %arg6[%get3A_664, %get3A_665, %get3A_666] {strides = array<i32>} : memref<6x100x128xf32, #tpu.memory_space<vmem>>, vector<1x1x16xf32>,
        %get3A_668 = vector.shape_cast %get3A_667 : vector<1x1x16xf32> to vector<16xf32>
        %add3A_669 = arith.addf %add3A_611, %get3A_668 : vector<16xf32>
        %get3A_670 = arith.constant 1 : i32
        %get3A_671 = arith.index_cast %get3A_670 : i32 to index
        %get3A_672 = arith.index_cast %scan3A_620 : i32 to index
        %get3A_673 = arith.constant 112 : index
        %get3A_674 = tpu.vector_load %arg6[%get3A_671, %get3A_672, %get3A_673] {strides = array<i32>} : memref<6x100x128xf32, #tpu.memory_space<vmem>>, vector<1x1x16xf32>,
        %get3A_675 = vector.shape_cast %get3A_674 : vector<1x1x16xf32> to vector<16xf32>
        %add3A_676 = arith.addf %add3A_618, %get3A_675 : vector<16xf32>
        %scan3A_677 = arith.constant 2 : i32
        %scan3A_678 = arith.addi %scan3A_555, %scan3A_677 : i32
        %get3A_679 = arith.constant 1 : i32
        %get3A_680 = arith.index_cast %get3A_679 : i32 to index
        %get3A_681 = arith.index_cast %scan3A_678 : i32 to index
        %get3A_682 = arith.constant 0 : index
        %get3A_683 = tpu.vector_load %arg6[%get3A_680, %get3A_681, %get3A_682] {strides = array<i32>} : memref<6x100x128xf32, #tpu.memory_space<vmem>>, vector<1x1x16xf32>,
        %get3A_684 = vector.shape_cast %get3A_683 : vector<1x1x16xf32> to vector<16xf32>
        %add3A_685 = arith.addf %add3A_627, %get3A_684 : vector<16xf32>
        %get3A_686 = arith.constant 1 : i32
        %get3A_687 = arith.index_cast %get3A_686 : i32 to index
        %get3A_688 = arith.index_cast %scan3A_678 : i32 to index
        %get3A_689 = arith.constant 16 : index
        %get3A_690 = tpu.vector_load %arg6[%get3A_687, %get3A_688, %get3A_689] {strides = array<i32>} : memref<6x100x128xf32, #tpu.memory_space<vmem>>, vector<1x1x16xf32>,
        %get3A_691 = vector.shape_cast %get3A_690 : vector<1x1x16xf32> to vector<16xf32>
        %add3A_692 = arith.addf %add3A_634, %get3A_691 : vector<16xf32>
        %get3A_693 = arith.constant 1 : i32
        %get3A_694 = arith.index_cast %get3A_693 : i32 to index
        %get3A_695 = arith.index_cast %scan3A_678 : i32 to index
        %get3A_696 = arith.constant 32 : index
        %get3A_697 = tpu.vector_load %arg6[%get3A_694, %get3A_695, %get3A_696] {strides = array<i32>} : memref<6x100x128xf32, #tpu.memory_space<vmem>>, vector<1x1x16xf32>,
        %get3A_698 = vector.shape_cast %get3A_697 : vector<1x1x16xf32> to vector<16xf32>
        %add3A_699 = arith.addf %add3A_641, %get3A_698 : vector<16xf32>
        %get3A_700 = arith.constant 1 : i32
        %get3A_701 = arith.index_cast %get3A_700 : i32 to index
        %get3A_702 = arith.index_cast %scan3A_678 : i32 to index
        %get3A_703 = arith.constant 48 : index
        %get3A_704 = tpu.vector_load %arg6[%get3A_701, %get3A_702, %get3A_703] {strides = array<i32>} : memref<6x100x128xf32, #tpu.memory_space<vmem>>, vector<1x1x16xf32>,
        %get3A_705 = vector.shape_cast %get3A_704 : vector<1x1x16xf32> to vector<16xf32>
        %add3A_706 = arith.addf %add3A_648, %get3A_705 : vector<16xf32>
        %get3A_707 = arith.constant 1 : i32
        %get3A_708 = arith.index_cast %get3A_707 : i32 to index
        %get3A_709 = arith.index_cast %scan3A_678 : i32 to index
        %get3A_710 = arith.constant 64 : index
        %get3A_711 = tpu.vector_load %arg6[%get3A_708, %get3A_709, %get3A_710] {strides = array<i32>} : memref<6x100x128xf32, #tpu.memory_space<vmem>>, vector<1x1x16xf32>,
        %get3A_712 = vector.shape_cast %get3A_711 : vector<1x1x16xf32> to vector<16xf32>
        %add3A_713 = arith.addf %add3A_655, %get3A_712 : vector<16xf32>
        %get3A_714 = arith.constant 1 : i32
        %get3A_715 = arith.index_cast %get3A_714 : i32 to index
        %get3A_716 = arith.index_cast %scan3A_678 : i32 to index
        %get3A_717 = arith.constant 80 : index
        %get3A_718 = tpu.vector_load %arg6[%get3A_715, %get3A_716, %get3A_717] {strides = array<i32>} : memref<6x100x128xf32, #tpu.memory_space<vmem>>, vector<1x1x16xf32>,
        %get3A_719 = vector.shape_cast %get3A_718 : vector<1x1x16xf32> to vector<16xf32>
        %add3A_720 = arith.addf %add3A_662, %get3A_719 : vector<16xf32>
        %get3A_721 = arith.constant 1 : i32
        %get3A_722 = arith.index_cast %get3A_721 : i32 to index
        %get3A_723 = arith.index_cast %scan3A_678 : i32 to index
        %get3A_724 = arith.constant 96 : index
        %get3A_725 = tpu.vector_load %arg6[%get3A_722, %get3A_723, %get3A_724] {strides = array<i32>} : memref<6x100x128xf32, #tpu.memory_space<vmem>>, vector<1x1x16xf32>,
        %get3A_726 = vector.shape_cast %get3A_725 : vector<1x1x16xf32> to vector<16xf32>
        %add3A_727 = arith.addf %add3A_669, %get3A_726 : vector<16xf32>
        %get3A_728 = arith.constant 1 : i32
        %get3A_729 = arith.index_cast %get3A_728 : i32 to index
        %get3A_730 = arith.index_cast %scan3A_678 : i32 to index
        %get3A_731 = arith.constant 112 : index
        %get3A_732 = tpu.vector_load %arg6[%get3A_729, %get3A_730, %get3A_731] {strides = array<i32>} : memref<6x100x128xf32, #tpu.memory_space<vmem>>, vector<1x1x16xf32>,
        %get3A_733 = vector.shape_cast %get3A_732 : vector<1x1x16xf32> to vector<16xf32>
        %add3A_734 = arith.addf %add3A_676, %get3A_733 : vector<16xf32>
        %scan3A_735 = arith.constant 3 : i32
        %scan3A_736 = arith.addi %scan3A_555, %scan3A_735 : i32
        %get3A_737 = arith.constant 1 : i32
        %get3A_738 = arith.index_cast %get3A_737 : i32 to index
        %get3A_739 = arith.index_cast %scan3A_736 : i32 to index
        %get3A_740 = arith.constant 0 : index
        %get3A_741 = tpu.vector_load %arg6[%get3A_738, %get3A_739, %get3A_740] {strides = array<i32>} : memref<6x100x128xf32, #tpu.memory_space<vmem>>, vector<1x1x16xf32>,
        %get3A_742 = vector.shape_cast %get3A_741 : vector<1x1x16xf32> to vector<16xf32>
        %add3A_743 = arith.addf %add3A_685, %get3A_742 : vector<16xf32>
        %get3A_744 = arith.constant 1 : i32
        %get3A_745 = arith.index_cast %get3A_744 : i32 to index
        %get3A_746 = arith.index_cast %scan3A_736 : i32 to index
        %get3A_747 = arith.constant 16 : index
        %get3A_748 = tpu.vector_load %arg6[%get3A_745, %get3A_746, %get3A_747] {strides = array<i32>} : memref<6x100x128xf32, #tpu.memory_space<vmem>>, vector<1x1x16xf32>,
        %get3A_749 = vector.shape_cast %get3A_748 : vector<1x1x16xf32> to vector<16xf32>
        %add3A_750 = arith.addf %add3A_692, %get3A_749 : vector<16xf32>
        %get3A_751 = arith.constant 1 : i32
        %get3A_752 = arith.index_cast %get3A_751 : i32 to index
        %get3A_753 = arith.index_cast %scan3A_736 : i32 to index
        %get3A_754 = arith.constant 32 : index
        %get3A_755 = tpu.vector_load %arg6[%get3A_752, %get3A_753, %get3A_754] {strides = array<i32>} : memref<6x100x128xf32, #tpu.memory_space<vmem>>, vector<1x1x16xf32>,
        %get3A_756 = vector.shape_cast %get3A_755 : vector<1x1x16xf32> to vector<16xf32>
        %add3A_757 = arith.addf %add3A_699, %get3A_756 : vector<16xf32>
        %get3A_758 = arith.constant 1 : i32
        %get3A_759 = arith.index_cast %get3A_758 : i32 to index
        %get3A_760 = arith.index_cast %scan3A_736 : i32 to index
        %get3A_761 = arith.constant 48 : index
        %get3A_762 = tpu.vector_load %arg6[%get3A_759, %get3A_760, %get3A_761] {strides = array<i32>} : memref<6x100x128xf32, #tpu.memory_space<vmem>>, vector<1x1x16xf32>,
        %get3A_763 = vector.shape_cast %get3A_762 : vector<1x1x16xf32> to vector<16xf32>
        %add3A_764 = arith.addf %add3A_706, %get3A_763 : vector<16xf32>
        %get3A_765 = arith.constant 1 : i32
        %get3A_766 = arith.index_cast %get3A_765 : i32 to index
        %get3A_767 = arith.index_cast %scan3A_736 : i32 to index
        %get3A_768 = arith.constant 64 : index
        %get3A_769 = tpu.vector_load %arg6[%get3A_766, %get3A_767, %get3A_768] {strides = array<i32>} : memref<6x100x128xf32, #tpu.memory_space<vmem>>, vector<1x1x16xf32>,
        %get3A_770 = vector.shape_cast %get3A_769 : vector<1x1x16xf32> to vector<16xf32>
        %add3A_771 = arith.addf %add3A_713, %get3A_770 : vector<16xf32>
        %get3A_772 = arith.constant 1 : i32
        %get3A_773 = arith.index_cast %get3A_772 : i32 to index
        %get3A_774 = arith.index_cast %scan3A_736 : i32 to index
        %get3A_775 = arith.constant 80 : index
        %get3A_776 = tpu.vector_load %arg6[%get3A_773, %get3A_774, %get3A_775] {strides = array<i32>} : memref<6x100x128xf32, #tpu.memory_space<vmem>>, vector<1x1x16xf32>,
        %get3A_777 = vector.shape_cast %get3A_776 : vector<1x1x16xf32> to vector<16xf32>
        %add3A_778 = arith.addf %add3A_720, %get3A_777 : vector<16xf32>
        %get3A_779 = arith.constant 1 : i32
        %get3A_780 = arith.index_cast %get3A_779 : i32 to index
        %get3A_781 = arith.index_cast %scan3A_736 : i32 to index
        %get3A_782 = arith.constant 96 : index
        %get3A_783 = tpu.vector_load %arg6[%get3A_780, %get3A_781, %get3A_782] {strides = array<i32>} : memref<6x100x128xf32, #tpu.memory_space<vmem>>, vector<1x1x16xf32>,
        %get3A_784 = vector.shape_cast %get3A_783 : vector<1x1x16xf32> to vector<16xf32>
        %add3A_785 = arith.addf %add3A_727, %get3A_784 : vector<16xf32>
        %get3A_786 = arith.constant 1 : i32
        %get3A_787 = arith.index_cast %get3A_786 : i32 to index
        %get3A_788 = arith.index_cast %scan3A_736 : i32 to index
        %get3A_789 = arith.constant 112 : index
        %get3A_790 = tpu.vector_load %arg6[%get3A_787, %get3A_788, %get3A_789] {strides = array<i32>} : memref<6x100x128xf32, #tpu.memory_space<vmem>>, vector<1x1x16xf32>,
        %get3A_791 = vector.shape_cast %get3A_790 : vector<1x1x16xf32> to vector<16xf32>
        %add3A_792 = arith.addf %add3A_734, %get3A_791 : vector<16xf32>
        %scan3A_793 = arith.constant 4 : i32
        %scan3A_794 = arith.addi %scan3A_555, %scan3A_793 : i32
        %get3A_795 = arith.constant 1 : i32
        %get3A_796 = arith.index_cast %get3A_795 : i32 to index
        %get3A_797 = arith.index_cast %scan3A_794 : i32 to index
        %get3A_798 = arith.constant 0 : index
        %get3A_799 = tpu.vector_load %arg6[%get3A_796, %get3A_797, %get3A_798] {strides = array<i32>} : memref<6x100x128xf32, #tpu.memory_space<vmem>>, vector<1x1x16xf32>,
        %get3A_800 = vector.shape_cast %get3A_799 : vector<1x1x16xf32> to vector<16xf32>
        %add3A_801 = arith.addf %add3A_743, %get3A_800 : vector<16xf32>
        %get3A_802 = arith.constant 1 : i32
        %get3A_803 = arith.index_cast %get3A_802 : i32 to index
        %get3A_804 = arith.index_cast %scan3A_794 : i32 to index
        %get3A_805 = arith.constant 16 : index
        %get3A_806 = tpu.vector_load %arg6[%get3A_803, %get3A_804, %get3A_805] {strides = array<i32>} : memref<6x100x128xf32, #tpu.memory_space<vmem>>, vector<1x1x16xf32>,
        %get3A_807 = vector.shape_cast %get3A_806 : vector<1x1x16xf32> to vector<16xf32>
        %add3A_808 = arith.addf %add3A_750, %get3A_807 : vector<16xf32>
        %get3A_809 = arith.constant 1 : i32
        %get3A_810 = arith.index_cast %get3A_809 : i32 to index
        %get3A_811 = arith.index_cast %scan3A_794 : i32 to index
        %get3A_812 = arith.constant 32 : index
        %get3A_813 = tpu.vector_load %arg6[%get3A_810, %get3A_811, %get3A_812] {strides = array<i32>} : memref<6x100x128xf32, #tpu.memory_space<vmem>>, vector<1x1x16xf32>,
        %get3A_814 = vector.shape_cast %get3A_813 : vector<1x1x16xf32> to vector<16xf32>
        %add3A_815 = arith.addf %add3A_757, %get3A_814 : vector<16xf32>
        %get3A_816 = arith.constant 1 : i32
        %get3A_817 = arith.index_cast %get3A_816 : i32 to index
        %get3A_818 = arith.index_cast %scan3A_794 : i32 to index
        %get3A_819 = arith.constant 48 : index
        %get3A_820 = tpu.vector_load %arg6[%get3A_817, %get3A_818, %get3A_819] {strides = array<i32>} : memref<6x100x128xf32, #tpu.memory_space<vmem>>, vector<1x1x16xf32>,
        %get3A_821 = vector.shape_cast %get3A_820 : vector<1x1x16xf32> to vector<16xf32>
        %add3A_822 = arith.addf %add3A_764, %get3A_821 : vector<16xf32>
        %get3A_823 = arith.constant 1 : i32
        %get3A_824 = arith.index_cast %get3A_823 : i32 to index
        %get3A_825 = arith.index_cast %scan3A_794 : i32 to index
        %get3A_826 = arith.constant 64 : index
        %get3A_827 = tpu.vector_load %arg6[%get3A_824, %get3A_825, %get3A_826] {strides = array<i32>} : memref<6x100x128xf32, #tpu.memory_space<vmem>>, vector<1x1x16xf32>,
        %get3A_828 = vector.shape_cast %get3A_827 : vector<1x1x16xf32> to vector<16xf32>
        %add3A_829 = arith.addf %add3A_771, %get3A_828 : vector<16xf32>
        %get3A_830 = arith.constant 1 : i32
        %get3A_831 = arith.index_cast %get3A_830 : i32 to index
        %get3A_832 = arith.index_cast %scan3A_794 : i32 to index
        %get3A_833 = arith.constant 80 : index
        %get3A_834 = tpu.vector_load %arg6[%get3A_831, %get3A_832, %get3A_833] {strides = array<i32>} : memref<6x100x128xf32, #tpu.memory_space<vmem>>, vector<1x1x16xf32>,
        %get3A_835 = vector.shape_cast %get3A_834 : vector<1x1x16xf32> to vector<16xf32>
        %add3A_836 = arith.addf %add3A_778, %get3A_835 : vector<16xf32>
        %get3A_837 = arith.constant 1 : i32
        %get3A_838 = arith.index_cast %get3A_837 : i32 to index
        %get3A_839 = arith.index_cast %scan3A_794 : i32 to index
        %get3A_840 = arith.constant 96 : index
        %get3A_841 = tpu.vector_load %arg6[%get3A_838, %get3A_839, %get3A_840] {strides = array<i32>} : memref<6x100x128xf32, #tpu.memory_space<vmem>>, vector<1x1x16xf32>,
        %get3A_842 = vector.shape_cast %get3A_841 : vector<1x1x16xf32> to vector<16xf32>
        %add3A_843 = arith.addf %add3A_785, %get3A_842 : vector<16xf32>
        %get3A_844 = arith.constant 1 : i32
        %get3A_845 = arith.index_cast %get3A_844 : i32 to index
        %get3A_846 = arith.index_cast %scan3A_794 : i32 to index
        %get3A_847 = arith.constant 112 : index
        %get3A_848 = tpu.vector_load %arg6[%get3A_845, %get3A_846, %get3A_847] {strides = array<i32>} : memref<6x100x128xf32, #tpu.memory_space<vmem>>, vector<1x1x16xf32>,
        %get3A_849 = vector.shape_cast %get3A_848 : vector<1x1x16xf32> to vector<16xf32>
        %add3A_850 = arith.addf %add3A_792, %get3A_849 : vector<16xf32>
        scf.yield %add3A_801, %add3A_808, %add3A_815, %add3A_822, %add3A_829, %add3A_836, %add3A_843, %add3A_850 : vector<16xf32>, vector<16xf32>, vector<16xf32>, vector<16xf32>, vector<16xf32>, vector<16xf32>, vector<16xf32>, vector<16xf32>
      }
      %scan3A_315 = arith.constant 100 : i32
      %add3A_316 = arith.constant 3 : i32
      %add3A_317 = arith.addi %add3A_273, %add3A_316 : i32
      %lt3A_318 = arith.constant 128 : i32
      %lt3A_319 = arith.cmpi slt, %add3A_317, %lt3A_318 : i32
      %convert_element_type3A_320 = arith.extui %lt3A_319 : i1 to i32
      %cond3A_321 = arith.constant 0 : i32
      %cond3A_322 = arith.cmpi ne, %convert_element_type3A_320, %cond3A_321 : i32
      scf.if %cond3A_322 {
        %add3A_555 = arith.constant 3 : i32
        %add3A_556 = arith.addi %add3A_273, %add3A_555 : i32
        %dma_start3A_557 = arith.constant 1 : i32
        %dma_start3A_558 = arith.constant 1 : i32
        %dma_start3A_559 = arith.constant 0 : i32
        %dma_start3A_560 = arith.constant 0 : i32
        %dma_start3A_561 = tpu.memref_slice %arg6[%dma_start3A_558, %dma_start3A_559, %dma_start3A_560] : memref<6x100x128xf32, #tpu.memory_space<vmem>> -> memref<1x100x128xf32, #tpu.memory_space<vmem>>
        %dma_start3A_562 = tpu.memref_squeeze %dma_start3A_561 : memref<1x100x128xf32, #tpu.memory_space<vmem>> -> memref<100x128xf32, #tpu.memory_space<vmem>>
        %dma_start3A_563 = arith.constant 0 : i32
        %dma_start3A_564 = tpu.memref_slice %arg5[%add3A_556, %dma_start3A_557, %dma_start3A_563] : memref<128x2x100xi32, #tpu.memory_space<vmem>> -> memref<1x1x100xi32, #tpu.memory_space<vmem>>
        %dma_start3A_565 = tpu.memref_squeeze %dma_start3A_564 : memref<1x1x100xi32, #tpu.memory_space<vmem>> -> memref<100xi32, #tpu.memory_space<vmem>>
        %dma_start3A_566 = arith.constant 0 : i32
        %dma_start3A_567 = arith.constant 0 : i32
        %dma_start3A_568 = tpu.memref_slice %arg3[%dma_start3A_566, %dma_start3A_567] : memref<100000x128xf32, #tpu.memory_space<hbm>> -> memref<100000x128xf32, #tpu.memory_space<hbm>>
        tpu.enqueue_indirect_dma source(%dma_start3A_568 : memref<100000x128xf32, #tpu.memory_space<hbm>>) target(%dma_start3A_562 : memref<100x128xf32, #tpu.memory_space<vmem>>) offsets(%dma_start3A_565 : memref<100xi32, #tpu.memory_space<vmem>>) semaphore(%arg9 : memref<!tpu.dma_semaphore, #tpu.memory_space<semaphore_mem>>)
      } else {
      }
      %swap3A_323 = arith.index_cast %add3A_273 : i32 to index
      %swap3A_324 = arith.constant 0 : index
      %swap3A_325 = tpu.vector_load %arg7[%swap3A_323, %swap3A_324] {strides = array<i32>} : memref<128x128xf32, #tpu.memory_space<vmem>>, vector<1x16xf32>,
      %swap3A_326 = vector.shape_cast %swap3A_325 : vector<1x16xf32> to vector<16xf32>
      %swap3A_327 = vector.shape_cast %scan3A_314#0 : vector<16xf32> to vector<1x16xf32>
      tpu.vector_store %arg7[%swap3A_323, %swap3A_324], %swap3A_327 {strides = array<i32>} : memref<128x128xf32, #tpu.memory_space<vmem>>, vector<1x16xf32>,
      %swap3A_328 = arith.index_cast %add3A_273 : i32 to index
      %swap3A_329 = arith.constant 16 : index
      %swap3A_330 = tpu.vector_load %arg7[%swap3A_328, %swap3A_329] {strides = array<i32>} : memref<128x128xf32, #tpu.memory_space<vmem>>, vector<1x16xf32>,
      %swap3A_331 = vector.shape_cast %swap3A_330 : vector<1x16xf32> to vector<16xf32>
      %swap3A_332 = vector.shape_cast %scan3A_314#1 : vector<16xf32> to vector<1x16xf32>
      tpu.vector_store %arg7[%swap3A_328, %swap3A_329], %swap3A_332 {strides = array<i32>} : memref<128x128xf32, #tpu.memory_space<vmem>>, vector<1x16xf32>,
      %swap3A_333 = arith.index_cast %add3A_273 : i32 to index
      %swap3A_334 = arith.constant 32 : index
      %swap3A_335 = tpu.vector_load %arg7[%swap3A_333, %swap3A_334] {strides = array<i32>} : memref<128x128xf32, #tpu.memory_space<vmem>>, vector<1x16xf32>,
      %swap3A_336 = vector.shape_cast %swap3A_335 : vector<1x16xf32> to vector<16xf32>
      %swap3A_337 = vector.shape_cast %scan3A_314#2 : vector<16xf32> to vector<1x16xf32>
      tpu.vector_store %arg7[%swap3A_333, %swap3A_334], %swap3A_337 {strides = array<i32>} : memref<128x128xf32, #tpu.memory_space<vmem>>, vector<1x16xf32>,
      %swap3A_338 = arith.index_cast %add3A_273 : i32 to index
      %swap3A_339 = arith.constant 48 : index
      %swap3A_340 = tpu.vector_load %arg7[%swap3A_338, %swap3A_339] {strides = array<i32>} : memref<128x128xf32, #tpu.memory_space<vmem>>, vector<1x16xf32>,
      %swap3A_341 = vector.shape_cast %swap3A_340 : vector<1x16xf32> to vector<16xf32>
      %swap3A_342 = vector.shape_cast %scan3A_314#3 : vector<16xf32> to vector<1x16xf32>
      tpu.vector_store %arg7[%swap3A_338, %swap3A_339], %swap3A_342 {strides = array<i32>} : memref<128x128xf32, #tpu.memory_space<vmem>>, vector<1x16xf32>,
      %swap3A_343 = arith.index_cast %add3A_273 : i32 to index
      %swap3A_344 = arith.constant 64 : index
      %swap3A_345 = tpu.vector_load %arg7[%swap3A_343, %swap3A_344] {strides = array<i32>} : memref<128x128xf32, #tpu.memory_space<vmem>>, vector<1x16xf32>,
      %swap3A_346 = vector.shape_cast %swap3A_345 : vector<1x16xf32> to vector<16xf32>
      %swap3A_347 = vector.shape_cast %scan3A_314#4 : vector<16xf32> to vector<1x16xf32>
      tpu.vector_store %arg7[%swap3A_343, %swap3A_344], %swap3A_347 {strides = array<i32>} : memref<128x128xf32, #tpu.memory_space<vmem>>, vector<1x16xf32>,
      %swap3A_348 = arith.index_cast %add3A_273 : i32 to index
      %swap3A_349 = arith.constant 80 : index
      %swap3A_350 = tpu.vector_load %arg7[%swap3A_348, %swap3A_349] {strides = array<i32>} : memref<128x128xf32, #tpu.memory_space<vmem>>, vector<1x16xf32>,
      %swap3A_351 = vector.shape_cast %swap3A_350 : vector<1x16xf32> to vector<16xf32>
      %swap3A_352 = vector.shape_cast %scan3A_314#5 : vector<16xf32> to vector<1x16xf32>
      tpu.vector_store %arg7[%swap3A_348, %swap3A_349], %swap3A_352 {strides = array<i32>} : memref<128x128xf32, #tpu.memory_space<vmem>>, vector<1x16xf32>,
      %swap3A_353 = arith.index_cast %add3A_273 : i32 to index
      %swap3A_354 = arith.constant 96 : index
      %swap3A_355 = tpu.vector_load %arg7[%swap3A_353, %swap3A_354] {strides = array<i32>} : memref<128x128xf32, #tpu.memory_space<vmem>>, vector<1x16xf32>,
      %swap3A_356 = vector.shape_cast %swap3A_355 : vector<1x16xf32> to vector<16xf32>
      %swap3A_357 = vector.shape_cast %scan3A_314#6 : vector<16xf32> to vector<1x16xf32>
      tpu.vector_store %arg7[%swap3A_353, %swap3A_354], %swap3A_357 {strides = array<i32>} : memref<128x128xf32, #tpu.memory_space<vmem>>, vector<1x16xf32>,
      %swap3A_358 = arith.index_cast %add3A_273 : i32 to index
      %swap3A_359 = arith.constant 112 : index
      %swap3A_360 = tpu.vector_load %arg7[%swap3A_358, %swap3A_359] {strides = array<i32>} : memref<128x128xf32, #tpu.memory_space<vmem>>, vector<1x16xf32>,
      %swap3A_361 = vector.shape_cast %swap3A_360 : vector<1x16xf32> to vector<16xf32>
      %swap3A_362 = vector.shape_cast %scan3A_314#7 : vector<16xf32> to vector<1x16xf32>
      tpu.vector_store %arg7[%swap3A_358, %swap3A_359], %swap3A_362 {strides = array<i32>} : memref<128x128xf32, #tpu.memory_space<vmem>>, vector<1x16xf32>,
      %mul3A_363 = arith.constant 3 : i32
      %mul3A_364 = arith.muli %mul3A_363, %scan3A_269 : i32
      %add3A_365 = arith.constant 1 : i32
      %add3A_366 = arith.addi %mul3A_364, %add3A_365 : i32
      %dma_wait3A_367 = arith.constant 0 : i32
      %dma_wait3A_368 = arith.constant 0 : i32
      %dma_wait3A_369 = arith.constant 2 : i32
      %dma_wait3A_370 = arith.constant 0 : i32
      %dma_wait3A_371 = arith.constant 0 : i32
      %dma_wait3A_372 = tpu.memref_slice %arg6[%dma_wait3A_369, %dma_wait3A_370, %dma_wait3A_371] : memref<6x100x128xf32, #tpu.memory_space<vmem>> -> memref<1x100x128xf32, #tpu.memory_space<vmem>>
      %dma_wait3A_373 = tpu.memref_squeeze %dma_wait3A_372 : memref<1x100x128xf32, #tpu.memory_space<vmem>> -> memref<100x128xf32, #tpu.memory_space<vmem>>
      %dma_wait3A_374 = arith.constant 0 : i32
      %dma_wait3A_375 = tpu.memref_slice %arg5[%dma_wait3A_367, %dma_wait3A_368, %dma_wait3A_374] : memref<128x2x100xi32, #tpu.memory_space<vmem>> -> memref<1x1x100xi32, #tpu.memory_space<vmem>>
      %dma_wait3A_376 = tpu.memref_squeeze %dma_wait3A_375 : memref<1x1x100xi32, #tpu.memory_space<vmem>> -> memref<100xi32, #tpu.memory_space<vmem>>
      %dma_wait3A_377 = arith.constant 0 : i32
      %dma_wait3A_378 = arith.constant 0 : i32
      %dma_wait3A_379 = tpu.memref_slice %arg3[%dma_wait3A_377, %dma_wait3A_378] : memref<100000x128xf32, #tpu.memory_space<hbm>> -> memref<100000x128xf32, #tpu.memory_space<hbm>>
      tpu.wait_indirect_dma semaphore(%arg10 : memref<!tpu.dma_semaphore, #tpu.memory_space<semaphore_mem>>) src(%dma_wait3A_379 : memref<100000x128xf32, #tpu.memory_space<hbm>>) dst(%dma_wait3A_373 : memref<100x128xf32, #tpu.memory_space<vmem>>)
      %scan3A_380 = arith.constant 0 : i32
      %scan3A_381 = arith.constant 100 : i32
      %scan3A_382 = arith.addi %scan3A_380, %scan3A_381 : i32
      %scan3A_383 = arith.constant 5 : i32
      %scan3A_384:8 = scf.for %scan3A_555 = %scan3A_380 to %scan3A_382 step %scan3A_383 iter_args(%scan3A_556 = %broadcast_in_dim3A_80, %scan3A_557 = %broadcast_in_dim3A_82, %scan3A_558 = %broadcast_in_dim3A_84, %scan3A_559 = %broadcast_in_dim3A_86, %scan3A_560 = %broadcast_in_dim3A_88, %scan3A_561 = %broadcast_in_dim3A_90, %scan3A_562 = %broadcast_in_dim3A_92, %scan3A_563 = %broadcast_in_dim3A_94) -> (vector<16xf32>, vector<16xf32>, vector<16xf32>, vector<16xf32>, vector<16xf32>, vector<16xf32>, vector<16xf32>, vector<16xf32>)  : i32 {
        %get3A = arith.constant 2 : i32
        %get3A_564 = arith.index_cast %get3A : i32 to index
        %get3A_565 = arith.index_cast %scan3A_555 : i32 to index
        %get3A_566 = arith.constant 0 : index
        %get3A_567 = tpu.vector_load %arg6[%get3A_564, %get3A_565, %get3A_566] {strides = array<i32>} : memref<6x100x128xf32, #tpu.memory_space<vmem>>, vector<1x1x16xf32>,
        %get3A_568 = vector.shape_cast %get3A_567 : vector<1x1x16xf32> to vector<16xf32>
        %add3A_569 = arith.addf %scan3A_556, %get3A_568 : vector<16xf32>
        %get3A_570 = arith.constant 2 : i32
        %get3A_571 = arith.index_cast %get3A_570 : i32 to index
        %get3A_572 = arith.index_cast %scan3A_555 : i32 to index
        %get3A_573 = arith.constant 16 : index
        %get3A_574 = tpu.vector_load %arg6[%get3A_571, %get3A_572, %get3A_573] {strides = array<i32>} : memref<6x100x128xf32, #tpu.memory_space<vmem>>, vector<1x1x16xf32>,
        %get3A_575 = vector.shape_cast %get3A_574 : vector<1x1x16xf32> to vector<16xf32>
        %add3A_576 = arith.addf %scan3A_557, %get3A_575 : vector<16xf32>
        %get3A_577 = arith.constant 2 : i32
        %get3A_578 = arith.index_cast %get3A_577 : i32 to index
        %get3A_579 = arith.index_cast %scan3A_555 : i32 to index
        %get3A_580 = arith.constant 32 : index
        %get3A_581 = tpu.vector_load %arg6[%get3A_578, %get3A_579, %get3A_580] {strides = array<i32>} : memref<6x100x128xf32, #tpu.memory_space<vmem>>, vector<1x1x16xf32>,
        %get3A_582 = vector.shape_cast %get3A_581 : vector<1x1x16xf32> to vector<16xf32>
        %add3A_583 = arith.addf %scan3A_558, %get3A_582 : vector<16xf32>
        %get3A_584 = arith.constant 2 : i32
        %get3A_585 = arith.index_cast %get3A_584 : i32 to index
        %get3A_586 = arith.index_cast %scan3A_555 : i32 to index
        %get3A_587 = arith.constant 48 : index
        %get3A_588 = tpu.vector_load %arg6[%get3A_585, %get3A_586, %get3A_587] {strides = array<i32>} : memref<6x100x128xf32, #tpu.memory_space<vmem>>, vector<1x1x16xf32>,
        %get3A_589 = vector.shape_cast %get3A_588 : vector<1x1x16xf32> to vector<16xf32>
        %add3A_590 = arith.addf %scan3A_559, %get3A_589 : vector<16xf32>
        %get3A_591 = arith.constant 2 : i32
        %get3A_592 = arith.index_cast %get3A_591 : i32 to index
        %get3A_593 = arith.index_cast %scan3A_555 : i32 to index
        %get3A_594 = arith.constant 64 : index
        %get3A_595 = tpu.vector_load %arg6[%get3A_592, %get3A_593, %get3A_594] {strides = array<i32>} : memref<6x100x128xf32, #tpu.memory_space<vmem>>, vector<1x1x16xf32>,
        %get3A_596 = vector.shape_cast %get3A_595 : vector<1x1x16xf32> to vector<16xf32>
        %add3A_597 = arith.addf %scan3A_560, %get3A_596 : vector<16xf32>
        %get3A_598 = arith.constant 2 : i32
        %get3A_599 = arith.index_cast %get3A_598 : i32 to index
        %get3A_600 = arith.index_cast %scan3A_555 : i32 to index
        %get3A_601 = arith.constant 80 : index
        %get3A_602 = tpu.vector_load %arg6[%get3A_599, %get3A_600, %get3A_601] {strides = array<i32>} : memref<6x100x128xf32, #tpu.memory_space<vmem>>, vector<1x1x16xf32>,
        %get3A_603 = vector.shape_cast %get3A_602 : vector<1x1x16xf32> to vector<16xf32>
        %add3A_604 = arith.addf %scan3A_561, %get3A_603 : vector<16xf32>
        %get3A_605 = arith.constant 2 : i32
        %get3A_606 = arith.index_cast %get3A_605 : i32 to index
        %get3A_607 = arith.index_cast %scan3A_555 : i32 to index
        %get3A_608 = arith.constant 96 : index
        %get3A_609 = tpu.vector_load %arg6[%get3A_606, %get3A_607, %get3A_608] {strides = array<i32>} : memref<6x100x128xf32, #tpu.memory_space<vmem>>, vector<1x1x16xf32>,
        %get3A_610 = vector.shape_cast %get3A_609 : vector<1x1x16xf32> to vector<16xf32>
        %add3A_611 = arith.addf %scan3A_562, %get3A_610 : vector<16xf32>
        %get3A_612 = arith.constant 2 : i32
        %get3A_613 = arith.index_cast %get3A_612 : i32 to index
        %get3A_614 = arith.index_cast %scan3A_555 : i32 to index
        %get3A_615 = arith.constant 112 : index
        %get3A_616 = tpu.vector_load %arg6[%get3A_613, %get3A_614, %get3A_615] {strides = array<i32>} : memref<6x100x128xf32, #tpu.memory_space<vmem>>, vector<1x1x16xf32>,
        %get3A_617 = vector.shape_cast %get3A_616 : vector<1x1x16xf32> to vector<16xf32>
        %add3A_618 = arith.addf %scan3A_563, %get3A_617 : vector<16xf32>
        %scan3A_619 = arith.constant 1 : i32
        %scan3A_620 = arith.addi %scan3A_555, %scan3A_619 : i32
        %get3A_621 = arith.constant 2 : i32
        %get3A_622 = arith.index_cast %get3A_621 : i32 to index
        %get3A_623 = arith.index_cast %scan3A_620 : i32 to index
        %get3A_624 = arith.constant 0 : index
        %get3A_625 = tpu.vector_load %arg6[%get3A_622, %get3A_623, %get3A_624] {strides = array<i32>} : memref<6x100x128xf32, #tpu.memory_space<vmem>>, vector<1x1x16xf32>,
        %get3A_626 = vector.shape_cast %get3A_625 : vector<1x1x16xf32> to vector<16xf32>
        %add3A_627 = arith.addf %add3A_569, %get3A_626 : vector<16xf32>
        %get3A_628 = arith.constant 2 : i32
        %get3A_629 = arith.index_cast %get3A_628 : i32 to index
        %get3A_630 = arith.index_cast %scan3A_620 : i32 to index
        %get3A_631 = arith.constant 16 : index
        %get3A_632 = tpu.vector_load %arg6[%get3A_629, %get3A_630, %get3A_631] {strides = array<i32>} : memref<6x100x128xf32, #tpu.memory_space<vmem>>, vector<1x1x16xf32>,
        %get3A_633 = vector.shape_cast %get3A_632 : vector<1x1x16xf32> to vector<16xf32>
        %add3A_634 = arith.addf %add3A_576, %get3A_633 : vector<16xf32>
        %get3A_635 = arith.constant 2 : i32
        %get3A_636 = arith.index_cast %get3A_635 : i32 to index
        %get3A_637 = arith.index_cast %scan3A_620 : i32 to index
        %get3A_638 = arith.constant 32 : index
        %get3A_639 = tpu.vector_load %arg6[%get3A_636, %get3A_637, %get3A_638] {strides = array<i32>} : memref<6x100x128xf32, #tpu.memory_space<vmem>>, vector<1x1x16xf32>,
        %get3A_640 = vector.shape_cast %get3A_639 : vector<1x1x16xf32> to vector<16xf32>
        %add3A_641 = arith.addf %add3A_583, %get3A_640 : vector<16xf32>
        %get3A_642 = arith.constant 2 : i32
        %get3A_643 = arith.index_cast %get3A_642 : i32 to index
        %get3A_644 = arith.index_cast %scan3A_620 : i32 to index
        %get3A_645 = arith.constant 48 : index
        %get3A_646 = tpu.vector_load %arg6[%get3A_643, %get3A_644, %get3A_645] {strides = array<i32>} : memref<6x100x128xf32, #tpu.memory_space<vmem>>, vector<1x1x16xf32>,
        %get3A_647 = vector.shape_cast %get3A_646 : vector<1x1x16xf32> to vector<16xf32>
        %add3A_648 = arith.addf %add3A_590, %get3A_647 : vector<16xf32>
        %get3A_649 = arith.constant 2 : i32
        %get3A_650 = arith.index_cast %get3A_649 : i32 to index
        %get3A_651 = arith.index_cast %scan3A_620 : i32 to index
        %get3A_652 = arith.constant 64 : index
        %get3A_653 = tpu.vector_load %arg6[%get3A_650, %get3A_651, %get3A_652] {strides = array<i32>} : memref<6x100x128xf32, #tpu.memory_space<vmem>>, vector<1x1x16xf32>,
        %get3A_654 = vector.shape_cast %get3A_653 : vector<1x1x16xf32> to vector<16xf32>
        %add3A_655 = arith.addf %add3A_597, %get3A_654 : vector<16xf32>
        %get3A_656 = arith.constant 2 : i32
        %get3A_657 = arith.index_cast %get3A_656 : i32 to index
        %get3A_658 = arith.index_cast %scan3A_620 : i32 to index
        %get3A_659 = arith.constant 80 : index
        %get3A_660 = tpu.vector_load %arg6[%get3A_657, %get3A_658, %get3A_659] {strides = array<i32>} : memref<6x100x128xf32, #tpu.memory_space<vmem>>, vector<1x1x16xf32>,
        %get3A_661 = vector.shape_cast %get3A_660 : vector<1x1x16xf32> to vector<16xf32>
        %add3A_662 = arith.addf %add3A_604, %get3A_661 : vector<16xf32>
        %get3A_663 = arith.constant 2 : i32
        %get3A_664 = arith.index_cast %get3A_663 : i32 to index
        %get3A_665 = arith.index_cast %scan3A_620 : i32 to index
        %get3A_666 = arith.constant 96 : index
        %get3A_667 = tpu.vector_load %arg6[%get3A_664, %get3A_665, %get3A_666] {strides = array<i32>} : memref<6x100x128xf32, #tpu.memory_space<vmem>>, vector<1x1x16xf32>,
        %get3A_668 = vector.shape_cast %get3A_667 : vector<1x1x16xf32> to vector<16xf32>
        %add3A_669 = arith.addf %add3A_611, %get3A_668 : vector<16xf32>
        %get3A_670 = arith.constant 2 : i32
        %get3A_671 = arith.index_cast %get3A_670 : i32 to index
        %get3A_672 = arith.index_cast %scan3A_620 : i32 to index
        %get3A_673 = arith.constant 112 : index
        %get3A_674 = tpu.vector_load %arg6[%get3A_671, %get3A_672, %get3A_673] {strides = array<i32>} : memref<6x100x128xf32, #tpu.memory_space<vmem>>, vector<1x1x16xf32>,
        %get3A_675 = vector.shape_cast %get3A_674 : vector<1x1x16xf32> to vector<16xf32>
        %add3A_676 = arith.addf %add3A_618, %get3A_675 : vector<16xf32>
        %scan3A_677 = arith.constant 2 : i32
        %scan3A_678 = arith.addi %scan3A_555, %scan3A_677 : i32
        %get3A_679 = arith.constant 2 : i32
        %get3A_680 = arith.index_cast %get3A_679 : i32 to index
        %get3A_681 = arith.index_cast %scan3A_678 : i32 to index
        %get3A_682 = arith.constant 0 : index
        %get3A_683 = tpu.vector_load %arg6[%get3A_680, %get3A_681, %get3A_682] {strides = array<i32>} : memref<6x100x128xf32, #tpu.memory_space<vmem>>, vector<1x1x16xf32>,
        %get3A_684 = vector.shape_cast %get3A_683 : vector<1x1x16xf32> to vector<16xf32>
        %add3A_685 = arith.addf %add3A_627, %get3A_684 : vector<16xf32>
        %get3A_686 = arith.constant 2 : i32
        %get3A_687 = arith.index_cast %get3A_686 : i32 to index
        %get3A_688 = arith.index_cast %scan3A_678 : i32 to index
        %get3A_689 = arith.constant 16 : index
        %get3A_690 = tpu.vector_load %arg6[%get3A_687, %get3A_688, %get3A_689] {strides = array<i32>} : memref<6x100x128xf32, #tpu.memory_space<vmem>>, vector<1x1x16xf32>,
        %get3A_691 = vector.shape_cast %get3A_690 : vector<1x1x16xf32> to vector<16xf32>
        %add3A_692 = arith.addf %add3A_634, %get3A_691 : vector<16xf32>
        %get3A_693 = arith.constant 2 : i32
        %get3A_694 = arith.index_cast %get3A_693 : i32 to index
        %get3A_695 = arith.index_cast %scan3A_678 : i32 to index
        %get3A_696 = arith.constant 32 : index
        %get3A_697 = tpu.vector_load %arg6[%get3A_694, %get3A_695, %get3A_696] {strides = array<i32>} : memref<6x100x128xf32, #tpu.memory_space<vmem>>, vector<1x1x16xf32>,
        %get3A_698 = vector.shape_cast %get3A_697 : vector<1x1x16xf32> to vector<16xf32>
        %add3A_699 = arith.addf %add3A_641, %get3A_698 : vector<16xf32>
        %get3A_700 = arith.constant 2 : i32
        %get3A_701 = arith.index_cast %get3A_700 : i32 to index
        %get3A_702 = arith.index_cast %scan3A_678 : i32 to index
        %get3A_703 = arith.constant 48 : index
        %get3A_704 = tpu.vector_load %arg6[%get3A_701, %get3A_702, %get3A_703] {strides = array<i32>} : memref<6x100x128xf32, #tpu.memory_space<vmem>>, vector<1x1x16xf32>,
        %get3A_705 = vector.shape_cast %get3A_704 : vector<1x1x16xf32> to vector<16xf32>
        %add3A_706 = arith.addf %add3A_648, %get3A_705 : vector<16xf32>
        %get3A_707 = arith.constant 2 : i32
        %get3A_708 = arith.index_cast %get3A_707 : i32 to index
        %get3A_709 = arith.index_cast %scan3A_678 : i32 to index
        %get3A_710 = arith.constant 64 : index
        %get3A_711 = tpu.vector_load %arg6[%get3A_708, %get3A_709, %get3A_710] {strides = array<i32>} : memref<6x100x128xf32, #tpu.memory_space<vmem>>, vector<1x1x16xf32>,
        %get3A_712 = vector.shape_cast %get3A_711 : vector<1x1x16xf32> to vector<16xf32>
        %add3A_713 = arith.addf %add3A_655, %get3A_712 : vector<16xf32>
        %get3A_714 = arith.constant 2 : i32
        %get3A_715 = arith.index_cast %get3A_714 : i32 to index
        %get3A_716 = arith.index_cast %scan3A_678 : i32 to index
        %get3A_717 = arith.constant 80 : index
        %get3A_718 = tpu.vector_load %arg6[%get3A_715, %get3A_716, %get3A_717] {strides = array<i32>} : memref<6x100x128xf32, #tpu.memory_space<vmem>>, vector<1x1x16xf32>,
        %get3A_719 = vector.shape_cast %get3A_718 : vector<1x1x16xf32> to vector<16xf32>
        %add3A_720 = arith.addf %add3A_662, %get3A_719 : vector<16xf32>
        %get3A_721 = arith.constant 2 : i32
        %get3A_722 = arith.index_cast %get3A_721 : i32 to index
        %get3A_723 = arith.index_cast %scan3A_678 : i32 to index
        %get3A_724 = arith.constant 96 : index
        %get3A_725 = tpu.vector_load %arg6[%get3A_722, %get3A_723, %get3A_724] {strides = array<i32>} : memref<6x100x128xf32, #tpu.memory_space<vmem>>, vector<1x1x16xf32>,
        %get3A_726 = vector.shape_cast %get3A_725 : vector<1x1x16xf32> to vector<16xf32>
        %add3A_727 = arith.addf %add3A_669, %get3A_726 : vector<16xf32>
        %get3A_728 = arith.constant 2 : i32
        %get3A_729 = arith.index_cast %get3A_728 : i32 to index
        %get3A_730 = arith.index_cast %scan3A_678 : i32 to index
        %get3A_731 = arith.constant 112 : index
        %get3A_732 = tpu.vector_load %arg6[%get3A_729, %get3A_730, %get3A_731] {strides = array<i32>} : memref<6x100x128xf32, #tpu.memory_space<vmem>>, vector<1x1x16xf32>,
        %get3A_733 = vector.shape_cast %get3A_732 : vector<1x1x16xf32> to vector<16xf32>
        %add3A_734 = arith.addf %add3A_676, %get3A_733 : vector<16xf32>
        %scan3A_735 = arith.constant 3 : i32
        %scan3A_736 = arith.addi %scan3A_555, %scan3A_735 : i32
        %get3A_737 = arith.constant 2 : i32
        %get3A_738 = arith.index_cast %get3A_737 : i32 to index
        %get3A_739 = arith.index_cast %scan3A_736 : i32 to index
        %get3A_740 = arith.constant 0 : index
        %get3A_741 = tpu.vector_load %arg6[%get3A_738, %get3A_739, %get3A_740] {strides = array<i32>} : memref<6x100x128xf32, #tpu.memory_space<vmem>>, vector<1x1x16xf32>,
        %get3A_742 = vector.shape_cast %get3A_741 : vector<1x1x16xf32> to vector<16xf32>
        %add3A_743 = arith.addf %add3A_685, %get3A_742 : vector<16xf32>
        %get3A_744 = arith.constant 2 : i32
        %get3A_745 = arith.index_cast %get3A_744 : i32 to index
        %get3A_746 = arith.index_cast %scan3A_736 : i32 to index
        %get3A_747 = arith.constant 16 : index
        %get3A_748 = tpu.vector_load %arg6[%get3A_745, %get3A_746, %get3A_747] {strides = array<i32>} : memref<6x100x128xf32, #tpu.memory_space<vmem>>, vector<1x1x16xf32>,
        %get3A_749 = vector.shape_cast %get3A_748 : vector<1x1x16xf32> to vector<16xf32>
        %add3A_750 = arith.addf %add3A_692, %get3A_749 : vector<16xf32>
        %get3A_751 = arith.constant 2 : i32
        %get3A_752 = arith.index_cast %get3A_751 : i32 to index
        %get3A_753 = arith.index_cast %scan3A_736 : i32 to index
        %get3A_754 = arith.constant 32 : index
        %get3A_755 = tpu.vector_load %arg6[%get3A_752, %get3A_753, %get3A_754] {strides = array<i32>} : memref<6x100x128xf32, #tpu.memory_space<vmem>>, vector<1x1x16xf32>,
        %get3A_756 = vector.shape_cast %get3A_755 : vector<1x1x16xf32> to vector<16xf32>
        %add3A_757 = arith.addf %add3A_699, %get3A_756 : vector<16xf32>
        %get3A_758 = arith.constant 2 : i32
        %get3A_759 = arith.index_cast %get3A_758 : i32 to index
        %get3A_760 = arith.index_cast %scan3A_736 : i32 to index
        %get3A_761 = arith.constant 48 : index
        %get3A_762 = tpu.vector_load %arg6[%get3A_759, %get3A_760, %get3A_761] {strides = array<i32>} : memref<6x100x128xf32, #tpu.memory_space<vmem>>, vector<1x1x16xf32>,
        %get3A_763 = vector.shape_cast %get3A_762 : vector<1x1x16xf32> to vector<16xf32>
        %add3A_764 = arith.addf %add3A_706, %get3A_763 : vector<16xf32>
        %get3A_765 = arith.constant 2 : i32
        %get3A_766 = arith.index_cast %get3A_765 : i32 to index
        %get3A_767 = arith.index_cast %scan3A_736 : i32 to index
        %get3A_768 = arith.constant 64 : index
        %get3A_769 = tpu.vector_load %arg6[%get3A_766, %get3A_767, %get3A_768] {strides = array<i32>} : memref<6x100x128xf32, #tpu.memory_space<vmem>>, vector<1x1x16xf32>,
        %get3A_770 = vector.shape_cast %get3A_769 : vector<1x1x16xf32> to vector<16xf32>
        %add3A_771 = arith.addf %add3A_713, %get3A_770 : vector<16xf32>
        %get3A_772 = arith.constant 2 : i32
        %get3A_773 = arith.index_cast %get3A_772 : i32 to index
        %get3A_774 = arith.index_cast %scan3A_736 : i32 to index
        %get3A_775 = arith.constant 80 : index
        %get3A_776 = tpu.vector_load %arg6[%get3A_773, %get3A_774, %get3A_775] {strides = array<i32>} : memref<6x100x128xf32, #tpu.memory_space<vmem>>, vector<1x1x16xf32>,
        %get3A_777 = vector.shape_cast %get3A_776 : vector<1x1x16xf32> to vector<16xf32>
        %add3A_778 = arith.addf %add3A_720, %get3A_777 : vector<16xf32>
        %get3A_779 = arith.constant 2 : i32
        %get3A_780 = arith.index_cast %get3A_779 : i32 to index
        %get3A_781 = arith.index_cast %scan3A_736 : i32 to index
        %get3A_782 = arith.constant 96 : index
        %get3A_783 = tpu.vector_load %arg6[%get3A_780, %get3A_781, %get3A_782] {strides = array<i32>} : memref<6x100x128xf32, #tpu.memory_space<vmem>>, vector<1x1x16xf32>,
        %get3A_784 = vector.shape_cast %get3A_783 : vector<1x1x16xf32> to vector<16xf32>
        %add3A_785 = arith.addf %add3A_727, %get3A_784 : vector<16xf32>
        %get3A_786 = arith.constant 2 : i32
        %get3A_787 = arith.index_cast %get3A_786 : i32 to index
        %get3A_788 = arith.index_cast %scan3A_736 : i32 to index
        %get3A_789 = arith.constant 112 : index
        %get3A_790 = tpu.vector_load %arg6[%get3A_787, %get3A_788, %get3A_789] {strides = array<i32>} : memref<6x100x128xf32, #tpu.memory_space<vmem>>, vector<1x1x16xf32>,
        %get3A_791 = vector.shape_cast %get3A_790 : vector<1x1x16xf32> to vector<16xf32>
        %add3A_792 = arith.addf %add3A_734, %get3A_791 : vector<16xf32>
        %scan3A_793 = arith.constant 4 : i32
        %scan3A_794 = arith.addi %scan3A_555, %scan3A_793 : i32
        %get3A_795 = arith.constant 2 : i32
        %get3A_796 = arith.index_cast %get3A_795 : i32 to index
        %get3A_797 = arith.index_cast %scan3A_794 : i32 to index
        %get3A_798 = arith.constant 0 : index
        %get3A_799 = tpu.vector_load %arg6[%get3A_796, %get3A_797, %get3A_798] {strides = array<i32>} : memref<6x100x128xf32, #tpu.memory_space<vmem>>, vector<1x1x16xf32>,
        %get3A_800 = vector.shape_cast %get3A_799 : vector<1x1x16xf32> to vector<16xf32>
        %add3A_801 = arith.addf %add3A_743, %get3A_800 : vector<16xf32>
        %get3A_802 = arith.constant 2 : i32
        %get3A_803 = arith.index_cast %get3A_802 : i32 to index
        %get3A_804 = arith.index_cast %scan3A_794 : i32 to index
        %get3A_805 = arith.constant 16 : index
        %get3A_806 = tpu.vector_load %arg6[%get3A_803, %get3A_804, %get3A_805] {strides = array<i32>} : memref<6x100x128xf32, #tpu.memory_space<vmem>>, vector<1x1x16xf32>,
        %get3A_807 = vector.shape_cast %get3A_806 : vector<1x1x16xf32> to vector<16xf32>
        %add3A_808 = arith.addf %add3A_750, %get3A_807 : vector<16xf32>
        %get3A_809 = arith.constant 2 : i32
        %get3A_810 = arith.index_cast %get3A_809 : i32 to index
        %get3A_811 = arith.index_cast %scan3A_794 : i32 to index
        %get3A_812 = arith.constant 32 : index
        %get3A_813 = tpu.vector_load %arg6[%get3A_810, %get3A_811, %get3A_812] {strides = array<i32>} : memref<6x100x128xf32, #tpu.memory_space<vmem>>, vector<1x1x16xf32>,
        %get3A_814 = vector.shape_cast %get3A_813 : vector<1x1x16xf32> to vector<16xf32>
        %add3A_815 = arith.addf %add3A_757, %get3A_814 : vector<16xf32>
        %get3A_816 = arith.constant 2 : i32
        %get3A_817 = arith.index_cast %get3A_816 : i32 to index
        %get3A_818 = arith.index_cast %scan3A_794 : i32 to index
        %get3A_819 = arith.constant 48 : index
        %get3A_820 = tpu.vector_load %arg6[%get3A_817, %get3A_818, %get3A_819] {strides = array<i32>} : memref<6x100x128xf32, #tpu.memory_space<vmem>>, vector<1x1x16xf32>,
        %get3A_821 = vector.shape_cast %get3A_820 : vector<1x1x16xf32> to vector<16xf32>
        %add3A_822 = arith.addf %add3A_764, %get3A_821 : vector<16xf32>
        %get3A_823 = arith.constant 2 : i32
        %get3A_824 = arith.index_cast %get3A_823 : i32 to index
        %get3A_825 = arith.index_cast %scan3A_794 : i32 to index
        %get3A_826 = arith.constant 64 : index
        %get3A_827 = tpu.vector_load %arg6[%get3A_824, %get3A_825, %get3A_826] {strides = array<i32>} : memref<6x100x128xf32, #tpu.memory_space<vmem>>, vector<1x1x16xf32>,
        %get3A_828 = vector.shape_cast %get3A_827 : vector<1x1x16xf32> to vector<16xf32>
        %add3A_829 = arith.addf %add3A_771, %get3A_828 : vector<16xf32>
        %get3A_830 = arith.constant 2 : i32
        %get3A_831 = arith.index_cast %get3A_830 : i32 to index
        %get3A_832 = arith.index_cast %scan3A_794 : i32 to index
        %get3A_833 = arith.constant 80 : index
        %get3A_834 = tpu.vector_load %arg6[%get3A_831, %get3A_832, %get3A_833] {strides = array<i32>} : memref<6x100x128xf32, #tpu.memory_space<vmem>>, vector<1x1x16xf32>,
        %get3A_835 = vector.shape_cast %get3A_834 : vector<1x1x16xf32> to vector<16xf32>
        %add3A_836 = arith.addf %add3A_778, %get3A_835 : vector<16xf32>
        %get3A_837 = arith.constant 2 : i32
        %get3A_838 = arith.index_cast %get3A_837 : i32 to index
        %get3A_839 = arith.index_cast %scan3A_794 : i32 to index
        %get3A_840 = arith.constant 96 : index
        %get3A_841 = tpu.vector_load %arg6[%get3A_838, %get3A_839, %get3A_840] {strides = array<i32>} : memref<6x100x128xf32, #tpu.memory_space<vmem>>, vector<1x1x16xf32>,
        %get3A_842 = vector.shape_cast %get3A_841 : vector<1x1x16xf32> to vector<16xf32>
        %add3A_843 = arith.addf %add3A_785, %get3A_842 : vector<16xf32>
        %get3A_844 = arith.constant 2 : i32
        %get3A_845 = arith.index_cast %get3A_844 : i32 to index
        %get3A_846 = arith.index_cast %scan3A_794 : i32 to index
        %get3A_847 = arith.constant 112 : index
        %get3A_848 = tpu.vector_load %arg6[%get3A_845, %get3A_846, %get3A_847] {strides = array<i32>} : memref<6x100x128xf32, #tpu.memory_space<vmem>>, vector<1x1x16xf32>,
        %get3A_849 = vector.shape_cast %get3A_848 : vector<1x1x16xf32> to vector<16xf32>
        %add3A_850 = arith.addf %add3A_792, %get3A_849 : vector<16xf32>
        scf.yield %add3A_801, %add3A_808, %add3A_815, %add3A_822, %add3A_829, %add3A_836, %add3A_843, %add3A_850 : vector<16xf32>, vector<16xf32>, vector<16xf32>, vector<16xf32>, vector<16xf32>, vector<16xf32>, vector<16xf32>, vector<16xf32>
      }
      %scan3A_385 = arith.constant 100 : i32
      %add3A_386 = arith.constant 3 : i32
      %add3A_387 = arith.addi %add3A_366, %add3A_386 : i32
      %lt3A_388 = arith.constant 128 : i32
      %lt3A_389 = arith.cmpi slt, %add3A_387, %lt3A_388 : i32
      %convert_element_type3A_390 = arith.extui %lt3A_389 : i1 to i32
      %cond3A_391 = arith.constant 0 : i32
      %cond3A_392 = arith.cmpi ne, %convert_element_type3A_390, %cond3A_391 : i32
      scf.if %cond3A_392 {
        %add3A_555 = arith.constant 3 : i32
        %add3A_556 = arith.addi %add3A_366, %add3A_555 : i32
        %dma_start3A_557 = arith.constant 0 : i32
        %dma_start3A_558 = arith.constant 2 : i32
        %dma_start3A_559 = arith.constant 0 : i32
        %dma_start3A_560 = arith.constant 0 : i32
        %dma_start3A_561 = tpu.memref_slice %arg6[%dma_start3A_558, %dma_start3A_559, %dma_start3A_560] : memref<6x100x128xf32, #tpu.memory_space<vmem>> -> memref<1x100x128xf32, #tpu.memory_space<vmem>>
        %dma_start3A_562 = tpu.memref_squeeze %dma_start3A_561 : memref<1x100x128xf32, #tpu.memory_space<vmem>> -> memref<100x128xf32, #tpu.memory_space<vmem>>
        %dma_start3A_563 = arith.constant 0 : i32
        %dma_start3A_564 = tpu.memref_slice %arg5[%add3A_556, %dma_start3A_557, %dma_start3A_563] : memref<128x2x100xi32, #tpu.memory_space<vmem>> -> memref<1x1x100xi32, #tpu.memory_space<vmem>>
        %dma_start3A_565 = tpu.memref_squeeze %dma_start3A_564 : memref<1x1x100xi32, #tpu.memory_space<vmem>> -> memref<100xi32, #tpu.memory_space<vmem>>
        %dma_start3A_566 = arith.constant 0 : i32
        %dma_start3A_567 = arith.constant 0 : i32
        %dma_start3A_568 = tpu.memref_slice %arg3[%dma_start3A_566, %dma_start3A_567] : memref<100000x128xf32, #tpu.memory_space<hbm>> -> memref<100000x128xf32, #tpu.memory_space<hbm>>
        tpu.enqueue_indirect_dma source(%dma_start3A_568 : memref<100000x128xf32, #tpu.memory_space<hbm>>) target(%dma_start3A_562 : memref<100x128xf32, #tpu.memory_space<vmem>>) offsets(%dma_start3A_565 : memref<100xi32, #tpu.memory_space<vmem>>) semaphore(%arg10 : memref<!tpu.dma_semaphore, #tpu.memory_space<semaphore_mem>>)
      } else {
      }
      %dma_wait3A_393 = arith.constant 0 : i32
      %dma_wait3A_394 = arith.constant 0 : i32
      %dma_wait3A_395 = arith.constant 3 : i32
      %dma_wait3A_396 = arith.constant 0 : i32
      %dma_wait3A_397 = arith.constant 0 : i32
      %dma_wait3A_398 = tpu.memref_slice %arg6[%dma_wait3A_395, %dma_wait3A_396, %dma_wait3A_397] : memref<6x100x128xf32, #tpu.memory_space<vmem>> -> memref<1x100x128xf32, #tpu.memory_space<vmem>>
      %dma_wait3A_399 = tpu.memref_squeeze %dma_wait3A_398 : memref<1x100x128xf32, #tpu.memory_space<vmem>> -> memref<100x128xf32, #tpu.memory_space<vmem>>
      %dma_wait3A_400 = arith.constant 0 : i32
      %dma_wait3A_401 = tpu.memref_slice %arg5[%dma_wait3A_393, %dma_wait3A_394, %dma_wait3A_400] : memref<128x2x100xi32, #tpu.memory_space<vmem>> -> memref<1x1x100xi32, #tpu.memory_space<vmem>>
      %dma_wait3A_402 = tpu.memref_squeeze %dma_wait3A_401 : memref<1x1x100xi32, #tpu.memory_space<vmem>> -> memref<100xi32, #tpu.memory_space<vmem>>
      %dma_wait3A_403 = arith.constant 0 : i32
      %dma_wait3A_404 = arith.constant 0 : i32
      %dma_wait3A_405 = tpu.memref_slice %arg3[%dma_wait3A_403, %dma_wait3A_404] : memref<100000x128xf32, #tpu.memory_space<hbm>> -> memref<100000x128xf32, #tpu.memory_space<hbm>>
      tpu.wait_indirect_dma semaphore(%arg11 : memref<!tpu.dma_semaphore, #tpu.memory_space<semaphore_mem>>) src(%dma_wait3A_405 : memref<100000x128xf32, #tpu.memory_space<hbm>>) dst(%dma_wait3A_399 : memref<100x128xf32, #tpu.memory_space<vmem>>)
      %scan3A_406 = arith.constant 0 : i32
      %scan3A_407 = arith.constant 100 : i32
      %scan3A_408 = arith.addi %scan3A_406, %scan3A_407 : i32
      %scan3A_409 = arith.constant 5 : i32
      %scan3A_410:8 = scf.for %scan3A_555 = %scan3A_406 to %scan3A_408 step %scan3A_409 iter_args(%scan3A_556 = %scan3A_384#0, %scan3A_557 = %scan3A_384#1, %scan3A_558 = %scan3A_384#2, %scan3A_559 = %scan3A_384#3, %scan3A_560 = %scan3A_384#4, %scan3A_561 = %scan3A_384#5, %scan3A_562 = %scan3A_384#6, %scan3A_563 = %scan3A_384#7) -> (vector<16xf32>, vector<16xf32>, vector<16xf32>, vector<16xf32>, vector<16xf32>, vector<16xf32>, vector<16xf32>, vector<16xf32>)  : i32 {
        %get3A = arith.constant 3 : i32
        %get3A_564 = arith.index_cast %get3A : i32 to index
        %get3A_565 = arith.index_cast %scan3A_555 : i32 to index
        %get3A_566 = arith.constant 0 : index
        %get3A_567 = tpu.vector_load %arg6[%get3A_564, %get3A_565, %get3A_566] {strides = array<i32>} : memref<6x100x128xf32, #tpu.memory_space<vmem>>, vector<1x1x16xf32>,
        %get3A_568 = vector.shape_cast %get3A_567 : vector<1x1x16xf32> to vector<16xf32>
        %add3A_569 = arith.addf %scan3A_556, %get3A_568 : vector<16xf32>
        %get3A_570 = arith.constant 3 : i32
        %get3A_571 = arith.index_cast %get3A_570 : i32 to index
        %get3A_572 = arith.index_cast %scan3A_555 : i32 to index
        %get3A_573 = arith.constant 16 : index
        %get3A_574 = tpu.vector_load %arg6[%get3A_571, %get3A_572, %get3A_573] {strides = array<i32>} : memref<6x100x128xf32, #tpu.memory_space<vmem>>, vector<1x1x16xf32>,
        %get3A_575 = vector.shape_cast %get3A_574 : vector<1x1x16xf32> to vector<16xf32>
        %add3A_576 = arith.addf %scan3A_557, %get3A_575 : vector<16xf32>
        %get3A_577 = arith.constant 3 : i32
        %get3A_578 = arith.index_cast %get3A_577 : i32 to index
        %get3A_579 = arith.index_cast %scan3A_555 : i32 to index
        %get3A_580 = arith.constant 32 : index
        %get3A_581 = tpu.vector_load %arg6[%get3A_578, %get3A_579, %get3A_580] {strides = array<i32>} : memref<6x100x128xf32, #tpu.memory_space<vmem>>, vector<1x1x16xf32>,
        %get3A_582 = vector.shape_cast %get3A_581 : vector<1x1x16xf32> to vector<16xf32>
        %add3A_583 = arith.addf %scan3A_558, %get3A_582 : vector<16xf32>
        %get3A_584 = arith.constant 3 : i32
        %get3A_585 = arith.index_cast %get3A_584 : i32 to index
        %get3A_586 = arith.index_cast %scan3A_555 : i32 to index
        %get3A_587 = arith.constant 48 : index
        %get3A_588 = tpu.vector_load %arg6[%get3A_585, %get3A_586, %get3A_587] {strides = array<i32>} : memref<6x100x128xf32, #tpu.memory_space<vmem>>, vector<1x1x16xf32>,
        %get3A_589 = vector.shape_cast %get3A_588 : vector<1x1x16xf32> to vector<16xf32>
        %add3A_590 = arith.addf %scan3A_559, %get3A_589 : vector<16xf32>
        %get3A_591 = arith.constant 3 : i32
        %get3A_592 = arith.index_cast %get3A_591 : i32 to index
        %get3A_593 = arith.index_cast %scan3A_555 : i32 to index
        %get3A_594 = arith.constant 64 : index
        %get3A_595 = tpu.vector_load %arg6[%get3A_592, %get3A_593, %get3A_594] {strides = array<i32>} : memref<6x100x128xf32, #tpu.memory_space<vmem>>, vector<1x1x16xf32>,
        %get3A_596 = vector.shape_cast %get3A_595 : vector<1x1x16xf32> to vector<16xf32>
        %add3A_597 = arith.addf %scan3A_560, %get3A_596 : vector<16xf32>
        %get3A_598 = arith.constant 3 : i32
        %get3A_599 = arith.index_cast %get3A_598 : i32 to index
        %get3A_600 = arith.index_cast %scan3A_555 : i32 to index
        %get3A_601 = arith.constant 80 : index
        %get3A_602 = tpu.vector_load %arg6[%get3A_599, %get3A_600, %get3A_601] {strides = array<i32>} : memref<6x100x128xf32, #tpu.memory_space<vmem>>, vector<1x1x16xf32>,
        %get3A_603 = vector.shape_cast %get3A_602 : vector<1x1x16xf32> to vector<16xf32>
        %add3A_604 = arith.addf %scan3A_561, %get3A_603 : vector<16xf32>
        %get3A_605 = arith.constant 3 : i32
        %get3A_606 = arith.index_cast %get3A_605 : i32 to index
        %get3A_607 = arith.index_cast %scan3A_555 : i32 to index
        %get3A_608 = arith.constant 96 : index
        %get3A_609 = tpu.vector_load %arg6[%get3A_606, %get3A_607, %get3A_608] {strides = array<i32>} : memref<6x100x128xf32, #tpu.memory_space<vmem>>, vector<1x1x16xf32>,
        %get3A_610 = vector.shape_cast %get3A_609 : vector<1x1x16xf32> to vector<16xf32>
        %add3A_611 = arith.addf %scan3A_562, %get3A_610 : vector<16xf32>
        %get3A_612 = arith.constant 3 : i32
        %get3A_613 = arith.index_cast %get3A_612 : i32 to index
        %get3A_614 = arith.index_cast %scan3A_555 : i32 to index
        %get3A_615 = arith.constant 112 : index
        %get3A_616 = tpu.vector_load %arg6[%get3A_613, %get3A_614, %get3A_615] {strides = array<i32>} : memref<6x100x128xf32, #tpu.memory_space<vmem>>, vector<1x1x16xf32>,
        %get3A_617 = vector.shape_cast %get3A_616 : vector<1x1x16xf32> to vector<16xf32>
        %add3A_618 = arith.addf %scan3A_563, %get3A_617 : vector<16xf32>
        %scan3A_619 = arith.constant 1 : i32
        %scan3A_620 = arith.addi %scan3A_555, %scan3A_619 : i32
        %get3A_621 = arith.constant 3 : i32
        %get3A_622 = arith.index_cast %get3A_621 : i32 to index
        %get3A_623 = arith.index_cast %scan3A_620 : i32 to index
        %get3A_624 = arith.constant 0 : index
        %get3A_625 = tpu.vector_load %arg6[%get3A_622, %get3A_623, %get3A_624] {strides = array<i32>} : memref<6x100x128xf32, #tpu.memory_space<vmem>>, vector<1x1x16xf32>,
        %get3A_626 = vector.shape_cast %get3A_625 : vector<1x1x16xf32> to vector<16xf32>
        %add3A_627 = arith.addf %add3A_569, %get3A_626 : vector<16xf32>
        %get3A_628 = arith.constant 3 : i32
        %get3A_629 = arith.index_cast %get3A_628 : i32 to index
        %get3A_630 = arith.index_cast %scan3A_620 : i32 to index
        %get3A_631 = arith.constant 16 : index
        %get3A_632 = tpu.vector_load %arg6[%get3A_629, %get3A_630, %get3A_631] {strides = array<i32>} : memref<6x100x128xf32, #tpu.memory_space<vmem>>, vector<1x1x16xf32>,
        %get3A_633 = vector.shape_cast %get3A_632 : vector<1x1x16xf32> to vector<16xf32>
        %add3A_634 = arith.addf %add3A_576, %get3A_633 : vector<16xf32>
        %get3A_635 = arith.constant 3 : i32
        %get3A_636 = arith.index_cast %get3A_635 : i32 to index
        %get3A_637 = arith.index_cast %scan3A_620 : i32 to index
        %get3A_638 = arith.constant 32 : index
        %get3A_639 = tpu.vector_load %arg6[%get3A_636, %get3A_637, %get3A_638] {strides = array<i32>} : memref<6x100x128xf32, #tpu.memory_space<vmem>>, vector<1x1x16xf32>,
        %get3A_640 = vector.shape_cast %get3A_639 : vector<1x1x16xf32> to vector<16xf32>
        %add3A_641 = arith.addf %add3A_583, %get3A_640 : vector<16xf32>
        %get3A_642 = arith.constant 3 : i32
        %get3A_643 = arith.index_cast %get3A_642 : i32 to index
        %get3A_644 = arith.index_cast %scan3A_620 : i32 to index
        %get3A_645 = arith.constant 48 : index
        %get3A_646 = tpu.vector_load %arg6[%get3A_643, %get3A_644, %get3A_645] {strides = array<i32>} : memref<6x100x128xf32, #tpu.memory_space<vmem>>, vector<1x1x16xf32>,
        %get3A_647 = vector.shape_cast %get3A_646 : vector<1x1x16xf32> to vector<16xf32>
        %add3A_648 = arith.addf %add3A_590, %get3A_647 : vector<16xf32>
        %get3A_649 = arith.constant 3 : i32
        %get3A_650 = arith.index_cast %get3A_649 : i32 to index
        %get3A_651 = arith.index_cast %scan3A_620 : i32 to index
        %get3A_652 = arith.constant 64 : index
        %get3A_653 = tpu.vector_load %arg6[%get3A_650, %get3A_651, %get3A_652] {strides = array<i32>} : memref<6x100x128xf32, #tpu.memory_space<vmem>>, vector<1x1x16xf32>,
        %get3A_654 = vector.shape_cast %get3A_653 : vector<1x1x16xf32> to vector<16xf32>
        %add3A_655 = arith.addf %add3A_597, %get3A_654 : vector<16xf32>
        %get3A_656 = arith.constant 3 : i32
        %get3A_657 = arith.index_cast %get3A_656 : i32 to index
        %get3A_658 = arith.index_cast %scan3A_620 : i32 to index
        %get3A_659 = arith.constant 80 : index
        %get3A_660 = tpu.vector_load %arg6[%get3A_657, %get3A_658, %get3A_659] {strides = array<i32>} : memref<6x100x128xf32, #tpu.memory_space<vmem>>, vector<1x1x16xf32>,
        %get3A_661 = vector.shape_cast %get3A_660 : vector<1x1x16xf32> to vector<16xf32>
        %add3A_662 = arith.addf %add3A_604, %get3A_661 : vector<16xf32>
        %get3A_663 = arith.constant 3 : i32
        %get3A_664 = arith.index_cast %get3A_663 : i32 to index
        %get3A_665 = arith.index_cast %scan3A_620 : i32 to index
        %get3A_666 = arith.constant 96 : index
        %get3A_667 = tpu.vector_load %arg6[%get3A_664, %get3A_665, %get3A_666] {strides = array<i32>} : memref<6x100x128xf32, #tpu.memory_space<vmem>>, vector<1x1x16xf32>,
        %get3A_668 = vector.shape_cast %get3A_667 : vector<1x1x16xf32> to vector<16xf32>
        %add3A_669 = arith.addf %add3A_611, %get3A_668 : vector<16xf32>
        %get3A_670 = arith.constant 3 : i32
        %get3A_671 = arith.index_cast %get3A_670 : i32 to index
        %get3A_672 = arith.index_cast %scan3A_620 : i32 to index
        %get3A_673 = arith.constant 112 : index
        %get3A_674 = tpu.vector_load %arg6[%get3A_671, %get3A_672, %get3A_673] {strides = array<i32>} : memref<6x100x128xf32, #tpu.memory_space<vmem>>, vector<1x1x16xf32>,
        %get3A_675 = vector.shape_cast %get3A_674 : vector<1x1x16xf32> to vector<16xf32>
        %add3A_676 = arith.addf %add3A_618, %get3A_675 : vector<16xf32>
        %scan3A_677 = arith.constant 2 : i32
        %scan3A_678 = arith.addi %scan3A_555, %scan3A_677 : i32
        %get3A_679 = arith.constant 3 : i32
        %get3A_680 = arith.index_cast %get3A_679 : i32 to index
        %get3A_681 = arith.index_cast %scan3A_678 : i32 to index
        %get3A_682 = arith.constant 0 : index
        %get3A_683 = tpu.vector_load %arg6[%get3A_680, %get3A_681, %get3A_682] {strides = array<i32>} : memref<6x100x128xf32, #tpu.memory_space<vmem>>, vector<1x1x16xf32>,
        %get3A_684 = vector.shape_cast %get3A_683 : vector<1x1x16xf32> to vector<16xf32>
        %add3A_685 = arith.addf %add3A_627, %get3A_684 : vector<16xf32>
        %get3A_686 = arith.constant 3 : i32
        %get3A_687 = arith.index_cast %get3A_686 : i32 to index
        %get3A_688 = arith.index_cast %scan3A_678 : i32 to index
        %get3A_689 = arith.constant 16 : index
        %get3A_690 = tpu.vector_load %arg6[%get3A_687, %get3A_688, %get3A_689] {strides = array<i32>} : memref<6x100x128xf32, #tpu.memory_space<vmem>>, vector<1x1x16xf32>,
        %get3A_691 = vector.shape_cast %get3A_690 : vector<1x1x16xf32> to vector<16xf32>
        %add3A_692 = arith.addf %add3A_634, %get3A_691 : vector<16xf32>
        %get3A_693 = arith.constant 3 : i32
        %get3A_694 = arith.index_cast %get3A_693 : i32 to index
        %get3A_695 = arith.index_cast %scan3A_678 : i32 to index
        %get3A_696 = arith.constant 32 : index
        %get3A_697 = tpu.vector_load %arg6[%get3A_694, %get3A_695, %get3A_696] {strides = array<i32>} : memref<6x100x128xf32, #tpu.memory_space<vmem>>, vector<1x1x16xf32>,
        %get3A_698 = vector.shape_cast %get3A_697 : vector<1x1x16xf32> to vector<16xf32>
        %add3A_699 = arith.addf %add3A_641, %get3A_698 : vector<16xf32>
        %get3A_700 = arith.constant 3 : i32
        %get3A_701 = arith.index_cast %get3A_700 : i32 to index
        %get3A_702 = arith.index_cast %scan3A_678 : i32 to index
        %get3A_703 = arith.constant 48 : index
        %get3A_704 = tpu.vector_load %arg6[%get3A_701, %get3A_702, %get3A_703] {strides = array<i32>} : memref<6x100x128xf32, #tpu.memory_space<vmem>>, vector<1x1x16xf32>,
        %get3A_705 = vector.shape_cast %get3A_704 : vector<1x1x16xf32> to vector<16xf32>
        %add3A_706 = arith.addf %add3A_648, %get3A_705 : vector<16xf32>
        %get3A_707 = arith.constant 3 : i32
        %get3A_708 = arith.index_cast %get3A_707 : i32 to index
        %get3A_709 = arith.index_cast %scan3A_678 : i32 to index
        %get3A_710 = arith.constant 64 : index
        %get3A_711 = tpu.vector_load %arg6[%get3A_708, %get3A_709, %get3A_710] {strides = array<i32>} : memref<6x100x128xf32, #tpu.memory_space<vmem>>, vector<1x1x16xf32>,
        %get3A_712 = vector.shape_cast %get3A_711 : vector<1x1x16xf32> to vector<16xf32>
        %add3A_713 = arith.addf %add3A_655, %get3A_712 : vector<16xf32>
        %get3A_714 = arith.constant 3 : i32
        %get3A_715 = arith.index_cast %get3A_714 : i32 to index
        %get3A_716 = arith.index_cast %scan3A_678 : i32 to index
        %get3A_717 = arith.constant 80 : index
        %get3A_718 = tpu.vector_load %arg6[%get3A_715, %get3A_716, %get3A_717] {strides = array<i32>} : memref<6x100x128xf32, #tpu.memory_space<vmem>>, vector<1x1x16xf32>,
        %get3A_719 = vector.shape_cast %get3A_718 : vector<1x1x16xf32> to vector<16xf32>
        %add3A_720 = arith.addf %add3A_662, %get3A_719 : vector<16xf32>
        %get3A_721 = arith.constant 3 : i32
        %get3A_722 = arith.index_cast %get3A_721 : i32 to index
        %get3A_723 = arith.index_cast %scan3A_678 : i32 to index
        %get3A_724 = arith.constant 96 : index
        %get3A_725 = tpu.vector_load %arg6[%get3A_722, %get3A_723, %get3A_724] {strides = array<i32>} : memref<6x100x128xf32, #tpu.memory_space<vmem>>, vector<1x1x16xf32>,
        %get3A_726 = vector.shape_cast %get3A_725 : vector<1x1x16xf32> to vector<16xf32>
        %add3A_727 = arith.addf %add3A_669, %get3A_726 : vector<16xf32>
        %get3A_728 = arith.constant 3 : i32
        %get3A_729 = arith.index_cast %get3A_728 : i32 to index
        %get3A_730 = arith.index_cast %scan3A_678 : i32 to index
        %get3A_731 = arith.constant 112 : index
        %get3A_732 = tpu.vector_load %arg6[%get3A_729, %get3A_730, %get3A_731] {strides = array<i32>} : memref<6x100x128xf32, #tpu.memory_space<vmem>>, vector<1x1x16xf32>,
        %get3A_733 = vector.shape_cast %get3A_732 : vector<1x1x16xf32> to vector<16xf32>
        %add3A_734 = arith.addf %add3A_676, %get3A_733 : vector<16xf32>
        %scan3A_735 = arith.constant 3 : i32
        %scan3A_736 = arith.addi %scan3A_555, %scan3A_735 : i32
        %get3A_737 = arith.constant 3 : i32
        %get3A_738 = arith.index_cast %get3A_737 : i32 to index
        %get3A_739 = arith.index_cast %scan3A_736 : i32 to index
        %get3A_740 = arith.constant 0 : index
        %get3A_741 = tpu.vector_load %arg6[%get3A_738, %get3A_739, %get3A_740] {strides = array<i32>} : memref<6x100x128xf32, #tpu.memory_space<vmem>>, vector<1x1x16xf32>,
        %get3A_742 = vector.shape_cast %get3A_741 : vector<1x1x16xf32> to vector<16xf32>
        %add3A_743 = arith.addf %add3A_685, %get3A_742 : vector<16xf32>
        %get3A_744 = arith.constant 3 : i32
        %get3A_745 = arith.index_cast %get3A_744 : i32 to index
        %get3A_746 = arith.index_cast %scan3A_736 : i32 to index
        %get3A_747 = arith.constant 16 : index
        %get3A_748 = tpu.vector_load %arg6[%get3A_745, %get3A_746, %get3A_747] {strides = array<i32>} : memref<6x100x128xf32, #tpu.memory_space<vmem>>, vector<1x1x16xf32>,
        %get3A_749 = vector.shape_cast %get3A_748 : vector<1x1x16xf32> to vector<16xf32>
        %add3A_750 = arith.addf %add3A_692, %get3A_749 : vector<16xf32>
        %get3A_751 = arith.constant 3 : i32
        %get3A_752 = arith.index_cast %get3A_751 : i32 to index
        %get3A_753 = arith.index_cast %scan3A_736 : i32 to index
        %get3A_754 = arith.constant 32 : index
        %get3A_755 = tpu.vector_load %arg6[%get3A_752, %get3A_753, %get3A_754] {strides = array<i32>} : memref<6x100x128xf32, #tpu.memory_space<vmem>>, vector<1x1x16xf32>,
        %get3A_756 = vector.shape_cast %get3A_755 : vector<1x1x16xf32> to vector<16xf32>
        %add3A_757 = arith.addf %add3A_699, %get3A_756 : vector<16xf32>
        %get3A_758 = arith.constant 3 : i32
        %get3A_759 = arith.index_cast %get3A_758 : i32 to index
        %get3A_760 = arith.index_cast %scan3A_736 : i32 to index
        %get3A_761 = arith.constant 48 : index
        %get3A_762 = tpu.vector_load %arg6[%get3A_759, %get3A_760, %get3A_761] {strides = array<i32>} : memref<6x100x128xf32, #tpu.memory_space<vmem>>, vector<1x1x16xf32>,
        %get3A_763 = vector.shape_cast %get3A_762 : vector<1x1x16xf32> to vector<16xf32>
        %add3A_764 = arith.addf %add3A_706, %get3A_763 : vector<16xf32>
        %get3A_765 = arith.constant 3 : i32
        %get3A_766 = arith.index_cast %get3A_765 : i32 to index
        %get3A_767 = arith.index_cast %scan3A_736 : i32 to index
        %get3A_768 = arith.constant 64 : index
        %get3A_769 = tpu.vector_load %arg6[%get3A_766, %get3A_767, %get3A_768] {strides = array<i32>} : memref<6x100x128xf32, #tpu.memory_space<vmem>>, vector<1x1x16xf32>,
        %get3A_770 = vector.shape_cast %get3A_769 : vector<1x1x16xf32> to vector<16xf32>
        %add3A_771 = arith.addf %add3A_713, %get3A_770 : vector<16xf32>
        %get3A_772 = arith.constant 3 : i32
        %get3A_773 = arith.index_cast %get3A_772 : i32 to index
        %get3A_774 = arith.index_cast %scan3A_736 : i32 to index
        %get3A_775 = arith.constant 80 : index
        %get3A_776 = tpu.vector_load %arg6[%get3A_773, %get3A_774, %get3A_775] {strides = array<i32>} : memref<6x100x128xf32, #tpu.memory_space<vmem>>, vector<1x1x16xf32>,
        %get3A_777 = vector.shape_cast %get3A_776 : vector<1x1x16xf32> to vector<16xf32>
        %add3A_778 = arith.addf %add3A_720, %get3A_777 : vector<16xf32>
        %get3A_779 = arith.constant 3 : i32
        %get3A_780 = arith.index_cast %get3A_779 : i32 to index
        %get3A_781 = arith.index_cast %scan3A_736 : i32 to index
        %get3A_782 = arith.constant 96 : index
        %get3A_783 = tpu.vector_load %arg6[%get3A_780, %get3A_781, %get3A_782] {strides = array<i32>} : memref<6x100x128xf32, #tpu.memory_space<vmem>>, vector<1x1x16xf32>,
        %get3A_784 = vector.shape_cast %get3A_783 : vector<1x1x16xf32> to vector<16xf32>
        %add3A_785 = arith.addf %add3A_727, %get3A_784 : vector<16xf32>
        %get3A_786 = arith.constant 3 : i32
        %get3A_787 = arith.index_cast %get3A_786 : i32 to index
        %get3A_788 = arith.index_cast %scan3A_736 : i32 to index
        %get3A_789 = arith.constant 112 : index
        %get3A_790 = tpu.vector_load %arg6[%get3A_787, %get3A_788, %get3A_789] {strides = array<i32>} : memref<6x100x128xf32, #tpu.memory_space<vmem>>, vector<1x1x16xf32>,
        %get3A_791 = vector.shape_cast %get3A_790 : vector<1x1x16xf32> to vector<16xf32>
        %add3A_792 = arith.addf %add3A_734, %get3A_791 : vector<16xf32>
        %scan3A_793 = arith.constant 4 : i32
        %scan3A_794 = arith.addi %scan3A_555, %scan3A_793 : i32
        %get3A_795 = arith.constant 3 : i32
        %get3A_796 = arith.index_cast %get3A_795 : i32 to index
        %get3A_797 = arith.index_cast %scan3A_794 : i32 to index
        %get3A_798 = arith.constant 0 : index
        %get3A_799 = tpu.vector_load %arg6[%get3A_796, %get3A_797, %get3A_798] {strides = array<i32>} : memref<6x100x128xf32, #tpu.memory_space<vmem>>, vector<1x1x16xf32>,
        %get3A_800 = vector.shape_cast %get3A_799 : vector<1x1x16xf32> to vector<16xf32>
        %add3A_801 = arith.addf %add3A_743, %get3A_800 : vector<16xf32>
        %get3A_802 = arith.constant 3 : i32
        %get3A_803 = arith.index_cast %get3A_802 : i32 to index
        %get3A_804 = arith.index_cast %scan3A_794 : i32 to index
        %get3A_805 = arith.constant 16 : index
        %get3A_806 = tpu.vector_load %arg6[%get3A_803, %get3A_804, %get3A_805] {strides = array<i32>} : memref<6x100x128xf32, #tpu.memory_space<vmem>>, vector<1x1x16xf32>,
        %get3A_807 = vector.shape_cast %get3A_806 : vector<1x1x16xf32> to vector<16xf32>
        %add3A_808 = arith.addf %add3A_750, %get3A_807 : vector<16xf32>
        %get3A_809 = arith.constant 3 : i32
        %get3A_810 = arith.index_cast %get3A_809 : i32 to index
        %get3A_811 = arith.index_cast %scan3A_794 : i32 to index
        %get3A_812 = arith.constant 32 : index
        %get3A_813 = tpu.vector_load %arg6[%get3A_810, %get3A_811, %get3A_812] {strides = array<i32>} : memref<6x100x128xf32, #tpu.memory_space<vmem>>, vector<1x1x16xf32>,
        %get3A_814 = vector.shape_cast %get3A_813 : vector<1x1x16xf32> to vector<16xf32>
        %add3A_815 = arith.addf %add3A_757, %get3A_814 : vector<16xf32>
        %get3A_816 = arith.constant 3 : i32
        %get3A_817 = arith.index_cast %get3A_816 : i32 to index
        %get3A_818 = arith.index_cast %scan3A_794 : i32 to index
        %get3A_819 = arith.constant 48 : index
        %get3A_820 = tpu.vector_load %arg6[%get3A_817, %get3A_818, %get3A_819] {strides = array<i32>} : memref<6x100x128xf32, #tpu.memory_space<vmem>>, vector<1x1x16xf32>,
        %get3A_821 = vector.shape_cast %get3A_820 : vector<1x1x16xf32> to vector<16xf32>
        %add3A_822 = arith.addf %add3A_764, %get3A_821 : vector<16xf32>
        %get3A_823 = arith.constant 3 : i32
        %get3A_824 = arith.index_cast %get3A_823 : i32 to index
        %get3A_825 = arith.index_cast %scan3A_794 : i32 to index
        %get3A_826 = arith.constant 64 : index
        %get3A_827 = tpu.vector_load %arg6[%get3A_824, %get3A_825, %get3A_826] {strides = array<i32>} : memref<6x100x128xf32, #tpu.memory_space<vmem>>, vector<1x1x16xf32>,
        %get3A_828 = vector.shape_cast %get3A_827 : vector<1x1x16xf32> to vector<16xf32>
        %add3A_829 = arith.addf %add3A_771, %get3A_828 : vector<16xf32>
        %get3A_830 = arith.constant 3 : i32
        %get3A_831 = arith.index_cast %get3A_830 : i32 to index
        %get3A_832 = arith.index_cast %scan3A_794 : i32 to index
        %get3A_833 = arith.constant 80 : index
        %get3A_834 = tpu.vector_load %arg6[%get3A_831, %get3A_832, %get3A_833] {strides = array<i32>} : memref<6x100x128xf32, #tpu.memory_space<vmem>>, vector<1x1x16xf32>,
        %get3A_835 = vector.shape_cast %get3A_834 : vector<1x1x16xf32> to vector<16xf32>
        %add3A_836 = arith.addf %add3A_778, %get3A_835 : vector<16xf32>
        %get3A_837 = arith.constant 3 : i32
        %get3A_838 = arith.index_cast %get3A_837 : i32 to index
        %get3A_839 = arith.index_cast %scan3A_794 : i32 to index
        %get3A_840 = arith.constant 96 : index
        %get3A_841 = tpu.vector_load %arg6[%get3A_838, %get3A_839, %get3A_840] {strides = array<i32>} : memref<6x100x128xf32, #tpu.memory_space<vmem>>, vector<1x1x16xf32>,
        %get3A_842 = vector.shape_cast %get3A_841 : vector<1x1x16xf32> to vector<16xf32>
        %add3A_843 = arith.addf %add3A_785, %get3A_842 : vector<16xf32>
        %get3A_844 = arith.constant 3 : i32
        %get3A_845 = arith.index_cast %get3A_844 : i32 to index
        %get3A_846 = arith.index_cast %scan3A_794 : i32 to index
        %get3A_847 = arith.constant 112 : index
        %get3A_848 = tpu.vector_load %arg6[%get3A_845, %get3A_846, %get3A_847] {strides = array<i32>} : memref<6x100x128xf32, #tpu.memory_space<vmem>>, vector<1x1x16xf32>,
        %get3A_849 = vector.shape_cast %get3A_848 : vector<1x1x16xf32> to vector<16xf32>
        %add3A_850 = arith.addf %add3A_792, %get3A_849 : vector<16xf32>
        scf.yield %add3A_801, %add3A_808, %add3A_815, %add3A_822, %add3A_829, %add3A_836, %add3A_843, %add3A_850 : vector<16xf32>, vector<16xf32>, vector<16xf32>, vector<16xf32>, vector<16xf32>, vector<16xf32>, vector<16xf32>, vector<16xf32>
      }
      %scan3A_411 = arith.constant 100 : i32
      %add3A_412 = arith.constant 3 : i32
      %add3A_413 = arith.addi %add3A_366, %add3A_412 : i32
      %lt3A_414 = arith.constant 128 : i32
      %lt3A_415 = arith.cmpi slt, %add3A_413, %lt3A_414 : i32
      %convert_element_type3A_416 = arith.extui %lt3A_415 : i1 to i32
      %cond3A_417 = arith.constant 0 : i32
      %cond3A_418 = arith.cmpi ne, %convert_element_type3A_416, %cond3A_417 : i32
      scf.if %cond3A_418 {
        %add3A_555 = arith.constant 3 : i32
        %add3A_556 = arith.addi %add3A_366, %add3A_555 : i32
        %dma_start3A_557 = arith.constant 1 : i32
        %dma_start3A_558 = arith.constant 3 : i32
        %dma_start3A_559 = arith.constant 0 : i32
        %dma_start3A_560 = arith.constant 0 : i32
        %dma_start3A_561 = tpu.memref_slice %arg6[%dma_start3A_558, %dma_start3A_559, %dma_start3A_560] : memref<6x100x128xf32, #tpu.memory_space<vmem>> -> memref<1x100x128xf32, #tpu.memory_space<vmem>>
        %dma_start3A_562 = tpu.memref_squeeze %dma_start3A_561 : memref<1x100x128xf32, #tpu.memory_space<vmem>> -> memref<100x128xf32, #tpu.memory_space<vmem>>
        %dma_start3A_563 = arith.constant 0 : i32
        %dma_start3A_564 = tpu.memref_slice %arg5[%add3A_556, %dma_start3A_557, %dma_start3A_563] : memref<128x2x100xi32, #tpu.memory_space<vmem>> -> memref<1x1x100xi32, #tpu.memory_space<vmem>>
        %dma_start3A_565 = tpu.memref_squeeze %dma_start3A_564 : memref<1x1x100xi32, #tpu.memory_space<vmem>> -> memref<100xi32, #tpu.memory_space<vmem>>
        %dma_start3A_566 = arith.constant 0 : i32
        %dma_start3A_567 = arith.constant 0 : i32
        %dma_start3A_568 = tpu.memref_slice %arg3[%dma_start3A_566, %dma_start3A_567] : memref<100000x128xf32, #tpu.memory_space<hbm>> -> memref<100000x128xf32, #tpu.memory_space<hbm>>
        tpu.enqueue_indirect_dma source(%dma_start3A_568 : memref<100000x128xf32, #tpu.memory_space<hbm>>) target(%dma_start3A_562 : memref<100x128xf32, #tpu.memory_space<vmem>>) offsets(%dma_start3A_565 : memref<100xi32, #tpu.memory_space<vmem>>) semaphore(%arg11 : memref<!tpu.dma_semaphore, #tpu.memory_space<semaphore_mem>>)
      } else {
      }
      %swap3A_419 = arith.index_cast %add3A_366 : i32 to index
      %swap3A_420 = arith.constant 0 : index
      %swap3A_421 = tpu.vector_load %arg7[%swap3A_419, %swap3A_420] {strides = array<i32>} : memref<128x128xf32, #tpu.memory_space<vmem>>, vector<1x16xf32>,
      %swap3A_422 = vector.shape_cast %swap3A_421 : vector<1x16xf32> to vector<16xf32>
      %swap3A_423 = vector.shape_cast %scan3A_410#0 : vector<16xf32> to vector<1x16xf32>
      tpu.vector_store %arg7[%swap3A_419, %swap3A_420], %swap3A_423 {strides = array<i32>} : memref<128x128xf32, #tpu.memory_space<vmem>>, vector<1x16xf32>,
      %swap3A_424 = arith.index_cast %add3A_366 : i32 to index
      %swap3A_425 = arith.constant 16 : index
      %swap3A_426 = tpu.vector_load %arg7[%swap3A_424, %swap3A_425] {strides = array<i32>} : memref<128x128xf32, #tpu.memory_space<vmem>>, vector<1x16xf32>,
      %swap3A_427 = vector.shape_cast %swap3A_426 : vector<1x16xf32> to vector<16xf32>
      %swap3A_428 = vector.shape_cast %scan3A_410#1 : vector<16xf32> to vector<1x16xf32>
      tpu.vector_store %arg7[%swap3A_424, %swap3A_425], %swap3A_428 {strides = array<i32>} : memref<128x128xf32, #tpu.memory_space<vmem>>, vector<1x16xf32>,
      %swap3A_429 = arith.index_cast %add3A_366 : i32 to index
      %swap3A_430 = arith.constant 32 : index
      %swap3A_431 = tpu.vector_load %arg7[%swap3A_429, %swap3A_430] {strides = array<i32>} : memref<128x128xf32, #tpu.memory_space<vmem>>, vector<1x16xf32>,
      %swap3A_432 = vector.shape_cast %swap3A_431 : vector<1x16xf32> to vector<16xf32>
      %swap3A_433 = vector.shape_cast %scan3A_410#2 : vector<16xf32> to vector<1x16xf32>
      tpu.vector_store %arg7[%swap3A_429, %swap3A_430], %swap3A_433 {strides = array<i32>} : memref<128x128xf32, #tpu.memory_space<vmem>>, vector<1x16xf32>,
      %swap3A_434 = arith.index_cast %add3A_366 : i32 to index
      %swap3A_435 = arith.constant 48 : index
      %swap3A_436 = tpu.vector_load %arg7[%swap3A_434, %swap3A_435] {strides = array<i32>} : memref<128x128xf32, #tpu.memory_space<vmem>>, vector<1x16xf32>,
      %swap3A_437 = vector.shape_cast %swap3A_436 : vector<1x16xf32> to vector<16xf32>
      %swap3A_438 = vector.shape_cast %scan3A_410#3 : vector<16xf32> to vector<1x16xf32>
      tpu.vector_store %arg7[%swap3A_434, %swap3A_435], %swap3A_438 {strides = array<i32>} : memref<128x128xf32, #tpu.memory_space<vmem>>, vector<1x16xf32>,
      %swap3A_439 = arith.index_cast %add3A_366 : i32 to index
      %swap3A_440 = arith.constant 64 : index
      %swap3A_441 = tpu.vector_load %arg7[%swap3A_439, %swap3A_440] {strides = array<i32>} : memref<128x128xf32, #tpu.memory_space<vmem>>, vector<1x16xf32>,
      %swap3A_442 = vector.shape_cast %swap3A_441 : vector<1x16xf32> to vector<16xf32>
      %swap3A_443 = vector.shape_cast %scan3A_410#4 : vector<16xf32> to vector<1x16xf32>
      tpu.vector_store %arg7[%swap3A_439, %swap3A_440], %swap3A_443 {strides = array<i32>} : memref<128x128xf32, #tpu.memory_space<vmem>>, vector<1x16xf32>,
      %swap3A_444 = arith.index_cast %add3A_366 : i32 to index
      %swap3A_445 = arith.constant 80 : index
      %swap3A_446 = tpu.vector_load %arg7[%swap3A_444, %swap3A_445] {strides = array<i32>} : memref<128x128xf32, #tpu.memory_space<vmem>>, vector<1x16xf32>,
      %swap3A_447 = vector.shape_cast %swap3A_446 : vector<1x16xf32> to vector<16xf32>
      %swap3A_448 = vector.shape_cast %scan3A_410#5 : vector<16xf32> to vector<1x16xf32>
      tpu.vector_store %arg7[%swap3A_444, %swap3A_445], %swap3A_448 {strides = array<i32>} : memref<128x128xf32, #tpu.memory_space<vmem>>, vector<1x16xf32>,
      %swap3A_449 = arith.index_cast %add3A_366 : i32 to index
      %swap3A_450 = arith.constant 96 : index
      %swap3A_451 = tpu.vector_load %arg7[%swap3A_449, %swap3A_450] {strides = array<i32>} : memref<128x128xf32, #tpu.memory_space<vmem>>, vector<1x16xf32>,
      %swap3A_452 = vector.shape_cast %swap3A_451 : vector<1x16xf32> to vector<16xf32>
      %swap3A_453 = vector.shape_cast %scan3A_410#6 : vector<16xf32> to vector<1x16xf32>
      tpu.vector_store %arg7[%swap3A_449, %swap3A_450], %swap3A_453 {strides = array<i32>} : memref<128x128xf32, #tpu.memory_space<vmem>>, vector<1x16xf32>,
      %swap3A_454 = arith.index_cast %add3A_366 : i32 to index
      %swap3A_455 = arith.constant 112 : index
      %swap3A_456 = tpu.vector_load %arg7[%swap3A_454, %swap3A_455] {strides = array<i32>} : memref<128x128xf32, #tpu.memory_space<vmem>>, vector<1x16xf32>,
      %swap3A_457 = vector.shape_cast %swap3A_456 : vector<1x16xf32> to vector<16xf32>
      %swap3A_458 = vector.shape_cast %scan3A_410#7 : vector<16xf32> to vector<1x16xf32>
      tpu.vector_store %arg7[%swap3A_454, %swap3A_455], %swap3A_458 {strides = array<i32>} : memref<128x128xf32, #tpu.memory_space<vmem>>, vector<1x16xf32>,
      %mul3A_459 = arith.constant 3 : i32
      %mul3A_460 = arith.muli %mul3A_459, %scan3A_269 : i32
      %add3A_461 = arith.constant 2 : i32
      %add3A_462 = arith.addi %mul3A_460, %add3A_461 : i32
      %dma_wait3A_463 = arith.constant 0 : i32
      %dma_wait3A_464 = arith.constant 0 : i32
      %dma_wait3A_465 = arith.constant 4 : i32
      %dma_wait3A_466 = arith.constant 0 : i32
      %dma_wait3A_467 = arith.constant 0 : i32
      %dma_wait3A_468 = tpu.memref_slice %arg6[%dma_wait3A_465, %dma_wait3A_466, %dma_wait3A_467] : memref<6x100x128xf32, #tpu.memory_space<vmem>> -> memref<1x100x128xf32, #tpu.memory_space<vmem>>
      %dma_wait3A_469 = tpu.memref_squeeze %dma_wait3A_468 : memref<1x100x128xf32, #tpu.memory_space<vmem>> -> memref<100x128xf32, #tpu.memory_space<vmem>>
      %dma_wait3A_470 = arith.constant 0 : i32
      %dma_wait3A_471 = tpu.memref_slice %arg5[%dma_wait3A_463, %dma_wait3A_464, %dma_wait3A_470] : memref<128x2x100xi32, #tpu.memory_space<vmem>> -> memref<1x1x100xi32, #tpu.memory_space<vmem>>
      %dma_wait3A_472 = tpu.memref_squeeze %dma_wait3A_471 : memref<1x1x100xi32, #tpu.memory_space<vmem>> -> memref<100xi32, #tpu.memory_space<vmem>>
      %dma_wait3A_473 = arith.constant 0 : i32
      %dma_wait3A_474 = arith.constant 0 : i32
      %dma_wait3A_475 = tpu.memref_slice %arg3[%dma_wait3A_473, %dma_wait3A_474] : memref<100000x128xf32, #tpu.memory_space<hbm>> -> memref<100000x128xf32, #tpu.memory_space<hbm>>
      tpu.wait_indirect_dma semaphore(%arg12 : memref<!tpu.dma_semaphore, #tpu.memory_space<semaphore_mem>>) src(%dma_wait3A_475 : memref<100000x128xf32, #tpu.memory_space<hbm>>) dst(%dma_wait3A_469 : memref<100x128xf32, #tpu.memory_space<vmem>>)
      %scan3A_476 = arith.constant 0 : i32
      %scan3A_477 = arith.constant 100 : i32
      %scan3A_478 = arith.addi %scan3A_476, %scan3A_477 : i32
      %scan3A_479 = arith.constant 5 : i32
      %scan3A_480:8 = scf.for %scan3A_555 = %scan3A_476 to %scan3A_478 step %scan3A_479 iter_args(%scan3A_556 = %broadcast_in_dim3A_80, %scan3A_557 = %broadcast_in_dim3A_82, %scan3A_558 = %broadcast_in_dim3A_84, %scan3A_559 = %broadcast_in_dim3A_86, %scan3A_560 = %broadcast_in_dim3A_88, %scan3A_561 = %broadcast_in_dim3A_90, %scan3A_562 = %broadcast_in_dim3A_92, %scan3A_563 = %broadcast_in_dim3A_94) -> (vector<16xf32>, vector<16xf32>, vector<16xf32>, vector<16xf32>, vector<16xf32>, vector<16xf32>, vector<16xf32>, vector<16xf32>)  : i32 {
        %get3A = arith.constant 4 : i32
        %get3A_564 = arith.index_cast %get3A : i32 to index
        %get3A_565 = arith.index_cast %scan3A_555 : i32 to index
        %get3A_566 = arith.constant 0 : index
        %get3A_567 = tpu.vector_load %arg6[%get3A_564, %get3A_565, %get3A_566] {strides = array<i32>} : memref<6x100x128xf32, #tpu.memory_space<vmem>>, vector<1x1x16xf32>,
        %get3A_568 = vector.shape_cast %get3A_567 : vector<1x1x16xf32> to vector<16xf32>
        %add3A_569 = arith.addf %scan3A_556, %get3A_568 : vector<16xf32>
        %get3A_570 = arith.constant 4 : i32
        %get3A_571 = arith.index_cast %get3A_570 : i32 to index
        %get3A_572 = arith.index_cast %scan3A_555 : i32 to index
        %get3A_573 = arith.constant 16 : index
        %get3A_574 = tpu.vector_load %arg6[%get3A_571, %get3A_572, %get3A_573] {strides = array<i32>} : memref<6x100x128xf32, #tpu.memory_space<vmem>>, vector<1x1x16xf32>,
        %get3A_575 = vector.shape_cast %get3A_574 : vector<1x1x16xf32> to vector<16xf32>
        %add3A_576 = arith.addf %scan3A_557, %get3A_575 : vector<16xf32>
        %get3A_577 = arith.constant 4 : i32
        %get3A_578 = arith.index_cast %get3A_577 : i32 to index
        %get3A_579 = arith.index_cast %scan3A_555 : i32 to index
        %get3A_580 = arith.constant 32 : index
        %get3A_581 = tpu.vector_load %arg6[%get3A_578, %get3A_579, %get3A_580] {strides = array<i32>} : memref<6x100x128xf32, #tpu.memory_space<vmem>>, vector<1x1x16xf32>,
        %get3A_582 = vector.shape_cast %get3A_581 : vector<1x1x16xf32> to vector<16xf32>
        %add3A_583 = arith.addf %scan3A_558, %get3A_582 : vector<16xf32>
        %get3A_584 = arith.constant 4 : i32
        %get3A_585 = arith.index_cast %get3A_584 : i32 to index
        %get3A_586 = arith.index_cast %scan3A_555 : i32 to index
        %get3A_587 = arith.constant 48 : index
        %get3A_588 = tpu.vector_load %arg6[%get3A_585, %get3A_586, %get3A_587] {strides = array<i32>} : memref<6x100x128xf32, #tpu.memory_space<vmem>>, vector<1x1x16xf32>,
        %get3A_589 = vector.shape_cast %get3A_588 : vector<1x1x16xf32> to vector<16xf32>
        %add3A_590 = arith.addf %scan3A_559, %get3A_589 : vector<16xf32>
        %get3A_591 = arith.constant 4 : i32
        %get3A_592 = arith.index_cast %get3A_591 : i32 to index
        %get3A_593 = arith.index_cast %scan3A_555 : i32 to index
        %get3A_594 = arith.constant 64 : index
        %get3A_595 = tpu.vector_load %arg6[%get3A_592, %get3A_593, %get3A_594] {strides = array<i32>} : memref<6x100x128xf32, #tpu.memory_space<vmem>>, vector<1x1x16xf32>,
        %get3A_596 = vector.shape_cast %get3A_595 : vector<1x1x16xf32> to vector<16xf32>
        %add3A_597 = arith.addf %scan3A_560, %get3A_596 : vector<16xf32>
        %get3A_598 = arith.constant 4 : i32
        %get3A_599 = arith.index_cast %get3A_598 : i32 to index
        %get3A_600 = arith.index_cast %scan3A_555 : i32 to index
        %get3A_601 = arith.constant 80 : index
        %get3A_602 = tpu.vector_load %arg6[%get3A_599, %get3A_600, %get3A_601] {strides = array<i32>} : memref<6x100x128xf32, #tpu.memory_space<vmem>>, vector<1x1x16xf32>,
        %get3A_603 = vector.shape_cast %get3A_602 : vector<1x1x16xf32> to vector<16xf32>
        %add3A_604 = arith.addf %scan3A_561, %get3A_603 : vector<16xf32>
        %get3A_605 = arith.constant 4 : i32
        %get3A_606 = arith.index_cast %get3A_605 : i32 to index
        %get3A_607 = arith.index_cast %scan3A_555 : i32 to index
        %get3A_608 = arith.constant 96 : index
        %get3A_609 = tpu.vector_load %arg6[%get3A_606, %get3A_607, %get3A_608] {strides = array<i32>} : memref<6x100x128xf32, #tpu.memory_space<vmem>>, vector<1x1x16xf32>,
        %get3A_610 = vector.shape_cast %get3A_609 : vector<1x1x16xf32> to vector<16xf32>
        %add3A_611 = arith.addf %scan3A_562, %get3A_610 : vector<16xf32>
        %get3A_612 = arith.constant 4 : i32
        %get3A_613 = arith.index_cast %get3A_612 : i32 to index
        %get3A_614 = arith.index_cast %scan3A_555 : i32 to index
        %get3A_615 = arith.constant 112 : index
        %get3A_616 = tpu.vector_load %arg6[%get3A_613, %get3A_614, %get3A_615] {strides = array<i32>} : memref<6x100x128xf32, #tpu.memory_space<vmem>>, vector<1x1x16xf32>,
        %get3A_617 = vector.shape_cast %get3A_616 : vector<1x1x16xf32> to vector<16xf32>
        %add3A_618 = arith.addf %scan3A_563, %get3A_617 : vector<16xf32>
        %scan3A_619 = arith.constant 1 : i32
        %scan3A_620 = arith.addi %scan3A_555, %scan3A_619 : i32
        %get3A_621 = arith.constant 4 : i32
        %get3A_622 = arith.index_cast %get3A_621 : i32 to index
        %get3A_623 = arith.index_cast %scan3A_620 : i32 to index
        %get3A_624 = arith.constant 0 : index
        %get3A_625 = tpu.vector_load %arg6[%get3A_622, %get3A_623, %get3A_624] {strides = array<i32>} : memref<6x100x128xf32, #tpu.memory_space<vmem>>, vector<1x1x16xf32>,
        %get3A_626 = vector.shape_cast %get3A_625 : vector<1x1x16xf32> to vector<16xf32>
        %add3A_627 = arith.addf %add3A_569, %get3A_626 : vector<16xf32>
        %get3A_628 = arith.constant 4 : i32
        %get3A_629 = arith.index_cast %get3A_628 : i32 to index
        %get3A_630 = arith.index_cast %scan3A_620 : i32 to index
        %get3A_631 = arith.constant 16 : index
        %get3A_632 = tpu.vector_load %arg6[%get3A_629, %get3A_630, %get3A_631] {strides = array<i32>} : memref<6x100x128xf32, #tpu.memory_space<vmem>>, vector<1x1x16xf32>,
        %get3A_633 = vector.shape_cast %get3A_632 : vector<1x1x16xf32> to vector<16xf32>
        %add3A_634 = arith.addf %add3A_576, %get3A_633 : vector<16xf32>
        %get3A_635 = arith.constant 4 : i32
        %get3A_636 = arith.index_cast %get3A_635 : i32 to index
        %get3A_637 = arith.index_cast %scan3A_620 : i32 to index
        %get3A_638 = arith.constant 32 : index
        %get3A_639 = tpu.vector_load %arg6[%get3A_636, %get3A_637, %get3A_638] {strides = array<i32>} : memref<6x100x128xf32, #tpu.memory_space<vmem>>, vector<1x1x16xf32>,
        %get3A_640 = vector.shape_cast %get3A_639 : vector<1x1x16xf32> to vector<16xf32>
        %add3A_641 = arith.addf %add3A_583, %get3A_640 : vector<16xf32>
        %get3A_642 = arith.constant 4 : i32
        %get3A_643 = arith.index_cast %get3A_642 : i32 to index
        %get3A_644 = arith.index_cast %scan3A_620 : i32 to index
        %get3A_645 = arith.constant 48 : index
        %get3A_646 = tpu.vector_load %arg6[%get3A_643, %get3A_644, %get3A_645] {strides = array<i32>} : memref<6x100x128xf32, #tpu.memory_space<vmem>>, vector<1x1x16xf32>,
        %get3A_647 = vector.shape_cast %get3A_646 : vector<1x1x16xf32> to vector<16xf32>
        %add3A_648 = arith.addf %add3A_590, %get3A_647 : vector<16xf32>
        %get3A_649 = arith.constant 4 : i32
        %get3A_650 = arith.index_cast %get3A_649 : i32 to index
        %get3A_651 = arith.index_cast %scan3A_620 : i32 to index
        %get3A_652 = arith.constant 64 : index
        %get3A_653 = tpu.vector_load %arg6[%get3A_650, %get3A_651, %get3A_652] {strides = array<i32>} : memref<6x100x128xf32, #tpu.memory_space<vmem>>, vector<1x1x16xf32>,
        %get3A_654 = vector.shape_cast %get3A_653 : vector<1x1x16xf32> to vector<16xf32>
        %add3A_655 = arith.addf %add3A_597, %get3A_654 : vector<16xf32>
        %get3A_656 = arith.constant 4 : i32
        %get3A_657 = arith.index_cast %get3A_656 : i32 to index
        %get3A_658 = arith.index_cast %scan3A_620 : i32 to index
        %get3A_659 = arith.constant 80 : index
        %get3A_660 = tpu.vector_load %arg6[%get3A_657, %get3A_658, %get3A_659] {strides = array<i32>} : memref<6x100x128xf32, #tpu.memory_space<vmem>>, vector<1x1x16xf32>,
        %get3A_661 = vector.shape_cast %get3A_660 : vector<1x1x16xf32> to vector<16xf32>
        %add3A_662 = arith.addf %add3A_604, %get3A_661 : vector<16xf32>
        %get3A_663 = arith.constant 4 : i32
        %get3A_664 = arith.index_cast %get3A_663 : i32 to index
        %get3A_665 = arith.index_cast %scan3A_620 : i32 to index
        %get3A_666 = arith.constant 96 : index
        %get3A_667 = tpu.vector_load %arg6[%get3A_664, %get3A_665, %get3A_666] {strides = array<i32>} : memref<6x100x128xf32, #tpu.memory_space<vmem>>, vector<1x1x16xf32>,
        %get3A_668 = vector.shape_cast %get3A_667 : vector<1x1x16xf32> to vector<16xf32>
        %add3A_669 = arith.addf %add3A_611, %get3A_668 : vector<16xf32>
        %get3A_670 = arith.constant 4 : i32
        %get3A_671 = arith.index_cast %get3A_670 : i32 to index
        %get3A_672 = arith.index_cast %scan3A_620 : i32 to index
        %get3A_673 = arith.constant 112 : index
        %get3A_674 = tpu.vector_load %arg6[%get3A_671, %get3A_672, %get3A_673] {strides = array<i32>} : memref<6x100x128xf32, #tpu.memory_space<vmem>>, vector<1x1x16xf32>,
        %get3A_675 = vector.shape_cast %get3A_674 : vector<1x1x16xf32> to vector<16xf32>
        %add3A_676 = arith.addf %add3A_618, %get3A_675 : vector<16xf32>
        %scan3A_677 = arith.constant 2 : i32
        %scan3A_678 = arith.addi %scan3A_555, %scan3A_677 : i32
        %get3A_679 = arith.constant 4 : i32
        %get3A_680 = arith.index_cast %get3A_679 : i32 to index
        %get3A_681 = arith.index_cast %scan3A_678 : i32 to index
        %get3A_682 = arith.constant 0 : index
        %get3A_683 = tpu.vector_load %arg6[%get3A_680, %get3A_681, %get3A_682] {strides = array<i32>} : memref<6x100x128xf32, #tpu.memory_space<vmem>>, vector<1x1x16xf32>,
        %get3A_684 = vector.shape_cast %get3A_683 : vector<1x1x16xf32> to vector<16xf32>
        %add3A_685 = arith.addf %add3A_627, %get3A_684 : vector<16xf32>
        %get3A_686 = arith.constant 4 : i32
        %get3A_687 = arith.index_cast %get3A_686 : i32 to index
        %get3A_688 = arith.index_cast %scan3A_678 : i32 to index
        %get3A_689 = arith.constant 16 : index
        %get3A_690 = tpu.vector_load %arg6[%get3A_687, %get3A_688, %get3A_689] {strides = array<i32>} : memref<6x100x128xf32, #tpu.memory_space<vmem>>, vector<1x1x16xf32>,
        %get3A_691 = vector.shape_cast %get3A_690 : vector<1x1x16xf32> to vector<16xf32>
        %add3A_692 = arith.addf %add3A_634, %get3A_691 : vector<16xf32>
        %get3A_693 = arith.constant 4 : i32
        %get3A_694 = arith.index_cast %get3A_693 : i32 to index
        %get3A_695 = arith.index_cast %scan3A_678 : i32 to index
        %get3A_696 = arith.constant 32 : index
        %get3A_697 = tpu.vector_load %arg6[%get3A_694, %get3A_695, %get3A_696] {strides = array<i32>} : memref<6x100x128xf32, #tpu.memory_space<vmem>>, vector<1x1x16xf32>,
        %get3A_698 = vector.shape_cast %get3A_697 : vector<1x1x16xf32> to vector<16xf32>
        %add3A_699 = arith.addf %add3A_641, %get3A_698 : vector<16xf32>
        %get3A_700 = arith.constant 4 : i32
        %get3A_701 = arith.index_cast %get3A_700 : i32 to index
        %get3A_702 = arith.index_cast %scan3A_678 : i32 to index
        %get3A_703 = arith.constant 48 : index
        %get3A_704 = tpu.vector_load %arg6[%get3A_701, %get3A_702, %get3A_703] {strides = array<i32>} : memref<6x100x128xf32, #tpu.memory_space<vmem>>, vector<1x1x16xf32>,
        %get3A_705 = vector.shape_cast %get3A_704 : vector<1x1x16xf32> to vector<16xf32>
        %add3A_706 = arith.addf %add3A_648, %get3A_705 : vector<16xf32>
        %get3A_707 = arith.constant 4 : i32
        %get3A_708 = arith.index_cast %get3A_707 : i32 to index
        %get3A_709 = arith.index_cast %scan3A_678 : i32 to index
        %get3A_710 = arith.constant 64 : index
        %get3A_711 = tpu.vector_load %arg6[%get3A_708, %get3A_709, %get3A_710] {strides = array<i32>} : memref<6x100x128xf32, #tpu.memory_space<vmem>>, vector<1x1x16xf32>,
        %get3A_712 = vector.shape_cast %get3A_711 : vector<1x1x16xf32> to vector<16xf32>
        %add3A_713 = arith.addf %add3A_655, %get3A_712 : vector<16xf32>
        %get3A_714 = arith.constant 4 : i32
        %get3A_715 = arith.index_cast %get3A_714 : i32 to index
        %get3A_716 = arith.index_cast %scan3A_678 : i32 to index
        %get3A_717 = arith.constant 80 : index
        %get3A_718 = tpu.vector_load %arg6[%get3A_715, %get3A_716, %get3A_717] {strides = array<i32>} : memref<6x100x128xf32, #tpu.memory_space<vmem>>, vector<1x1x16xf32>,
        %get3A_719 = vector.shape_cast %get3A_718 : vector<1x1x16xf32> to vector<16xf32>
        %add3A_720 = arith.addf %add3A_662, %get3A_719 : vector<16xf32>
        %get3A_721 = arith.constant 4 : i32
        %get3A_722 = arith.index_cast %get3A_721 : i32 to index
        %get3A_723 = arith.index_cast %scan3A_678 : i32 to index
        %get3A_724 = arith.constant 96 : index
        %get3A_725 = tpu.vector_load %arg6[%get3A_722, %get3A_723, %get3A_724] {strides = array<i32>} : memref<6x100x128xf32, #tpu.memory_space<vmem>>, vector<1x1x16xf32>,
        %get3A_726 = vector.shape_cast %get3A_725 : vector<1x1x16xf32> to vector<16xf32>
        %add3A_727 = arith.addf %add3A_669, %get3A_726 : vector<16xf32>
        %get3A_728 = arith.constant 4 : i32
        %get3A_729 = arith.index_cast %get3A_728 : i32 to index
        %get3A_730 = arith.index_cast %scan3A_678 : i32 to index
        %get3A_731 = arith.constant 112 : index
        %get3A_732 = tpu.vector_load %arg6[%get3A_729, %get3A_730, %get3A_731] {strides = array<i32>} : memref<6x100x128xf32, #tpu.memory_space<vmem>>, vector<1x1x16xf32>,
        %get3A_733 = vector.shape_cast %get3A_732 : vector<1x1x16xf32> to vector<16xf32>
        %add3A_734 = arith.addf %add3A_676, %get3A_733 : vector<16xf32>
        %scan3A_735 = arith.constant 3 : i32
        %scan3A_736 = arith.addi %scan3A_555, %scan3A_735 : i32
        %get3A_737 = arith.constant 4 : i32
        %get3A_738 = arith.index_cast %get3A_737 : i32 to index
        %get3A_739 = arith.index_cast %scan3A_736 : i32 to index
        %get3A_740 = arith.constant 0 : index
        %get3A_741 = tpu.vector_load %arg6[%get3A_738, %get3A_739, %get3A_740] {strides = array<i32>} : memref<6x100x128xf32, #tpu.memory_space<vmem>>, vector<1x1x16xf32>,
        %get3A_742 = vector.shape_cast %get3A_741 : vector<1x1x16xf32> to vector<16xf32>
        %add3A_743 = arith.addf %add3A_685, %get3A_742 : vector<16xf32>
        %get3A_744 = arith.constant 4 : i32
        %get3A_745 = arith.index_cast %get3A_744 : i32 to index
        %get3A_746 = arith.index_cast %scan3A_736 : i32 to index
        %get3A_747 = arith.constant 16 : index
        %get3A_748 = tpu.vector_load %arg6[%get3A_745, %get3A_746, %get3A_747] {strides = array<i32>} : memref<6x100x128xf32, #tpu.memory_space<vmem>>, vector<1x1x16xf32>,
        %get3A_749 = vector.shape_cast %get3A_748 : vector<1x1x16xf32> to vector<16xf32>
        %add3A_750 = arith.addf %add3A_692, %get3A_749 : vector<16xf32>
        %get3A_751 = arith.constant 4 : i32
        %get3A_752 = arith.index_cast %get3A_751 : i32 to index
        %get3A_753 = arith.index_cast %scan3A_736 : i32 to index
        %get3A_754 = arith.constant 32 : index
        %get3A_755 = tpu.vector_load %arg6[%get3A_752, %get3A_753, %get3A_754] {strides = array<i32>} : memref<6x100x128xf32, #tpu.memory_space<vmem>>, vector<1x1x16xf32>,
        %get3A_756 = vector.shape_cast %get3A_755 : vector<1x1x16xf32> to vector<16xf32>
        %add3A_757 = arith.addf %add3A_699, %get3A_756 : vector<16xf32>
        %get3A_758 = arith.constant 4 : i32
        %get3A_759 = arith.index_cast %get3A_758 : i32 to index
        %get3A_760 = arith.index_cast %scan3A_736 : i32 to index
        %get3A_761 = arith.constant 48 : index
        %get3A_762 = tpu.vector_load %arg6[%get3A_759, %get3A_760, %get3A_761] {strides = array<i32>} : memref<6x100x128xf32, #tpu.memory_space<vmem>>, vector<1x1x16xf32>,
        %get3A_763 = vector.shape_cast %get3A_762 : vector<1x1x16xf32> to vector<16xf32>
        %add3A_764 = arith.addf %add3A_706, %get3A_763 : vector<16xf32>
        %get3A_765 = arith.constant 4 : i32
        %get3A_766 = arith.index_cast %get3A_765 : i32 to index
        %get3A_767 = arith.index_cast %scan3A_736 : i32 to index
        %get3A_768 = arith.constant 64 : index
        %get3A_769 = tpu.vector_load %arg6[%get3A_766, %get3A_767, %get3A_768] {strides = array<i32>} : memref<6x100x128xf32, #tpu.memory_space<vmem>>, vector<1x1x16xf32>,
        %get3A_770 = vector.shape_cast %get3A_769 : vector<1x1x16xf32> to vector<16xf32>
        %add3A_771 = arith.addf %add3A_713, %get3A_770 : vector<16xf32>
        %get3A_772 = arith.constant 4 : i32
        %get3A_773 = arith.index_cast %get3A_772 : i32 to index
        %get3A_774 = arith.index_cast %scan3A_736 : i32 to index
        %get3A_775 = arith.constant 80 : index
        %get3A_776 = tpu.vector_load %arg6[%get3A_773, %get3A_774, %get3A_775] {strides = array<i32>} : memref<6x100x128xf32, #tpu.memory_space<vmem>>, vector<1x1x16xf32>,
        %get3A_777 = vector.shape_cast %get3A_776 : vector<1x1x16xf32> to vector<16xf32>
        %add3A_778 = arith.addf %add3A_720, %get3A_777 : vector<16xf32>
        %get3A_779 = arith.constant 4 : i32
        %get3A_780 = arith.index_cast %get3A_779 : i32 to index
        %get3A_781 = arith.index_cast %scan3A_736 : i32 to index
        %get3A_782 = arith.constant 96 : index
        %get3A_783 = tpu.vector_load %arg6[%get3A_780, %get3A_781, %get3A_782] {strides = array<i32>} : memref<6x100x128xf32, #tpu.memory_space<vmem>>, vector<1x1x16xf32>,
        %get3A_784 = vector.shape_cast %get3A_783 : vector<1x1x16xf32> to vector<16xf32>
        %add3A_785 = arith.addf %add3A_727, %get3A_784 : vector<16xf32>
        %get3A_786 = arith.constant 4 : i32
        %get3A_787 = arith.index_cast %get3A_786 : i32 to index
        %get3A_788 = arith.index_cast %scan3A_736 : i32 to index
        %get3A_789 = arith.constant 112 : index
        %get3A_790 = tpu.vector_load %arg6[%get3A_787, %get3A_788, %get3A_789] {strides = array<i32>} : memref<6x100x128xf32, #tpu.memory_space<vmem>>, vector<1x1x16xf32>,
        %get3A_791 = vector.shape_cast %get3A_790 : vector<1x1x16xf32> to vector<16xf32>
        %add3A_792 = arith.addf %add3A_734, %get3A_791 : vector<16xf32>
        %scan3A_793 = arith.constant 4 : i32
        %scan3A_794 = arith.addi %scan3A_555, %scan3A_793 : i32
        %get3A_795 = arith.constant 4 : i32
        %get3A_796 = arith.index_cast %get3A_795 : i32 to index
        %get3A_797 = arith.index_cast %scan3A_794 : i32 to index
        %get3A_798 = arith.constant 0 : index
        %get3A_799 = tpu.vector_load %arg6[%get3A_796, %get3A_797, %get3A_798] {strides = array<i32>} : memref<6x100x128xf32, #tpu.memory_space<vmem>>, vector<1x1x16xf32>,
        %get3A_800 = vector.shape_cast %get3A_799 : vector<1x1x16xf32> to vector<16xf32>
        %add3A_801 = arith.addf %add3A_743, %get3A_800 : vector<16xf32>
        %get3A_802 = arith.constant 4 : i32
        %get3A_803 = arith.index_cast %get3A_802 : i32 to index
        %get3A_804 = arith.index_cast %scan3A_794 : i32 to index
        %get3A_805 = arith.constant 16 : index
        %get3A_806 = tpu.vector_load %arg6[%get3A_803, %get3A_804, %get3A_805] {strides = array<i32>} : memref<6x100x128xf32, #tpu.memory_space<vmem>>, vector<1x1x16xf32>,
        %get3A_807 = vector.shape_cast %get3A_806 : vector<1x1x16xf32> to vector<16xf32>
        %add3A_808 = arith.addf %add3A_750, %get3A_807 : vector<16xf32>
        %get3A_809 = arith.constant 4 : i32
        %get3A_810 = arith.index_cast %get3A_809 : i32 to index
        %get3A_811 = arith.index_cast %scan3A_794 : i32 to index
        %get3A_812 = arith.constant 32 : index
        %get3A_813 = tpu.vector_load %arg6[%get3A_810, %get3A_811, %get3A_812] {strides = array<i32>} : memref<6x100x128xf32, #tpu.memory_space<vmem>>, vector<1x1x16xf32>,
        %get3A_814 = vector.shape_cast %get3A_813 : vector<1x1x16xf32> to vector<16xf32>
        %add3A_815 = arith.addf %add3A_757, %get3A_814 : vector<16xf32>
        %get3A_816 = arith.constant 4 : i32
        %get3A_817 = arith.index_cast %get3A_816 : i32 to index
        %get3A_818 = arith.index_cast %scan3A_794 : i32 to index
        %get3A_819 = arith.constant 48 : index
        %get3A_820 = tpu.vector_load %arg6[%get3A_817, %get3A_818, %get3A_819] {strides = array<i32>} : memref<6x100x128xf32, #tpu.memory_space<vmem>>, vector<1x1x16xf32>,
        %get3A_821 = vector.shape_cast %get3A_820 : vector<1x1x16xf32> to vector<16xf32>
        %add3A_822 = arith.addf %add3A_764, %get3A_821 : vector<16xf32>
        %get3A_823 = arith.constant 4 : i32
        %get3A_824 = arith.index_cast %get3A_823 : i32 to index
        %get3A_825 = arith.index_cast %scan3A_794 : i32 to index
        %get3A_826 = arith.constant 64 : index
        %get3A_827 = tpu.vector_load %arg6[%get3A_824, %get3A_825, %get3A_826] {strides = array<i32>} : memref<6x100x128xf32, #tpu.memory_space<vmem>>, vector<1x1x16xf32>,
        %get3A_828 = vector.shape_cast %get3A_827 : vector<1x1x16xf32> to vector<16xf32>
        %add3A_829 = arith.addf %add3A_771, %get3A_828 : vector<16xf32>
        %get3A_830 = arith.constant 4 : i32
        %get3A_831 = arith.index_cast %get3A_830 : i32 to index
        %get3A_832 = arith.index_cast %scan3A_794 : i32 to index
        %get3A_833 = arith.constant 80 : index
        %get3A_834 = tpu.vector_load %arg6[%get3A_831, %get3A_832, %get3A_833] {strides = array<i32>} : memref<6x100x128xf32, #tpu.memory_space<vmem>>, vector<1x1x16xf32>,
        %get3A_835 = vector.shape_cast %get3A_834 : vector<1x1x16xf32> to vector<16xf32>
        %add3A_836 = arith.addf %add3A_778, %get3A_835 : vector<16xf32>
        %get3A_837 = arith.constant 4 : i32
        %get3A_838 = arith.index_cast %get3A_837 : i32 to index
        %get3A_839 = arith.index_cast %scan3A_794 : i32 to index
        %get3A_840 = arith.constant 96 : index
        %get3A_841 = tpu.vector_load %arg6[%get3A_838, %get3A_839, %get3A_840] {strides = array<i32>} : memref<6x100x128xf32, #tpu.memory_space<vmem>>, vector<1x1x16xf32>,
        %get3A_842 = vector.shape_cast %get3A_841 : vector<1x1x16xf32> to vector<16xf32>
        %add3A_843 = arith.addf %add3A_785, %get3A_842 : vector<16xf32>
        %get3A_844 = arith.constant 4 : i32
        %get3A_845 = arith.index_cast %get3A_844 : i32 to index
        %get3A_846 = arith.index_cast %scan3A_794 : i32 to index
        %get3A_847 = arith.constant 112 : index
        %get3A_848 = tpu.vector_load %arg6[%get3A_845, %get3A_846, %get3A_847] {strides = array<i32>} : memref<6x100x128xf32, #tpu.memory_space<vmem>>, vector<1x1x16xf32>,
        %get3A_849 = vector.shape_cast %get3A_848 : vector<1x1x16xf32> to vector<16xf32>
        %add3A_850 = arith.addf %add3A_792, %get3A_849 : vector<16xf32>
        scf.yield %add3A_801, %add3A_808, %add3A_815, %add3A_822, %add3A_829, %add3A_836, %add3A_843, %add3A_850 : vector<16xf32>, vector<16xf32>, vector<16xf32>, vector<16xf32>, vector<16xf32>, vector<16xf32>, vector<16xf32>, vector<16xf32>
      }
      %scan3A_481 = arith.constant 100 : i32
      %add3A_482 = arith.constant 3 : i32
      %add3A_483 = arith.addi %add3A_462, %add3A_482 : i32
      %lt3A_484 = arith.constant 128 : i32
      %lt3A_485 = arith.cmpi slt, %add3A_483, %lt3A_484 : i32
      %convert_element_type3A_486 = arith.extui %lt3A_485 : i1 to i32
      %cond3A_487 = arith.constant 0 : i32
      %cond3A_488 = arith.cmpi ne, %convert_element_type3A_486, %cond3A_487 : i32
      scf.if %cond3A_488 {
        %add3A_555 = arith.constant 3 : i32
        %add3A_556 = arith.addi %add3A_462, %add3A_555 : i32
        %dma_start3A_557 = arith.constant 0 : i32
        %dma_start3A_558 = arith.constant 4 : i32
        %dma_start3A_559 = arith.constant 0 : i32
        %dma_start3A_560 = arith.constant 0 : i32
        %dma_start3A_561 = tpu.memref_slice %arg6[%dma_start3A_558, %dma_start3A_559, %dma_start3A_560] : memref<6x100x128xf32, #tpu.memory_space<vmem>> -> memref<1x100x128xf32, #tpu.memory_space<vmem>>
        %dma_start3A_562 = tpu.memref_squeeze %dma_start3A_561 : memref<1x100x128xf32, #tpu.memory_space<vmem>> -> memref<100x128xf32, #tpu.memory_space<vmem>>
        %dma_start3A_563 = arith.constant 0 : i32
        %dma_start3A_564 = tpu.memref_slice %arg5[%add3A_556, %dma_start3A_557, %dma_start3A_563] : memref<128x2x100xi32, #tpu.memory_space<vmem>> -> memref<1x1x100xi32, #tpu.memory_space<vmem>>
        %dma_start3A_565 = tpu.memref_squeeze %dma_start3A_564 : memref<1x1x100xi32, #tpu.memory_space<vmem>> -> memref<100xi32, #tpu.memory_space<vmem>>
        %dma_start3A_566 = arith.constant 0 : i32
        %dma_start3A_567 = arith.constant 0 : i32
        %dma_start3A_568 = tpu.memref_slice %arg3[%dma_start3A_566, %dma_start3A_567] : memref<100000x128xf32, #tpu.memory_space<hbm>> -> memref<100000x128xf32, #tpu.memory_space<hbm>>
        tpu.enqueue_indirect_dma source(%dma_start3A_568 : memref<100000x128xf32, #tpu.memory_space<hbm>>) target(%dma_start3A_562 : memref<100x128xf32, #tpu.memory_space<vmem>>) offsets(%dma_start3A_565 : memref<100xi32, #tpu.memory_space<vmem>>) semaphore(%arg12 : memref<!tpu.dma_semaphore, #tpu.memory_space<semaphore_mem>>)
      } else {
      }
      %dma_wait3A_489 = arith.constant 0 : i32
      %dma_wait3A_490 = arith.constant 0 : i32
      %dma_wait3A_491 = arith.constant 5 : i32
      %dma_wait3A_492 = arith.constant 0 : i32
      %dma_wait3A_493 = arith.constant 0 : i32
      %dma_wait3A_494 = tpu.memref_slice %arg6[%dma_wait3A_491, %dma_wait3A_492, %dma_wait3A_493] : memref<6x100x128xf32, #tpu.memory_space<vmem>> -> memref<1x100x128xf32, #tpu.memory_space<vmem>>
      %dma_wait3A_495 = tpu.memref_squeeze %dma_wait3A_494 : memref<1x100x128xf32, #tpu.memory_space<vmem>> -> memref<100x128xf32, #tpu.memory_space<vmem>>
      %dma_wait3A_496 = arith.constant 0 : i32
      %dma_wait3A_497 = tpu.memref_slice %arg5[%dma_wait3A_489, %dma_wait3A_490, %dma_wait3A_496] : memref<128x2x100xi32, #tpu.memory_space<vmem>> -> memref<1x1x100xi32, #tpu.memory_space<vmem>>
      %dma_wait3A_498 = tpu.memref_squeeze %dma_wait3A_497 : memref<1x1x100xi32, #tpu.memory_space<vmem>> -> memref<100xi32, #tpu.memory_space<vmem>>
      %dma_wait3A_499 = arith.constant 0 : i32
      %dma_wait3A_500 = arith.constant 0 : i32
      %dma_wait3A_501 = tpu.memref_slice %arg3[%dma_wait3A_499, %dma_wait3A_500] : memref<100000x128xf32, #tpu.memory_space<hbm>> -> memref<100000x128xf32, #tpu.memory_space<hbm>>
      tpu.wait_indirect_dma semaphore(%arg13 : memref<!tpu.dma_semaphore, #tpu.memory_space<semaphore_mem>>) src(%dma_wait3A_501 : memref<100000x128xf32, #tpu.memory_space<hbm>>) dst(%dma_wait3A_495 : memref<100x128xf32, #tpu.memory_space<vmem>>)
      %scan3A_502 = arith.constant 0 : i32
      %scan3A_503 = arith.constant 100 : i32
      %scan3A_504 = arith.addi %scan3A_502, %scan3A_503 : i32
      %scan3A_505 = arith.constant 5 : i32
      %scan3A_506:8 = scf.for %scan3A_555 = %scan3A_502 to %scan3A_504 step %scan3A_505 iter_args(%scan3A_556 = %scan3A_480#0, %scan3A_557 = %scan3A_480#1, %scan3A_558 = %scan3A_480#2, %scan3A_559 = %scan3A_480#3, %scan3A_560 = %scan3A_480#4, %scan3A_561 = %scan3A_480#5, %scan3A_562 = %scan3A_480#6, %scan3A_563 = %scan3A_480#7) -> (vector<16xf32>, vector<16xf32>, vector<16xf32>, vector<16xf32>, vector<16xf32>, vector<16xf32>, vector<16xf32>, vector<16xf32>)  : i32 {
        %get3A = arith.constant 5 : i32
        %get3A_564 = arith.index_cast %get3A : i32 to index
        %get3A_565 = arith.index_cast %scan3A_555 : i32 to index
        %get3A_566 = arith.constant 0 : index
        %get3A_567 = tpu.vector_load %arg6[%get3A_564, %get3A_565, %get3A_566] {strides = array<i32>} : memref<6x100x128xf32, #tpu.memory_space<vmem>>, vector<1x1x16xf32>,
        %get3A_568 = vector.shape_cast %get3A_567 : vector<1x1x16xf32> to vector<16xf32>
        %add3A_569 = arith.addf %scan3A_556, %get3A_568 : vector<16xf32>
        %get3A_570 = arith.constant 5 : i32
        %get3A_571 = arith.index_cast %get3A_570 : i32 to index
        %get3A_572 = arith.index_cast %scan3A_555 : i32 to index
        %get3A_573 = arith.constant 16 : index
        %get3A_574 = tpu.vector_load %arg6[%get3A_571, %get3A_572, %get3A_573] {strides = array<i32>} : memref<6x100x128xf32, #tpu.memory_space<vmem>>, vector<1x1x16xf32>,
        %get3A_575 = vector.shape_cast %get3A_574 : vector<1x1x16xf32> to vector<16xf32>
        %add3A_576 = arith.addf %scan3A_557, %get3A_575 : vector<16xf32>
        %get3A_577 = arith.constant 5 : i32
        %get3A_578 = arith.index_cast %get3A_577 : i32 to index
        %get3A_579 = arith.index_cast %scan3A_555 : i32 to index
        %get3A_580 = arith.constant 32 : index
        %get3A_581 = tpu.vector_load %arg6[%get3A_578, %get3A_579, %get3A_580] {strides = array<i32>} : memref<6x100x128xf32, #tpu.memory_space<vmem>>, vector<1x1x16xf32>,
        %get3A_582 = vector.shape_cast %get3A_581 : vector<1x1x16xf32> to vector<16xf32>
        %add3A_583 = arith.addf %scan3A_558, %get3A_582 : vector<16xf32>
        %get3A_584 = arith.constant 5 : i32
        %get3A_585 = arith.index_cast %get3A_584 : i32 to index
        %get3A_586 = arith.index_cast %scan3A_555 : i32 to index
        %get3A_587 = arith.constant 48 : index
        %get3A_588 = tpu.vector_load %arg6[%get3A_585, %get3A_586, %get3A_587] {strides = array<i32>} : memref<6x100x128xf32, #tpu.memory_space<vmem>>, vector<1x1x16xf32>,
        %get3A_589 = vector.shape_cast %get3A_588 : vector<1x1x16xf32> to vector<16xf32>
        %add3A_590 = arith.addf %scan3A_559, %get3A_589 : vector<16xf32>
        %get3A_591 = arith.constant 5 : i32
        %get3A_592 = arith.index_cast %get3A_591 : i32 to index
        %get3A_593 = arith.index_cast %scan3A_555 : i32 to index
        %get3A_594 = arith.constant 64 : index
        %get3A_595 = tpu.vector_load %arg6[%get3A_592, %get3A_593, %get3A_594] {strides = array<i32>} : memref<6x100x128xf32, #tpu.memory_space<vmem>>, vector<1x1x16xf32>,
        %get3A_596 = vector.shape_cast %get3A_595 : vector<1x1x16xf32> to vector<16xf32>
        %add3A_597 = arith.addf %scan3A_560, %get3A_596 : vector<16xf32>
        %get3A_598 = arith.constant 5 : i32
        %get3A_599 = arith.index_cast %get3A_598 : i32 to index
        %get3A_600 = arith.index_cast %scan3A_555 : i32 to index
        %get3A_601 = arith.constant 80 : index
        %get3A_602 = tpu.vector_load %arg6[%get3A_599, %get3A_600, %get3A_601] {strides = array<i32>} : memref<6x100x128xf32, #tpu.memory_space<vmem>>, vector<1x1x16xf32>,
        %get3A_603 = vector.shape_cast %get3A_602 : vector<1x1x16xf32> to vector<16xf32>
        %add3A_604 = arith.addf %scan3A_561, %get3A_603 : vector<16xf32>
        %get3A_605 = arith.constant 5 : i32
        %get3A_606 = arith.index_cast %get3A_605 : i32 to index
        %get3A_607 = arith.index_cast %scan3A_555 : i32 to index
        %get3A_608 = arith.constant 96 : index
        %get3A_609 = tpu.vector_load %arg6[%get3A_606, %get3A_607, %get3A_608] {strides = array<i32>} : memref<6x100x128xf32, #tpu.memory_space<vmem>>, vector<1x1x16xf32>,
        %get3A_610 = vector.shape_cast %get3A_609 : vector<1x1x16xf32> to vector<16xf32>
        %add3A_611 = arith.addf %scan3A_562, %get3A_610 : vector<16xf32>
        %get3A_612 = arith.constant 5 : i32
        %get3A_613 = arith.index_cast %get3A_612 : i32 to index
        %get3A_614 = arith.index_cast %scan3A_555 : i32 to index
        %get3A_615 = arith.constant 112 : index
        %get3A_616 = tpu.vector_load %arg6[%get3A_613, %get3A_614, %get3A_615] {strides = array<i32>} : memref<6x100x128xf32, #tpu.memory_space<vmem>>, vector<1x1x16xf32>,
        %get3A_617 = vector.shape_cast %get3A_616 : vector<1x1x16xf32> to vector<16xf32>
        %add3A_618 = arith.addf %scan3A_563, %get3A_617 : vector<16xf32>
        %scan3A_619 = arith.constant 1 : i32
        %scan3A_620 = arith.addi %scan3A_555, %scan3A_619 : i32
        %get3A_621 = arith.constant 5 : i32
        %get3A_622 = arith.index_cast %get3A_621 : i32 to index
        %get3A_623 = arith.index_cast %scan3A_620 : i32 to index
        %get3A_624 = arith.constant 0 : index
        %get3A_625 = tpu.vector_load %arg6[%get3A_622, %get3A_623, %get3A_624] {strides = array<i32>} : memref<6x100x128xf32, #tpu.memory_space<vmem>>, vector<1x1x16xf32>,
        %get3A_626 = vector.shape_cast %get3A_625 : vector<1x1x16xf32> to vector<16xf32>
        %add3A_627 = arith.addf %add3A_569, %get3A_626 : vector<16xf32>
        %get3A_628 = arith.constant 5 : i32
        %get3A_629 = arith.index_cast %get3A_628 : i32 to index
        %get3A_630 = arith.index_cast %scan3A_620 : i32 to index
        %get3A_631 = arith.constant 16 : index
        %get3A_632 = tpu.vector_load %arg6[%get3A_629, %get3A_630, %get3A_631] {strides = array<i32>} : memref<6x100x128xf32, #tpu.memory_space<vmem>>, vector<1x1x16xf32>,
        %get3A_633 = vector.shape_cast %get3A_632 : vector<1x1x16xf32> to vector<16xf32>
        %add3A_634 = arith.addf %add3A_576, %get3A_633 : vector<16xf32>
        %get3A_635 = arith.constant 5 : i32
        %get3A_636 = arith.index_cast %get3A_635 : i32 to index
        %get3A_637 = arith.index_cast %scan3A_620 : i32 to index
        %get3A_638 = arith.constant 32 : index
        %get3A_639 = tpu.vector_load %arg6[%get3A_636, %get3A_637, %get3A_638] {strides = array<i32>} : memref<6x100x128xf32, #tpu.memory_space<vmem>>, vector<1x1x16xf32>,
        %get3A_640 = vector.shape_cast %get3A_639 : vector<1x1x16xf32> to vector<16xf32>
        %add3A_641 = arith.addf %add3A_583, %get3A_640 : vector<16xf32>
        %get3A_642 = arith.constant 5 : i32
        %get3A_643 = arith.index_cast %get3A_642 : i32 to index
        %get3A_644 = arith.index_cast %scan3A_620 : i32 to index
        %get3A_645 = arith.constant 48 : index
        %get3A_646 = tpu.vector_load %arg6[%get3A_643, %get3A_644, %get3A_645] {strides = array<i32>} : memref<6x100x128xf32, #tpu.memory_space<vmem>>, vector<1x1x16xf32>,
        %get3A_647 = vector.shape_cast %get3A_646 : vector<1x1x16xf32> to vector<16xf32>
        %add3A_648 = arith.addf %add3A_590, %get3A_647 : vector<16xf32>
        %get3A_649 = arith.constant 5 : i32
        %get3A_650 = arith.index_cast %get3A_649 : i32 to index
        %get3A_651 = arith.index_cast %scan3A_620 : i32 to index
        %get3A_652 = arith.constant 64 : index
        %get3A_653 = tpu.vector_load %arg6[%get3A_650, %get3A_651, %get3A_652] {strides = array<i32>} : memref<6x100x128xf32, #tpu.memory_space<vmem>>, vector<1x1x16xf32>,
        %get3A_654 = vector.shape_cast %get3A_653 : vector<1x1x16xf32> to vector<16xf32>
        %add3A_655 = arith.addf %add3A_597, %get3A_654 : vector<16xf32>
        %get3A_656 = arith.constant 5 : i32
        %get3A_657 = arith.index_cast %get3A_656 : i32 to index
        %get3A_658 = arith.index_cast %scan3A_620 : i32 to index
        %get3A_659 = arith.constant 80 : index
        %get3A_660 = tpu.vector_load %arg6[%get3A_657, %get3A_658, %get3A_659] {strides = array<i32>} : memref<6x100x128xf32, #tpu.memory_space<vmem>>, vector<1x1x16xf32>,
        %get3A_661 = vector.shape_cast %get3A_660 : vector<1x1x16xf32> to vector<16xf32>
        %add3A_662 = arith.addf %add3A_604, %get3A_661 : vector<16xf32>
        %get3A_663 = arith.constant 5 : i32
        %get3A_664 = arith.index_cast %get3A_663 : i32 to index
        %get3A_665 = arith.index_cast %scan3A_620 : i32 to index
        %get3A_666 = arith.constant 96 : index
        %get3A_667 = tpu.vector_load %arg6[%get3A_664, %get3A_665, %get3A_666] {strides = array<i32>} : memref<6x100x128xf32, #tpu.memory_space<vmem>>, vector<1x1x16xf32>,
        %get3A_668 = vector.shape_cast %get3A_667 : vector<1x1x16xf32> to vector<16xf32>
        %add3A_669 = arith.addf %add3A_611, %get3A_668 : vector<16xf32>
        %get3A_670 = arith.constant 5 : i32
        %get3A_671 = arith.index_cast %get3A_670 : i32 to index
        %get3A_672 = arith.index_cast %scan3A_620 : i32 to index
        %get3A_673 = arith.constant 112 : index
        %get3A_674 = tpu.vector_load %arg6[%get3A_671, %get3A_672, %get3A_673] {strides = array<i32>} : memref<6x100x128xf32, #tpu.memory_space<vmem>>, vector<1x1x16xf32>,
        %get3A_675 = vector.shape_cast %get3A_674 : vector<1x1x16xf32> to vector<16xf32>
        %add3A_676 = arith.addf %add3A_618, %get3A_675 : vector<16xf32>
        %scan3A_677 = arith.constant 2 : i32
        %scan3A_678 = arith.addi %scan3A_555, %scan3A_677 : i32
        %get3A_679 = arith.constant 5 : i32
        %get3A_680 = arith.index_cast %get3A_679 : i32 to index
        %get3A_681 = arith.index_cast %scan3A_678 : i32 to index
        %get3A_682 = arith.constant 0 : index
        %get3A_683 = tpu.vector_load %arg6[%get3A_680, %get3A_681, %get3A_682] {strides = array<i32>} : memref<6x100x128xf32, #tpu.memory_space<vmem>>, vector<1x1x16xf32>,
        %get3A_684 = vector.shape_cast %get3A_683 : vector<1x1x16xf32> to vector<16xf32>
        %add3A_685 = arith.addf %add3A_627, %get3A_684 : vector<16xf32>
        %get3A_686 = arith.constant 5 : i32
        %get3A_687 = arith.index_cast %get3A_686 : i32 to index
        %get3A_688 = arith.index_cast %scan3A_678 : i32 to index
        %get3A_689 = arith.constant 16 : index
        %get3A_690 = tpu.vector_load %arg6[%get3A_687, %get3A_688, %get3A_689] {strides = array<i32>} : memref<6x100x128xf32, #tpu.memory_space<vmem>>, vector<1x1x16xf32>,
        %get3A_691 = vector.shape_cast %get3A_690 : vector<1x1x16xf32> to vector<16xf32>
        %add3A_692 = arith.addf %add3A_634, %get3A_691 : vector<16xf32>
        %get3A_693 = arith.constant 5 : i32
        %get3A_694 = arith.index_cast %get3A_693 : i32 to index
        %get3A_695 = arith.index_cast %scan3A_678 : i32 to index
        %get3A_696 = arith.constant 32 : index
        %get3A_697 = tpu.vector_load %arg6[%get3A_694, %get3A_695, %get3A_696] {strides = array<i32>} : memref<6x100x128xf32, #tpu.memory_space<vmem>>, vector<1x1x16xf32>,
        %get3A_698 = vector.shape_cast %get3A_697 : vector<1x1x16xf32> to vector<16xf32>
        %add3A_699 = arith.addf %add3A_641, %get3A_698 : vector<16xf32>
        %get3A_700 = arith.constant 5 : i32
        %get3A_701 = arith.index_cast %get3A_700 : i32 to index
        %get3A_702 = arith.index_cast %scan3A_678 : i32 to index
        %get3A_703 = arith.constant 48 : index
        %get3A_704 = tpu.vector_load %arg6[%get3A_701, %get3A_702, %get3A_703] {strides = array<i32>} : memref<6x100x128xf32, #tpu.memory_space<vmem>>, vector<1x1x16xf32>,
        %get3A_705 = vector.shape_cast %get3A_704 : vector<1x1x16xf32> to vector<16xf32>
        %add3A_706 = arith.addf %add3A_648, %get3A_705 : vector<16xf32>
        %get3A_707 = arith.constant 5 : i32
        %get3A_708 = arith.index_cast %get3A_707 : i32 to index
        %get3A_709 = arith.index_cast %scan3A_678 : i32 to index
        %get3A_710 = arith.constant 64 : index
        %get3A_711 = tpu.vector_load %arg6[%get3A_708, %get3A_709, %get3A_710] {strides = array<i32>} : memref<6x100x128xf32, #tpu.memory_space<vmem>>, vector<1x1x16xf32>,
        %get3A_712 = vector.shape_cast %get3A_711 : vector<1x1x16xf32> to vector<16xf32>
        %add3A_713 = arith.addf %add3A_655, %get3A_712 : vector<16xf32>
        %get3A_714 = arith.constant 5 : i32
        %get3A_715 = arith.index_cast %get3A_714 : i32 to index
        %get3A_716 = arith.index_cast %scan3A_678 : i32 to index
        %get3A_717 = arith.constant 80 : index
        %get3A_718 = tpu.vector_load %arg6[%get3A_715, %get3A_716, %get3A_717] {strides = array<i32>} : memref<6x100x128xf32, #tpu.memory_space<vmem>>, vector<1x1x16xf32>,
        %get3A_719 = vector.shape_cast %get3A_718 : vector<1x1x16xf32> to vector<16xf32>
        %add3A_720 = arith.addf %add3A_662, %get3A_719 : vector<16xf32>
        %get3A_721 = arith.constant 5 : i32
        %get3A_722 = arith.index_cast %get3A_721 : i32 to index
        %get3A_723 = arith.index_cast %scan3A_678 : i32 to index
        %get3A_724 = arith.constant 96 : index
        %get3A_725 = tpu.vector_load %arg6[%get3A_722, %get3A_723, %get3A_724] {strides = array<i32>} : memref<6x100x128xf32, #tpu.memory_space<vmem>>, vector<1x1x16xf32>,
        %get3A_726 = vector.shape_cast %get3A_725 : vector<1x1x16xf32> to vector<16xf32>
        %add3A_727 = arith.addf %add3A_669, %get3A_726 : vector<16xf32>
        %get3A_728 = arith.constant 5 : i32
        %get3A_729 = arith.index_cast %get3A_728 : i32 to index
        %get3A_730 = arith.index_cast %scan3A_678 : i32 to index
        %get3A_731 = arith.constant 112 : index
        %get3A_732 = tpu.vector_load %arg6[%get3A_729, %get3A_730, %get3A_731] {strides = array<i32>} : memref<6x100x128xf32, #tpu.memory_space<vmem>>, vector<1x1x16xf32>,
        %get3A_733 = vector.shape_cast %get3A_732 : vector<1x1x16xf32> to vector<16xf32>
        %add3A_734 = arith.addf %add3A_676, %get3A_733 : vector<16xf32>
        %scan3A_735 = arith.constant 3 : i32
        %scan3A_736 = arith.addi %scan3A_555, %scan3A_735 : i32
        %get3A_737 = arith.constant 5 : i32
        %get3A_738 = arith.index_cast %get3A_737 : i32 to index
        %get3A_739 = arith.index_cast %scan3A_736 : i32 to index
        %get3A_740 = arith.constant 0 : index
        %get3A_741 = tpu.vector_load %arg6[%get3A_738, %get3A_739, %get3A_740] {strides = array<i32>} : memref<6x100x128xf32, #tpu.memory_space<vmem>>, vector<1x1x16xf32>,
        %get3A_742 = vector.shape_cast %get3A_741 : vector<1x1x16xf32> to vector<16xf32>
        %add3A_743 = arith.addf %add3A_685, %get3A_742 : vector<16xf32>
        %get3A_744 = arith.constant 5 : i32
        %get3A_745 = arith.index_cast %get3A_744 : i32 to index
        %get3A_746 = arith.index_cast %scan3A_736 : i32 to index
        %get3A_747 = arith.constant 16 : index
        %get3A_748 = tpu.vector_load %arg6[%get3A_745, %get3A_746, %get3A_747] {strides = array<i32>} : memref<6x100x128xf32, #tpu.memory_space<vmem>>, vector<1x1x16xf32>,
        %get3A_749 = vector.shape_cast %get3A_748 : vector<1x1x16xf32> to vector<16xf32>
        %add3A_750 = arith.addf %add3A_692, %get3A_749 : vector<16xf32>
        %get3A_751 = arith.constant 5 : i32
        %get3A_752 = arith.index_cast %get3A_751 : i32 to index
        %get3A_753 = arith.index_cast %scan3A_736 : i32 to index
        %get3A_754 = arith.constant 32 : index
        %get3A_755 = tpu.vector_load %arg6[%get3A_752, %get3A_753, %get3A_754] {strides = array<i32>} : memref<6x100x128xf32, #tpu.memory_space<vmem>>, vector<1x1x16xf32>,
        %get3A_756 = vector.shape_cast %get3A_755 : vector<1x1x16xf32> to vector<16xf32>
        %add3A_757 = arith.addf %add3A_699, %get3A_756 : vector<16xf32>
        %get3A_758 = arith.constant 5 : i32
        %get3A_759 = arith.index_cast %get3A_758 : i32 to index
        %get3A_760 = arith.index_cast %scan3A_736 : i32 to index
        %get3A_761 = arith.constant 48 : index
        %get3A_762 = tpu.vector_load %arg6[%get3A_759, %get3A_760, %get3A_761] {strides = array<i32>} : memref<6x100x128xf32, #tpu.memory_space<vmem>>, vector<1x1x16xf32>,
        %get3A_763 = vector.shape_cast %get3A_762 : vector<1x1x16xf32> to vector<16xf32>
        %add3A_764 = arith.addf %add3A_706, %get3A_763 : vector<16xf32>
        %get3A_765 = arith.constant 5 : i32
        %get3A_766 = arith.index_cast %get3A_765 : i32 to index
        %get3A_767 = arith.index_cast %scan3A_736 : i32 to index
        %get3A_768 = arith.constant 64 : index
        %get3A_769 = tpu.vector_load %arg6[%get3A_766, %get3A_767, %get3A_768] {strides = array<i32>} : memref<6x100x128xf32, #tpu.memory_space<vmem>>, vector<1x1x16xf32>,
        %get3A_770 = vector.shape_cast %get3A_769 : vector<1x1x16xf32> to vector<16xf32>
        %add3A_771 = arith.addf %add3A_713, %get3A_770 : vector<16xf32>
        %get3A_772 = arith.constant 5 : i32
        %get3A_773 = arith.index_cast %get3A_772 : i32 to index
        %get3A_774 = arith.index_cast %scan3A_736 : i32 to index
        %get3A_775 = arith.constant 80 : index
        %get3A_776 = tpu.vector_load %arg6[%get3A_773, %get3A_774, %get3A_775] {strides = array<i32>} : memref<6x100x128xf32, #tpu.memory_space<vmem>>, vector<1x1x16xf32>,
        %get3A_777 = vector.shape_cast %get3A_776 : vector<1x1x16xf32> to vector<16xf32>
        %add3A_778 = arith.addf %add3A_720, %get3A_777 : vector<16xf32>
        %get3A_779 = arith.constant 5 : i32
        %get3A_780 = arith.index_cast %get3A_779 : i32 to index
        %get3A_781 = arith.index_cast %scan3A_736 : i32 to index
        %get3A_782 = arith.constant 96 : index
        %get3A_783 = tpu.vector_load %arg6[%get3A_780, %get3A_781, %get3A_782] {strides = array<i32>} : memref<6x100x128xf32, #tpu.memory_space<vmem>>, vector<1x1x16xf32>,
        %get3A_784 = vector.shape_cast %get3A_783 : vector<1x1x16xf32> to vector<16xf32>
        %add3A_785 = arith.addf %add3A_727, %get3A_784 : vector<16xf32>
        %get3A_786 = arith.constant 5 : i32
        %get3A_787 = arith.index_cast %get3A_786 : i32 to index
        %get3A_788 = arith.index_cast %scan3A_736 : i32 to index
        %get3A_789 = arith.constant 112 : index
        %get3A_790 = tpu.vector_load %arg6[%get3A_787, %get3A_788, %get3A_789] {strides = array<i32>} : memref<6x100x128xf32, #tpu.memory_space<vmem>>, vector<1x1x16xf32>,
        %get3A_791 = vector.shape_cast %get3A_790 : vector<1x1x16xf32> to vector<16xf32>
        %add3A_792 = arith.addf %add3A_734, %get3A_791 : vector<16xf32>
        %scan3A_793 = arith.constant 4 : i32
        %scan3A_794 = arith.addi %scan3A_555, %scan3A_793 : i32
        %get3A_795 = arith.constant 5 : i32
        %get3A_796 = arith.index_cast %get3A_795 : i32 to index
        %get3A_797 = arith.index_cast %scan3A_794 : i32 to index
        %get3A_798 = arith.constant 0 : index
        %get3A_799 = tpu.vector_load %arg6[%get3A_796, %get3A_797, %get3A_798] {strides = array<i32>} : memref<6x100x128xf32, #tpu.memory_space<vmem>>, vector<1x1x16xf32>,
        %get3A_800 = vector.shape_cast %get3A_799 : vector<1x1x16xf32> to vector<16xf32>
        %add3A_801 = arith.addf %add3A_743, %get3A_800 : vector<16xf32>
        %get3A_802 = arith.constant 5 : i32
        %get3A_803 = arith.index_cast %get3A_802 : i32 to index
        %get3A_804 = arith.index_cast %scan3A_794 : i32 to index
        %get3A_805 = arith.constant 16 : index
        %get3A_806 = tpu.vector_load %arg6[%get3A_803, %get3A_804, %get3A_805] {strides = array<i32>} : memref<6x100x128xf32, #tpu.memory_space<vmem>>, vector<1x1x16xf32>,
        %get3A_807 = vector.shape_cast %get3A_806 : vector<1x1x16xf32> to vector<16xf32>
        %add3A_808 = arith.addf %add3A_750, %get3A_807 : vector<16xf32>
        %get3A_809 = arith.constant 5 : i32
        %get3A_810 = arith.index_cast %get3A_809 : i32 to index
        %get3A_811 = arith.index_cast %scan3A_794 : i32 to index
        %get3A_812 = arith.constant 32 : index
        %get3A_813 = tpu.vector_load %arg6[%get3A_810, %get3A_811, %get3A_812] {strides = array<i32>} : memref<6x100x128xf32, #tpu.memory_space<vmem>>, vector<1x1x16xf32>,
        %get3A_814 = vector.shape_cast %get3A_813 : vector<1x1x16xf32> to vector<16xf32>
        %add3A_815 = arith.addf %add3A_757, %get3A_814 : vector<16xf32>
        %get3A_816 = arith.constant 5 : i32
        %get3A_817 = arith.index_cast %get3A_816 : i32 to index
        %get3A_818 = arith.index_cast %scan3A_794 : i32 to index
        %get3A_819 = arith.constant 48 : index
        %get3A_820 = tpu.vector_load %arg6[%get3A_817, %get3A_818, %get3A_819] {strides = array<i32>} : memref<6x100x128xf32, #tpu.memory_space<vmem>>, vector<1x1x16xf32>,
        %get3A_821 = vector.shape_cast %get3A_820 : vector<1x1x16xf32> to vector<16xf32>
        %add3A_822 = arith.addf %add3A_764, %get3A_821 : vector<16xf32>
        %get3A_823 = arith.constant 5 : i32
        %get3A_824 = arith.index_cast %get3A_823 : i32 to index
        %get3A_825 = arith.index_cast %scan3A_794 : i32 to index
        %get3A_826 = arith.constant 64 : index
        %get3A_827 = tpu.vector_load %arg6[%get3A_824, %get3A_825, %get3A_826] {strides = array<i32>} : memref<6x100x128xf32, #tpu.memory_space<vmem>>, vector<1x1x16xf32>,
        %get3A_828 = vector.shape_cast %get3A_827 : vector<1x1x16xf32> to vector<16xf32>
        %add3A_829 = arith.addf %add3A_771, %get3A_828 : vector<16xf32>
        %get3A_830 = arith.constant 5 : i32
        %get3A_831 = arith.index_cast %get3A_830 : i32 to index
        %get3A_832 = arith.index_cast %scan3A_794 : i32 to index
        %get3A_833 = arith.constant 80 : index
        %get3A_834 = tpu.vector_load %arg6[%get3A_831, %get3A_832, %get3A_833] {strides = array<i32>} : memref<6x100x128xf32, #tpu.memory_space<vmem>>, vector<1x1x16xf32>,
        %get3A_835 = vector.shape_cast %get3A_834 : vector<1x1x16xf32> to vector<16xf32>
        %add3A_836 = arith.addf %add3A_778, %get3A_835 : vector<16xf32>
        %get3A_837 = arith.constant 5 : i32
        %get3A_838 = arith.index_cast %get3A_837 : i32 to index
        %get3A_839 = arith.index_cast %scan3A_794 : i32 to index
        %get3A_840 = arith.constant 96 : index
        %get3A_841 = tpu.vector_load %arg6[%get3A_838, %get3A_839, %get3A_840] {strides = array<i32>} : memref<6x100x128xf32, #tpu.memory_space<vmem>>, vector<1x1x16xf32>,
        %get3A_842 = vector.shape_cast %get3A_841 : vector<1x1x16xf32> to vector<16xf32>
        %add3A_843 = arith.addf %add3A_785, %get3A_842 : vector<16xf32>
        %get3A_844 = arith.constant 5 : i32
        %get3A_845 = arith.index_cast %get3A_844 : i32 to index
        %get3A_846 = arith.index_cast %scan3A_794 : i32 to index
        %get3A_847 = arith.constant 112 : index
        %get3A_848 = tpu.vector_load %arg6[%get3A_845, %get3A_846, %get3A_847] {strides = array<i32>} : memref<6x100x128xf32, #tpu.memory_space<vmem>>, vector<1x1x16xf32>,
        %get3A_849 = vector.shape_cast %get3A_848 : vector<1x1x16xf32> to vector<16xf32>
        %add3A_850 = arith.addf %add3A_792, %get3A_849 : vector<16xf32>
        scf.yield %add3A_801, %add3A_808, %add3A_815, %add3A_822, %add3A_829, %add3A_836, %add3A_843, %add3A_850 : vector<16xf32>, vector<16xf32>, vector<16xf32>, vector<16xf32>, vector<16xf32>, vector<16xf32>, vector<16xf32>, vector<16xf32>
      }
      %scan3A_507 = arith.constant 100 : i32
      %add3A_508 = arith.constant 3 : i32
      %add3A_509 = arith.addi %add3A_462, %add3A_508 : i32
      %lt3A_510 = arith.constant 128 : i32
      %lt3A_511 = arith.cmpi slt, %add3A_509, %lt3A_510 : i32
      %convert_element_type3A_512 = arith.extui %lt3A_511 : i1 to i32
      %cond3A_513 = arith.constant 0 : i32
      %cond3A_514 = arith.cmpi ne, %convert_element_type3A_512, %cond3A_513 : i32
      scf.if %cond3A_514 {
        %add3A_555 = arith.constant 3 : i32
        %add3A_556 = arith.addi %add3A_462, %add3A_555 : i32
        %dma_start3A_557 = arith.constant 1 : i32
        %dma_start3A_558 = arith.constant 5 : i32
        %dma_start3A_559 = arith.constant 0 : i32
        %dma_start3A_560 = arith.constant 0 : i32
        %dma_start3A_561 = tpu.memref_slice %arg6[%dma_start3A_558, %dma_start3A_559, %dma_start3A_560] : memref<6x100x128xf32, #tpu.memory_space<vmem>> -> memref<1x100x128xf32, #tpu.memory_space<vmem>>
        %dma_start3A_562 = tpu.memref_squeeze %dma_start3A_561 : memref<1x100x128xf32, #tpu.memory_space<vmem>> -> memref<100x128xf32, #tpu.memory_space<vmem>>
        %dma_start3A_563 = arith.constant 0 : i32
        %dma_start3A_564 = tpu.memref_slice %arg5[%add3A_556, %dma_start3A_557, %dma_start3A_563] : memref<128x2x100xi32, #tpu.memory_space<vmem>> -> memref<1x1x100xi32, #tpu.memory_space<vmem>>
        %dma_start3A_565 = tpu.memref_squeeze %dma_start3A_564 : memref<1x1x100xi32, #tpu.memory_space<vmem>> -> memref<100xi32, #tpu.memory_space<vmem>>
        %dma_start3A_566 = arith.constant 0 : i32
        %dma_start3A_567 = arith.constant 0 : i32
        %dma_start3A_568 = tpu.memref_slice %arg3[%dma_start3A_566, %dma_start3A_567] : memref<100000x128xf32, #tpu.memory_space<hbm>> -> memref<100000x128xf32, #tpu.memory_space<hbm>>
        tpu.enqueue_indirect_dma source(%dma_start3A_568 : memref<100000x128xf32, #tpu.memory_space<hbm>>) target(%dma_start3A_562 : memref<100x128xf32, #tpu.memory_space<vmem>>) offsets(%dma_start3A_565 : memref<100xi32, #tpu.memory_space<vmem>>) semaphore(%arg13 : memref<!tpu.dma_semaphore, #tpu.memory_space<semaphore_mem>>)
      } else {
      }
      %swap3A_515 = arith.index_cast %add3A_462 : i32 to index
      %swap3A_516 = arith.constant 0 : index
      %swap3A_517 = tpu.vector_load %arg7[%swap3A_515, %swap3A_516] {strides = array<i32>} : memref<128x128xf32, #tpu.memory_space<vmem>>, vector<1x16xf32>,
      %swap3A_518 = vector.shape_cast %swap3A_517 : vector<1x16xf32> to vector<16xf32>
      %swap3A_519 = vector.shape_cast %scan3A_506#0 : vector<16xf32> to vector<1x16xf32>
      tpu.vector_store %arg7[%swap3A_515, %swap3A_516], %swap3A_519 {strides = array<i32>} : memref<128x128xf32, #tpu.memory_space<vmem>>, vector<1x16xf32>,
      %swap3A_520 = arith.index_cast %add3A_462 : i32 to index
      %swap3A_521 = arith.constant 16 : index
      %swap3A_522 = tpu.vector_load %arg7[%swap3A_520, %swap3A_521] {strides = array<i32>} : memref<128x128xf32, #tpu.memory_space<vmem>>, vector<1x16xf32>,
      %swap3A_523 = vector.shape_cast %swap3A_522 : vector<1x16xf32> to vector<16xf32>
      %swap3A_524 = vector.shape_cast %scan3A_506#1 : vector<16xf32> to vector<1x16xf32>
      tpu.vector_store %arg7[%swap3A_520, %swap3A_521], %swap3A_524 {strides = array<i32>} : memref<128x128xf32, #tpu.memory_space<vmem>>, vector<1x16xf32>,
      %swap3A_525 = arith.index_cast %add3A_462 : i32 to index
      %swap3A_526 = arith.constant 32 : index
      %swap3A_527 = tpu.vector_load %arg7[%swap3A_525, %swap3A_526] {strides = array<i32>} : memref<128x128xf32, #tpu.memory_space<vmem>>, vector<1x16xf32>,
      %swap3A_528 = vector.shape_cast %swap3A_527 : vector<1x16xf32> to vector<16xf32>
      %swap3A_529 = vector.shape_cast %scan3A_506#2 : vector<16xf32> to vector<1x16xf32>
      tpu.vector_store %arg7[%swap3A_525, %swap3A_526], %swap3A_529 {strides = array<i32>} : memref<128x128xf32, #tpu.memory_space<vmem>>, vector<1x16xf32>,
      %swap3A_530 = arith.index_cast %add3A_462 : i32 to index
      %swap3A_531 = arith.constant 48 : index
      %swap3A_532 = tpu.vector_load %arg7[%swap3A_530, %swap3A_531] {strides = array<i32>} : memref<128x128xf32, #tpu.memory_space<vmem>>, vector<1x16xf32>,
      %swap3A_533 = vector.shape_cast %swap3A_532 : vector<1x16xf32> to vector<16xf32>
      %swap3A_534 = vector.shape_cast %scan3A_506#3 : vector<16xf32> to vector<1x16xf32>
      tpu.vector_store %arg7[%swap3A_530, %swap3A_531], %swap3A_534 {strides = array<i32>} : memref<128x128xf32, #tpu.memory_space<vmem>>, vector<1x16xf32>,
      %swap3A_535 = arith.index_cast %add3A_462 : i32 to index
      %swap3A_536 = arith.constant 64 : index
      %swap3A_537 = tpu.vector_load %arg7[%swap3A_535, %swap3A_536] {strides = array<i32>} : memref<128x128xf32, #tpu.memory_space<vmem>>, vector<1x16xf32>,
      %swap3A_538 = vector.shape_cast %swap3A_537 : vector<1x16xf32> to vector<16xf32>
      %swap3A_539 = vector.shape_cast %scan3A_506#4 : vector<16xf32> to vector<1x16xf32>
      tpu.vector_store %arg7[%swap3A_535, %swap3A_536], %swap3A_539 {strides = array<i32>} : memref<128x128xf32, #tpu.memory_space<vmem>>, vector<1x16xf32>,
      %swap3A_540 = arith.index_cast %add3A_462 : i32 to index
      %swap3A_541 = arith.constant 80 : index
      %swap3A_542 = tpu.vector_load %arg7[%swap3A_540, %swap3A_541] {strides = array<i32>} : memref<128x128xf32, #tpu.memory_space<vmem>>, vector<1x16xf32>,
      %swap3A_543 = vector.shape_cast %swap3A_542 : vector<1x16xf32> to vector<16xf32>
      %swap3A_544 = vector.shape_cast %scan3A_506#5 : vector<16xf32> to vector<1x16xf32>
      tpu.vector_store %arg7[%swap3A_540, %swap3A_541], %swap3A_544 {strides = array<i32>} : memref<128x128xf32, #tpu.memory_space<vmem>>, vector<1x16xf32>,
      %swap3A_545 = arith.index_cast %add3A_462 : i32 to index
      %swap3A_546 = arith.constant 96 : index
      %swap3A_547 = tpu.vector_load %arg7[%swap3A_545, %swap3A_546] {strides = array<i32>} : memref<128x128xf32, #tpu.memory_space<vmem>>, vector<1x16xf32>,
      %swap3A_548 = vector.shape_cast %swap3A_547 : vector<1x16xf32> to vector<16xf32>
      %swap3A_549 = vector.shape_cast %scan3A_506#6 : vector<16xf32> to vector<1x16xf32>
      tpu.vector_store %arg7[%swap3A_545, %swap3A_546], %swap3A_549 {strides = array<i32>} : memref<128x128xf32, #tpu.memory_space<vmem>>, vector<1x16xf32>,
      %swap3A_550 = arith.index_cast %add3A_462 : i32 to index
      %swap3A_551 = arith.constant 112 : index
      %swap3A_552 = tpu.vector_load %arg7[%swap3A_550, %swap3A_551] {strides = array<i32>} : memref<128x128xf32, #tpu.memory_space<vmem>>, vector<1x16xf32>,
      %swap3A_553 = vector.shape_cast %swap3A_552 : vector<1x16xf32> to vector<16xf32>
      %swap3A_554 = vector.shape_cast %scan3A_506#7 : vector<16xf32> to vector<1x16xf32>
      tpu.vector_store %arg7[%swap3A_550, %swap3A_551], %swap3A_554 {strides = array<i32>} : memref<128x128xf32, #tpu.memory_space<vmem>>, vector<1x16xf32>,
    }
    %scan3A_98 = arith.constant 42 : i32
    %dma_wait3A = arith.constant 0 : i32
    %dma_wait3A_99 = arith.constant 0 : i32
    %dma_wait3A_100 = arith.constant 0 : i32
    %dma_wait3A_101 = arith.constant 0 : i32
    %dma_wait3A_102 = arith.constant 0 : i32
    %dma_wait3A_103 = tpu.memref_slice %arg6[%dma_wait3A_100, %dma_wait3A_101, %dma_wait3A_102] : memref<6x100x128xf32, #tpu.memory_space<vmem>> -> memref<1x100x128xf32, #tpu.memory_space<vmem>>
    %dma_wait3A_104 = tpu.memref_squeeze %dma_wait3A_103 : memref<1x100x128xf32, #tpu.memory_space<vmem>> -> memref<100x128xf32, #tpu.memory_space<vmem>>
    %dma_wait3A_105 = arith.constant 0 : i32
    %dma_wait3A_106 = tpu.memref_slice %arg5[%dma_wait3A, %dma_wait3A_99, %dma_wait3A_105] : memref<128x2x100xi32, #tpu.memory_space<vmem>> -> memref<1x1x100xi32, #tpu.memory_space<vmem>>
    %dma_wait3A_107 = tpu.memref_squeeze %dma_wait3A_106 : memref<1x1x100xi32, #tpu.memory_space<vmem>> -> memref<100xi32, #tpu.memory_space<vmem>>
    %dma_wait3A_108 = arith.constant 0 : i32
    %dma_wait3A_109 = arith.constant 0 : i32
    %dma_wait3A_110 = tpu.memref_slice %arg3[%dma_wait3A_108, %dma_wait3A_109] : memref<100000x128xf32, #tpu.memory_space<hbm>> -> memref<100000x128xf32, #tpu.memory_space<hbm>>
    tpu.wait_indirect_dma semaphore(%arg8 : memref<!tpu.dma_semaphore, #tpu.memory_space<semaphore_mem>>) src(%dma_wait3A_110 : memref<100000x128xf32, #tpu.memory_space<hbm>>) dst(%dma_wait3A_104 : memref<100x128xf32, #tpu.memory_space<vmem>>)
    %scan3A_111 = arith.constant 0 : i32
    %scan3A_112 = arith.constant 100 : i32
    %scan3A_113 = arith.addi %scan3A_111, %scan3A_112 : i32
    %scan3A_114 = arith.constant 5 : i32
    %scan3A_115:8 = scf.for %scan3A_269 = %scan3A_111 to %scan3A_113 step %scan3A_114 iter_args(%scan3A_270 = %broadcast_in_dim3A_80, %scan3A_271 = %broadcast_in_dim3A_82, %scan3A_272 = %broadcast_in_dim3A_84, %scan3A_273 = %broadcast_in_dim3A_86, %scan3A_274 = %broadcast_in_dim3A_88, %scan3A_275 = %broadcast_in_dim3A_90, %scan3A_276 = %broadcast_in_dim3A_92, %scan3A_277 = %broadcast_in_dim3A_94) -> (vector<16xf32>, vector<16xf32>, vector<16xf32>, vector<16xf32>, vector<16xf32>, vector<16xf32>, vector<16xf32>, vector<16xf32>)  : i32 {
      %get3A = arith.constant 0 : i32
      %get3A_278 = arith.index_cast %get3A : i32 to index
      %get3A_279 = arith.index_cast %scan3A_269 : i32 to index
      %get3A_280 = arith.constant 0 : index
      %get3A_281 = tpu.vector_load %arg6[%get3A_278, %get3A_279, %get3A_280] {strides = array<i32>} : memref<6x100x128xf32, #tpu.memory_space<vmem>>, vector<1x1x16xf32>,
      %get3A_282 = vector.shape_cast %get3A_281 : vector<1x1x16xf32> to vector<16xf32>
      %add3A_283 = arith.addf %scan3A_270, %get3A_282 : vector<16xf32>
      %get3A_284 = arith.constant 0 : i32
      %get3A_285 = arith.index_cast %get3A_284 : i32 to index
      %get3A_286 = arith.index_cast %scan3A_269 : i32 to index
      %get3A_287 = arith.constant 16 : index
      %get3A_288 = tpu.vector_load %arg6[%get3A_285, %get3A_286, %get3A_287] {strides = array<i32>} : memref<6x100x128xf32, #tpu.memory_space<vmem>>, vector<1x1x16xf32>,
      %get3A_289 = vector.shape_cast %get3A_288 : vector<1x1x16xf32> to vector<16xf32>
      %add3A_290 = arith.addf %scan3A_271, %get3A_289 : vector<16xf32>
      %get3A_291 = arith.constant 0 : i32
      %get3A_292 = arith.index_cast %get3A_291 : i32 to index
      %get3A_293 = arith.index_cast %scan3A_269 : i32 to index
      %get3A_294 = arith.constant 32 : index
      %get3A_295 = tpu.vector_load %arg6[%get3A_292, %get3A_293, %get3A_294] {strides = array<i32>} : memref<6x100x128xf32, #tpu.memory_space<vmem>>, vector<1x1x16xf32>,
      %get3A_296 = vector.shape_cast %get3A_295 : vector<1x1x16xf32> to vector<16xf32>
      %add3A_297 = arith.addf %scan3A_272, %get3A_296 : vector<16xf32>
      %get3A_298 = arith.constant 0 : i32
      %get3A_299 = arith.index_cast %get3A_298 : i32 to index
      %get3A_300 = arith.index_cast %scan3A_269 : i32 to index
      %get3A_301 = arith.constant 48 : index
      %get3A_302 = tpu.vector_load %arg6[%get3A_299, %get3A_300, %get3A_301] {strides = array<i32>} : memref<6x100x128xf32, #tpu.memory_space<vmem>>, vector<1x1x16xf32>,
      %get3A_303 = vector.shape_cast %get3A_302 : vector<1x1x16xf32> to vector<16xf32>
      %add3A_304 = arith.addf %scan3A_273, %get3A_303 : vector<16xf32>
      %get3A_305 = arith.constant 0 : i32
      %get3A_306 = arith.index_cast %get3A_305 : i32 to index
      %get3A_307 = arith.index_cast %scan3A_269 : i32 to index
      %get3A_308 = arith.constant 64 : index
      %get3A_309 = tpu.vector_load %arg6[%get3A_306, %get3A_307, %get3A_308] {strides = array<i32>} : memref<6x100x128xf32, #tpu.memory_space<vmem>>, vector<1x1x16xf32>,
      %get3A_310 = vector.shape_cast %get3A_309 : vector<1x1x16xf32> to vector<16xf32>
      %add3A_311 = arith.addf %scan3A_274, %get3A_310 : vector<16xf32>
      %get3A_312 = arith.constant 0 : i32
      %get3A_313 = arith.index_cast %get3A_312 : i32 to index
      %get3A_314 = arith.index_cast %scan3A_269 : i32 to index
      %get3A_315 = arith.constant 80 : index
      %get3A_316 = tpu.vector_load %arg6[%get3A_313, %get3A_314, %get3A_315] {strides = array<i32>} : memref<6x100x128xf32, #tpu.memory_space<vmem>>, vector<1x1x16xf32>,
      %get3A_317 = vector.shape_cast %get3A_316 : vector<1x1x16xf32> to vector<16xf32>
      %add3A_318 = arith.addf %scan3A_275, %get3A_317 : vector<16xf32>
      %get3A_319 = arith.constant 0 : i32
      %get3A_320 = arith.index_cast %get3A_319 : i32 to index
      %get3A_321 = arith.index_cast %scan3A_269 : i32 to index
      %get3A_322 = arith.constant 96 : index
      %get3A_323 = tpu.vector_load %arg6[%get3A_320, %get3A_321, %get3A_322] {strides = array<i32>} : memref<6x100x128xf32, #tpu.memory_space<vmem>>, vector<1x1x16xf32>,
      %get3A_324 = vector.shape_cast %get3A_323 : vector<1x1x16xf32> to vector<16xf32>
      %add3A_325 = arith.addf %scan3A_276, %get3A_324 : vector<16xf32>
      %get3A_326 = arith.constant 0 : i32
      %get3A_327 = arith.index_cast %get3A_326 : i32 to index
      %get3A_328 = arith.index_cast %scan3A_269 : i32 to index
      %get3A_329 = arith.constant 112 : index
      %get3A_330 = tpu.vector_load %arg6[%get3A_327, %get3A_328, %get3A_329] {strides = array<i32>} : memref<6x100x128xf32, #tpu.memory_space<vmem>>, vector<1x1x16xf32>,
      %get3A_331 = vector.shape_cast %get3A_330 : vector<1x1x16xf32> to vector<16xf32>
      %add3A_332 = arith.addf %scan3A_277, %get3A_331 : vector<16xf32>
      %scan3A_333 = arith.constant 1 : i32
      %scan3A_334 = arith.addi %scan3A_269, %scan3A_333 : i32
      %get3A_335 = arith.constant 0 : i32
      %get3A_336 = arith.index_cast %get3A_335 : i32 to index
      %get3A_337 = arith.index_cast %scan3A_334 : i32 to index
      %get3A_338 = arith.constant 0 : index
      %get3A_339 = tpu.vector_load %arg6[%get3A_336, %get3A_337, %get3A_338] {strides = array<i32>} : memref<6x100x128xf32, #tpu.memory_space<vmem>>, vector<1x1x16xf32>,
      %get3A_340 = vector.shape_cast %get3A_339 : vector<1x1x16xf32> to vector<16xf32>
      %add3A_341 = arith.addf %add3A_283, %get3A_340 : vector<16xf32>
      %get3A_342 = arith.constant 0 : i32
      %get3A_343 = arith.index_cast %get3A_342 : i32 to index
      %get3A_344 = arith.index_cast %scan3A_334 : i32 to index
      %get3A_345 = arith.constant 16 : index
      %get3A_346 = tpu.vector_load %arg6[%get3A_343, %get3A_344, %get3A_345] {strides = array<i32>} : memref<6x100x128xf32, #tpu.memory_space<vmem>>, vector<1x1x16xf32>,
      %get3A_347 = vector.shape_cast %get3A_346 : vector<1x1x16xf32> to vector<16xf32>
      %add3A_348 = arith.addf %add3A_290, %get3A_347 : vector<16xf32>
      %get3A_349 = arith.constant 0 : i32
      %get3A_350 = arith.index_cast %get3A_349 : i32 to index
      %get3A_351 = arith.index_cast %scan3A_334 : i32 to index
      %get3A_352 = arith.constant 32 : index
      %get3A_353 = tpu.vector_load %arg6[%get3A_350, %get3A_351, %get3A_352] {strides = array<i32>} : memref<6x100x128xf32, #tpu.memory_space<vmem>>, vector<1x1x16xf32>,
      %get3A_354 = vector.shape_cast %get3A_353 : vector<1x1x16xf32> to vector<16xf32>
      %add3A_355 = arith.addf %add3A_297, %get3A_354 : vector<16xf32>
      %get3A_356 = arith.constant 0 : i32
      %get3A_357 = arith.index_cast %get3A_356 : i32 to index
      %get3A_358 = arith.index_cast %scan3A_334 : i32 to index
      %get3A_359 = arith.constant 48 : index
      %get3A_360 = tpu.vector_load %arg6[%get3A_357, %get3A_358, %get3A_359] {strides = array<i32>} : memref<6x100x128xf32, #tpu.memory_space<vmem>>, vector<1x1x16xf32>,
      %get3A_361 = vector.shape_cast %get3A_360 : vector<1x1x16xf32> to vector<16xf32>
      %add3A_362 = arith.addf %add3A_304, %get3A_361 : vector<16xf32>
      %get3A_363 = arith.constant 0 : i32
      %get3A_364 = arith.index_cast %get3A_363 : i32 to index
      %get3A_365 = arith.index_cast %scan3A_334 : i32 to index
      %get3A_366 = arith.constant 64 : index
      %get3A_367 = tpu.vector_load %arg6[%get3A_364, %get3A_365, %get3A_366] {strides = array<i32>} : memref<6x100x128xf32, #tpu.memory_space<vmem>>, vector<1x1x16xf32>,
      %get3A_368 = vector.shape_cast %get3A_367 : vector<1x1x16xf32> to vector<16xf32>
      %add3A_369 = arith.addf %add3A_311, %get3A_368 : vector<16xf32>
      %get3A_370 = arith.constant 0 : i32
      %get3A_371 = arith.index_cast %get3A_370 : i32 to index
      %get3A_372 = arith.index_cast %scan3A_334 : i32 to index
      %get3A_373 = arith.constant 80 : index
      %get3A_374 = tpu.vector_load %arg6[%get3A_371, %get3A_372, %get3A_373] {strides = array<i32>} : memref<6x100x128xf32, #tpu.memory_space<vmem>>, vector<1x1x16xf32>,
      %get3A_375 = vector.shape_cast %get3A_374 : vector<1x1x16xf32> to vector<16xf32>
      %add3A_376 = arith.addf %add3A_318, %get3A_375 : vector<16xf32>
      %get3A_377 = arith.constant 0 : i32
      %get3A_378 = arith.index_cast %get3A_377 : i32 to index
      %get3A_379 = arith.index_cast %scan3A_334 : i32 to index
      %get3A_380 = arith.constant 96 : index
      %get3A_381 = tpu.vector_load %arg6[%get3A_378, %get3A_379, %get3A_380] {strides = array<i32>} : memref<6x100x128xf32, #tpu.memory_space<vmem>>, vector<1x1x16xf32>,
      %get3A_382 = vector.shape_cast %get3A_381 : vector<1x1x16xf32> to vector<16xf32>
      %add3A_383 = arith.addf %add3A_325, %get3A_382 : vector<16xf32>
      %get3A_384 = arith.constant 0 : i32
      %get3A_385 = arith.index_cast %get3A_384 : i32 to index
      %get3A_386 = arith.index_cast %scan3A_334 : i32 to index
      %get3A_387 = arith.constant 112 : index
      %get3A_388 = tpu.vector_load %arg6[%get3A_385, %get3A_386, %get3A_387] {strides = array<i32>} : memref<6x100x128xf32, #tpu.memory_space<vmem>>, vector<1x1x16xf32>,
      %get3A_389 = vector.shape_cast %get3A_388 : vector<1x1x16xf32> to vector<16xf32>
      %add3A_390 = arith.addf %add3A_332, %get3A_389 : vector<16xf32>
      %scan3A_391 = arith.constant 2 : i32
      %scan3A_392 = arith.addi %scan3A_269, %scan3A_391 : i32
      %get3A_393 = arith.constant 0 : i32
      %get3A_394 = arith.index_cast %get3A_393 : i32 to index
      %get3A_395 = arith.index_cast %scan3A_392 : i32 to index
      %get3A_396 = arith.constant 0 : index
      %get3A_397 = tpu.vector_load %arg6[%get3A_394, %get3A_395, %get3A_396] {strides = array<i32>} : memref<6x100x128xf32, #tpu.memory_space<vmem>>, vector<1x1x16xf32>,
      %get3A_398 = vector.shape_cast %get3A_397 : vector<1x1x16xf32> to vector<16xf32>
      %add3A_399 = arith.addf %add3A_341, %get3A_398 : vector<16xf32>
      %get3A_400 = arith.constant 0 : i32
      %get3A_401 = arith.index_cast %get3A_400 : i32 to index
      %get3A_402 = arith.index_cast %scan3A_392 : i32 to index
      %get3A_403 = arith.constant 16 : index
      %get3A_404 = tpu.vector_load %arg6[%get3A_401, %get3A_402, %get3A_403] {strides = array<i32>} : memref<6x100x128xf32, #tpu.memory_space<vmem>>, vector<1x1x16xf32>,
      %get3A_405 = vector.shape_cast %get3A_404 : vector<1x1x16xf32> to vector<16xf32>
      %add3A_406 = arith.addf %add3A_348, %get3A_405 : vector<16xf32>
      %get3A_407 = arith.constant 0 : i32
      %get3A_408 = arith.index_cast %get3A_407 : i32 to index
      %get3A_409 = arith.index_cast %scan3A_392 : i32 to index
      %get3A_410 = arith.constant 32 : index
      %get3A_411 = tpu.vector_load %arg6[%get3A_408, %get3A_409, %get3A_410] {strides = array<i32>} : memref<6x100x128xf32, #tpu.memory_space<vmem>>, vector<1x1x16xf32>,
      %get3A_412 = vector.shape_cast %get3A_411 : vector<1x1x16xf32> to vector<16xf32>
      %add3A_413 = arith.addf %add3A_355, %get3A_412 : vector<16xf32>
      %get3A_414 = arith.constant 0 : i32
      %get3A_415 = arith.index_cast %get3A_414 : i32 to index
      %get3A_416 = arith.index_cast %scan3A_392 : i32 to index
      %get3A_417 = arith.constant 48 : index
      %get3A_418 = tpu.vector_load %arg6[%get3A_415, %get3A_416, %get3A_417] {strides = array<i32>} : memref<6x100x128xf32, #tpu.memory_space<vmem>>, vector<1x1x16xf32>,
      %get3A_419 = vector.shape_cast %get3A_418 : vector<1x1x16xf32> to vector<16xf32>
      %add3A_420 = arith.addf %add3A_362, %get3A_419 : vector<16xf32>
      %get3A_421 = arith.constant 0 : i32
      %get3A_422 = arith.index_cast %get3A_421 : i32 to index
      %get3A_423 = arith.index_cast %scan3A_392 : i32 to index
      %get3A_424 = arith.constant 64 : index
      %get3A_425 = tpu.vector_load %arg6[%get3A_422, %get3A_423, %get3A_424] {strides = array<i32>} : memref<6x100x128xf32, #tpu.memory_space<vmem>>, vector<1x1x16xf32>,
      %get3A_426 = vector.shape_cast %get3A_425 : vector<1x1x16xf32> to vector<16xf32>
      %add3A_427 = arith.addf %add3A_369, %get3A_426 : vector<16xf32>
      %get3A_428 = arith.constant 0 : i32
      %get3A_429 = arith.index_cast %get3A_428 : i32 to index
      %get3A_430 = arith.index_cast %scan3A_392 : i32 to index
      %get3A_431 = arith.constant 80 : index
      %get3A_432 = tpu.vector_load %arg6[%get3A_429, %get3A_430, %get3A_431] {strides = array<i32>} : memref<6x100x128xf32, #tpu.memory_space<vmem>>, vector<1x1x16xf32>,
      %get3A_433 = vector.shape_cast %get3A_432 : vector<1x1x16xf32> to vector<16xf32>
      %add3A_434 = arith.addf %add3A_376, %get3A_433 : vector<16xf32>
      %get3A_435 = arith.constant 0 : i32
      %get3A_436 = arith.index_cast %get3A_435 : i32 to index
      %get3A_437 = arith.index_cast %scan3A_392 : i32 to index
      %get3A_438 = arith.constant 96 : index
      %get3A_439 = tpu.vector_load %arg6[%get3A_436, %get3A_437, %get3A_438] {strides = array<i32>} : memref<6x100x128xf32, #tpu.memory_space<vmem>>, vector<1x1x16xf32>,
      %get3A_440 = vector.shape_cast %get3A_439 : vector<1x1x16xf32> to vector<16xf32>
      %add3A_441 = arith.addf %add3A_383, %get3A_440 : vector<16xf32>
      %get3A_442 = arith.constant 0 : i32
      %get3A_443 = arith.index_cast %get3A_442 : i32 to index
      %get3A_444 = arith.index_cast %scan3A_392 : i32 to index
      %get3A_445 = arith.constant 112 : index
      %get3A_446 = tpu.vector_load %arg6[%get3A_443, %get3A_444, %get3A_445] {strides = array<i32>} : memref<6x100x128xf32, #tpu.memory_space<vmem>>, vector<1x1x16xf32>,
      %get3A_447 = vector.shape_cast %get3A_446 : vector<1x1x16xf32> to vector<16xf32>
      %add3A_448 = arith.addf %add3A_390, %get3A_447 : vector<16xf32>
      %scan3A_449 = arith.constant 3 : i32
      %scan3A_450 = arith.addi %scan3A_269, %scan3A_449 : i32
      %get3A_451 = arith.constant 0 : i32
      %get3A_452 = arith.index_cast %get3A_451 : i32 to index
      %get3A_453 = arith.index_cast %scan3A_450 : i32 to index
      %get3A_454 = arith.constant 0 : index
      %get3A_455 = tpu.vector_load %arg6[%get3A_452, %get3A_453, %get3A_454] {strides = array<i32>} : memref<6x100x128xf32, #tpu.memory_space<vmem>>, vector<1x1x16xf32>,
      %get3A_456 = vector.shape_cast %get3A_455 : vector<1x1x16xf32> to vector<16xf32>
      %add3A_457 = arith.addf %add3A_399, %get3A_456 : vector<16xf32>
      %get3A_458 = arith.constant 0 : i32
      %get3A_459 = arith.index_cast %get3A_458 : i32 to index
      %get3A_460 = arith.index_cast %scan3A_450 : i32 to index
      %get3A_461 = arith.constant 16 : index
      %get3A_462 = tpu.vector_load %arg6[%get3A_459, %get3A_460, %get3A_461] {strides = array<i32>} : memref<6x100x128xf32, #tpu.memory_space<vmem>>, vector<1x1x16xf32>,
      %get3A_463 = vector.shape_cast %get3A_462 : vector<1x1x16xf32> to vector<16xf32>
      %add3A_464 = arith.addf %add3A_406, %get3A_463 : vector<16xf32>
      %get3A_465 = arith.constant 0 : i32
      %get3A_466 = arith.index_cast %get3A_465 : i32 to index
      %get3A_467 = arith.index_cast %scan3A_450 : i32 to index
      %get3A_468 = arith.constant 32 : index
      %get3A_469 = tpu.vector_load %arg6[%get3A_466, %get3A_467, %get3A_468] {strides = array<i32>} : memref<6x100x128xf32, #tpu.memory_space<vmem>>, vector<1x1x16xf32>,
      %get3A_470 = vector.shape_cast %get3A_469 : vector<1x1x16xf32> to vector<16xf32>
      %add3A_471 = arith.addf %add3A_413, %get3A_470 : vector<16xf32>
      %get3A_472 = arith.constant 0 : i32
      %get3A_473 = arith.index_cast %get3A_472 : i32 to index
      %get3A_474 = arith.index_cast %scan3A_450 : i32 to index
      %get3A_475 = arith.constant 48 : index
      %get3A_476 = tpu.vector_load %arg6[%get3A_473, %get3A_474, %get3A_475] {strides = array<i32>} : memref<6x100x128xf32, #tpu.memory_space<vmem>>, vector<1x1x16xf32>,
      %get3A_477 = vector.shape_cast %get3A_476 : vector<1x1x16xf32> to vector<16xf32>
      %add3A_478 = arith.addf %add3A_420, %get3A_477 : vector<16xf32>
      %get3A_479 = arith.constant 0 : i32
      %get3A_480 = arith.index_cast %get3A_479 : i32 to index
      %get3A_481 = arith.index_cast %scan3A_450 : i32 to index
      %get3A_482 = arith.constant 64 : index
      %get3A_483 = tpu.vector_load %arg6[%get3A_480, %get3A_481, %get3A_482] {strides = array<i32>} : memref<6x100x128xf32, #tpu.memory_space<vmem>>, vector<1x1x16xf32>,
      %get3A_484 = vector.shape_cast %get3A_483 : vector<1x1x16xf32> to vector<16xf32>
      %add3A_485 = arith.addf %add3A_427, %get3A_484 : vector<16xf32>
      %get3A_486 = arith.constant 0 : i32
      %get3A_487 = arith.index_cast %get3A_486 : i32 to index
      %get3A_488 = arith.index_cast %scan3A_450 : i32 to index
      %get3A_489 = arith.constant 80 : index
      %get3A_490 = tpu.vector_load %arg6[%get3A_487, %get3A_488, %get3A_489] {strides = array<i32>} : memref<6x100x128xf32, #tpu.memory_space<vmem>>, vector<1x1x16xf32>,
      %get3A_491 = vector.shape_cast %get3A_490 : vector<1x1x16xf32> to vector<16xf32>
      %add3A_492 = arith.addf %add3A_434, %get3A_491 : vector<16xf32>
      %get3A_493 = arith.constant 0 : i32
      %get3A_494 = arith.index_cast %get3A_493 : i32 to index
      %get3A_495 = arith.index_cast %scan3A_450 : i32 to index
      %get3A_496 = arith.constant 96 : index
      %get3A_497 = tpu.vector_load %arg6[%get3A_494, %get3A_495, %get3A_496] {strides = array<i32>} : memref<6x100x128xf32, #tpu.memory_space<vmem>>, vector<1x1x16xf32>,
      %get3A_498 = vector.shape_cast %get3A_497 : vector<1x1x16xf32> to vector<16xf32>
      %add3A_499 = arith.addf %add3A_441, %get3A_498 : vector<16xf32>
      %get3A_500 = arith.constant 0 : i32
      %get3A_501 = arith.index_cast %get3A_500 : i32 to index
      %get3A_502 = arith.index_cast %scan3A_450 : i32 to index
      %get3A_503 = arith.constant 112 : index
      %get3A_504 = tpu.vector_load %arg6[%get3A_501, %get3A_502, %get3A_503] {strides = array<i32>} : memref<6x100x128xf32, #tpu.memory_space<vmem>>, vector<1x1x16xf32>,
      %get3A_505 = vector.shape_cast %get3A_504 : vector<1x1x16xf32> to vector<16xf32>
      %add3A_506 = arith.addf %add3A_448, %get3A_505 : vector<16xf32>
      %scan3A_507 = arith.constant 4 : i32
      %scan3A_508 = arith.addi %scan3A_269, %scan3A_507 : i32
      %get3A_509 = arith.constant 0 : i32
      %get3A_510 = arith.index_cast %get3A_509 : i32 to index
      %get3A_511 = arith.index_cast %scan3A_508 : i32 to index
      %get3A_512 = arith.constant 0 : index
      %get3A_513 = tpu.vector_load %arg6[%get3A_510, %get3A_511, %get3A_512] {strides = array<i32>} : memref<6x100x128xf32, #tpu.memory_space<vmem>>, vector<1x1x16xf32>,
      %get3A_514 = vector.shape_cast %get3A_513 : vector<1x1x16xf32> to vector<16xf32>
      %add3A_515 = arith.addf %add3A_457, %get3A_514 : vector<16xf32>
      %get3A_516 = arith.constant 0 : i32
      %get3A_517 = arith.index_cast %get3A_516 : i32 to index
      %get3A_518 = arith.index_cast %scan3A_508 : i32 to index
      %get3A_519 = arith.constant 16 : index
      %get3A_520 = tpu.vector_load %arg6[%get3A_517, %get3A_518, %get3A_519] {strides = array<i32>} : memref<6x100x128xf32, #tpu.memory_space<vmem>>, vector<1x1x16xf32>,
      %get3A_521 = vector.shape_cast %get3A_520 : vector<1x1x16xf32> to vector<16xf32>
      %add3A_522 = arith.addf %add3A_464, %get3A_521 : vector<16xf32>
      %get3A_523 = arith.constant 0 : i32
      %get3A_524 = arith.index_cast %get3A_523 : i32 to index
      %get3A_525 = arith.index_cast %scan3A_508 : i32 to index
      %get3A_526 = arith.constant 32 : index
      %get3A_527 = tpu.vector_load %arg6[%get3A_524, %get3A_525, %get3A_526] {strides = array<i32>} : memref<6x100x128xf32, #tpu.memory_space<vmem>>, vector<1x1x16xf32>,
      %get3A_528 = vector.shape_cast %get3A_527 : vector<1x1x16xf32> to vector<16xf32>
      %add3A_529 = arith.addf %add3A_471, %get3A_528 : vector<16xf32>
      %get3A_530 = arith.constant 0 : i32
      %get3A_531 = arith.index_cast %get3A_530 : i32 to index
      %get3A_532 = arith.index_cast %scan3A_508 : i32 to index
      %get3A_533 = arith.constant 48 : index
      %get3A_534 = tpu.vector_load %arg6[%get3A_531, %get3A_532, %get3A_533] {strides = array<i32>} : memref<6x100x128xf32, #tpu.memory_space<vmem>>, vector<1x1x16xf32>,
      %get3A_535 = vector.shape_cast %get3A_534 : vector<1x1x16xf32> to vector<16xf32>
      %add3A_536 = arith.addf %add3A_478, %get3A_535 : vector<16xf32>
      %get3A_537 = arith.constant 0 : i32
      %get3A_538 = arith.index_cast %get3A_537 : i32 to index
      %get3A_539 = arith.index_cast %scan3A_508 : i32 to index
      %get3A_540 = arith.constant 64 : index
      %get3A_541 = tpu.vector_load %arg6[%get3A_538, %get3A_539, %get3A_540] {strides = array<i32>} : memref<6x100x128xf32, #tpu.memory_space<vmem>>, vector<1x1x16xf32>,
      %get3A_542 = vector.shape_cast %get3A_541 : vector<1x1x16xf32> to vector<16xf32>
      %add3A_543 = arith.addf %add3A_485, %get3A_542 : vector<16xf32>
      %get3A_544 = arith.constant 0 : i32
      %get3A_545 = arith.index_cast %get3A_544 : i32 to index
      %get3A_546 = arith.index_cast %scan3A_508 : i32 to index
      %get3A_547 = arith.constant 80 : index
      %get3A_548 = tpu.vector_load %arg6[%get3A_545, %get3A_546, %get3A_547] {strides = array<i32>} : memref<6x100x128xf32, #tpu.memory_space<vmem>>, vector<1x1x16xf32>,
      %get3A_549 = vector.shape_cast %get3A_548 : vector<1x1x16xf32> to vector<16xf32>
      %add3A_550 = arith.addf %add3A_492, %get3A_549 : vector<16xf32>
      %get3A_551 = arith.constant 0 : i32
      %get3A_552 = arith.index_cast %get3A_551 : i32 to index
      %get3A_553 = arith.index_cast %scan3A_508 : i32 to index
      %get3A_554 = arith.constant 96 : index
      %get3A_555 = tpu.vector_load %arg6[%get3A_552, %get3A_553, %get3A_554] {strides = array<i32>} : memref<6x100x128xf32, #tpu.memory_space<vmem>>, vector<1x1x16xf32>,
      %get3A_556 = vector.shape_cast %get3A_555 : vector<1x1x16xf32> to vector<16xf32>
      %add3A_557 = arith.addf %add3A_499, %get3A_556 : vector<16xf32>
      %get3A_558 = arith.constant 0 : i32
      %get3A_559 = arith.index_cast %get3A_558 : i32 to index
      %get3A_560 = arith.index_cast %scan3A_508 : i32 to index
      %get3A_561 = arith.constant 112 : index
      %get3A_562 = tpu.vector_load %arg6[%get3A_559, %get3A_560, %get3A_561] {strides = array<i32>} : memref<6x100x128xf32, #tpu.memory_space<vmem>>, vector<1x1x16xf32>,
      %get3A_563 = vector.shape_cast %get3A_562 : vector<1x1x16xf32> to vector<16xf32>
      %add3A_564 = arith.addf %add3A_506, %get3A_563 : vector<16xf32>
      scf.yield %add3A_515, %add3A_522, %add3A_529, %add3A_536, %add3A_543, %add3A_550, %add3A_557, %add3A_564 : vector<16xf32>, vector<16xf32>, vector<16xf32>, vector<16xf32>, vector<16xf32>, vector<16xf32>, vector<16xf32>, vector<16xf32>
    }
    %scan3A_116 = arith.constant 100 : i32
    %dma_wait3A_117 = arith.constant 0 : i32
    %dma_wait3A_118 = arith.constant 0 : i32
    %dma_wait3A_119 = arith.constant 1 : i32
    %dma_wait3A_120 = arith.constant 0 : i32
    %dma_wait3A_121 = arith.constant 0 : i32
    %dma_wait3A_122 = tpu.memref_slice %arg6[%dma_wait3A_119, %dma_wait3A_120, %dma_wait3A_121] : memref<6x100x128xf32, #tpu.memory_space<vmem>> -> memref<1x100x128xf32, #tpu.memory_space<vmem>>
    %dma_wait3A_123 = tpu.memref_squeeze %dma_wait3A_122 : memref<1x100x128xf32, #tpu.memory_space<vmem>> -> memref<100x128xf32, #tpu.memory_space<vmem>>
    %dma_wait3A_124 = arith.constant 0 : i32
    %dma_wait3A_125 = tpu.memref_slice %arg5[%dma_wait3A_117, %dma_wait3A_118, %dma_wait3A_124] : memref<128x2x100xi32, #tpu.memory_space<vmem>> -> memref<1x1x100xi32, #tpu.memory_space<vmem>>
    %dma_wait3A_126 = tpu.memref_squeeze %dma_wait3A_125 : memref<1x1x100xi32, #tpu.memory_space<vmem>> -> memref<100xi32, #tpu.memory_space<vmem>>
    %dma_wait3A_127 = arith.constant 0 : i32
    %dma_wait3A_128 = arith.constant 0 : i32
    %dma_wait3A_129 = tpu.memref_slice %arg3[%dma_wait3A_127, %dma_wait3A_128] : memref<100000x128xf32, #tpu.memory_space<hbm>> -> memref<100000x128xf32, #tpu.memory_space<hbm>>
    tpu.wait_indirect_dma semaphore(%arg9 : memref<!tpu.dma_semaphore, #tpu.memory_space<semaphore_mem>>) src(%dma_wait3A_129 : memref<100000x128xf32, #tpu.memory_space<hbm>>) dst(%dma_wait3A_123 : memref<100x128xf32, #tpu.memory_space<vmem>>)
    %scan3A_130 = arith.constant 0 : i32
    %scan3A_131 = arith.constant 100 : i32
    %scan3A_132 = arith.addi %scan3A_130, %scan3A_131 : i32
    %scan3A_133 = arith.constant 5 : i32
    %scan3A_134:8 = scf.for %scan3A_269 = %scan3A_130 to %scan3A_132 step %scan3A_133 iter_args(%scan3A_270 = %scan3A_115#0, %scan3A_271 = %scan3A_115#1, %scan3A_272 = %scan3A_115#2, %scan3A_273 = %scan3A_115#3, %scan3A_274 = %scan3A_115#4, %scan3A_275 = %scan3A_115#5, %scan3A_276 = %scan3A_115#6, %scan3A_277 = %scan3A_115#7) -> (vector<16xf32>, vector<16xf32>, vector<16xf32>, vector<16xf32>, vector<16xf32>, vector<16xf32>, vector<16xf32>, vector<16xf32>)  : i32 {
      %get3A = arith.constant 1 : i32
      %get3A_278 = arith.index_cast %get3A : i32 to index
      %get3A_279 = arith.index_cast %scan3A_269 : i32 to index
      %get3A_280 = arith.constant 0 : index
      %get3A_281 = tpu.vector_load %arg6[%get3A_278, %get3A_279, %get3A_280] {strides = array<i32>} : memref<6x100x128xf32, #tpu.memory_space<vmem>>, vector<1x1x16xf32>,
      %get3A_282 = vector.shape_cast %get3A_281 : vector<1x1x16xf32> to vector<16xf32>
      %add3A_283 = arith.addf %scan3A_270, %get3A_282 : vector<16xf32>
      %get3A_284 = arith.constant 1 : i32
      %get3A_285 = arith.index_cast %get3A_284 : i32 to index
      %get3A_286 = arith.index_cast %scan3A_269 : i32 to index
      %get3A_287 = arith.constant 16 : index
      %get3A_288 = tpu.vector_load %arg6[%get3A_285, %get3A_286, %get3A_287] {strides = array<i32>} : memref<6x100x128xf32, #tpu.memory_space<vmem>>, vector<1x1x16xf32>,
      %get3A_289 = vector.shape_cast %get3A_288 : vector<1x1x16xf32> to vector<16xf32>
      %add3A_290 = arith.addf %scan3A_271, %get3A_289 : vector<16xf32>
      %get3A_291 = arith.constant 1 : i32
      %get3A_292 = arith.index_cast %get3A_291 : i32 to index
      %get3A_293 = arith.index_cast %scan3A_269 : i32 to index
      %get3A_294 = arith.constant 32 : index
      %get3A_295 = tpu.vector_load %arg6[%get3A_292, %get3A_293, %get3A_294] {strides = array<i32>} : memref<6x100x128xf32, #tpu.memory_space<vmem>>, vector<1x1x16xf32>,
      %get3A_296 = vector.shape_cast %get3A_295 : vector<1x1x16xf32> to vector<16xf32>
      %add3A_297 = arith.addf %scan3A_272, %get3A_296 : vector<16xf32>
      %get3A_298 = arith.constant 1 : i32
      %get3A_299 = arith.index_cast %get3A_298 : i32 to index
      %get3A_300 = arith.index_cast %scan3A_269 : i32 to index
      %get3A_301 = arith.constant 48 : index
      %get3A_302 = tpu.vector_load %arg6[%get3A_299, %get3A_300, %get3A_301] {strides = array<i32>} : memref<6x100x128xf32, #tpu.memory_space<vmem>>, vector<1x1x16xf32>,
      %get3A_303 = vector.shape_cast %get3A_302 : vector<1x1x16xf32> to vector<16xf32>
      %add3A_304 = arith.addf %scan3A_273, %get3A_303 : vector<16xf32>
      %get3A_305 = arith.constant 1 : i32
      %get3A_306 = arith.index_cast %get3A_305 : i32 to index
      %get3A_307 = arith.index_cast %scan3A_269 : i32 to index
      %get3A_308 = arith.constant 64 : index
      %get3A_309 = tpu.vector_load %arg6[%get3A_306, %get3A_307, %get3A_308] {strides = array<i32>} : memref<6x100x128xf32, #tpu.memory_space<vmem>>, vector<1x1x16xf32>,
      %get3A_310 = vector.shape_cast %get3A_309 : vector<1x1x16xf32> to vector<16xf32>
      %add3A_311 = arith.addf %scan3A_274, %get3A_310 : vector<16xf32>
      %get3A_312 = arith.constant 1 : i32
      %get3A_313 = arith.index_cast %get3A_312 : i32 to index
      %get3A_314 = arith.index_cast %scan3A_269 : i32 to index
      %get3A_315 = arith.constant 80 : index
      %get3A_316 = tpu.vector_load %arg6[%get3A_313, %get3A_314, %get3A_315] {strides = array<i32>} : memref<6x100x128xf32, #tpu.memory_space<vmem>>, vector<1x1x16xf32>,
      %get3A_317 = vector.shape_cast %get3A_316 : vector<1x1x16xf32> to vector<16xf32>
      %add3A_318 = arith.addf %scan3A_275, %get3A_317 : vector<16xf32>
      %get3A_319 = arith.constant 1 : i32
      %get3A_320 = arith.index_cast %get3A_319 : i32 to index
      %get3A_321 = arith.index_cast %scan3A_269 : i32 to index
      %get3A_322 = arith.constant 96 : index
      %get3A_323 = tpu.vector_load %arg6[%get3A_320, %get3A_321, %get3A_322] {strides = array<i32>} : memref<6x100x128xf32, #tpu.memory_space<vmem>>, vector<1x1x16xf32>,
      %get3A_324 = vector.shape_cast %get3A_323 : vector<1x1x16xf32> to vector<16xf32>
      %add3A_325 = arith.addf %scan3A_276, %get3A_324 : vector<16xf32>
      %get3A_326 = arith.constant 1 : i32
      %get3A_327 = arith.index_cast %get3A_326 : i32 to index
      %get3A_328 = arith.index_cast %scan3A_269 : i32 to index
      %get3A_329 = arith.constant 112 : index
      %get3A_330 = tpu.vector_load %arg6[%get3A_327, %get3A_328, %get3A_329] {strides = array<i32>} : memref<6x100x128xf32, #tpu.memory_space<vmem>>, vector<1x1x16xf32>,
      %get3A_331 = vector.shape_cast %get3A_330 : vector<1x1x16xf32> to vector<16xf32>
      %add3A_332 = arith.addf %scan3A_277, %get3A_331 : vector<16xf32>
      %scan3A_333 = arith.constant 1 : i32
      %scan3A_334 = arith.addi %scan3A_269, %scan3A_333 : i32
      %get3A_335 = arith.constant 1 : i32
      %get3A_336 = arith.index_cast %get3A_335 : i32 to index
      %get3A_337 = arith.index_cast %scan3A_334 : i32 to index
      %get3A_338 = arith.constant 0 : index
      %get3A_339 = tpu.vector_load %arg6[%get3A_336, %get3A_337, %get3A_338] {strides = array<i32>} : memref<6x100x128xf32, #tpu.memory_space<vmem>>, vector<1x1x16xf32>,
      %get3A_340 = vector.shape_cast %get3A_339 : vector<1x1x16xf32> to vector<16xf32>
      %add3A_341 = arith.addf %add3A_283, %get3A_340 : vector<16xf32>
      %get3A_342 = arith.constant 1 : i32
      %get3A_343 = arith.index_cast %get3A_342 : i32 to index
      %get3A_344 = arith.index_cast %scan3A_334 : i32 to index
      %get3A_345 = arith.constant 16 : index
      %get3A_346 = tpu.vector_load %arg6[%get3A_343, %get3A_344, %get3A_345] {strides = array<i32>} : memref<6x100x128xf32, #tpu.memory_space<vmem>>, vector<1x1x16xf32>,
      %get3A_347 = vector.shape_cast %get3A_346 : vector<1x1x16xf32> to vector<16xf32>
      %add3A_348 = arith.addf %add3A_290, %get3A_347 : vector<16xf32>
      %get3A_349 = arith.constant 1 : i32
      %get3A_350 = arith.index_cast %get3A_349 : i32 to index
      %get3A_351 = arith.index_cast %scan3A_334 : i32 to index
      %get3A_352 = arith.constant 32 : index
      %get3A_353 = tpu.vector_load %arg6[%get3A_350, %get3A_351, %get3A_352] {strides = array<i32>} : memref<6x100x128xf32, #tpu.memory_space<vmem>>, vector<1x1x16xf32>,
      %get3A_354 = vector.shape_cast %get3A_353 : vector<1x1x16xf32> to vector<16xf32>
      %add3A_355 = arith.addf %add3A_297, %get3A_354 : vector<16xf32>
      %get3A_356 = arith.constant 1 : i32
      %get3A_357 = arith.index_cast %get3A_356 : i32 to index
      %get3A_358 = arith.index_cast %scan3A_334 : i32 to index
      %get3A_359 = arith.constant 48 : index
      %get3A_360 = tpu.vector_load %arg6[%get3A_357, %get3A_358, %get3A_359] {strides = array<i32>} : memref<6x100x128xf32, #tpu.memory_space<vmem>>, vector<1x1x16xf32>,
      %get3A_361 = vector.shape_cast %get3A_360 : vector<1x1x16xf32> to vector<16xf32>
      %add3A_362 = arith.addf %add3A_304, %get3A_361 : vector<16xf32>
      %get3A_363 = arith.constant 1 : i32
      %get3A_364 = arith.index_cast %get3A_363 : i32 to index
      %get3A_365 = arith.index_cast %scan3A_334 : i32 to index
      %get3A_366 = arith.constant 64 : index
      %get3A_367 = tpu.vector_load %arg6[%get3A_364, %get3A_365, %get3A_366] {strides = array<i32>} : memref<6x100x128xf32, #tpu.memory_space<vmem>>, vector<1x1x16xf32>,
      %get3A_368 = vector.shape_cast %get3A_367 : vector<1x1x16xf32> to vector<16xf32>
      %add3A_369 = arith.addf %add3A_311, %get3A_368 : vector<16xf32>
      %get3A_370 = arith.constant 1 : i32
      %get3A_371 = arith.index_cast %get3A_370 : i32 to index
      %get3A_372 = arith.index_cast %scan3A_334 : i32 to index
      %get3A_373 = arith.constant 80 : index
      %get3A_374 = tpu.vector_load %arg6[%get3A_371, %get3A_372, %get3A_373] {strides = array<i32>} : memref<6x100x128xf32, #tpu.memory_space<vmem>>, vector<1x1x16xf32>,
      %get3A_375 = vector.shape_cast %get3A_374 : vector<1x1x16xf32> to vector<16xf32>
      %add3A_376 = arith.addf %add3A_318, %get3A_375 : vector<16xf32>
      %get3A_377 = arith.constant 1 : i32
      %get3A_378 = arith.index_cast %get3A_377 : i32 to index
      %get3A_379 = arith.index_cast %scan3A_334 : i32 to index
      %get3A_380 = arith.constant 96 : index
      %get3A_381 = tpu.vector_load %arg6[%get3A_378, %get3A_379, %get3A_380] {strides = array<i32>} : memref<6x100x128xf32, #tpu.memory_space<vmem>>, vector<1x1x16xf32>,
      %get3A_382 = vector.shape_cast %get3A_381 : vector<1x1x16xf32> to vector<16xf32>
      %add3A_383 = arith.addf %add3A_325, %get3A_382 : vector<16xf32>
      %get3A_384 = arith.constant 1 : i32
      %get3A_385 = arith.index_cast %get3A_384 : i32 to index
      %get3A_386 = arith.index_cast %scan3A_334 : i32 to index
      %get3A_387 = arith.constant 112 : index
      %get3A_388 = tpu.vector_load %arg6[%get3A_385, %get3A_386, %get3A_387] {strides = array<i32>} : memref<6x100x128xf32, #tpu.memory_space<vmem>>, vector<1x1x16xf32>,
      %get3A_389 = vector.shape_cast %get3A_388 : vector<1x1x16xf32> to vector<16xf32>
      %add3A_390 = arith.addf %add3A_332, %get3A_389 : vector<16xf32>
      %scan3A_391 = arith.constant 2 : i32
      %scan3A_392 = arith.addi %scan3A_269, %scan3A_391 : i32
      %get3A_393 = arith.constant 1 : i32
      %get3A_394 = arith.index_cast %get3A_393 : i32 to index
      %get3A_395 = arith.index_cast %scan3A_392 : i32 to index
      %get3A_396 = arith.constant 0 : index
      %get3A_397 = tpu.vector_load %arg6[%get3A_394, %get3A_395, %get3A_396] {strides = array<i32>} : memref<6x100x128xf32, #tpu.memory_space<vmem>>, vector<1x1x16xf32>,
      %get3A_398 = vector.shape_cast %get3A_397 : vector<1x1x16xf32> to vector<16xf32>
      %add3A_399 = arith.addf %add3A_341, %get3A_398 : vector<16xf32>
      %get3A_400 = arith.constant 1 : i32
      %get3A_401 = arith.index_cast %get3A_400 : i32 to index
      %get3A_402 = arith.index_cast %scan3A_392 : i32 to index
      %get3A_403 = arith.constant 16 : index
      %get3A_404 = tpu.vector_load %arg6[%get3A_401, %get3A_402, %get3A_403] {strides = array<i32>} : memref<6x100x128xf32, #tpu.memory_space<vmem>>, vector<1x1x16xf32>,
      %get3A_405 = vector.shape_cast %get3A_404 : vector<1x1x16xf32> to vector<16xf32>
      %add3A_406 = arith.addf %add3A_348, %get3A_405 : vector<16xf32>
      %get3A_407 = arith.constant 1 : i32
      %get3A_408 = arith.index_cast %get3A_407 : i32 to index
      %get3A_409 = arith.index_cast %scan3A_392 : i32 to index
      %get3A_410 = arith.constant 32 : index
      %get3A_411 = tpu.vector_load %arg6[%get3A_408, %get3A_409, %get3A_410] {strides = array<i32>} : memref<6x100x128xf32, #tpu.memory_space<vmem>>, vector<1x1x16xf32>,
      %get3A_412 = vector.shape_cast %get3A_411 : vector<1x1x16xf32> to vector<16xf32>
      %add3A_413 = arith.addf %add3A_355, %get3A_412 : vector<16xf32>
      %get3A_414 = arith.constant 1 : i32
      %get3A_415 = arith.index_cast %get3A_414 : i32 to index
      %get3A_416 = arith.index_cast %scan3A_392 : i32 to index
      %get3A_417 = arith.constant 48 : index
      %get3A_418 = tpu.vector_load %arg6[%get3A_415, %get3A_416, %get3A_417] {strides = array<i32>} : memref<6x100x128xf32, #tpu.memory_space<vmem>>, vector<1x1x16xf32>,
      %get3A_419 = vector.shape_cast %get3A_418 : vector<1x1x16xf32> to vector<16xf32>
      %add3A_420 = arith.addf %add3A_362, %get3A_419 : vector<16xf32>
      %get3A_421 = arith.constant 1 : i32
      %get3A_422 = arith.index_cast %get3A_421 : i32 to index
      %get3A_423 = arith.index_cast %scan3A_392 : i32 to index
      %get3A_424 = arith.constant 64 : index
      %get3A_425 = tpu.vector_load %arg6[%get3A_422, %get3A_423, %get3A_424] {strides = array<i32>} : memref<6x100x128xf32, #tpu.memory_space<vmem>>, vector<1x1x16xf32>,
      %get3A_426 = vector.shape_cast %get3A_425 : vector<1x1x16xf32> to vector<16xf32>
      %add3A_427 = arith.addf %add3A_369, %get3A_426 : vector<16xf32>
      %get3A_428 = arith.constant 1 : i32
      %get3A_429 = arith.index_cast %get3A_428 : i32 to index
      %get3A_430 = arith.index_cast %scan3A_392 : i32 to index
      %get3A_431 = arith.constant 80 : index
      %get3A_432 = tpu.vector_load %arg6[%get3A_429, %get3A_430, %get3A_431] {strides = array<i32>} : memref<6x100x128xf32, #tpu.memory_space<vmem>>, vector<1x1x16xf32>,
      %get3A_433 = vector.shape_cast %get3A_432 : vector<1x1x16xf32> to vector<16xf32>
      %add3A_434 = arith.addf %add3A_376, %get3A_433 : vector<16xf32>
      %get3A_435 = arith.constant 1 : i32
      %get3A_436 = arith.index_cast %get3A_435 : i32 to index
      %get3A_437 = arith.index_cast %scan3A_392 : i32 to index
      %get3A_438 = arith.constant 96 : index
      %get3A_439 = tpu.vector_load %arg6[%get3A_436, %get3A_437, %get3A_438] {strides = array<i32>} : memref<6x100x128xf32, #tpu.memory_space<vmem>>, vector<1x1x16xf32>,
      %get3A_440 = vector.shape_cast %get3A_439 : vector<1x1x16xf32> to vector<16xf32>
      %add3A_441 = arith.addf %add3A_383, %get3A_440 : vector<16xf32>
      %get3A_442 = arith.constant 1 : i32
      %get3A_443 = arith.index_cast %get3A_442 : i32 to index
      %get3A_444 = arith.index_cast %scan3A_392 : i32 to index
      %get3A_445 = arith.constant 112 : index
      %get3A_446 = tpu.vector_load %arg6[%get3A_443, %get3A_444, %get3A_445] {strides = array<i32>} : memref<6x100x128xf32, #tpu.memory_space<vmem>>, vector<1x1x16xf32>,
      %get3A_447 = vector.shape_cast %get3A_446 : vector<1x1x16xf32> to vector<16xf32>
      %add3A_448 = arith.addf %add3A_390, %get3A_447 : vector<16xf32>
      %scan3A_449 = arith.constant 3 : i32
      %scan3A_450 = arith.addi %scan3A_269, %scan3A_449 : i32
      %get3A_451 = arith.constant 1 : i32
      %get3A_452 = arith.index_cast %get3A_451 : i32 to index
      %get3A_453 = arith.index_cast %scan3A_450 : i32 to index
      %get3A_454 = arith.constant 0 : index
      %get3A_455 = tpu.vector_load %arg6[%get3A_452, %get3A_453, %get3A_454] {strides = array<i32>} : memref<6x100x128xf32, #tpu.memory_space<vmem>>, vector<1x1x16xf32>,
      %get3A_456 = vector.shape_cast %get3A_455 : vector<1x1x16xf32> to vector<16xf32>
      %add3A_457 = arith.addf %add3A_399, %get3A_456 : vector<16xf32>
      %get3A_458 = arith.constant 1 : i32
      %get3A_459 = arith.index_cast %get3A_458 : i32 to index
      %get3A_460 = arith.index_cast %scan3A_450 : i32 to index
      %get3A_461 = arith.constant 16 : index
      %get3A_462 = tpu.vector_load %arg6[%get3A_459, %get3A_460, %get3A_461] {strides = array<i32>} : memref<6x100x128xf32, #tpu.memory_space<vmem>>, vector<1x1x16xf32>,
      %get3A_463 = vector.shape_cast %get3A_462 : vector<1x1x16xf32> to vector<16xf32>
      %add3A_464 = arith.addf %add3A_406, %get3A_463 : vector<16xf32>
      %get3A_465 = arith.constant 1 : i32
      %get3A_466 = arith.index_cast %get3A_465 : i32 to index
      %get3A_467 = arith.index_cast %scan3A_450 : i32 to index
      %get3A_468 = arith.constant 32 : index
      %get3A_469 = tpu.vector_load %arg6[%get3A_466, %get3A_467, %get3A_468] {strides = array<i32>} : memref<6x100x128xf32, #tpu.memory_space<vmem>>, vector<1x1x16xf32>,
      %get3A_470 = vector.shape_cast %get3A_469 : vector<1x1x16xf32> to vector<16xf32>
      %add3A_471 = arith.addf %add3A_413, %get3A_470 : vector<16xf32>
      %get3A_472 = arith.constant 1 : i32
      %get3A_473 = arith.index_cast %get3A_472 : i32 to index
      %get3A_474 = arith.index_cast %scan3A_450 : i32 to index
      %get3A_475 = arith.constant 48 : index
      %get3A_476 = tpu.vector_load %arg6[%get3A_473, %get3A_474, %get3A_475] {strides = array<i32>} : memref<6x100x128xf32, #tpu.memory_space<vmem>>, vector<1x1x16xf32>,
      %get3A_477 = vector.shape_cast %get3A_476 : vector<1x1x16xf32> to vector<16xf32>
      %add3A_478 = arith.addf %add3A_420, %get3A_477 : vector<16xf32>
      %get3A_479 = arith.constant 1 : i32
      %get3A_480 = arith.index_cast %get3A_479 : i32 to index
      %get3A_481 = arith.index_cast %scan3A_450 : i32 to index
      %get3A_482 = arith.constant 64 : index
      %get3A_483 = tpu.vector_load %arg6[%get3A_480, %get3A_481, %get3A_482] {strides = array<i32>} : memref<6x100x128xf32, #tpu.memory_space<vmem>>, vector<1x1x16xf32>,
      %get3A_484 = vector.shape_cast %get3A_483 : vector<1x1x16xf32> to vector<16xf32>
      %add3A_485 = arith.addf %add3A_427, %get3A_484 : vector<16xf32>
      %get3A_486 = arith.constant 1 : i32
      %get3A_487 = arith.index_cast %get3A_486 : i32 to index
      %get3A_488 = arith.index_cast %scan3A_450 : i32 to index
      %get3A_489 = arith.constant 80 : index
      %get3A_490 = tpu.vector_load %arg6[%get3A_487, %get3A_488, %get3A_489] {strides = array<i32>} : memref<6x100x128xf32, #tpu.memory_space<vmem>>, vector<1x1x16xf32>,
      %get3A_491 = vector.shape_cast %get3A_490 : vector<1x1x16xf32> to vector<16xf32>
      %add3A_492 = arith.addf %add3A_434, %get3A_491 : vector<16xf32>
      %get3A_493 = arith.constant 1 : i32
      %get3A_494 = arith.index_cast %get3A_493 : i32 to index
      %get3A_495 = arith.index_cast %scan3A_450 : i32 to index
      %get3A_496 = arith.constant 96 : index
      %get3A_497 = tpu.vector_load %arg6[%get3A_494, %get3A_495, %get3A_496] {strides = array<i32>} : memref<6x100x128xf32, #tpu.memory_space<vmem>>, vector<1x1x16xf32>,
      %get3A_498 = vector.shape_cast %get3A_497 : vector<1x1x16xf32> to vector<16xf32>
      %add3A_499 = arith.addf %add3A_441, %get3A_498 : vector<16xf32>
      %get3A_500 = arith.constant 1 : i32
      %get3A_501 = arith.index_cast %get3A_500 : i32 to index
      %get3A_502 = arith.index_cast %scan3A_450 : i32 to index
      %get3A_503 = arith.constant 112 : index
      %get3A_504 = tpu.vector_load %arg6[%get3A_501, %get3A_502, %get3A_503] {strides = array<i32>} : memref<6x100x128xf32, #tpu.memory_space<vmem>>, vector<1x1x16xf32>,
      %get3A_505 = vector.shape_cast %get3A_504 : vector<1x1x16xf32> to vector<16xf32>
      %add3A_506 = arith.addf %add3A_448, %get3A_505 : vector<16xf32>
      %scan3A_507 = arith.constant 4 : i32
      %scan3A_508 = arith.addi %scan3A_269, %scan3A_507 : i32
      %get3A_509 = arith.constant 1 : i32
      %get3A_510 = arith.index_cast %get3A_509 : i32 to index
      %get3A_511 = arith.index_cast %scan3A_508 : i32 to index
      %get3A_512 = arith.constant 0 : index
      %get3A_513 = tpu.vector_load %arg6[%get3A_510, %get3A_511, %get3A_512] {strides = array<i32>} : memref<6x100x128xf32, #tpu.memory_space<vmem>>, vector<1x1x16xf32>,
      %get3A_514 = vector.shape_cast %get3A_513 : vector<1x1x16xf32> to vector<16xf32>
      %add3A_515 = arith.addf %add3A_457, %get3A_514 : vector<16xf32>
      %get3A_516 = arith.constant 1 : i32
      %get3A_517 = arith.index_cast %get3A_516 : i32 to index
      %get3A_518 = arith.index_cast %scan3A_508 : i32 to index
      %get3A_519 = arith.constant 16 : index
      %get3A_520 = tpu.vector_load %arg6[%get3A_517, %get3A_518, %get3A_519] {strides = array<i32>} : memref<6x100x128xf32, #tpu.memory_space<vmem>>, vector<1x1x16xf32>,
      %get3A_521 = vector.shape_cast %get3A_520 : vector<1x1x16xf32> to vector<16xf32>
      %add3A_522 = arith.addf %add3A_464, %get3A_521 : vector<16xf32>
      %get3A_523 = arith.constant 1 : i32
      %get3A_524 = arith.index_cast %get3A_523 : i32 to index
      %get3A_525 = arith.index_cast %scan3A_508 : i32 to index
      %get3A_526 = arith.constant 32 : index
      %get3A_527 = tpu.vector_load %arg6[%get3A_524, %get3A_525, %get3A_526] {strides = array<i32>} : memref<6x100x128xf32, #tpu.memory_space<vmem>>, vector<1x1x16xf32>,
      %get3A_528 = vector.shape_cast %get3A_527 : vector<1x1x16xf32> to vector<16xf32>
      %add3A_529 = arith.addf %add3A_471, %get3A_528 : vector<16xf32>
      %get3A_530 = arith.constant 1 : i32
      %get3A_531 = arith.index_cast %get3A_530 : i32 to index
      %get3A_532 = arith.index_cast %scan3A_508 : i32 to index
      %get3A_533 = arith.constant 48 : index
      %get3A_534 = tpu.vector_load %arg6[%get3A_531, %get3A_532, %get3A_533] {strides = array<i32>} : memref<6x100x128xf32, #tpu.memory_space<vmem>>, vector<1x1x16xf32>,
      %get3A_535 = vector.shape_cast %get3A_534 : vector<1x1x16xf32> to vector<16xf32>
      %add3A_536 = arith.addf %add3A_478, %get3A_535 : vector<16xf32>
      %get3A_537 = arith.constant 1 : i32
      %get3A_538 = arith.index_cast %get3A_537 : i32 to index
      %get3A_539 = arith.index_cast %scan3A_508 : i32 to index
      %get3A_540 = arith.constant 64 : index
      %get3A_541 = tpu.vector_load %arg6[%get3A_538, %get3A_539, %get3A_540] {strides = array<i32>} : memref<6x100x128xf32, #tpu.memory_space<vmem>>, vector<1x1x16xf32>,
      %get3A_542 = vector.shape_cast %get3A_541 : vector<1x1x16xf32> to vector<16xf32>
      %add3A_543 = arith.addf %add3A_485, %get3A_542 : vector<16xf32>
      %get3A_544 = arith.constant 1 : i32
      %get3A_545 = arith.index_cast %get3A_544 : i32 to index
      %get3A_546 = arith.index_cast %scan3A_508 : i32 to index
      %get3A_547 = arith.constant 80 : index
      %get3A_548 = tpu.vector_load %arg6[%get3A_545, %get3A_546, %get3A_547] {strides = array<i32>} : memref<6x100x128xf32, #tpu.memory_space<vmem>>, vector<1x1x16xf32>,
      %get3A_549 = vector.shape_cast %get3A_548 : vector<1x1x16xf32> to vector<16xf32>
      %add3A_550 = arith.addf %add3A_492, %get3A_549 : vector<16xf32>
      %get3A_551 = arith.constant 1 : i32
      %get3A_552 = arith.index_cast %get3A_551 : i32 to index
      %get3A_553 = arith.index_cast %scan3A_508 : i32 to index
      %get3A_554 = arith.constant 96 : index
      %get3A_555 = tpu.vector_load %arg6[%get3A_552, %get3A_553, %get3A_554] {strides = array<i32>} : memref<6x100x128xf32, #tpu.memory_space<vmem>>, vector<1x1x16xf32>,
      %get3A_556 = vector.shape_cast %get3A_555 : vector<1x1x16xf32> to vector<16xf32>
      %add3A_557 = arith.addf %add3A_499, %get3A_556 : vector<16xf32>
      %get3A_558 = arith.constant 1 : i32
      %get3A_559 = arith.index_cast %get3A_558 : i32 to index
      %get3A_560 = arith.index_cast %scan3A_508 : i32 to index
      %get3A_561 = arith.constant 112 : index
      %get3A_562 = tpu.vector_load %arg6[%get3A_559, %get3A_560, %get3A_561] {strides = array<i32>} : memref<6x100x128xf32, #tpu.memory_space<vmem>>, vector<1x1x16xf32>,
      %get3A_563 = vector.shape_cast %get3A_562 : vector<1x1x16xf32> to vector<16xf32>
      %add3A_564 = arith.addf %add3A_506, %get3A_563 : vector<16xf32>
      scf.yield %add3A_515, %add3A_522, %add3A_529, %add3A_536, %add3A_543, %add3A_550, %add3A_557, %add3A_564 : vector<16xf32>, vector<16xf32>, vector<16xf32>, vector<16xf32>, vector<16xf32>, vector<16xf32>, vector<16xf32>, vector<16xf32>
    }
    %scan3A_135 = arith.constant 100 : i32
    %swap3A = arith.constant 126 : i32
    %swap3A_136 = arith.index_cast %swap3A : i32 to index
    %swap3A_137 = arith.constant 0 : index
    %swap3A_138 = tpu.vector_load %arg7[%swap3A_136, %swap3A_137] {strides = array<i32>} : memref<128x128xf32, #tpu.memory_space<vmem>>, vector<1x16xf32>,
    %swap3A_139 = vector.shape_cast %swap3A_138 : vector<1x16xf32> to vector<16xf32>
    %swap3A_140 = vector.shape_cast %scan3A_134#0 : vector<16xf32> to vector<1x16xf32>
    tpu.vector_store %arg7[%swap3A_136, %swap3A_137], %swap3A_140 {strides = array<i32>} : memref<128x128xf32, #tpu.memory_space<vmem>>, vector<1x16xf32>,
    %swap3A_141 = arith.constant 126 : i32
    %swap3A_142 = arith.index_cast %swap3A_141 : i32 to index
    %swap3A_143 = arith.constant 16 : index
    %swap3A_144 = tpu.vector_load %arg7[%swap3A_142, %swap3A_143] {strides = array<i32>} : memref<128x128xf32, #tpu.memory_space<vmem>>, vector<1x16xf32>,
    %swap3A_145 = vector.shape_cast %swap3A_144 : vector<1x16xf32> to vector<16xf32>
    %swap3A_146 = vector.shape_cast %scan3A_134#1 : vector<16xf32> to vector<1x16xf32>
    tpu.vector_store %arg7[%swap3A_142, %swap3A_143], %swap3A_146 {strides = array<i32>} : memref<128x128xf32, #tpu.memory_space<vmem>>, vector<1x16xf32>,
    %swap3A_147 = arith.constant 126 : i32
    %swap3A_148 = arith.index_cast %swap3A_147 : i32 to index
    %swap3A_149 = arith.constant 32 : index
    %swap3A_150 = tpu.vector_load %arg7[%swap3A_148, %swap3A_149] {strides = array<i32>} : memref<128x128xf32, #tpu.memory_space<vmem>>, vector<1x16xf32>,
    %swap3A_151 = vector.shape_cast %swap3A_150 : vector<1x16xf32> to vector<16xf32>
    %swap3A_152 = vector.shape_cast %scan3A_134#2 : vector<16xf32> to vector<1x16xf32>
    tpu.vector_store %arg7[%swap3A_148, %swap3A_149], %swap3A_152 {strides = array<i32>} : memref<128x128xf32, #tpu.memory_space<vmem>>, vector<1x16xf32>,
    %swap3A_153 = arith.constant 126 : i32
    %swap3A_154 = arith.index_cast %swap3A_153 : i32 to index
    %swap3A_155 = arith.constant 48 : index
    %swap3A_156 = tpu.vector_load %arg7[%swap3A_154, %swap3A_155] {strides = array<i32>} : memref<128x128xf32, #tpu.memory_space<vmem>>, vector<1x16xf32>,
    %swap3A_157 = vector.shape_cast %swap3A_156 : vector<1x16xf32> to vector<16xf32>
    %swap3A_158 = vector.shape_cast %scan3A_134#3 : vector<16xf32> to vector<1x16xf32>
    tpu.vector_store %arg7[%swap3A_154, %swap3A_155], %swap3A_158 {strides = array<i32>} : memref<128x128xf32, #tpu.memory_space<vmem>>, vector<1x16xf32>,
    %swap3A_159 = arith.constant 126 : i32
    %swap3A_160 = arith.index_cast %swap3A_159 : i32 to index
    %swap3A_161 = arith.constant 64 : index
    %swap3A_162 = tpu.vector_load %arg7[%swap3A_160, %swap3A_161] {strides = array<i32>} : memref<128x128xf32, #tpu.memory_space<vmem>>, vector<1x16xf32>,
    %swap3A_163 = vector.shape_cast %swap3A_162 : vector<1x16xf32> to vector<16xf32>
    %swap3A_164 = vector.shape_cast %scan3A_134#4 : vector<16xf32> to vector<1x16xf32>
    tpu.vector_store %arg7[%swap3A_160, %swap3A_161], %swap3A_164 {strides = array<i32>} : memref<128x128xf32, #tpu.memory_space<vmem>>, vector<1x16xf32>,
    %swap3A_165 = arith.constant 126 : i32
    %swap3A_166 = arith.index_cast %swap3A_165 : i32 to index
    %swap3A_167 = arith.constant 80 : index
    %swap3A_168 = tpu.vector_load %arg7[%swap3A_166, %swap3A_167] {strides = array<i32>} : memref<128x128xf32, #tpu.memory_space<vmem>>, vector<1x16xf32>,
    %swap3A_169 = vector.shape_cast %swap3A_168 : vector<1x16xf32> to vector<16xf32>
    %swap3A_170 = vector.shape_cast %scan3A_134#5 : vector<16xf32> to vector<1x16xf32>
    tpu.vector_store %arg7[%swap3A_166, %swap3A_167], %swap3A_170 {strides = array<i32>} : memref<128x128xf32, #tpu.memory_space<vmem>>, vector<1x16xf32>,
    %swap3A_171 = arith.constant 126 : i32
    %swap3A_172 = arith.index_cast %swap3A_171 : i32 to index
    %swap3A_173 = arith.constant 96 : index
    %swap3A_174 = tpu.vector_load %arg7[%swap3A_172, %swap3A_173] {strides = array<i32>} : memref<128x128xf32, #tpu.memory_space<vmem>>, vector<1x16xf32>,
    %swap3A_175 = vector.shape_cast %swap3A_174 : vector<1x16xf32> to vector<16xf32>
    %swap3A_176 = vector.shape_cast %scan3A_134#6 : vector<16xf32> to vector<1x16xf32>
    tpu.vector_store %arg7[%swap3A_172, %swap3A_173], %swap3A_176 {strides = array<i32>} : memref<128x128xf32, #tpu.memory_space<vmem>>, vector<1x16xf32>,
    %swap3A_177 = arith.constant 126 : i32
    %swap3A_178 = arith.index_cast %swap3A_177 : i32 to index
    %swap3A_179 = arith.constant 112 : index
    %swap3A_180 = tpu.vector_load %arg7[%swap3A_178, %swap3A_179] {strides = array<i32>} : memref<128x128xf32, #tpu.memory_space<vmem>>, vector<1x16xf32>,
    %swap3A_181 = vector.shape_cast %swap3A_180 : vector<1x16xf32> to vector<16xf32>
    %swap3A_182 = vector.shape_cast %scan3A_134#7 : vector<16xf32> to vector<1x16xf32>
    tpu.vector_store %arg7[%swap3A_178, %swap3A_179], %swap3A_182 {strides = array<i32>} : memref<128x128xf32, #tpu.memory_space<vmem>>, vector<1x16xf32>,
    %dma_wait3A_183 = arith.constant 0 : i32
    %dma_wait3A_184 = arith.constant 0 : i32
    %dma_wait3A_185 = arith.constant 2 : i32
    %dma_wait3A_186 = arith.constant 0 : i32
    %dma_wait3A_187 = arith.constant 0 : i32
    %dma_wait3A_188 = tpu.memref_slice %arg6[%dma_wait3A_185, %dma_wait3A_186, %dma_wait3A_187] : memref<6x100x128xf32, #tpu.memory_space<vmem>> -> memref<1x100x128xf32, #tpu.memory_space<vmem>>
    %dma_wait3A_189 = tpu.memref_squeeze %dma_wait3A_188 : memref<1x100x128xf32, #tpu.memory_space<vmem>> -> memref<100x128xf32, #tpu.memory_space<vmem>>
    %dma_wait3A_190 = arith.constant 0 : i32
    %dma_wait3A_191 = tpu.memref_slice %arg5[%dma_wait3A_183, %dma_wait3A_184, %dma_wait3A_190] : memref<128x2x100xi32, #tpu.memory_space<vmem>> -> memref<1x1x100xi32, #tpu.memory_space<vmem>>
    %dma_wait3A_192 = tpu.memref_squeeze %dma_wait3A_191 : memref<1x1x100xi32, #tpu.memory_space<vmem>> -> memref<100xi32, #tpu.memory_space<vmem>>
    %dma_wait3A_193 = arith.constant 0 : i32
    %dma_wait3A_194 = arith.constant 0 : i32
    %dma_wait3A_195 = tpu.memref_slice %arg3[%dma_wait3A_193, %dma_wait3A_194] : memref<100000x128xf32, #tpu.memory_space<hbm>> -> memref<100000x128xf32, #tpu.memory_space<hbm>>
    tpu.wait_indirect_dma semaphore(%arg10 : memref<!tpu.dma_semaphore, #tpu.memory_space<semaphore_mem>>) src(%dma_wait3A_195 : memref<100000x128xf32, #tpu.memory_space<hbm>>) dst(%dma_wait3A_189 : memref<100x128xf32, #tpu.memory_space<vmem>>)
    %scan3A_196 = arith.constant 0 : i32
    %scan3A_197 = arith.constant 100 : i32
    %scan3A_198 = arith.addi %scan3A_196, %scan3A_197 : i32
    %scan3A_199 = arith.constant 5 : i32
    %scan3A_200:8 = scf.for %scan3A_269 = %scan3A_196 to %scan3A_198 step %scan3A_199 iter_args(%scan3A_270 = %broadcast_in_dim3A_80, %scan3A_271 = %broadcast_in_dim3A_82, %scan3A_272 = %broadcast_in_dim3A_84, %scan3A_273 = %broadcast_in_dim3A_86, %scan3A_274 = %broadcast_in_dim3A_88, %scan3A_275 = %broadcast_in_dim3A_90, %scan3A_276 = %broadcast_in_dim3A_92, %scan3A_277 = %broadcast_in_dim3A_94) -> (vector<16xf32>, vector<16xf32>, vector<16xf32>, vector<16xf32>, vector<16xf32>, vector<16xf32>, vector<16xf32>, vector<16xf32>)  : i32 {
      %get3A = arith.constant 2 : i32
      %get3A_278 = arith.index_cast %get3A : i32 to index
      %get3A_279 = arith.index_cast %scan3A_269 : i32 to index
      %get3A_280 = arith.constant 0 : index
      %get3A_281 = tpu.vector_load %arg6[%get3A_278, %get3A_279, %get3A_280] {strides = array<i32>} : memref<6x100x128xf32, #tpu.memory_space<vmem>>, vector<1x1x16xf32>,
      %get3A_282 = vector.shape_cast %get3A_281 : vector<1x1x16xf32> to vector<16xf32>
      %add3A_283 = arith.addf %scan3A_270, %get3A_282 : vector<16xf32>
      %get3A_284 = arith.constant 2 : i32
      %get3A_285 = arith.index_cast %get3A_284 : i32 to index
      %get3A_286 = arith.index_cast %scan3A_269 : i32 to index
      %get3A_287 = arith.constant 16 : index
      %get3A_288 = tpu.vector_load %arg6[%get3A_285, %get3A_286, %get3A_287] {strides = array<i32>} : memref<6x100x128xf32, #tpu.memory_space<vmem>>, vector<1x1x16xf32>,
      %get3A_289 = vector.shape_cast %get3A_288 : vector<1x1x16xf32> to vector<16xf32>
      %add3A_290 = arith.addf %scan3A_271, %get3A_289 : vector<16xf32>
      %get3A_291 = arith.constant 2 : i32
      %get3A_292 = arith.index_cast %get3A_291 : i32 to index
      %get3A_293 = arith.index_cast %scan3A_269 : i32 to index
      %get3A_294 = arith.constant 32 : index
      %get3A_295 = tpu.vector_load %arg6[%get3A_292, %get3A_293, %get3A_294] {strides = array<i32>} : memref<6x100x128xf32, #tpu.memory_space<vmem>>, vector<1x1x16xf32>,
      %get3A_296 = vector.shape_cast %get3A_295 : vector<1x1x16xf32> to vector<16xf32>
      %add3A_297 = arith.addf %scan3A_272, %get3A_296 : vector<16xf32>
      %get3A_298 = arith.constant 2 : i32
      %get3A_299 = arith.index_cast %get3A_298 : i32 to index
      %get3A_300 = arith.index_cast %scan3A_269 : i32 to index
      %get3A_301 = arith.constant 48 : index
      %get3A_302 = tpu.vector_load %arg6[%get3A_299, %get3A_300, %get3A_301] {strides = array<i32>} : memref<6x100x128xf32, #tpu.memory_space<vmem>>, vector<1x1x16xf32>,
      %get3A_303 = vector.shape_cast %get3A_302 : vector<1x1x16xf32> to vector<16xf32>
      %add3A_304 = arith.addf %scan3A_273, %get3A_303 : vector<16xf32>
      %get3A_305 = arith.constant 2 : i32
      %get3A_306 = arith.index_cast %get3A_305 : i32 to index
      %get3A_307 = arith.index_cast %scan3A_269 : i32 to index
      %get3A_308 = arith.constant 64 : index
      %get3A_309 = tpu.vector_load %arg6[%get3A_306, %get3A_307, %get3A_308] {strides = array<i32>} : memref<6x100x128xf32, #tpu.memory_space<vmem>>, vector<1x1x16xf32>,
      %get3A_310 = vector.shape_cast %get3A_309 : vector<1x1x16xf32> to vector<16xf32>
      %add3A_311 = arith.addf %scan3A_274, %get3A_310 : vector<16xf32>
      %get3A_312 = arith.constant 2 : i32
      %get3A_313 = arith.index_cast %get3A_312 : i32 to index
      %get3A_314 = arith.index_cast %scan3A_269 : i32 to index
      %get3A_315 = arith.constant 80 : index
      %get3A_316 = tpu.vector_load %arg6[%get3A_313, %get3A_314, %get3A_315] {strides = array<i32>} : memref<6x100x128xf32, #tpu.memory_space<vmem>>, vector<1x1x16xf32>,
      %get3A_317 = vector.shape_cast %get3A_316 : vector<1x1x16xf32> to vector<16xf32>
      %add3A_318 = arith.addf %scan3A_275, %get3A_317 : vector<16xf32>
      %get3A_319 = arith.constant 2 : i32
      %get3A_320 = arith.index_cast %get3A_319 : i32 to index
      %get3A_321 = arith.index_cast %scan3A_269 : i32 to index
      %get3A_322 = arith.constant 96 : index
      %get3A_323 = tpu.vector_load %arg6[%get3A_320, %get3A_321, %get3A_322] {strides = array<i32>} : memref<6x100x128xf32, #tpu.memory_space<vmem>>, vector<1x1x16xf32>,
      %get3A_324 = vector.shape_cast %get3A_323 : vector<1x1x16xf32> to vector<16xf32>
      %add3A_325 = arith.addf %scan3A_276, %get3A_324 : vector<16xf32>
      %get3A_326 = arith.constant 2 : i32
      %get3A_327 = arith.index_cast %get3A_326 : i32 to index
      %get3A_328 = arith.index_cast %scan3A_269 : i32 to index
      %get3A_329 = arith.constant 112 : index
      %get3A_330 = tpu.vector_load %arg6[%get3A_327, %get3A_328, %get3A_329] {strides = array<i32>} : memref<6x100x128xf32, #tpu.memory_space<vmem>>, vector<1x1x16xf32>,
      %get3A_331 = vector.shape_cast %get3A_330 : vector<1x1x16xf32> to vector<16xf32>
      %add3A_332 = arith.addf %scan3A_277, %get3A_331 : vector<16xf32>
      %scan3A_333 = arith.constant 1 : i32
      %scan3A_334 = arith.addi %scan3A_269, %scan3A_333 : i32
      %get3A_335 = arith.constant 2 : i32
      %get3A_336 = arith.index_cast %get3A_335 : i32 to index
      %get3A_337 = arith.index_cast %scan3A_334 : i32 to index
      %get3A_338 = arith.constant 0 : index
      %get3A_339 = tpu.vector_load %arg6[%get3A_336, %get3A_337, %get3A_338] {strides = array<i32>} : memref<6x100x128xf32, #tpu.memory_space<vmem>>, vector<1x1x16xf32>,
      %get3A_340 = vector.shape_cast %get3A_339 : vector<1x1x16xf32> to vector<16xf32>
      %add3A_341 = arith.addf %add3A_283, %get3A_340 : vector<16xf32>
      %get3A_342 = arith.constant 2 : i32
      %get3A_343 = arith.index_cast %get3A_342 : i32 to index
      %get3A_344 = arith.index_cast %scan3A_334 : i32 to index
      %get3A_345 = arith.constant 16 : index
      %get3A_346 = tpu.vector_load %arg6[%get3A_343, %get3A_344, %get3A_345] {strides = array<i32>} : memref<6x100x128xf32, #tpu.memory_space<vmem>>, vector<1x1x16xf32>,
      %get3A_347 = vector.shape_cast %get3A_346 : vector<1x1x16xf32> to vector<16xf32>
      %add3A_348 = arith.addf %add3A_290, %get3A_347 : vector<16xf32>
      %get3A_349 = arith.constant 2 : i32
      %get3A_350 = arith.index_cast %get3A_349 : i32 to index
      %get3A_351 = arith.index_cast %scan3A_334 : i32 to index
      %get3A_352 = arith.constant 32 : index
      %get3A_353 = tpu.vector_load %arg6[%get3A_350, %get3A_351, %get3A_352] {strides = array<i32>} : memref<6x100x128xf32, #tpu.memory_space<vmem>>, vector<1x1x16xf32>,
      %get3A_354 = vector.shape_cast %get3A_353 : vector<1x1x16xf32> to vector<16xf32>
      %add3A_355 = arith.addf %add3A_297, %get3A_354 : vector<16xf32>
      %get3A_356 = arith.constant 2 : i32
      %get3A_357 = arith.index_cast %get3A_356 : i32 to index
      %get3A_358 = arith.index_cast %scan3A_334 : i32 to index
      %get3A_359 = arith.constant 48 : index
      %get3A_360 = tpu.vector_load %arg6[%get3A_357, %get3A_358, %get3A_359] {strides = array<i32>} : memref<6x100x128xf32, #tpu.memory_space<vmem>>, vector<1x1x16xf32>,
      %get3A_361 = vector.shape_cast %get3A_360 : vector<1x1x16xf32> to vector<16xf32>
      %add3A_362 = arith.addf %add3A_304, %get3A_361 : vector<16xf32>
      %get3A_363 = arith.constant 2 : i32
      %get3A_364 = arith.index_cast %get3A_363 : i32 to index
      %get3A_365 = arith.index_cast %scan3A_334 : i32 to index
      %get3A_366 = arith.constant 64 : index
      %get3A_367 = tpu.vector_load %arg6[%get3A_364, %get3A_365, %get3A_366] {strides = array<i32>} : memref<6x100x128xf32, #tpu.memory_space<vmem>>, vector<1x1x16xf32>,
      %get3A_368 = vector.shape_cast %get3A_367 : vector<1x1x16xf32> to vector<16xf32>
      %add3A_369 = arith.addf %add3A_311, %get3A_368 : vector<16xf32>
      %get3A_370 = arith.constant 2 : i32
      %get3A_371 = arith.index_cast %get3A_370 : i32 to index
      %get3A_372 = arith.index_cast %scan3A_334 : i32 to index
      %get3A_373 = arith.constant 80 : index
      %get3A_374 = tpu.vector_load %arg6[%get3A_371, %get3A_372, %get3A_373] {strides = array<i32>} : memref<6x100x128xf32, #tpu.memory_space<vmem>>, vector<1x1x16xf32>,
      %get3A_375 = vector.shape_cast %get3A_374 : vector<1x1x16xf32> to vector<16xf32>
      %add3A_376 = arith.addf %add3A_318, %get3A_375 : vector<16xf32>
      %get3A_377 = arith.constant 2 : i32
      %get3A_378 = arith.index_cast %get3A_377 : i32 to index
      %get3A_379 = arith.index_cast %scan3A_334 : i32 to index
      %get3A_380 = arith.constant 96 : index
      %get3A_381 = tpu.vector_load %arg6[%get3A_378, %get3A_379, %get3A_380] {strides = array<i32>} : memref<6x100x128xf32, #tpu.memory_space<vmem>>, vector<1x1x16xf32>,
      %get3A_382 = vector.shape_cast %get3A_381 : vector<1x1x16xf32> to vector<16xf32>
      %add3A_383 = arith.addf %add3A_325, %get3A_382 : vector<16xf32>
      %get3A_384 = arith.constant 2 : i32
      %get3A_385 = arith.index_cast %get3A_384 : i32 to index
      %get3A_386 = arith.index_cast %scan3A_334 : i32 to index
      %get3A_387 = arith.constant 112 : index
      %get3A_388 = tpu.vector_load %arg6[%get3A_385, %get3A_386, %get3A_387] {strides = array<i32>} : memref<6x100x128xf32, #tpu.memory_space<vmem>>, vector<1x1x16xf32>,
      %get3A_389 = vector.shape_cast %get3A_388 : vector<1x1x16xf32> to vector<16xf32>
      %add3A_390 = arith.addf %add3A_332, %get3A_389 : vector<16xf32>
      %scan3A_391 = arith.constant 2 : i32
      %scan3A_392 = arith.addi %scan3A_269, %scan3A_391 : i32
      %get3A_393 = arith.constant 2 : i32
      %get3A_394 = arith.index_cast %get3A_393 : i32 to index
      %get3A_395 = arith.index_cast %scan3A_392 : i32 to index
      %get3A_396 = arith.constant 0 : index
      %get3A_397 = tpu.vector_load %arg6[%get3A_394, %get3A_395, %get3A_396] {strides = array<i32>} : memref<6x100x128xf32, #tpu.memory_space<vmem>>, vector<1x1x16xf32>,
      %get3A_398 = vector.shape_cast %get3A_397 : vector<1x1x16xf32> to vector<16xf32>
      %add3A_399 = arith.addf %add3A_341, %get3A_398 : vector<16xf32>
      %get3A_400 = arith.constant 2 : i32
      %get3A_401 = arith.index_cast %get3A_400 : i32 to index
      %get3A_402 = arith.index_cast %scan3A_392 : i32 to index
      %get3A_403 = arith.constant 16 : index
      %get3A_404 = tpu.vector_load %arg6[%get3A_401, %get3A_402, %get3A_403] {strides = array<i32>} : memref<6x100x128xf32, #tpu.memory_space<vmem>>, vector<1x1x16xf32>,
      %get3A_405 = vector.shape_cast %get3A_404 : vector<1x1x16xf32> to vector<16xf32>
      %add3A_406 = arith.addf %add3A_348, %get3A_405 : vector<16xf32>
      %get3A_407 = arith.constant 2 : i32
      %get3A_408 = arith.index_cast %get3A_407 : i32 to index
      %get3A_409 = arith.index_cast %scan3A_392 : i32 to index
      %get3A_410 = arith.constant 32 : index
      %get3A_411 = tpu.vector_load %arg6[%get3A_408, %get3A_409, %get3A_410] {strides = array<i32>} : memref<6x100x128xf32, #tpu.memory_space<vmem>>, vector<1x1x16xf32>,
      %get3A_412 = vector.shape_cast %get3A_411 : vector<1x1x16xf32> to vector<16xf32>
      %add3A_413 = arith.addf %add3A_355, %get3A_412 : vector<16xf32>
      %get3A_414 = arith.constant 2 : i32
      %get3A_415 = arith.index_cast %get3A_414 : i32 to index
      %get3A_416 = arith.index_cast %scan3A_392 : i32 to index
      %get3A_417 = arith.constant 48 : index
      %get3A_418 = tpu.vector_load %arg6[%get3A_415, %get3A_416, %get3A_417] {strides = array<i32>} : memref<6x100x128xf32, #tpu.memory_space<vmem>>, vector<1x1x16xf32>,
      %get3A_419 = vector.shape_cast %get3A_418 : vector<1x1x16xf32> to vector<16xf32>
      %add3A_420 = arith.addf %add3A_362, %get3A_419 : vector<16xf32>
      %get3A_421 = arith.constant 2 : i32
      %get3A_422 = arith.index_cast %get3A_421 : i32 to index
      %get3A_423 = arith.index_cast %scan3A_392 : i32 to index
      %get3A_424 = arith.constant 64 : index
      %get3A_425 = tpu.vector_load %arg6[%get3A_422, %get3A_423, %get3A_424] {strides = array<i32>} : memref<6x100x128xf32, #tpu.memory_space<vmem>>, vector<1x1x16xf32>,
      %get3A_426 = vector.shape_cast %get3A_425 : vector<1x1x16xf32> to vector<16xf32>
      %add3A_427 = arith.addf %add3A_369, %get3A_426 : vector<16xf32>
      %get3A_428 = arith.constant 2 : i32
      %get3A_429 = arith.index_cast %get3A_428 : i32 to index
      %get3A_430 = arith.index_cast %scan3A_392 : i32 to index
      %get3A_431 = arith.constant 80 : index
      %get3A_432 = tpu.vector_load %arg6[%get3A_429, %get3A_430, %get3A_431] {strides = array<i32>} : memref<6x100x128xf32, #tpu.memory_space<vmem>>, vector<1x1x16xf32>,
      %get3A_433 = vector.shape_cast %get3A_432 : vector<1x1x16xf32> to vector<16xf32>
      %add3A_434 = arith.addf %add3A_376, %get3A_433 : vector<16xf32>
      %get3A_435 = arith.constant 2 : i32
      %get3A_436 = arith.index_cast %get3A_435 : i32 to index
      %get3A_437 = arith.index_cast %scan3A_392 : i32 to index
      %get3A_438 = arith.constant 96 : index
      %get3A_439 = tpu.vector_load %arg6[%get3A_436, %get3A_437, %get3A_438] {strides = array<i32>} : memref<6x100x128xf32, #tpu.memory_space<vmem>>, vector<1x1x16xf32>,
      %get3A_440 = vector.shape_cast %get3A_439 : vector<1x1x16xf32> to vector<16xf32>
      %add3A_441 = arith.addf %add3A_383, %get3A_440 : vector<16xf32>
      %get3A_442 = arith.constant 2 : i32
      %get3A_443 = arith.index_cast %get3A_442 : i32 to index
      %get3A_444 = arith.index_cast %scan3A_392 : i32 to index
      %get3A_445 = arith.constant 112 : index
      %get3A_446 = tpu.vector_load %arg6[%get3A_443, %get3A_444, %get3A_445] {strides = array<i32>} : memref<6x100x128xf32, #tpu.memory_space<vmem>>, vector<1x1x16xf32>,
      %get3A_447 = vector.shape_cast %get3A_446 : vector<1x1x16xf32> to vector<16xf32>
      %add3A_448 = arith.addf %add3A_390, %get3A_447 : vector<16xf32>
      %scan3A_449 = arith.constant 3 : i32
      %scan3A_450 = arith.addi %scan3A_269, %scan3A_449 : i32
      %get3A_451 = arith.constant 2 : i32
      %get3A_452 = arith.index_cast %get3A_451 : i32 to index
      %get3A_453 = arith.index_cast %scan3A_450 : i32 to index
      %get3A_454 = arith.constant 0 : index
      %get3A_455 = tpu.vector_load %arg6[%get3A_452, %get3A_453, %get3A_454] {strides = array<i32>} : memref<6x100x128xf32, #tpu.memory_space<vmem>>, vector<1x1x16xf32>,
      %get3A_456 = vector.shape_cast %get3A_455 : vector<1x1x16xf32> to vector<16xf32>
      %add3A_457 = arith.addf %add3A_399, %get3A_456 : vector<16xf32>
      %get3A_458 = arith.constant 2 : i32
      %get3A_459 = arith.index_cast %get3A_458 : i32 to index
      %get3A_460 = arith.index_cast %scan3A_450 : i32 to index
      %get3A_461 = arith.constant 16 : index
      %get3A_462 = tpu.vector_load %arg6[%get3A_459, %get3A_460, %get3A_461] {strides = array<i32>} : memref<6x100x128xf32, #tpu.memory_space<vmem>>, vector<1x1x16xf32>,
      %get3A_463 = vector.shape_cast %get3A_462 : vector<1x1x16xf32> to vector<16xf32>
      %add3A_464 = arith.addf %add3A_406, %get3A_463 : vector<16xf32>
      %get3A_465 = arith.constant 2 : i32
      %get3A_466 = arith.index_cast %get3A_465 : i32 to index
      %get3A_467 = arith.index_cast %scan3A_450 : i32 to index
      %get3A_468 = arith.constant 32 : index
      %get3A_469 = tpu.vector_load %arg6[%get3A_466, %get3A_467, %get3A_468] {strides = array<i32>} : memref<6x100x128xf32, #tpu.memory_space<vmem>>, vector<1x1x16xf32>,
      %get3A_470 = vector.shape_cast %get3A_469 : vector<1x1x16xf32> to vector<16xf32>
      %add3A_471 = arith.addf %add3A_413, %get3A_470 : vector<16xf32>
      %get3A_472 = arith.constant 2 : i32
      %get3A_473 = arith.index_cast %get3A_472 : i32 to index
      %get3A_474 = arith.index_cast %scan3A_450 : i32 to index
      %get3A_475 = arith.constant 48 : index
      %get3A_476 = tpu.vector_load %arg6[%get3A_473, %get3A_474, %get3A_475] {strides = array<i32>} : memref<6x100x128xf32, #tpu.memory_space<vmem>>, vector<1x1x16xf32>,
      %get3A_477 = vector.shape_cast %get3A_476 : vector<1x1x16xf32> to vector<16xf32>
      %add3A_478 = arith.addf %add3A_420, %get3A_477 : vector<16xf32>
      %get3A_479 = arith.constant 2 : i32
      %get3A_480 = arith.index_cast %get3A_479 : i32 to index
      %get3A_481 = arith.index_cast %scan3A_450 : i32 to index
      %get3A_482 = arith.constant 64 : index
      %get3A_483 = tpu.vector_load %arg6[%get3A_480, %get3A_481, %get3A_482] {strides = array<i32>} : memref<6x100x128xf32, #tpu.memory_space<vmem>>, vector<1x1x16xf32>,
      %get3A_484 = vector.shape_cast %get3A_483 : vector<1x1x16xf32> to vector<16xf32>
      %add3A_485 = arith.addf %add3A_427, %get3A_484 : vector<16xf32>
      %get3A_486 = arith.constant 2 : i32
      %get3A_487 = arith.index_cast %get3A_486 : i32 to index
      %get3A_488 = arith.index_cast %scan3A_450 : i32 to index
      %get3A_489 = arith.constant 80 : index
      %get3A_490 = tpu.vector_load %arg6[%get3A_487, %get3A_488, %get3A_489] {strides = array<i32>} : memref<6x100x128xf32, #tpu.memory_space<vmem>>, vector<1x1x16xf32>,
      %get3A_491 = vector.shape_cast %get3A_490 : vector<1x1x16xf32> to vector<16xf32>
      %add3A_492 = arith.addf %add3A_434, %get3A_491 : vector<16xf32>
      %get3A_493 = arith.constant 2 : i32
      %get3A_494 = arith.index_cast %get3A_493 : i32 to index
      %get3A_495 = arith.index_cast %scan3A_450 : i32 to index
      %get3A_496 = arith.constant 96 : index
      %get3A_497 = tpu.vector_load %arg6[%get3A_494, %get3A_495, %get3A_496] {strides = array<i32>} : memref<6x100x128xf32, #tpu.memory_space<vmem>>, vector<1x1x16xf32>,
      %get3A_498 = vector.shape_cast %get3A_497 : vector<1x1x16xf32> to vector<16xf32>
      %add3A_499 = arith.addf %add3A_441, %get3A_498 : vector<16xf32>
      %get3A_500 = arith.constant 2 : i32
      %get3A_501 = arith.index_cast %get3A_500 : i32 to index
      %get3A_502 = arith.index_cast %scan3A_450 : i32 to index
      %get3A_503 = arith.constant 112 : index
      %get3A_504 = tpu.vector_load %arg6[%get3A_501, %get3A_502, %get3A_503] {strides = array<i32>} : memref<6x100x128xf32, #tpu.memory_space<vmem>>, vector<1x1x16xf32>,
      %get3A_505 = vector.shape_cast %get3A_504 : vector<1x1x16xf32> to vector<16xf32>
      %add3A_506 = arith.addf %add3A_448, %get3A_505 : vector<16xf32>
      %scan3A_507 = arith.constant 4 : i32
      %scan3A_508 = arith.addi %scan3A_269, %scan3A_507 : i32
      %get3A_509 = arith.constant 2 : i32
      %get3A_510 = arith.index_cast %get3A_509 : i32 to index
      %get3A_511 = arith.index_cast %scan3A_508 : i32 to index
      %get3A_512 = arith.constant 0 : index
      %get3A_513 = tpu.vector_load %arg6[%get3A_510, %get3A_511, %get3A_512] {strides = array<i32>} : memref<6x100x128xf32, #tpu.memory_space<vmem>>, vector<1x1x16xf32>,
      %get3A_514 = vector.shape_cast %get3A_513 : vector<1x1x16xf32> to vector<16xf32>
      %add3A_515 = arith.addf %add3A_457, %get3A_514 : vector<16xf32>
      %get3A_516 = arith.constant 2 : i32
      %get3A_517 = arith.index_cast %get3A_516 : i32 to index
      %get3A_518 = arith.index_cast %scan3A_508 : i32 to index
      %get3A_519 = arith.constant 16 : index
      %get3A_520 = tpu.vector_load %arg6[%get3A_517, %get3A_518, %get3A_519] {strides = array<i32>} : memref<6x100x128xf32, #tpu.memory_space<vmem>>, vector<1x1x16xf32>,
      %get3A_521 = vector.shape_cast %get3A_520 : vector<1x1x16xf32> to vector<16xf32>
      %add3A_522 = arith.addf %add3A_464, %get3A_521 : vector<16xf32>
      %get3A_523 = arith.constant 2 : i32
      %get3A_524 = arith.index_cast %get3A_523 : i32 to index
      %get3A_525 = arith.index_cast %scan3A_508 : i32 to index
      %get3A_526 = arith.constant 32 : index
      %get3A_527 = tpu.vector_load %arg6[%get3A_524, %get3A_525, %get3A_526] {strides = array<i32>} : memref<6x100x128xf32, #tpu.memory_space<vmem>>, vector<1x1x16xf32>,
      %get3A_528 = vector.shape_cast %get3A_527 : vector<1x1x16xf32> to vector<16xf32>
      %add3A_529 = arith.addf %add3A_471, %get3A_528 : vector<16xf32>
      %get3A_530 = arith.constant 2 : i32
      %get3A_531 = arith.index_cast %get3A_530 : i32 to index
      %get3A_532 = arith.index_cast %scan3A_508 : i32 to index
      %get3A_533 = arith.constant 48 : index
      %get3A_534 = tpu.vector_load %arg6[%get3A_531, %get3A_532, %get3A_533] {strides = array<i32>} : memref<6x100x128xf32, #tpu.memory_space<vmem>>, vector<1x1x16xf32>,
      %get3A_535 = vector.shape_cast %get3A_534 : vector<1x1x16xf32> to vector<16xf32>
      %add3A_536 = arith.addf %add3A_478, %get3A_535 : vector<16xf32>
      %get3A_537 = arith.constant 2 : i32
      %get3A_538 = arith.index_cast %get3A_537 : i32 to index
      %get3A_539 = arith.index_cast %scan3A_508 : i32 to index
      %get3A_540 = arith.constant 64 : index
      %get3A_541 = tpu.vector_load %arg6[%get3A_538, %get3A_539, %get3A_540] {strides = array<i32>} : memref<6x100x128xf32, #tpu.memory_space<vmem>>, vector<1x1x16xf32>,
      %get3A_542 = vector.shape_cast %get3A_541 : vector<1x1x16xf32> to vector<16xf32>
      %add3A_543 = arith.addf %add3A_485, %get3A_542 : vector<16xf32>
      %get3A_544 = arith.constant 2 : i32
      %get3A_545 = arith.index_cast %get3A_544 : i32 to index
      %get3A_546 = arith.index_cast %scan3A_508 : i32 to index
      %get3A_547 = arith.constant 80 : index
      %get3A_548 = tpu.vector_load %arg6[%get3A_545, %get3A_546, %get3A_547] {strides = array<i32>} : memref<6x100x128xf32, #tpu.memory_space<vmem>>, vector<1x1x16xf32>,
      %get3A_549 = vector.shape_cast %get3A_548 : vector<1x1x16xf32> to vector<16xf32>
      %add3A_550 = arith.addf %add3A_492, %get3A_549 : vector<16xf32>
      %get3A_551 = arith.constant 2 : i32
      %get3A_552 = arith.index_cast %get3A_551 : i32 to index
      %get3A_553 = arith.index_cast %scan3A_508 : i32 to index
      %get3A_554 = arith.constant 96 : index
      %get3A_555 = tpu.vector_load %arg6[%get3A_552, %get3A_553, %get3A_554] {strides = array<i32>} : memref<6x100x128xf32, #tpu.memory_space<vmem>>, vector<1x1x16xf32>,
      %get3A_556 = vector.shape_cast %get3A_555 : vector<1x1x16xf32> to vector<16xf32>
      %add3A_557 = arith.addf %add3A_499, %get3A_556 : vector<16xf32>
      %get3A_558 = arith.constant 2 : i32
      %get3A_559 = arith.index_cast %get3A_558 : i32 to index
      %get3A_560 = arith.index_cast %scan3A_508 : i32 to index
      %get3A_561 = arith.constant 112 : index
      %get3A_562 = tpu.vector_load %arg6[%get3A_559, %get3A_560, %get3A_561] {strides = array<i32>} : memref<6x100x128xf32, #tpu.memory_space<vmem>>, vector<1x1x16xf32>,
      %get3A_563 = vector.shape_cast %get3A_562 : vector<1x1x16xf32> to vector<16xf32>
      %add3A_564 = arith.addf %add3A_506, %get3A_563 : vector<16xf32>
      scf.yield %add3A_515, %add3A_522, %add3A_529, %add3A_536, %add3A_543, %add3A_550, %add3A_557, %add3A_564 : vector<16xf32>, vector<16xf32>, vector<16xf32>, vector<16xf32>, vector<16xf32>, vector<16xf32>, vector<16xf32>, vector<16xf32>
    }
    %scan3A_201 = arith.constant 100 : i32
    %dma_wait3A_202 = arith.constant 0 : i32
    %dma_wait3A_203 = arith.constant 0 : i32
    %dma_wait3A_204 = arith.constant 3 : i32
    %dma_wait3A_205 = arith.constant 0 : i32
    %dma_wait3A_206 = arith.constant 0 : i32
    %dma_wait3A_207 = tpu.memref_slice %arg6[%dma_wait3A_204, %dma_wait3A_205, %dma_wait3A_206] : memref<6x100x128xf32, #tpu.memory_space<vmem>> -> memref<1x100x128xf32, #tpu.memory_space<vmem>>
    %dma_wait3A_208 = tpu.memref_squeeze %dma_wait3A_207 : memref<1x100x128xf32, #tpu.memory_space<vmem>> -> memref<100x128xf32, #tpu.memory_space<vmem>>
    %dma_wait3A_209 = arith.constant 0 : i32
    %dma_wait3A_210 = tpu.memref_slice %arg5[%dma_wait3A_202, %dma_wait3A_203, %dma_wait3A_209] : memref<128x2x100xi32, #tpu.memory_space<vmem>> -> memref<1x1x100xi32, #tpu.memory_space<vmem>>
    %dma_wait3A_211 = tpu.memref_squeeze %dma_wait3A_210 : memref<1x1x100xi32, #tpu.memory_space<vmem>> -> memref<100xi32, #tpu.memory_space<vmem>>
    %dma_wait3A_212 = arith.constant 0 : i32
    %dma_wait3A_213 = arith.constant 0 : i32
    %dma_wait3A_214 = tpu.memref_slice %arg3[%dma_wait3A_212, %dma_wait3A_213] : memref<100000x128xf32, #tpu.memory_space<hbm>> -> memref<100000x128xf32, #tpu.memory_space<hbm>>
    tpu.wait_indirect_dma semaphore(%arg11 : memref<!tpu.dma_semaphore, #tpu.memory_space<semaphore_mem>>) src(%dma_wait3A_214 : memref<100000x128xf32, #tpu.memory_space<hbm>>) dst(%dma_wait3A_208 : memref<100x128xf32, #tpu.memory_space<vmem>>)
    %scan3A_215 = arith.constant 0 : i32
    %scan3A_216 = arith.constant 100 : i32
    %scan3A_217 = arith.addi %scan3A_215, %scan3A_216 : i32
    %scan3A_218 = arith.constant 5 : i32
    %scan3A_219:8 = scf.for %scan3A_269 = %scan3A_215 to %scan3A_217 step %scan3A_218 iter_args(%scan3A_270 = %scan3A_200#0, %scan3A_271 = %scan3A_200#1, %scan3A_272 = %scan3A_200#2, %scan3A_273 = %scan3A_200#3, %scan3A_274 = %scan3A_200#4, %scan3A_275 = %scan3A_200#5, %scan3A_276 = %scan3A_200#6, %scan3A_277 = %scan3A_200#7) -> (vector<16xf32>, vector<16xf32>, vector<16xf32>, vector<16xf32>, vector<16xf32>, vector<16xf32>, vector<16xf32>, vector<16xf32>)  : i32 {
      %get3A = arith.constant 3 : i32
      %get3A_278 = arith.index_cast %get3A : i32 to index
      %get3A_279 = arith.index_cast %scan3A_269 : i32 to index
      %get3A_280 = arith.constant 0 : index
      %get3A_281 = tpu.vector_load %arg6[%get3A_278, %get3A_279, %get3A_280] {strides = array<i32>} : memref<6x100x128xf32, #tpu.memory_space<vmem>>, vector<1x1x16xf32>,
      %get3A_282 = vector.shape_cast %get3A_281 : vector<1x1x16xf32> to vector<16xf32>
      %add3A_283 = arith.addf %scan3A_270, %get3A_282 : vector<16xf32>
      %get3A_284 = arith.constant 3 : i32
      %get3A_285 = arith.index_cast %get3A_284 : i32 to index
      %get3A_286 = arith.index_cast %scan3A_269 : i32 to index
      %get3A_287 = arith.constant 16 : index
      %get3A_288 = tpu.vector_load %arg6[%get3A_285, %get3A_286, %get3A_287] {strides = array<i32>} : memref<6x100x128xf32, #tpu.memory_space<vmem>>, vector<1x1x16xf32>,
      %get3A_289 = vector.shape_cast %get3A_288 : vector<1x1x16xf32> to vector<16xf32>
      %add3A_290 = arith.addf %scan3A_271, %get3A_289 : vector<16xf32>
      %get3A_291 = arith.constant 3 : i32
      %get3A_292 = arith.index_cast %get3A_291 : i32 to index
      %get3A_293 = arith.index_cast %scan3A_269 : i32 to index
      %get3A_294 = arith.constant 32 : index
      %get3A_295 = tpu.vector_load %arg6[%get3A_292, %get3A_293, %get3A_294] {strides = array<i32>} : memref<6x100x128xf32, #tpu.memory_space<vmem>>, vector<1x1x16xf32>,
      %get3A_296 = vector.shape_cast %get3A_295 : vector<1x1x16xf32> to vector<16xf32>
      %add3A_297 = arith.addf %scan3A_272, %get3A_296 : vector<16xf32>
      %get3A_298 = arith.constant 3 : i32
      %get3A_299 = arith.index_cast %get3A_298 : i32 to index
      %get3A_300 = arith.index_cast %scan3A_269 : i32 to index
      %get3A_301 = arith.constant 48 : index
      %get3A_302 = tpu.vector_load %arg6[%get3A_299, %get3A_300, %get3A_301] {strides = array<i32>} : memref<6x100x128xf32, #tpu.memory_space<vmem>>, vector<1x1x16xf32>,
      %get3A_303 = vector.shape_cast %get3A_302 : vector<1x1x16xf32> to vector<16xf32>
      %add3A_304 = arith.addf %scan3A_273, %get3A_303 : vector<16xf32>
      %get3A_305 = arith.constant 3 : i32
      %get3A_306 = arith.index_cast %get3A_305 : i32 to index
      %get3A_307 = arith.index_cast %scan3A_269 : i32 to index
      %get3A_308 = arith.constant 64 : index
      %get3A_309 = tpu.vector_load %arg6[%get3A_306, %get3A_307, %get3A_308] {strides = array<i32>} : memref<6x100x128xf32, #tpu.memory_space<vmem>>, vector<1x1x16xf32>,
      %get3A_310 = vector.shape_cast %get3A_309 : vector<1x1x16xf32> to vector<16xf32>
      %add3A_311 = arith.addf %scan3A_274, %get3A_310 : vector<16xf32>
      %get3A_312 = arith.constant 3 : i32
      %get3A_313 = arith.index_cast %get3A_312 : i32 to index
      %get3A_314 = arith.index_cast %scan3A_269 : i32 to index
      %get3A_315 = arith.constant 80 : index
      %get3A_316 = tpu.vector_load %arg6[%get3A_313, %get3A_314, %get3A_315] {strides = array<i32>} : memref<6x100x128xf32, #tpu.memory_space<vmem>>, vector<1x1x16xf32>,
      %get3A_317 = vector.shape_cast %get3A_316 : vector<1x1x16xf32> to vector<16xf32>
      %add3A_318 = arith.addf %scan3A_275, %get3A_317 : vector<16xf32>
      %get3A_319 = arith.constant 3 : i32
      %get3A_320 = arith.index_cast %get3A_319 : i32 to index
      %get3A_321 = arith.index_cast %scan3A_269 : i32 to index
      %get3A_322 = arith.constant 96 : index
      %get3A_323 = tpu.vector_load %arg6[%get3A_320, %get3A_321, %get3A_322] {strides = array<i32>} : memref<6x100x128xf32, #tpu.memory_space<vmem>>, vector<1x1x16xf32>,
      %get3A_324 = vector.shape_cast %get3A_323 : vector<1x1x16xf32> to vector<16xf32>
      %add3A_325 = arith.addf %scan3A_276, %get3A_324 : vector<16xf32>
      %get3A_326 = arith.constant 3 : i32
      %get3A_327 = arith.index_cast %get3A_326 : i32 to index
      %get3A_328 = arith.index_cast %scan3A_269 : i32 to index
      %get3A_329 = arith.constant 112 : index
      %get3A_330 = tpu.vector_load %arg6[%get3A_327, %get3A_328, %get3A_329] {strides = array<i32>} : memref<6x100x128xf32, #tpu.memory_space<vmem>>, vector<1x1x16xf32>,
      %get3A_331 = vector.shape_cast %get3A_330 : vector<1x1x16xf32> to vector<16xf32>
      %add3A_332 = arith.addf %scan3A_277, %get3A_331 : vector<16xf32>
      %scan3A_333 = arith.constant 1 : i32
      %scan3A_334 = arith.addi %scan3A_269, %scan3A_333 : i32
      %get3A_335 = arith.constant 3 : i32
      %get3A_336 = arith.index_cast %get3A_335 : i32 to index
      %get3A_337 = arith.index_cast %scan3A_334 : i32 to index
      %get3A_338 = arith.constant 0 : index
      %get3A_339 = tpu.vector_load %arg6[%get3A_336, %get3A_337, %get3A_338] {strides = array<i32>} : memref<6x100x128xf32, #tpu.memory_space<vmem>>, vector<1x1x16xf32>,
      %get3A_340 = vector.shape_cast %get3A_339 : vector<1x1x16xf32> to vector<16xf32>
      %add3A_341 = arith.addf %add3A_283, %get3A_340 : vector<16xf32>
      %get3A_342 = arith.constant 3 : i32
      %get3A_343 = arith.index_cast %get3A_342 : i32 to index
      %get3A_344 = arith.index_cast %scan3A_334 : i32 to index
      %get3A_345 = arith.constant 16 : index
      %get3A_346 = tpu.vector_load %arg6[%get3A_343, %get3A_344, %get3A_345] {strides = array<i32>} : memref<6x100x128xf32, #tpu.memory_space<vmem>>, vector<1x1x16xf32>,
      %get3A_347 = vector.shape_cast %get3A_346 : vector<1x1x16xf32> to vector<16xf32>
      %add3A_348 = arith.addf %add3A_290, %get3A_347 : vector<16xf32>
      %get3A_349 = arith.constant 3 : i32
      %get3A_350 = arith.index_cast %get3A_349 : i32 to index
      %get3A_351 = arith.index_cast %scan3A_334 : i32 to index
      %get3A_352 = arith.constant 32 : index
      %get3A_353 = tpu.vector_load %arg6[%get3A_350, %get3A_351, %get3A_352] {strides = array<i32>} : memref<6x100x128xf32, #tpu.memory_space<vmem>>, vector<1x1x16xf32>,
      %get3A_354 = vector.shape_cast %get3A_353 : vector<1x1x16xf32> to vector<16xf32>
      %add3A_355 = arith.addf %add3A_297, %get3A_354 : vector<16xf32>
      %get3A_356 = arith.constant 3 : i32
      %get3A_357 = arith.index_cast %get3A_356 : i32 to index
      %get3A_358 = arith.index_cast %scan3A_334 : i32 to index
      %get3A_359 = arith.constant 48 : index
      %get3A_360 = tpu.vector_load %arg6[%get3A_357, %get3A_358, %get3A_359] {strides = array<i32>} : memref<6x100x128xf32, #tpu.memory_space<vmem>>, vector<1x1x16xf32>,
      %get3A_361 = vector.shape_cast %get3A_360 : vector<1x1x16xf32> to vector<16xf32>
      %add3A_362 = arith.addf %add3A_304, %get3A_361 : vector<16xf32>
      %get3A_363 = arith.constant 3 : i32
      %get3A_364 = arith.index_cast %get3A_363 : i32 to index
      %get3A_365 = arith.index_cast %scan3A_334 : i32 to index
      %get3A_366 = arith.constant 64 : index
      %get3A_367 = tpu.vector_load %arg6[%get3A_364, %get3A_365, %get3A_366] {strides = array<i32>} : memref<6x100x128xf32, #tpu.memory_space<vmem>>, vector<1x1x16xf32>,
      %get3A_368 = vector.shape_cast %get3A_367 : vector<1x1x16xf32> to vector<16xf32>
      %add3A_369 = arith.addf %add3A_311, %get3A_368 : vector<16xf32>
      %get3A_370 = arith.constant 3 : i32
      %get3A_371 = arith.index_cast %get3A_370 : i32 to index
      %get3A_372 = arith.index_cast %scan3A_334 : i32 to index
      %get3A_373 = arith.constant 80 : index
      %get3A_374 = tpu.vector_load %arg6[%get3A_371, %get3A_372, %get3A_373] {strides = array<i32>} : memref<6x100x128xf32, #tpu.memory_space<vmem>>, vector<1x1x16xf32>,
      %get3A_375 = vector.shape_cast %get3A_374 : vector<1x1x16xf32> to vector<16xf32>
      %add3A_376 = arith.addf %add3A_318, %get3A_375 : vector<16xf32>
      %get3A_377 = arith.constant 3 : i32
      %get3A_378 = arith.index_cast %get3A_377 : i32 to index
      %get3A_379 = arith.index_cast %scan3A_334 : i32 to index
      %get3A_380 = arith.constant 96 : index
      %get3A_381 = tpu.vector_load %arg6[%get3A_378, %get3A_379, %get3A_380] {strides = array<i32>} : memref<6x100x128xf32, #tpu.memory_space<vmem>>, vector<1x1x16xf32>,
      %get3A_382 = vector.shape_cast %get3A_381 : vector<1x1x16xf32> to vector<16xf32>
      %add3A_383 = arith.addf %add3A_325, %get3A_382 : vector<16xf32>
      %get3A_384 = arith.constant 3 : i32
      %get3A_385 = arith.index_cast %get3A_384 : i32 to index
      %get3A_386 = arith.index_cast %scan3A_334 : i32 to index
      %get3A_387 = arith.constant 112 : index
      %get3A_388 = tpu.vector_load %arg6[%get3A_385, %get3A_386, %get3A_387] {strides = array<i32>} : memref<6x100x128xf32, #tpu.memory_space<vmem>>, vector<1x1x16xf32>,
      %get3A_389 = vector.shape_cast %get3A_388 : vector<1x1x16xf32> to vector<16xf32>
      %add3A_390 = arith.addf %add3A_332, %get3A_389 : vector<16xf32>
      %scan3A_391 = arith.constant 2 : i32
      %scan3A_392 = arith.addi %scan3A_269, %scan3A_391 : i32
      %get3A_393 = arith.constant 3 : i32
      %get3A_394 = arith.index_cast %get3A_393 : i32 to index
      %get3A_395 = arith.index_cast %scan3A_392 : i32 to index
      %get3A_396 = arith.constant 0 : index
      %get3A_397 = tpu.vector_load %arg6[%get3A_394, %get3A_395, %get3A_396] {strides = array<i32>} : memref<6x100x128xf32, #tpu.memory_space<vmem>>, vector<1x1x16xf32>,
      %get3A_398 = vector.shape_cast %get3A_397 : vector<1x1x16xf32> to vector<16xf32>
      %add3A_399 = arith.addf %add3A_341, %get3A_398 : vector<16xf32>
      %get3A_400 = arith.constant 3 : i32
      %get3A_401 = arith.index_cast %get3A_400 : i32 to index
      %get3A_402 = arith.index_cast %scan3A_392 : i32 to index
      %get3A_403 = arith.constant 16 : index
      %get3A_404 = tpu.vector_load %arg6[%get3A_401, %get3A_402, %get3A_403] {strides = array<i32>} : memref<6x100x128xf32, #tpu.memory_space<vmem>>, vector<1x1x16xf32>,
      %get3A_405 = vector.shape_cast %get3A_404 : vector<1x1x16xf32> to vector<16xf32>
      %add3A_406 = arith.addf %add3A_348, %get3A_405 : vector<16xf32>
      %get3A_407 = arith.constant 3 : i32
      %get3A_408 = arith.index_cast %get3A_407 : i32 to index
      %get3A_409 = arith.index_cast %scan3A_392 : i32 to index
      %get3A_410 = arith.constant 32 : index
      %get3A_411 = tpu.vector_load %arg6[%get3A_408, %get3A_409, %get3A_410] {strides = array<i32>} : memref<6x100x128xf32, #tpu.memory_space<vmem>>, vector<1x1x16xf32>,
      %get3A_412 = vector.shape_cast %get3A_411 : vector<1x1x16xf32> to vector<16xf32>
      %add3A_413 = arith.addf %add3A_355, %get3A_412 : vector<16xf32>
      %get3A_414 = arith.constant 3 : i32
      %get3A_415 = arith.index_cast %get3A_414 : i32 to index
      %get3A_416 = arith.index_cast %scan3A_392 : i32 to index
      %get3A_417 = arith.constant 48 : index
      %get3A_418 = tpu.vector_load %arg6[%get3A_415, %get3A_416, %get3A_417] {strides = array<i32>} : memref<6x100x128xf32, #tpu.memory_space<vmem>>, vector<1x1x16xf32>,
      %get3A_419 = vector.shape_cast %get3A_418 : vector<1x1x16xf32> to vector<16xf32>
      %add3A_420 = arith.addf %add3A_362, %get3A_419 : vector<16xf32>
      %get3A_421 = arith.constant 3 : i32
      %get3A_422 = arith.index_cast %get3A_421 : i32 to index
      %get3A_423 = arith.index_cast %scan3A_392 : i32 to index
      %get3A_424 = arith.constant 64 : index
      %get3A_425 = tpu.vector_load %arg6[%get3A_422, %get3A_423, %get3A_424] {strides = array<i32>} : memref<6x100x128xf32, #tpu.memory_space<vmem>>, vector<1x1x16xf32>,
      %get3A_426 = vector.shape_cast %get3A_425 : vector<1x1x16xf32> to vector<16xf32>
      %add3A_427 = arith.addf %add3A_369, %get3A_426 : vector<16xf32>
      %get3A_428 = arith.constant 3 : i32
      %get3A_429 = arith.index_cast %get3A_428 : i32 to index
      %get3A_430 = arith.index_cast %scan3A_392 : i32 to index
      %get3A_431 = arith.constant 80 : index
      %get3A_432 = tpu.vector_load %arg6[%get3A_429, %get3A_430, %get3A_431] {strides = array<i32>} : memref<6x100x128xf32, #tpu.memory_space<vmem>>, vector<1x1x16xf32>,
      %get3A_433 = vector.shape_cast %get3A_432 : vector<1x1x16xf32> to vector<16xf32>
      %add3A_434 = arith.addf %add3A_376, %get3A_433 : vector<16xf32>
      %get3A_435 = arith.constant 3 : i32
      %get3A_436 = arith.index_cast %get3A_435 : i32 to index
      %get3A_437 = arith.index_cast %scan3A_392 : i32 to index
      %get3A_438 = arith.constant 96 : index
      %get3A_439 = tpu.vector_load %arg6[%get3A_436, %get3A_437, %get3A_438] {strides = array<i32>} : memref<6x100x128xf32, #tpu.memory_space<vmem>>, vector<1x1x16xf32>,
      %get3A_440 = vector.shape_cast %get3A_439 : vector<1x1x16xf32> to vector<16xf32>
      %add3A_441 = arith.addf %add3A_383, %get3A_440 : vector<16xf32>
      %get3A_442 = arith.constant 3 : i32
      %get3A_443 = arith.index_cast %get3A_442 : i32 to index
      %get3A_444 = arith.index_cast %scan3A_392 : i32 to index
      %get3A_445 = arith.constant 112 : index
      %get3A_446 = tpu.vector_load %arg6[%get3A_443, %get3A_444, %get3A_445] {strides = array<i32>} : memref<6x100x128xf32, #tpu.memory_space<vmem>>, vector<1x1x16xf32>,
      %get3A_447 = vector.shape_cast %get3A_446 : vector<1x1x16xf32> to vector<16xf32>
      %add3A_448 = arith.addf %add3A_390, %get3A_447 : vector<16xf32>
      %scan3A_449 = arith.constant 3 : i32
      %scan3A_450 = arith.addi %scan3A_269, %scan3A_449 : i32
      %get3A_451 = arith.constant 3 : i32
      %get3A_452 = arith.index_cast %get3A_451 : i32 to index
      %get3A_453 = arith.index_cast %scan3A_450 : i32 to index
      %get3A_454 = arith.constant 0 : index
      %get3A_455 = tpu.vector_load %arg6[%get3A_452, %get3A_453, %get3A_454] {strides = array<i32>} : memref<6x100x128xf32, #tpu.memory_space<vmem>>, vector<1x1x16xf32>,
      %get3A_456 = vector.shape_cast %get3A_455 : vector<1x1x16xf32> to vector<16xf32>
      %add3A_457 = arith.addf %add3A_399, %get3A_456 : vector<16xf32>
      %get3A_458 = arith.constant 3 : i32
      %get3A_459 = arith.index_cast %get3A_458 : i32 to index
      %get3A_460 = arith.index_cast %scan3A_450 : i32 to index
      %get3A_461 = arith.constant 16 : index
      %get3A_462 = tpu.vector_load %arg6[%get3A_459, %get3A_460, %get3A_461] {strides = array<i32>} : memref<6x100x128xf32, #tpu.memory_space<vmem>>, vector<1x1x16xf32>,
      %get3A_463 = vector.shape_cast %get3A_462 : vector<1x1x16xf32> to vector<16xf32>
      %add3A_464 = arith.addf %add3A_406, %get3A_463 : vector<16xf32>
      %get3A_465 = arith.constant 3 : i32
      %get3A_466 = arith.index_cast %get3A_465 : i32 to index
      %get3A_467 = arith.index_cast %scan3A_450 : i32 to index
      %get3A_468 = arith.constant 32 : index
      %get3A_469 = tpu.vector_load %arg6[%get3A_466, %get3A_467, %get3A_468] {strides = array<i32>} : memref<6x100x128xf32, #tpu.memory_space<vmem>>, vector<1x1x16xf32>,
      %get3A_470 = vector.shape_cast %get3A_469 : vector<1x1x16xf32> to vector<16xf32>
      %add3A_471 = arith.addf %add3A_413, %get3A_470 : vector<16xf32>
      %get3A_472 = arith.constant 3 : i32
      %get3A_473 = arith.index_cast %get3A_472 : i32 to index
      %get3A_474 = arith.index_cast %scan3A_450 : i32 to index
      %get3A_475 = arith.constant 48 : index
      %get3A_476 = tpu.vector_load %arg6[%get3A_473, %get3A_474, %get3A_475] {strides = array<i32>} : memref<6x100x128xf32, #tpu.memory_space<vmem>>, vector<1x1x16xf32>,
      %get3A_477 = vector.shape_cast %get3A_476 : vector<1x1x16xf32> to vector<16xf32>
      %add3A_478 = arith.addf %add3A_420, %get3A_477 : vector<16xf32>
      %get3A_479 = arith.constant 3 : i32
      %get3A_480 = arith.index_cast %get3A_479 : i32 to index
      %get3A_481 = arith.index_cast %scan3A_450 : i32 to index
      %get3A_482 = arith.constant 64 : index
      %get3A_483 = tpu.vector_load %arg6[%get3A_480, %get3A_481, %get3A_482] {strides = array<i32>} : memref<6x100x128xf32, #tpu.memory_space<vmem>>, vector<1x1x16xf32>,
      %get3A_484 = vector.shape_cast %get3A_483 : vector<1x1x16xf32> to vector<16xf32>
      %add3A_485 = arith.addf %add3A_427, %get3A_484 : vector<16xf32>
      %get3A_486 = arith.constant 3 : i32
      %get3A_487 = arith.index_cast %get3A_486 : i32 to index
      %get3A_488 = arith.index_cast %scan3A_450 : i32 to index
      %get3A_489 = arith.constant 80 : index
      %get3A_490 = tpu.vector_load %arg6[%get3A_487, %get3A_488, %get3A_489] {strides = array<i32>} : memref<6x100x128xf32, #tpu.memory_space<vmem>>, vector<1x1x16xf32>,
      %get3A_491 = vector.shape_cast %get3A_490 : vector<1x1x16xf32> to vector<16xf32>
      %add3A_492 = arith.addf %add3A_434, %get3A_491 : vector<16xf32>
      %get3A_493 = arith.constant 3 : i32
      %get3A_494 = arith.index_cast %get3A_493 : i32 to index
      %get3A_495 = arith.index_cast %scan3A_450 : i32 to index
      %get3A_496 = arith.constant 96 : index
      %get3A_497 = tpu.vector_load %arg6[%get3A_494, %get3A_495, %get3A_496] {strides = array<i32>} : memref<6x100x128xf32, #tpu.memory_space<vmem>>, vector<1x1x16xf32>,
      %get3A_498 = vector.shape_cast %get3A_497 : vector<1x1x16xf32> to vector<16xf32>
      %add3A_499 = arith.addf %add3A_441, %get3A_498 : vector<16xf32>
      %get3A_500 = arith.constant 3 : i32
      %get3A_501 = arith.index_cast %get3A_500 : i32 to index
      %get3A_502 = arith.index_cast %scan3A_450 : i32 to index
      %get3A_503 = arith.constant 112 : index
      %get3A_504 = tpu.vector_load %arg6[%get3A_501, %get3A_502, %get3A_503] {strides = array<i32>} : memref<6x100x128xf32, #tpu.memory_space<vmem>>, vector<1x1x16xf32>,
      %get3A_505 = vector.shape_cast %get3A_504 : vector<1x1x16xf32> to vector<16xf32>
      %add3A_506 = arith.addf %add3A_448, %get3A_505 : vector<16xf32>
      %scan3A_507 = arith.constant 4 : i32
      %scan3A_508 = arith.addi %scan3A_269, %scan3A_507 : i32
      %get3A_509 = arith.constant 3 : i32
      %get3A_510 = arith.index_cast %get3A_509 : i32 to index
      %get3A_511 = arith.index_cast %scan3A_508 : i32 to index
      %get3A_512 = arith.constant 0 : index
      %get3A_513 = tpu.vector_load %arg6[%get3A_510, %get3A_511, %get3A_512] {strides = array<i32>} : memref<6x100x128xf32, #tpu.memory_space<vmem>>, vector<1x1x16xf32>,
      %get3A_514 = vector.shape_cast %get3A_513 : vector<1x1x16xf32> to vector<16xf32>
      %add3A_515 = arith.addf %add3A_457, %get3A_514 : vector<16xf32>
      %get3A_516 = arith.constant 3 : i32
      %get3A_517 = arith.index_cast %get3A_516 : i32 to index
      %get3A_518 = arith.index_cast %scan3A_508 : i32 to index
      %get3A_519 = arith.constant 16 : index
      %get3A_520 = tpu.vector_load %arg6[%get3A_517, %get3A_518, %get3A_519] {strides = array<i32>} : memref<6x100x128xf32, #tpu.memory_space<vmem>>, vector<1x1x16xf32>,
      %get3A_521 = vector.shape_cast %get3A_520 : vector<1x1x16xf32> to vector<16xf32>
      %add3A_522 = arith.addf %add3A_464, %get3A_521 : vector<16xf32>
      %get3A_523 = arith.constant 3 : i32
      %get3A_524 = arith.index_cast %get3A_523 : i32 to index
      %get3A_525 = arith.index_cast %scan3A_508 : i32 to index
      %get3A_526 = arith.constant 32 : index
      %get3A_527 = tpu.vector_load %arg6[%get3A_524, %get3A_525, %get3A_526] {strides = array<i32>} : memref<6x100x128xf32, #tpu.memory_space<vmem>>, vector<1x1x16xf32>,
      %get3A_528 = vector.shape_cast %get3A_527 : vector<1x1x16xf32> to vector<16xf32>
      %add3A_529 = arith.addf %add3A_471, %get3A_528 : vector<16xf32>
      %get3A_530 = arith.constant 3 : i32
      %get3A_531 = arith.index_cast %get3A_530 : i32 to index
      %get3A_532 = arith.index_cast %scan3A_508 : i32 to index
      %get3A_533 = arith.constant 48 : index
      %get3A_534 = tpu.vector_load %arg6[%get3A_531, %get3A_532, %get3A_533] {strides = array<i32>} : memref<6x100x128xf32, #tpu.memory_space<vmem>>, vector<1x1x16xf32>,
      %get3A_535 = vector.shape_cast %get3A_534 : vector<1x1x16xf32> to vector<16xf32>
      %add3A_536 = arith.addf %add3A_478, %get3A_535 : vector<16xf32>
      %get3A_537 = arith.constant 3 : i32
      %get3A_538 = arith.index_cast %get3A_537 : i32 to index
      %get3A_539 = arith.index_cast %scan3A_508 : i32 to index
      %get3A_540 = arith.constant 64 : index
      %get3A_541 = tpu.vector_load %arg6[%get3A_538, %get3A_539, %get3A_540] {strides = array<i32>} : memref<6x100x128xf32, #tpu.memory_space<vmem>>, vector<1x1x16xf32>,
      %get3A_542 = vector.shape_cast %get3A_541 : vector<1x1x16xf32> to vector<16xf32>
      %add3A_543 = arith.addf %add3A_485, %get3A_542 : vector<16xf32>
      %get3A_544 = arith.constant 3 : i32
      %get3A_545 = arith.index_cast %get3A_544 : i32 to index
      %get3A_546 = arith.index_cast %scan3A_508 : i32 to index
      %get3A_547 = arith.constant 80 : index
      %get3A_548 = tpu.vector_load %arg6[%get3A_545, %get3A_546, %get3A_547] {strides = array<i32>} : memref<6x100x128xf32, #tpu.memory_space<vmem>>, vector<1x1x16xf32>,
      %get3A_549 = vector.shape_cast %get3A_548 : vector<1x1x16xf32> to vector<16xf32>
      %add3A_550 = arith.addf %add3A_492, %get3A_549 : vector<16xf32>
      %get3A_551 = arith.constant 3 : i32
      %get3A_552 = arith.index_cast %get3A_551 : i32 to index
      %get3A_553 = arith.index_cast %scan3A_508 : i32 to index
      %get3A_554 = arith.constant 96 : index
      %get3A_555 = tpu.vector_load %arg6[%get3A_552, %get3A_553, %get3A_554] {strides = array<i32>} : memref<6x100x128xf32, #tpu.memory_space<vmem>>, vector<1x1x16xf32>,
      %get3A_556 = vector.shape_cast %get3A_555 : vector<1x1x16xf32> to vector<16xf32>
      %add3A_557 = arith.addf %add3A_499, %get3A_556 : vector<16xf32>
      %get3A_558 = arith.constant 3 : i32
      %get3A_559 = arith.index_cast %get3A_558 : i32 to index
      %get3A_560 = arith.index_cast %scan3A_508 : i32 to index
      %get3A_561 = arith.constant 112 : index
      %get3A_562 = tpu.vector_load %arg6[%get3A_559, %get3A_560, %get3A_561] {strides = array<i32>} : memref<6x100x128xf32, #tpu.memory_space<vmem>>, vector<1x1x16xf32>,
      %get3A_563 = vector.shape_cast %get3A_562 : vector<1x1x16xf32> to vector<16xf32>
      %add3A_564 = arith.addf %add3A_506, %get3A_563 : vector<16xf32>
      scf.yield %add3A_515, %add3A_522, %add3A_529, %add3A_536, %add3A_543, %add3A_550, %add3A_557, %add3A_564 : vector<16xf32>, vector<16xf32>, vector<16xf32>, vector<16xf32>, vector<16xf32>, vector<16xf32>, vector<16xf32>, vector<16xf32>
    }
    %scan3A_220 = arith.constant 100 : i32
    %swap3A_221 = arith.constant 127 : i32
    %swap3A_222 = arith.index_cast %swap3A_221 : i32 to index
    %swap3A_223 = arith.constant 0 : index
    %swap3A_224 = tpu.vector_load %arg7[%swap3A_222, %swap3A_223] {strides = array<i32>} : memref<128x128xf32, #tpu.memory_space<vmem>>, vector<1x16xf32>,
    %swap3A_225 = vector.shape_cast %swap3A_224 : vector<1x16xf32> to vector<16xf32>
    %swap3A_226 = vector.shape_cast %scan3A_219#0 : vector<16xf32> to vector<1x16xf32>
    tpu.vector_store %arg7[%swap3A_222, %swap3A_223], %swap3A_226 {strides = array<i32>} : memref<128x128xf32, #tpu.memory_space<vmem>>, vector<1x16xf32>,
    %swap3A_227 = arith.constant 127 : i32
    %swap3A_228 = arith.index_cast %swap3A_227 : i32 to index
    %swap3A_229 = arith.constant 16 : index
    %swap3A_230 = tpu.vector_load %arg7[%swap3A_228, %swap3A_229] {strides = array<i32>} : memref<128x128xf32, #tpu.memory_space<vmem>>, vector<1x16xf32>,
    %swap3A_231 = vector.shape_cast %swap3A_230 : vector<1x16xf32> to vector<16xf32>
    %swap3A_232 = vector.shape_cast %scan3A_219#1 : vector<16xf32> to vector<1x16xf32>
    tpu.vector_store %arg7[%swap3A_228, %swap3A_229], %swap3A_232 {strides = array<i32>} : memref<128x128xf32, #tpu.memory_space<vmem>>, vector<1x16xf32>,
    %swap3A_233 = arith.constant 127 : i32
    %swap3A_234 = arith.index_cast %swap3A_233 : i32 to index
    %swap3A_235 = arith.constant 32 : index
    %swap3A_236 = tpu.vector_load %arg7[%swap3A_234, %swap3A_235] {strides = array<i32>} : memref<128x128xf32, #tpu.memory_space<vmem>>, vector<1x16xf32>,
    %swap3A_237 = vector.shape_cast %swap3A_236 : vector<1x16xf32> to vector<16xf32>
    %swap3A_238 = vector.shape_cast %scan3A_219#2 : vector<16xf32> to vector<1x16xf32>
    tpu.vector_store %arg7[%swap3A_234, %swap3A_235], %swap3A_238 {strides = array<i32>} : memref<128x128xf32, #tpu.memory_space<vmem>>, vector<1x16xf32>,
    %swap3A_239 = arith.constant 127 : i32
    %swap3A_240 = arith.index_cast %swap3A_239 : i32 to index
    %swap3A_241 = arith.constant 48 : index
    %swap3A_242 = tpu.vector_load %arg7[%swap3A_240, %swap3A_241] {strides = array<i32>} : memref<128x128xf32, #tpu.memory_space<vmem>>, vector<1x16xf32>,
    %swap3A_243 = vector.shape_cast %swap3A_242 : vector<1x16xf32> to vector<16xf32>
    %swap3A_244 = vector.shape_cast %scan3A_219#3 : vector<16xf32> to vector<1x16xf32>
    tpu.vector_store %arg7[%swap3A_240, %swap3A_241], %swap3A_244 {strides = array<i32>} : memref<128x128xf32, #tpu.memory_space<vmem>>, vector<1x16xf32>,
    %swap3A_245 = arith.constant 127 : i32
    %swap3A_246 = arith.index_cast %swap3A_245 : i32 to index
    %swap3A_247 = arith.constant 64 : index
    %swap3A_248 = tpu.vector_load %arg7[%swap3A_246, %swap3A_247] {strides = array<i32>} : memref<128x128xf32, #tpu.memory_space<vmem>>, vector<1x16xf32>,
    %swap3A_249 = vector.shape_cast %swap3A_248 : vector<1x16xf32> to vector<16xf32>
    %swap3A_250 = vector.shape_cast %scan3A_219#4 : vector<16xf32> to vector<1x16xf32>
    tpu.vector_store %arg7[%swap3A_246, %swap3A_247], %swap3A_250 {strides = array<i32>} : memref<128x128xf32, #tpu.memory_space<vmem>>, vector<1x16xf32>,
    %swap3A_251 = arith.constant 127 : i32
    %swap3A_252 = arith.index_cast %swap3A_251 : i32 to index
    %swap3A_253 = arith.constant 80 : index
    %swap3A_254 = tpu.vector_load %arg7[%swap3A_252, %swap3A_253] {strides = array<i32>} : memref<128x128xf32, #tpu.memory_space<vmem>>, vector<1x16xf32>,
    %swap3A_255 = vector.shape_cast %swap3A_254 : vector<1x16xf32> to vector<16xf32>
    %swap3A_256 = vector.shape_cast %scan3A_219#5 : vector<16xf32> to vector<1x16xf32>
    tpu.vector_store %arg7[%swap3A_252, %swap3A_253], %swap3A_256 {strides = array<i32>} : memref<128x128xf32, #tpu.memory_space<vmem>>, vector<1x16xf32>,
    %swap3A_257 = arith.constant 127 : i32
    %swap3A_258 = arith.index_cast %swap3A_257 : i32 to index
    %swap3A_259 = arith.constant 96 : index
    %swap3A_260 = tpu.vector_load %arg7[%swap3A_258, %swap3A_259] {strides = array<i32>} : memref<128x128xf32, #tpu.memory_space<vmem>>, vector<1x16xf32>,
    %swap3A_261 = vector.shape_cast %swap3A_260 : vector<1x16xf32> to vector<16xf32>
    %swap3A_262 = vector.shape_cast %scan3A_219#6 : vector<16xf32> to vector<1x16xf32>
    tpu.vector_store %arg7[%swap3A_258, %swap3A_259], %swap3A_262 {strides = array<i32>} : memref<128x128xf32, #tpu.memory_space<vmem>>, vector<1x16xf32>,
    %swap3A_263 = arith.constant 127 : i32
    %swap3A_264 = arith.index_cast %swap3A_263 : i32 to index
    %swap3A_265 = arith.constant 112 : index
    %swap3A_266 = tpu.vector_load %arg7[%swap3A_264, %swap3A_265] {strides = array<i32>} : memref<128x128xf32, #tpu.memory_space<vmem>>, vector<1x16xf32>,
    %swap3A_267 = vector.shape_cast %swap3A_266 : vector<1x16xf32> to vector<16xf32>
    %swap3A_268 = vector.shape_cast %scan3A_219#7 : vector<16xf32> to vector<1x16xf32>
    tpu.vector_store %arg7[%swap3A_264, %swap3A_265], %swap3A_268 {strides = array<i32>} : memref<128x128xf32, #tpu.memory_space<vmem>>, vector<1x16xf32>,
    "tpu.region"() ({
      %run_scoped3A = tpu.sem_alloc : memref<!tpu.dma_semaphore, #tpu.memory_space<semaphore_mem>>
      %dma_start3A_269 = arith.constant 0 : i32
      %dma_start3A_270 = tpu.memref_slice %arg4[%mul3A_2, %dma_start3A_269] : memref<4096x128xf32, #tpu.memory_space<hbm>> -> memref<128x128xf32, #tpu.memory_space<hbm>>
      %dma_start3A_271 = arith.constant 0 : i32
      %dma_start3A_272 = tpu.memref_slice %arg4[%mul3A_2, %dma_start3A_271] : memref<4096x128xf32, #tpu.memory_space<hbm>> -> memref<128x128xf32, #tpu.memory_space<hbm>>
      tpu.enqueue_dma source(%arg7 : memref<128x128xf32, #tpu.memory_space<vmem>>) target(%dma_start3A_272 : memref<128x128xf32, #tpu.memory_space<hbm>>) target_semaphore(%run_scoped3A : memref<!tpu.dma_semaphore, #tpu.memory_space<semaphore_mem>>)
      %dma_wait3A_273 = arith.constant 0 : i32
      %dma_wait3A_274 = tpu.memref_slice %arg4[%mul3A_2, %dma_wait3A_273] : memref<4096x128xf32, #tpu.memory_space<hbm>> -> memref<128x128xf32, #tpu.memory_space<hbm>>
      %dma_wait3A_275 = arith.constant 0 : i32
      %dma_wait3A_276 = tpu.memref_slice %arg4[%mul3A_2, %dma_wait3A_275] : memref<4096x128xf32, #tpu.memory_space<hbm>> -> memref<128x128xf32, #tpu.memory_space<hbm>>
      tpu.wait_dma2 semaphore(%run_scoped3A : memref<!tpu.dma_semaphore, #tpu.memory_space<semaphore_mem>>) src(%arg7 : memref<128x128xf32, #tpu.memory_space<vmem>>) dst(%dma_wait3A_276 : memref<128x128xf32, #tpu.memory_space<hbm>>)
      tpu.yield
    }) : () -> ()
    return
  }
}

module attributes {stable_mosaic.version = 14 : i64} {
  func.func @_mlp_body(%arg0: i32, %arg1: memref<512x128xf32, #tpu.memory_space<vmem>>, %arg2: memref<128x1024xbf16, #tpu.memory_space<vmem>>, %arg3: memref<1x1024xf32, #tpu.memory_space<vmem>>, %arg4: memref<1024x1024xbf16, #tpu.memory_space<vmem>>, %arg5: memref<1x1024xf32, #tpu.memory_space<vmem>>, %arg6: memref<1024x8xbf16, #tpu.memory_space<vmem>>, %arg7: memref<1x8xf32, #tpu.memory_space<vmem>>, %arg8: memref<512x8xf32, #tpu.memory_space<vmem>>) attributes {dimension_semantics = [#tpu.dimension_semantics<arbitrary>], iteration_bounds = array<i64: 8>, scalar_prefetch = 0 : i64, scratch_operands = 0 : i64, tpu.core_type = #tpu.core_type<tc>, window_params = [{transform_indices = @transform_0, window_bounds = array<i64: 512, 128>}, {pipeline_mode = #tpu.pipeline_mode<synchronous>, transform_indices = @transform_1, window_bounds = array<i64: 128, 1024>}, {pipeline_mode = #tpu.pipeline_mode<synchronous>, transform_indices = @transform_2, window_bounds = array<i64: 1, 1024>}, {pipeline_mode = #tpu.pipeline_mode<synchronous>, transform_indices = @transform_3, window_bounds = array<i64: 1024, 1024>}, {pipeline_mode = #tpu.pipeline_mode<synchronous>, transform_indices = @transform_4, window_bounds = array<i64: 1, 1024>}, {pipeline_mode = #tpu.pipeline_mode<synchronous>, transform_indices = @transform_5, window_bounds = array<i64: 1024, 8>}, {pipeline_mode = #tpu.pipeline_mode<synchronous>, transform_indices = @transform_6, window_bounds = array<i64: 1, 8>}, {transform_indices = @transform_7, window_bounds = array<i64: 512, 8>}]} {
    %get3A = arith.constant 0 : index
    %get3A_0 = arith.constant 0 : index
    %get3A_1 = vector.load %arg1[%get3A, %get3A_0] : memref<512x128xf32, #tpu.memory_space<vmem>>, vector<512x128xf32>
    %convert_element_type3A = arith.truncf %get3A_1 : vector<512x128xf32> to vector<512x128xbf16>
    %get3A_2 = arith.constant 0 : index
    %get3A_3 = arith.constant 0 : index
    %get3A_4 = vector.load %arg2[%get3A_2, %get3A_3] : memref<128x1024xbf16, #tpu.memory_space<vmem>>, vector<128x1024xbf16>
    %dot_general3A = arith.constant dense<0.000000e+00> : vector<512x1024xf32>
    %dot_general3A_5 = tpu.matmul %convert_element_type3A, %get3A_4, %dot_general3A {dimension_numbers = #tpu.dot_dimension_numbers<[1], [0], [0], [1], [0, 0, 1, 1], [], []>, transpose_lhs_hint = false} : vector<512x128xbf16>, vector<128x1024xbf16>, vector<512x1024xf32> -> vector<512x1024xf32>
    %get3A_6 = arith.constant 0 : index
    %get3A_7 = arith.constant 0 : index
    %get3A_8 = vector.load %arg3[%get3A_6, %get3A_7] : memref<1x1024xf32, #tpu.memory_space<vmem>>, vector<1x1024xf32>
    %add3A = vector.broadcast %get3A_8 : vector<1x1024xf32> to vector<512x1024xf32>
    %add3A_9 = arith.addf %dot_general3A_5, %add3A : vector<512x1024xf32>
    %max3A = arith.constant 0.000000e+00 : f32
    %max3A_10 = vector.broadcast %max3A : f32 to vector<512x1024xf32>
    %max3A_11 = arith.maximumf %add3A_9, %max3A_10 : vector<512x1024xf32>
    %convert_element_type3A_12 = arith.truncf %max3A_11 : vector<512x1024xf32> to vector<512x1024xbf16>
    %get3A_13 = arith.constant 0 : index
    %get3A_14 = arith.constant 0 : index
    %get3A_15 = vector.load %arg4[%get3A_13, %get3A_14] : memref<1024x1024xbf16, #tpu.memory_space<vmem>>, vector<1024x1024xbf16>
    %dot_general3A_16 = arith.constant dense<0.000000e+00> : vector<512x1024xf32>
    %dot_general3A_17 = tpu.matmul %convert_element_type3A_12, %get3A_15, %dot_general3A_16 {dimension_numbers = #tpu.dot_dimension_numbers<[1], [0], [0], [1], [0, 0, 1, 1], [], []>, transpose_lhs_hint = false} : vector<512x1024xbf16>, vector<1024x1024xbf16>, vector<512x1024xf32> -> vector<512x1024xf32>
    %get3A_18 = arith.constant 0 : index
    %get3A_19 = arith.constant 0 : index
    %get3A_20 = vector.load %arg5[%get3A_18, %get3A_19] : memref<1x1024xf32, #tpu.memory_space<vmem>>, vector<1x1024xf32>
    %add3A_21 = vector.broadcast %get3A_20 : vector<1x1024xf32> to vector<512x1024xf32>
    %add3A_22 = arith.addf %dot_general3A_17, %add3A_21 : vector<512x1024xf32>
    %max3A_23 = arith.constant 0.000000e+00 : f32
    %max3A_24 = vector.broadcast %max3A_23 : f32 to vector<512x1024xf32>
    %max3A_25 = arith.maximumf %add3A_22, %max3A_24 : vector<512x1024xf32>
    %convert_element_type3A_26 = arith.truncf %max3A_25 : vector<512x1024xf32> to vector<512x1024xbf16>
    %get3A_27 = arith.constant 0 : index
    %get3A_28 = arith.constant 0 : index
    %get3A_29 = vector.load %arg6[%get3A_27, %get3A_28] : memref<1024x8xbf16, #tpu.memory_space<vmem>>, vector<1024x8xbf16>
    %dot_general3A_30 = arith.constant dense<0.000000e+00> : vector<512x8xf32>
    %dot_general3A_31 = tpu.matmul %convert_element_type3A_26, %get3A_29, %dot_general3A_30 {dimension_numbers = #tpu.dot_dimension_numbers<[1], [0], [0], [1], [0, 0, 1, 1], [], []>, transpose_lhs_hint = false} : vector<512x1024xbf16>, vector<1024x8xbf16>, vector<512x8xf32> -> vector<512x8xf32>
    %get3A_32 = arith.constant 0 : index
    %get3A_33 = arith.constant 0 : index
    %get3A_34 = vector.load %arg7[%get3A_32, %get3A_33] : memref<1x8xf32, #tpu.memory_space<vmem>>, vector<1x8xf32>
    %add3A_35 = vector.broadcast %get3A_34 : vector<1x8xf32> to vector<512x8xf32>
    %add3A_36 = arith.addf %dot_general3A_31, %add3A_35 : vector<512x8xf32>
    %swap3A = arith.constant 0 : index
    %swap3A_37 = arith.constant 0 : index
    %swap3A_38 = vector.load %arg8[%swap3A, %swap3A_37] : memref<512x8xf32, #tpu.memory_space<vmem>>, vector<512x8xf32>
    tpu.vector_store %arg8[%swap3A, %swap3A_37], %add3A_36 {strides = array<i32>} : memref<512x8xf32, #tpu.memory_space<vmem>>, vector<512x8xf32>,
    return
  }
  func.func @transform_0(%arg0: i32) -> (i32, i32) {
    %c0_i32 = arith.constant 0 : i32
    %c0_i32_0 = arith.constant 0 : i32
    return %arg0, %c0_i32 : i32, i32
  }
  func.func @transform_1(%arg0: i32) -> (i32, i32) {
    %c0_i32 = arith.constant 0 : i32
    %c0_i32_0 = arith.constant 0 : i32
    %c0_i32_1 = arith.constant 0 : i32
    return %c0_i32, %c0_i32_0 : i32, i32
  }
  func.func @transform_2(%arg0: i32) -> (i32, i32) {
    %c0_i32 = arith.constant 0 : i32
    %c0_i32_0 = arith.constant 0 : i32
    %c0_i32_1 = arith.constant 0 : i32
    return %c0_i32, %c0_i32_0 : i32, i32
  }
  func.func @transform_3(%arg0: i32) -> (i32, i32) {
    %c0_i32 = arith.constant 0 : i32
    %c0_i32_0 = arith.constant 0 : i32
    %c0_i32_1 = arith.constant 0 : i32
    return %c0_i32, %c0_i32_0 : i32, i32
  }
  func.func @transform_4(%arg0: i32) -> (i32, i32) {
    %c0_i32 = arith.constant 0 : i32
    %c0_i32_0 = arith.constant 0 : i32
    %c0_i32_1 = arith.constant 0 : i32
    return %c0_i32, %c0_i32_0 : i32, i32
  }
  func.func @transform_5(%arg0: i32) -> (i32, i32) {
    %c0_i32 = arith.constant 0 : i32
    %c0_i32_0 = arith.constant 0 : i32
    %c0_i32_1 = arith.constant 0 : i32
    return %c0_i32, %c0_i32_0 : i32, i32
  }
  func.func @transform_6(%arg0: i32) -> (i32, i32) {
    %c0_i32 = arith.constant 0 : i32
    %c0_i32_0 = arith.constant 0 : i32
    %c0_i32_1 = arith.constant 0 : i32
    return %c0_i32, %c0_i32_0 : i32, i32
  }
  func.func @transform_7(%arg0: i32) -> (i32, i32) {
    %c0_i32 = arith.constant 0 : i32
    %c0_i32_0 = arith.constant 0 : i32
    return %arg0, %c0_i32 : i32, i32
  }
}

</mosaic_0001>

<sc_bundles>
// kernel: sc_embed_pool.3.cloned.1.call-start
scs
__scs_entry_jumppad:
0x0: {  	(pc) =	sbr.rel $0x88, $3  }
0x1: {  	(tag) =	ssettag $0x0;
	lr =	simm.s32 $0x1  }
0x2: {  	[smem:$0x3F99] =	sst lr;
	_ =	strace $0xD0000000  }
0x3: {  	_ = 	snop  }
0x4: {  	_ = 	snop  }
0x5: {  	_ = 	snop  }
0x6: {  	_ = 	snop  }
0x7: {  	_ = 	snop  }
__scs_overlays_trampoline_lowered:
0x8: {  	[smem:$0x3FA8] =	sst s0  }
0x9: {  	[smem:$0x3FA9] =	sst s1  }
0xa: {  	[smem:$0x3FAA] =	sst s2  }
0xb: {  	[smem:$0x3FAB] =	sst s3  }
0xc: {  	[smem:$0x3FAC] =	sst s4  }
0xd: {  	[smem:$0x3FAD] =	sst s5  }
0xe: {  	[smem:$0x3FAE] =	sst s6  }
0xf: {  	[smem:$0x3FAF] =	sst s7  }
0x10: {  	[smem:$0x3FB0] =	sst s8  }
0x11: {  	[smem:$0x3FB1] =	sst s9;
	s0 =	simm.s32 @!p0 $0x0  }
0x12: {  	s1 =	sld [smem:$0x3F97];
	s0 =	simm.s32 @p0 $0x1  }
0x13: {  	[smem:$0x3FB2] =	sst s0;
	s0 =	simm.s32 @!p1 $0x0  }
0x14: {  	s2 =	sld [smem:$0x3F96];
	s0 =	simm.s32 @p1 $0x1  }
0x15: {  	[smem:$0x3FB3] =	sst s0;
	s0 =	simm.s32 @!p2 $0x0  }
0x16: {  	s3 =	sld [smem:$0x3FDB];
	s0 =	simm.s32 @p2 $0x1  }
0x17: {  	s4 =	simm.s32 $0x1BF5;
	[smem:$0x3FB5] =	sst s0  }
0x18: {  	s0 =	sld [smem:$0x3F98];
	_ =	swait.ge [sflag:s4], $0x0  }
0x19: {  	s7 =	sld [smem:$0x3F99]  }
0x1a: {  	s8 =	sadd.s32 $0xFFFFE003, lr  }
0x1b: {  	s9 =	sadd.s32 $0xFFFFFEF7, lr;
	s5 =	simm.s32 $0xFFFFFFFF;
	p2 =	slt.u32 s8, $0xFFFFF086  }
0x1c: {  	p1 =	slt.u32 s9, $0xF7A;
	s5 =	simm.s32 @!p2 $0x0  }
0x1d: {  	s5 =	simm.s32 @p1 $0x1;
	p0 =	seq.s32 s7, s2  }
0x1e: {  	s7 =	smul.u32 @!p0 $0xF7A, s2;
	p2 =	seq.s32 @!p0 s5, $0x0  }
0x1f: {  	s9 =	smul.u32 $0xF7A, s1;
	s8 =	simm.s32 @!p0 $0x1BF5;
	p2 =	por !p2, p0  }
0x20: {  	[sflag:s8] =	ssyncset.s32 @!p0 $0xFFFFF086;
	s6 =	sadd.s32 @!p0 s3, s7;
	s7 =	simm.s32 @!p0 $0x108  }
0x21: {  	s3 =	sadd.s32 s3, s9;
	s6 =	sadd.s32 @!p0 $0x88, s6;
	s7 =	simm.s32 @p2 $0x1082  }
0x22: {  	[simem:s7], [sflag:s8] =	dma.local @!p0 [hbm:s6], $0xF7A  }
0x23: {  	s9 =	sor.u32 $0xD0000000, s2;
	s6 =	simm.s32 $0x108;
	_ =	swait.ge @!p0 [sflag:s8], $0x0  }
0x24: {  	s3 =	sadd.s32 $0x88, s3;
	s6 =	simm.s32 @!p1 $0x1082;
	[sflag:s4] =	ssyncset.s32 $0xFFFFF086  }
0x25: {  	[simem:s6], [sflag:s4] =	dma.local [hbm:s3], $0xF7A  }
0x26: {  	[smem:$0x3F99] =	sst s1;
	(tag) =	ssettag s2;
	_ =	strace s9  }
0x27: {  	s1 =	sld [smem:$0x3FA9]  }
0x28: {  	s2 =	sld [smem:$0x3FAA]  }
0x29: {  	s4 =	sld [smem:$0x3FAC]  }
0x2a: {  	p0 =	seq.s32 s5, $0x0;
	s5 =	sld [smem:$0x3FAD]  }
0x2b: {  	s6 =	sld [smem:$0x3FAE]  }
0x2c: {  	s7 =	sld [smem:$0x3FAF]  }
0x2d: {  	s3 =	simm.s32 $0x108;
	s8 =	sld [smem:$0x3FB0]  }
0x2e: {  	s3 =	simm.s32 @!p0 $0x1082;
	s9 =	sld [smem:$0x3FB1]  }
0x2f: {  	lr =	sadd.s32 s0, s3;
	s0 =	sld [smem:$0x3FA8]  }
0x30: {  	s3 =	sld [smem:$0x3FAB]  }
0x31: {  	[smem:$0x3FB4] =	sst s10  }
0x32: {  	s10 =	sld [smem:$0x3FB2];
	_ =	sdelay $0x3  }
0x33: {  	p0 =	seq.s32 s10, $0x1;
	s10 =	sld [smem:$0x3FB4];
	_ =	sdelay $0x3  }
0x34: {  	[smem:$0x3FB4] =	sst s10  }
0x35: {  	s10 =	sld [smem:$0x3FB3];
	_ =	sdelay $0x3  }
0x36: {  	p1 =	seq.s32 s10, $0x1;
	s10 =	sld [smem:$0x3FB4];
	_ =	sdelay $0x3  }
0x37: {  	[smem:$0x3FB4] =	sst s10  }
0x38: {  	s10 =	sld [smem:$0x3FB5]  }
0x39: {  	_ = 	snop;
	(pc) =	sbr.ind lr, $3  }
0x3a: {  	_ = 	snop  }
0x3b: {  	_ = 	snop  }
0x3c: {  	p2 =	seq.s32 s10, $0x1;
	s10 =	sld [smem:$0x3FB4]  }
0x3d: {  	_ =	shalt  }
0x3e: {  	_ =	shalt  }
0x3f: {  	_ =	shalt  }
0x40: {  	_ =	shalt  }
0x41: {  	_ =	shalt  }
0x42: {  	_ =	shalt  }
0x43: {  	_ =	shalt  }
0x44: {  	_ =	shalt  }
0x45: {  	_ =	shalt  }
0x46: {  	_ =	shalt  }
0x47: {  	_ =	shalt  }
0x48: {  	_ =	shalt  }
0x49: {  	_ =	shalt  }
0x4a: {  	_ =	shalt  }
0x4b: {  	_ =	shalt  }
0x4c: {  	_ =	shalt  }
0x4d: {  	_ =	shalt  }
0x4e: {  	_ =	shalt  }
0x4f: {  	_ =	shalt  }
0x50: {  	_ =	shalt  }
0x51: {  	_ =	shalt  }
0x52: {  	_ =	shalt  }
0x53: {  	_ =	shalt  }
0x54: {  	_ =	shalt  }
0x55: {  	_ =	shalt  }
0x56: {  	_ =	shalt  }
0x57: {  	_ =	shalt  }
0x58: {  	_ =	shalt  }
0x59: {  	_ =	shalt  }
0x5a: {  	_ =	shalt  }
0x5b: {  	_ =	shalt  }
0x5c: {  	_ =	shalt  }
0x5d: {  	_ =	shalt  }
0x5e: {  	_ =	shalt  }
0x5f: {  	_ =	shalt  }
0x60: {  	_ =	shalt  }
0x61: {  	_ =	shalt  }
0x62: {  	_ =	shalt  }
0x63: {  	_ =	shalt  }
0x64: {  	_ =	shalt  }
0x65: {  	_ =	shalt  }
0x66: {  	_ =	shalt  }
0x67: {  	_ =	shalt  }
0x68: {  	_ =	shalt  }
0x69: {  	_ =	shalt  }
0x6a: {  	_ =	shalt  }
0x6b: {  	_ =	shalt  }
0x6c: {  	_ =	shalt  }
0x6d: {  	_ =	shalt  }
0x6e: {  	_ =	shalt  }
0x6f: {  	_ =	shalt  }
0x70: {  	_ =	shalt  }
0x71: {  	_ =	shalt  }
0x72: {  	_ =	shalt  }
0x73: {  	_ =	shalt  }
0x74: {  	_ =	shalt  }
0x75: {  	_ =	shalt  }
0x76: {  	_ =	shalt  }
0x77: {  	_ =	shalt  }
0x78: {  	_ =	shalt  }
0x79: {  	_ =	shalt  }
0x7a: {  	_ =	shalt  }
0x7b: {  	_ =	shalt  }
0x7c: {  	_ =	shalt  }
0x7d: {  	_ =	shalt  }
0x7e: {  	_ =	shalt  }
0x7f: {  	_ =	shalt  }
0x80: {  	_ =	shalt  }
0x81: {  	_ =	shalt  }
0x82: {  	_ =	shalt  }
0x83: {  	_ =	shalt  }
0x84: {  	_ =	shalt  }
0x85: {  	_ =	shalt  }
0x86: {  	_ =	shalt  }
0x87: {  	_ =	shalt  }
.Lfunc_end0:
.L_simem_size_0:
called_computation_lowered:
.L_overlay_start_0:
0x88: {  	s2 =	sld [smem:$0x3FD9]  }
0x89: {  	s3 =	sld [smem:$0x3FFE];
	_ =	sdelay $0x1  }
0x8a: {  	s1 =	srdreg.scid  }
0x8b: {  	s0 =	sand.u32 $0x1, s1  }
0x8c: {  	s17 =	sshll.u32 s0, $0xA;
	s2 =	sadd.s32 s3, s2  }
0x8d: {  	s2 =	sadd.s32 s2, s17  }
0x8e: {  	[smem:$0x3FC0] =	sst s2  }
0x8f: {  	_ = 	snop  }
0x90: {  	s2 =	sld [smem:$0x3FC8];
	(tm) =	ssettm $0x1  }
0x91: {  	s18 =	sld [smem:$0x3FFB];
	_ =	sdelay $0x3  }
0x92: {  	_ =	strace s18  }
0x93: {  	s3 =	sld [smem:$0x3FFC];
	_ =	sdelay $0x3  }
0x94: {  	_ =	strace s3  }
0x95: {  	s3 =	sld [smem:$0x3FFD];
	_ =	sdelay $0x3  }
0x96: {  	_ =	strace s3  }
0x97: {  	_ =	strace $0x8FFFFFFF  }
0x98: {  	s19 =	sld [smem:$0x3FDB];
	_ =	sdelay $0x1  }
0x99: {  	s4 =	simm.s32 $_scs_section_size  }
0x9a: {  	s5 =	simm.s32 $_size__tile_overlayer_lowered;
	s6 =	simm.s32 $_tile_overlayer_lowered  }
0x9b: {  	s22 =	simm.s32 $0x1BFF;
	s21 =	sshll.u32 s6, $0x1;
	s3 =	sadd.s32 s4, s19  }
0x9c: {  	s7 =	simm.s32 $0x0;
	s20 =	sshll.u32 s5, $0x1;
	s5 =	sadd.s32 s21, s3  }
0x9d: {  	[timem:s7], [sflag:s22] =	dma.local [hbm:s5], s20  }
0x9e: {  	_ =	swait.ge [sflag:s22], s20  }
0x9f: {  	s4 =	ssub.s32 $0x0, s20;
	[sflag:s22] =	ssyncset.done $0x0  }
0xa0: {  	[sflag:s22] =	ssyncadd.s32 s4;
	_ =	sdelay $0x1  }
0xa1: {  	s23 =	simm.s32 $0x1B8B  }
0xa2: {  	_ =	swait.ge [sflag:s23], $0x1  }
0xa3: {  	[sflag:s23] =	ssyncset.done $0x0  }
0xa4: {  	s25 =	simm.s32 $0x1B8E;
	s24 =	sld [smem:$0x3FFE];
	[sflag:s23] =	ssyncadd.s32 $0xFFFFFFFF  }
0xa5: {  	s26 =	simm.s32 $execute0_lowered;
	[smem:$0x3FD2] =	sst s25  }
0xa6: {  	s5 =	sshll.u32 s26, $0x1;
	_ =	strace $0x80000046;
	[dreg:$0x1] =	wrdreg $0xFFFFFFFF  }
0xa7: {  	s28 =	simm.s32 $_size_execute0_lowered;
	s3 =	sadd.s32 s3, s5;
	[dreg:$0x0] =	wrdreg $0x0  }
0xa8: {  	s5 =	sshll.u32 s28, $0x1;
	[dreg:$0x2] =	wrdreg s3  }
0xa9: {  	[dreg:$0x3] =	wrdreg s5  }
0xaa: {  	[dreg:$0x4] =	wrdreg $0xC0  }
0xab: {  	_ =	task [dreg:s7], $0x5FFFF  }
0xac: {  	[dreg:$0x1] =	wrdreg $0xFFFFFFFF  }
0xad: {  	[dreg:$0x0] =	wrdreg $0x60  }
0xae: {  	[dreg:$0x2] =	wrdreg s24  }
0xaf: {  	[dreg:$0x3] =	wrdreg s2  }
0xb0: {  	[dreg:$0x4] =	wrdreg $0x9  }
0xb1: {  	_ =	task.clear_ibuf [dreg:s7], $0x5FFFF;
	_ =	strace $0x90000046  }
0xb2: {  	s29 =	simm.s32 $0x9;
	_ =	strace $0x80000048  }
0xb3: {  	_ =	swait.ge [sflag:s29], $0x1  }
0xb4: {  	[sflag:s29] =	ssyncadd.s32 $0xFFFFFFFF  }
0xb5: {  	_ =	strace $0x90000048  }
0xb6: {  	_ =	sfence  }
0xb7: {  	s30 =	sld [smem:$0x0];
	_ =	sdelay $0x2  }
0xb8: {  	s31 =	sshll.u32 s1, $0xD;
	s1 =	sshrl.u32 s1, $0x2  }
0xb9: {  	s3 =	sand.u32 $0x4000, s31;
	s1 =	sadd.s32 s1, s30  }
0xba: {  	s0 =	sor.u32 s3, s0;
	s1 =	sshll.u32 s1, $0x11  }
0xbb: {  	s0 =	sor.u32 s1, s0  }
0xbc: {  	s0 =	sadd.s32 $0x8F2B, s0  }
0xbd: {  	[sflag:s0] =	ssyncadd.remote.s32 $0x1  }
0xbe: {  	_ =	sfence.sel $0xFFFF  }
0xbf: {  	[dreg:$0x0] =	wrdreg $0xFFFFFFFF;
	(pc) =	sbr.abs _section_cstart, $3  }
0xc0: {  	[dreg:$0x1] =	wrdreg $0xFFFFFFFF  }
0xc1: {  	_ =	task.clear_ibuf [dreg:s7], $0x2FFFF;
	_ =	strace $0x9FFFFFFF  }
0xc2: {  	(tm) =	ssettm $0x7FFFFFFF  }
0xc3: {  	_ =	shalt  }
tec
execute0_lowered:
.L_overlay_start_1:
0x0: {  	(tag) =	ssettag $0x1  }
0x1: {  	s0 =	rddreg [dreg:$0x0]  }
0x2: {  	s2 =	rddreg [dreg:$0x1];
	s1 =	srdreg.scid  }
0x3: {  	s3 =	simm.s32 $0x0;
	s4 =	stileid.u32;
	s7 =	simm.s32 $0x7  }
0x4: {  	s8 =	simm.s32 $0x64;
	s9 =	simm.s32 $0x8000;
	s10 =	simm.s32 $0x80  }
0x5: {  	s11 =	simm.s32 $0xB400;
	s12 =	simm.s32 $0x100;
	s13 =	simm.s32 $0xE800  }
0x6: {  	s14 =	simm.s32 $0x180;
	s15 =	simm.s32 $0x11C00;
	s16 =	simm.s32 $0x200  }
0x7: {  	s17 =	simm.s32 $0x15000;
	s18 =	simm.s32 $0x280;
	s19 =	simm.s32 $0x18400  }
0x8: {  	s20 =	simm.s32 $0x1;
	s21 =	simm.s32 $0x2;
	s22 =	simm.s32 $0x3  }
0x9: {  	s23 =	simm.s32 $0x4;
	s24 =	simm.s32 $0x5;
	s25 =	simm.s32 $0x6  }
0xa: {  	s26 =	simm.s32 $0x1B800;
	s28 =	simm.s32 $0x0;
	s1 =	sand.u32 $0x1, s1  }
0xb: {  	[smem:$0x7FF] =	sst s3;
	s4 =	sshll.u32 s4, $0x8;
	s5 =	sshll.u32 s1, $0x7  }
0xc: {  	_ =	strace $0x80000047;
	s1 =	ssub.s32 $0x2, s1;
	s4 =	sor.u32 s5, s4  }
0xd: {  	s6 =	sshrl.u32 s1, $0x1;
	s5 =	sshll.u32 s4, $0x5;
	s4 =	sshll.u32 s4, $0x4  }
0xe: {  	s1 =	ssub.s32 s1, s6;
	s5 =	sadd.s32 s5, s0;
	s0 =	sadd.s32 s4, s0  }
0xf: {  	s6 =	smax.u32 s1, $0x1;
	s4 =	sadd.s32 $0xE00, s5;
	s5 =	sadd.s32 $0x20E00, s0  }
.LBB2_1:
0x10: {  	[tilespmem:s3], [sflag:$0x7] =	stream.linear.gather [hbm4b:s4+s3], $0x8000, $0x38;
	[tilespmem:$0x1F800] =	vst v63  }
0x11: {  	_ =	swait.ge [sflag:s7], $0x8000  }
0x12: {  	[sflag:s7] =	ssyncset.done $0x0  }
0x13: {  	[sflag:s7] =	ssyncadd.s32 $0xFFFF8000  }
0x14: {  	[tilespmem:s9], [sflag:$0x1] =	stream.indirect.gather [hbm4b:s2+s8], $0x80, s3, s8, $0xb8;
	[tilespmem:$0x1F800] =	vst v63  }
0x15: {  	_ = 	snop  }
0x16: {  	[tilespmem:s11], [sflag:$0x2] =	stream.indirect.gather [hbm4b:s2+s8], $0x80, s10, s8, $0xb8;
	[tilespmem:$0x1F800] =	vst v63  }
0x17: {  	_ = 	snop  }
0x18: {  	[tilespmem:s13], [sflag:$0x3] =	stream.indirect.gather [hbm4b:s2+s8], $0x80, s12, s8, $0xb8;
	[tilespmem:$0x1F800] =	vst v63  }
0x19: {  	_ = 	snop  }
0x1a: {  	[tilespmem:s15], [sflag:$0x4] =	stream.indirect.gather [hbm4b:s2+s8], $0x80, s14, s8, $0xb8;
	[tilespmem:$0x1F800] =	vst v63  }
0x1b: {  	_ = 	snop  }
0x1c: {  	[tilespmem:s17], [sflag:$0x5] =	stream.indirect.gather [hbm4b:s2+s8], $0x80, s16, s8, $0xb8;
	[tilespmem:$0x1F800] =	vst v63  }
0x1d: {  	s29 =	simm.s32 $0x0  }
0x1e: {  	[tilespmem:s19], [sflag:$0x6] =	stream.indirect.gather [hbm4b:s2+s8], $0x80, s18, s8, $0xb8;
	[tilespmem:$0x1F800] =	vst v63  }
.LBB2_2:
0x1f: {  	_ =	swait.ge [sflag:s20], $0x3200  }
0x20: {  	[sflag:s20] =	ssyncset.done $0x0  }
0x21: {  	s0 =	simm.s32 $0x8140;
	[sflag:s20] =	ssyncadd.s32 $0xFFFFCE00  }
0x22: {  	v2 =	vld [tilespmem:s0+$0xC0]  }
0x23: {  	v3 =	vld [tilespmem:s0+$0xD0]  }
0x24: {  	v6 =	vld [tilespmem:s0+$0xE0]  }
0x25: {  	v7 =	vld [tilespmem:s0+$0xF0]  }
0x26: {  	v0 =	vld [tilespmem:s0+$0x100]  }
0x27: {  	v1 =	vld [tilespmem:s0+$0x110]  }
0x28: {  	v8 =	vld [tilespmem:s0+$0x40]  }
0x29: {  	v9 =	vld [tilespmem:s0+$0x50]  }
0x2a: {  	v10 =	vld [tilespmem:s0+$0x60]  }
0x2b: {  	v11 =	vld [tilespmem:s0+$0x70]  }
0x2c: {  	v4 =	vld [tilespmem:s0+$0x80]  }
0x2d: {  	v5 =	vld [tilespmem:s0+$0x90]  }
0x2e: {  	v12 =	vld [tilespmem:s0+$0xFFFFFFC0]  }
0x2f: {  	v13 =	vld [tilespmem:s0+$0xFFFFFFD0]  }
0x30: {  	v14 =	vld [tilespmem:s0+$0xFFFFFFE0]  }
0x31: {  	v15 =	vld [tilespmem:s0+$0xFFFFFFF0]  }
0x32: {  	v16 =	vld [tilespmem:s0+$0xFFFFFF40]  }
0x33: {  	v17 =	vld [tilespmem:s0+$0xFFFFFF50]  }
0x34: {  	v18 =	vld [tilespmem:s0+$0xFFFFFEC0]  }
0x35: {  	v19 =	vld [tilespmem:s0+$0xFFFFFED0]  }
0x36: {  	v20 =	vld [tilespmem:s0+$0xFFFFFEE0]  }
0x37: {  	v21 =	vld [tilespmem:s0+$0xFFFFFEF0]  }
0x38: {  	v22 =	vld [tilespmem:s0+$0xFFFFFF60]  }
0x39: {  	v23 =	vld [tilespmem:s0+$0xFFFFFF70]  }
0x3a: {  	v24 =	vimm.f32 $0.0e+00;
	v25 =	vld [tilespmem:s0+$0x0]  }
0x3b: {  	v26 =	vld [tilespmem:s0+$0x10];
	v18 =	vadd.f32 v18, v24;
	v19 =	vadd.f32 v19, v24  }
0x3c: {  	v27 =	vld [tilespmem:s0+$0xFFFFFF80];
	v20 =	vadd.f32 v20, v24;
	v21 =	vadd.f32 v21, v24  }
0x3d: {  	v16 =	vadd.f32 v16, v18;
	v17 =	vadd.f32 v17, v19;
	v18 =	vld [tilespmem:s0+$0xFFFFFF90]  }
0x3e: {  	v19 =	vld [tilespmem:s0+$0xFFFFFF00];
	v20 =	vadd.f32 v22, v20;
	v21 =	vadd.f32 v23, v21  }
0x3f: {  	v22 =	vld [tilespmem:s0+$0xFFFFFF10];
	v12 =	vadd.f32 v12, v16;
	v13 =	vadd.f32 v13, v17  }
0x40: {  	v16 =	vld [tilespmem:s0+$0xFFFFFF20];
	v14 =	vadd.f32 v14, v20;
	v15 =	vadd.f32 v15, v21  }
0x41: {  	v17 =	vld [tilespmem:s0+$0xFFFFFF30];
	v8 =	vadd.f32 v8, v12;
	v9 =	vadd.f32 v9, v13  }
0x42: {  	v20 =	vld [tilespmem:s0+$0xFFFFFFA0];
	v10 =	vadd.f32 v10, v14;
	v11 =	vadd.f32 v11, v15  }
0x43: {  	v14 =	vld [tilespmem:s0+$0xFFFFFFB0];
	v8 =	vadd.f32 v2, v8;
	v9 =	vadd.f32 v3, v9  }
0x44: {  	v12 =	vld [tilespmem:s0+$0x20];
	v10 =	vadd.f32 v6, v10;
	v11 =	vadd.f32 v7, v11  }
0x45: {  	v15 =	vld [tilespmem:s0+$0x30];
	v2 =	vadd.f32 v19, v24;
	v3 =	vadd.f32 v22, v24  }
0x46: {  	v13 =	vld [tilespmem:s0+$0xA0];
	v6 =	vadd.f32 v16, v24;
	v7 =	vadd.f32 v17, v24  }
0x47: {  	v16 =	vld [tilespmem:s0+$0xB0];
	v2 =	vadd.f32 v27, v2;
	v3 =	vadd.f32 v18, v3  }
0x48: {  	v17 =	vld [tilespmem:s0+$0x130];
	v18 =	vadd.f32 v20, v6;
	v19 =	vadd.f32 v14, v7  }
0x49: {  	s30 =	simm.s32 $0x0;
	v14 =	vld [tilespmem:s0+$0x120];
	s0 =	simm.s32 $0x83C0;
	v20 =	vadd.f32 v25, v2;
	v21 =	vadd.f32 v26, v3  }
.LBB2_3:
0x4a: {  	v2 =	vld [tilespmem:s0+$0xC0];
	v3 =	vadd.f32 v12, v18;
	v6 =	vadd.f32 v15, v19  }
0x4b: {  	v7 =	vld [tilespmem:s0+$0xD0];
	v4 =	vadd.f32 v4, v20;
	v5 =	vadd.f32 v5, v21  }
0x4c: {  	v15 =	vld [tilespmem:s0+$0xE0];
	v3 =	vadd.f32 v13, v3;
	v6 =	vadd.f32 v16, v6  }
0x4d: {  	v13 =	vld [tilespmem:s0+$0xF0];
	v16 =	vadd.f32 v0, v4;
	v18 =	vadd.f32 v1, v5  }
0x4e: {  	v0 =	vld [tilespmem:s0+$0x100];
	v3 =	vadd.f32 v14, v3;
	v6 =	vadd.f32 v17, v6  }
0x4f: {  	v1 =	vld [tilespmem:s0+$0x110]  }
0x50: {  	v12 =	vld [tilespmem:s0+$0x40]  }
0x51: {  	v14 =	vld [tilespmem:s0+$0x50]  }
0x52: {  	v17 =	vld [tilespmem:s0+$0x60]  }
0x53: {  	v19 =	vld [tilespmem:s0+$0x70]  }
0x54: {  	v4 =	vld [tilespmem:s0+$0x80]  }
0x55: {  	v5 =	vld [tilespmem:s0+$0x90]  }
0x56: {  	v20 =	vld [tilespmem:s0+$0xFFFFFFC0]  }
0x57: {  	v21 =	vld [tilespmem:s0+$0xFFFFFFD0]  }
0x58: {  	v22 =	vld [tilespmem:s0+$0xFFFFFFE0]  }
0x59: {  	v23 =	vld [tilespmem:s0+$0xFFFFFFF0]  }
0x5a: {  	v24 =	vld [tilespmem:s0+$0xFFFFFF40]  }
0x5b: {  	v25 =	vld [tilespmem:s0+$0xFFFFFF50]  }
0x5c: {  	v26 =	vld [tilespmem:s0+$0xFFFFFEC0]  }
0x5d: {  	v27 =	vld [tilespmem:s0+$0xFFFFFED0]  }
0x5e: {  	v28 =	vld [tilespmem:s0+$0xFFFFFEE0]  }
0x5f: {  	v29 =	vld [tilespmem:s0+$0xFFFFFEF0]  }
0x60: {  	v30 =	vld [tilespmem:s0+$0xFFFFFF60]  }
0x61: {  	v31 =	vld [tilespmem:s0+$0xFFFFFF70]  }
0x62: {  	v32 =	vld [tilespmem:s0+$0x0]  }
0x63: {  	v8 =	vadd.f32 v26, v8;
	v9 =	vadd.f32 v27, v9;
	v26 =	vld [tilespmem:s0+$0x10]  }
0x64: {  	v10 =	vadd.f32 v28, v10;
	v11 =	vadd.f32 v29, v11;
	v27 =	vld [tilespmem:s0+$0xFFFFFF80]  }
0x65: {  	v8 =	vadd.f32 v24, v8;
	v9 =	vadd.f32 v25, v9;
	v24 =	vld [tilespmem:s0+$0xFFFFFF90]  }
0x66: {  	v10 =	vadd.f32 v30, v10;
	v25 =	vld [tilespmem:s0+$0xFFFFFF00];
	v11 =	vadd.f32 v31, v11  }
0x67: {  	v8 =	vadd.f32 v20, v8;
	v9 =	vadd.f32 v21, v9;
	v28 =	vld [tilespmem:s0+$0xFFFFFF10]  }
0x68: {  	v10 =	vadd.f32 v22, v10;
	v20 =	vld [tilespmem:s0+$0xFFFFFF20];
	v11 =	vadd.f32 v23, v11  }
0x69: {  	s30 =	sadd.s32 $0x5, s30;
	v8 =	vadd.f32 v12, v8;
	v9 =	vadd.f32 v14, v9;
	v21 =	vld [tilespmem:s0+$0xFFFFFF30]  }
0x6a: {  	p0 =	slt.u32 s30, $0x5F;
	v10 =	vadd.f32 v17, v10;
	v14 =	vld [tilespmem:s0+$0xFFFFFFA0];
	v11 =	vadd.f32 v19, v11  }
0x6b: {  	v8 =	vadd.f32 v2, v8;
	v9 =	vadd.f32 v7, v9;
	v17 =	vld [tilespmem:s0+$0xFFFFFFB0]  }
0x6c: {  	v10 =	vadd.f32 v15, v10;
	v12 =	vld [tilespmem:s0+$0x20];
	v11 =	vadd.f32 v13, v11  }
.Ltmp0:
0x6d: {  	v2 =	vadd.f32 v25, v16;
	v7 =	vadd.f32 v28, v18;
	v15 =	vld [tilespmem:s0+$0x30];
	(pc) =	sbr.rel @p0 .LBB2_3-.Ltmp0, $4  }
0x6e: {  	v3 =	vadd.f32 v20, v3;
	v6 =	vadd.f32 v21, v6;
	v13 =	vld [tilespmem:s0+$0xA0]  }
0x6f: {  	v2 =	vadd.f32 v27, v2;
	v7 =	vadd.f32 v24, v7;
	v16 =	vld [tilespmem:s0+$0xB0]  }
0x70: {  	v18 =	vadd.f32 v14, v3;
	v19 =	vadd.f32 v17, v6;
	v14 =	vld [tilespmem:s0+$0x120]  }
0x71: {  	v20 =	vadd.f32 v32, v2;
	v21 =	vadd.f32 v26, v7;
	v17 =	vld [tilespmem:s0+$0x130];
	s0 =	sadd.s32 $0x280, s0  }
0x72: {  	s0 =	smul.u32 $0xC00, s29;
	_ =	sdelay $0x1  }
0x73: {  	s31 =	sshra.s32 s0, $0x2  }
0x74: {  	s0 =	sadd.s32 $0x300, s31  }
0x75: {  	[tilespmem:s9], [sflag:$0x1] =	stream.indirect.gather [hbm4b:s2+s8], $0x80, s0, s8, $0xb8;
	[tilespmem:$0x1F800] =	vst v63  }
0x76: {  	_ =	swait.ge [sflag:s21], $0x3200  }
0x77: {  	[sflag:s21] =	ssyncset.done $0x0  }
0x78: {  	s1 =	simm.s32 $0xB670;
	[sflag:s21] =	ssyncadd.s32 $0xFFFFCE00  }
0x79: {  	v22 =	vld [tilespmem:s1+$0xFFFFFF90]  }
0x7a: {  	v23 =	vld [tilespmem:s1+$0xFFFFFFA0]  }
0x7b: {  	v24 =	vld [tilespmem:s1+$0xFFFFFFB0]  }
0x7c: {  	v25 =	vld [tilespmem:s1+$0xFFFFFFC0]  }
0x7d: {  	v2 =	vld [tilespmem:s1+$0xFFFFFFD0]  }
0x7e: {  	v3 =	vld [tilespmem:s1+$0xFFFFFFE0]  }
0x7f: {  	v26 =	vld [tilespmem:s1+$0xFFFFFF10]  }
0x80: {  	v27 =	vld [tilespmem:s1+$0xFFFFFF20]  }
0x81: {  	v28 =	vld [tilespmem:s1+$0xFFFFFF30]  }
0x82: {  	v29 =	vld [tilespmem:s1+$0xFFFFFF40]  }
0x83: {  	v7 =	vld [tilespmem:s1+$0xFFFFFF50]  }
0x84: {  	v6 =	vld [tilespmem:s1+$0xFFFFFF60]  }
0x85: {  	v30 =	vld [tilespmem:s1+$0xFFFFFE90]  }
0x86: {  	v31 =	vld [tilespmem:s1+$0xFFFFFEA0]  }
0x87: {  	v32 =	vld [tilespmem:s1+$0xFFFFFEB0]  }
0x88: {  	v33 =	vld [tilespmem:s1+$0xFFFFFEC0]  }
0x89: {  	v34 =	vld [tilespmem:s1+$0xFFFFFE10]  }
0x8a: {  	v35 =	vld [tilespmem:s1+$0xFFFFFE20]  }
0x8b: {  	v36 =	vld [tilespmem:s1+$0xFFFFFD90]  }
0x8c: {  	v37 =	vld [tilespmem:s1+$0xFFFFFDA0]  }
0x8d: {  	v12 =	vadd.f32 v12, v18;
	v15 =	vadd.f32 v15, v19;
	v18 =	vld [tilespmem:s1+$0xFFFFFDB0]  }
0x8e: {  	v4 =	vadd.f32 v4, v20;
	v5 =	vadd.f32 v5, v21;
	v19 =	vld [tilespmem:s1+$0xFFFFFDC0]  }
0x8f: {  	v12 =	vadd.f32 v13, v12;
	v13 =	vadd.f32 v16, v15;
	v15 =	vld [tilespmem:s1+$0xFFFFFE30]  }
0x90: {  	v16 =	vadd.f32 v0, v4;
	v60 =	vadd.f32 v1, v5;
	v0 =	vld [tilespmem:s1+$0xFFFFFE40]  }
0x91: {  	v12 =	vadd.f32 v14, v12;
	v13 =	vadd.f32 v17, v13;
	v17 =	vld [tilespmem:s1+$0xFFFFFED0]  }
0x92: {  	v1 =	vadd.f32 v36, v8;
	v4 =	vadd.f32 v37, v9;
	v9 =	vld [tilespmem:s1+$0xFFFFFDD0]  }
0x93: {  	v5 =	vadd.f32 v18, v10;
	v8 =	vadd.f32 v19, v11;
	v11 =	vld [tilespmem:s1+$0xFFFFFDE0]  }
0x94: {  	v18 =	vld [tilespmem:s1+$0xFFFFFE00];
	v1 =	vadd.f32 v34, v1;
	v4 =	vadd.f32 v35, v4  }
0x95: {  	v14 =	vld [tilespmem:s1+$0xFFFFFE60];
	v5 =	vadd.f32 v15, v5;
	v0 =	vadd.f32 v0, v8  }
0x96: {  	v15 =	vld [tilespmem:s1+$0xFFFFFDF0];
	v1 =	vadd.f32 v30, v1;
	v4 =	vadd.f32 v31, v4  }
0x97: {  	v10 =	vld [tilespmem:s1+$0xFFFFFE50];
	v5 =	vadd.f32 v32, v5;
	v0 =	vadd.f32 v33, v0  }
0x98: {  	v63 =	vld [tilespmem:s1+$0xFFFFFE80];
	v16 =	vadd.f32 v9, v16;
	v20 =	vadd.f32 v11, v60  }
0x99: {  	v61 =	vld [tilespmem:s1+$0xFFFFFEE0];
	v13 =	vadd.f32 v18, v13;
	v1 =	vadd.f32 v26, v1  }
0x9a: {  	v19 =	vld [tilespmem:s1+$0xFFFFFE70];
	v4 =	vadd.f32 v27, v4;
	v62 =	vadd.f32 v28, v5  }
0x9b: {  	v8 =	vld [tilespmem:s1+$0xFFFFFEF0];
	v0 =	vadd.f32 v29, v0;
	v15 =	vadd.f32 v15, v12  }
0x9c: {  	v11 =	vld [tilespmem:s1+$0xFFFFFF00];
	v16 =	vadd.f32 v10, v16;
	v18 =	vadd.f32 v14, v20  }
0x9d: {  	v9 =	vld [tilespmem:s1+$0xFFFFFF70];
	v14 =	vadd.f32 v63, v13;
	v5 =	vadd.f32 v22, v1  }
0x9e: {  	v12 =	vld [tilespmem:s1+$0xFFFFFF80];
	v4 =	vadd.f32 v23, v4;
	v1 =	vadd.f32 v24, v62  }
0x9f: {  	v10 =	vld [tilespmem:s1+$0xFFFFFFF0];
	v0 =	vadd.f32 v25, v0;
	v15 =	vadd.f32 v19, v15  }
0xa0: {  	s30 =	simm.s32 $0x0;
	s0 =	simm.s32 $0xB8F0;
	v13 =	vld [tilespmem:s1+$0x0];
	v17 =	vadd.f32 v17, v16;
	v16 =	vadd.f32 v61, v18  }
.LBB2_5:
0xa1: {  	v18 =	vld [tilespmem:s0+$0xFFFFFF90];
	v8 =	vadd.f32 v8, v15;
	v11 =	vadd.f32 v11, v14  }
0xa2: {  	v14 =	vld [tilespmem:s0+$0xFFFFFFA0];
	v7 =	vadd.f32 v7, v17;
	v6 =	vadd.f32 v6, v16  }
0xa3: {  	v15 =	vld [tilespmem:s0+$0xFFFFFFB0];
	v8 =	vadd.f32 v9, v8;
	v9 =	vadd.f32 v12, v11  }
0xa4: {  	v11 =	vld [tilespmem:s0+$0xFFFFFFC0];
	v12 =	vadd.f32 v2, v7;
	v16 =	vadd.f32 v3, v6  }
0xa5: {  	v2 =	vld [tilespmem:s0+$0xFFFFFFD0];
	v10 =	vadd.f32 v10, v8;
	v9 =	vadd.f32 v13, v9  }
0xa6: {  	v3 =	vld [tilespmem:s0+$0xFFFFFFE0]  }
0xa7: {  	v8 =	vld [tilespmem:s0+$0xFFFFFF10]  }
0xa8: {  	v13 =	vld [tilespmem:s0+$0xFFFFFF20]  }
0xa9: {  	v17 =	vld [tilespmem:s0+$0xFFFFFF30]  }
0xaa: {  	v19 =	vld [tilespmem:s0+$0xFFFFFF40]  }
0xab: {  	v7 =	vld [tilespmem:s0+$0xFFFFFF50]  }
0xac: {  	v6 =	vld [tilespmem:s0+$0xFFFFFF60]  }
0xad: {  	v20 =	vld [tilespmem:s0+$0xFFFFFE90]  }
0xae: {  	v21 =	vld [tilespmem:s0+$0xFFFFFEA0]  }
0xaf: {  	v22 =	vld [tilespmem:s0+$0xFFFFFEB0]  }
0xb0: {  	v23 =	vld [tilespmem:s0+$0xFFFFFEC0]  }
0xb1: {  	v24 =	vld [tilespmem:s0+$0xFFFFFE10]  }
0xb2: {  	v25 =	vld [tilespmem:s0+$0xFFFFFE20]  }
0xb3: {  	v26 =	vld [tilespmem:s0+$0xFFFFFD90]  }
0xb4: {  	v27 =	vld [tilespmem:s0+$0xFFFFFDA0]  }
0xb5: {  	v28 =	vld [tilespmem:s0+$0xFFFFFDB0]  }
0xb6: {  	v29 =	vld [tilespmem:s0+$0xFFFFFDC0]  }
0xb7: {  	v30 =	vld [tilespmem:s0+$0xFFFFFE30]  }
0xb8: {  	v31 =	vld [tilespmem:s0+$0xFFFFFE40]  }
0xb9: {  	v32 =	vld [tilespmem:s0+$0xFFFFFED0]  }
0xba: {  	v5 =	vadd.f32 v26, v5;
	v4 =	vadd.f32 v27, v4;
	v26 =	vld [tilespmem:s0+$0xFFFFFEE0]  }
0xbb: {  	v1 =	vadd.f32 v28, v1;
	v0 =	vadd.f32 v29, v0;
	v27 =	vld [tilespmem:s0+$0xFFFFFE50]  }
0xbc: {  	v5 =	vadd.f32 v24, v5;
	v4 =	vadd.f32 v25, v4;
	v24 =	vld [tilespmem:s0+$0xFFFFFE60]  }
0xbd: {  	v1 =	vadd.f32 v30, v1;
	v25 =	vld [tilespmem:s0+$0xFFFFFDD0];
	v0 =	vadd.f32 v31, v0  }
0xbe: {  	v5 =	vadd.f32 v20, v5;
	v4 =	vadd.f32 v21, v4;
	v28 =	vld [tilespmem:s0+$0xFFFFFDE0]  }
0xbf: {  	v1 =	vadd.f32 v22, v1;
	v20 =	vld [tilespmem:s0+$0xFFFFFDF0];
	v0 =	vadd.f32 v23, v0  }
0xc0: {  	s30 =	sadd.s32 $0x5, s30;
	v5 =	vadd.f32 v8, v5;
	v4 =	vadd.f32 v13, v4;
	v21 =	vld [tilespmem:s0+$0xFFFFFE00]  }
0xc1: {  	p0 =	slt.u32 s30, $0x5F;
	v1 =	vadd.f32 v17, v1;
	v13 =	vld [tilespmem:s0+$0xFFFFFE70];
	v0 =	vadd.f32 v19, v0  }
0xc2: {  	v5 =	vadd.f32 v18, v5;
	v4 =	vadd.f32 v14, v4;
	v17 =	vld [tilespmem:s0+$0xFFFFFE80]  }
0xc3: {  	v1 =	vadd.f32 v15, v1;
	v8 =	vld [tilespmem:s0+$0xFFFFFEF0];
	v0 =	vadd.f32 v11, v0  }
.Ltmp1:
0xc4: {  	v12 =	vadd.f32 v25, v12;
	v14 =	vadd.f32 v28, v16;
	v11 =	vld [tilespmem:s0+$0xFFFFFF00];
	(pc) =	sbr.rel @p0 .LBB2_5-.Ltmp1, $4  }
0xc5: {  	v10 =	vadd.f32 v20, v10;
	v16 =	vadd.f32 v21, v9;
	v9 =	vld [tilespmem:s0+$0xFFFFFF70]  }
0xc6: {  	v18 =	vadd.f32 v27, v12;
	v19 =	vadd.f32 v24, v14;
	v12 =	vld [tilespmem:s0+$0xFFFFFF80]  }
0xc7: {  	v15 =	vadd.f32 v13, v10;
	v14 =	vadd.f32 v17, v16;
	v10 =	vld [tilespmem:s0+$0xFFFFFFF0]  }
0xc8: {  	v17 =	vadd.f32 v32, v18;
	v16 =	vadd.f32 v26, v19;
	v13 =	vld [tilespmem:s0+$0x0];
	s0 =	sadd.s32 $0x280, s0  }
0xc9: {  	s0 =	sadd.s32 $0x380, s31;
	s1 =	smul.u32 $0x600, s29  }
0xca: {  	[tilespmem:s11], [sflag:$0x2] =	stream.indirect.gather [hbm4b:s2+s8], $0x80, s0, s8, $0xb8;
	[tilespmem:$0x1F800] =	vst v63  }
0xcb: {  	s30 =	sshra.s32 s1, $0x2  }
0xcc: {  	v8 =	vadd.f32 v8, v15;
	v7 =	vadd.f32 v7, v17;
	[tilespmem:s30+$0x1B800] =	vst v5  }
0xcd: {  	v6 =	vadd.f32 v6, v16;
	v5 =	vadd.f32 v11, v14;
	[tilespmem:s30+$0x1B810] =	vst v4  }
0xce: {  	v4 =	vadd.f32 v9, v8;
	v2 =	vadd.f32 v2, v7;
	[tilespmem:s30+$0x1B820] =	vst v1  }
0xcf: {  	v3 =	vadd.f32 v3, v6;
	[tilespmem:s30+$0x1B830] =	vst v0;
	v1 =	vadd.f32 v12, v5  }
0xd0: {  	v0 =	vadd.f32 v10, v4;
	[tilespmem:s30+$0x1B840] =	vst v2  }
0xd1: {  	[tilespmem:s30+$0x1B850] =	vst v3;
	v1 =	vadd.f32 v13, v1  }
0xd2: {  	[tilespmem:s30+$0x1B860] =	vst v0  }
0xd3: {  	[tilespmem:s30+$0x1B870] =	vst v1  }
0xd4: {  	_ =	swait.ge [sflag:s22], $0x3200  }
0xd5: {  	[sflag:s22] =	ssyncset.done $0x0  }
0xd6: {  	s1 =	simm.s32 $0xE800;
	[sflag:s22] =	ssyncadd.s32 $0xFFFFCE00  }
0xd7: {  	v2 =	vld [tilespmem:s1+$0x200]  }
0xd8: {  	v3 =	vld [tilespmem:s1+$0x210]  }
0xd9: {  	v6 =	vld [tilespmem:s1+$0x220]  }
0xda: {  	v7 =	vld [tilespmem:s1+$0x230]  }
0xdb: {  	v0 =	vld [tilespmem:s1+$0x240]  }
0xdc: {  	v1 =	vld [tilespmem:s1+$0x250]  }
0xdd: {  	v8 =	vld [tilespmem:s1+$0x180]  }
0xde: {  	v9 =	vld [tilespmem:s1+$0x190]  }
0xdf: {  	v10 =	vld [tilespmem:s1+$0x1A0]  }
0xe0: {  	v11 =	vld [tilespmem:s1+$0x1B0]  }
0xe1: {  	v4 =	vld [tilespmem:s1+$0x1C0]  }
0xe2: {  	v5 =	vld [tilespmem:s1+$0x1D0]  }
0xe3: {  	v12 =	vld [tilespmem:s1+$0x100]  }
0xe4: {  	v13 =	vld [tilespmem:s1+$0x110]  }
0xe5: {  	v14 =	vld [tilespmem:s1+$0x120]  }
0xe6: {  	v15 =	vld [tilespmem:s1+$0x130]  }
0xe7: {  	v16 =	vld [tilespmem:s1+$0x80]  }
0xe8: {  	v17 =	vld [tilespmem:s1+$0x90]  }
0xe9: {  	v18 =	vld [tilespmem:s1+$0x0]  }
0xea: {  	v19 =	vld [tilespmem:s1+$0x10]  }
0xeb: {  	v20 =	vld [tilespmem:s1+$0x20]  }
0xec: {  	v21 =	vld [tilespmem:s1+$0x30]  }
0xed: {  	v22 =	vld [tilespmem:s1+$0xA0]  }
0xee: {  	v23 =	vld [tilespmem:s1+$0xB0]  }
0xef: {  	v24 =	vimm.f32 $0.0e+00;
	v25 =	vld [tilespmem:s1+$0x140]  }
0xf0: {  	v26 =	vld [tilespmem:s1+$0x150];
	v18 =	vadd.f32 v18, v24;
	v19 =	vadd.f32 v19, v24  }
0xf1: {  	v27 =	vld [tilespmem:s1+$0xC0];
	v20 =	vadd.f32 v20, v24;
	v21 =	vadd.f32 v21, v24  }
0xf2: {  	v16 =	vadd.f32 v16, v18;
	v17 =	vadd.f32 v17, v19;
	v18 =	vld [tilespmem:s1+$0xD0]  }
0xf3: {  	v19 =	vld [tilespmem:s1+$0x40];
	v20 =	vadd.f32 v22, v20;
	v21 =	vadd.f32 v23, v21  }
0xf4: {  	v22 =	vld [tilespmem:s1+$0x50];
	v12 =	vadd.f32 v12, v16;
	v13 =	vadd.f32 v13, v17  }
0xf5: {  	v16 =	vld [tilespmem:s1+$0x60];
	v14 =	vadd.f32 v14, v20;
	v15 =	vadd.f32 v15, v21  }
0xf6: {  	v17 =	vld [tilespmem:s1+$0x70];
	v8 =	vadd.f32 v8, v12;
	v9 =	vadd.f32 v9, v13  }
0xf7: {  	v20 =	vld [tilespmem:s1+$0xE0];
	v10 =	vadd.f32 v10, v14;
	v11 =	vadd.f32 v11, v15  }
0xf8: {  	v14 =	vld [tilespmem:s1+$0xF0];
	v8 =	vadd.f32 v2, v8;
	v9 =	vadd.f32 v3, v9  }
0xf9: {  	v12 =	vld [tilespmem:s1+$0x160];
	v10 =	vadd.f32 v6, v10;
	v11 =	vadd.f32 v7, v11  }
0xfa: {  	v15 =	vld [tilespmem:s1+$0x170];
	v2 =	vadd.f32 v19, v24;
	v3 =	vadd.f32 v22, v24  }
0xfb: {  	v13 =	vld [tilespmem:s1+$0x1E0];
	v6 =	vadd.f32 v16, v24;
	v7 =	vadd.f32 v17, v24  }
0xfc: {  	v16 =	vld [tilespmem:s1+$0x1F0];
	v2 =	vadd.f32 v27, v2;
	v3 =	vadd.f32 v18, v3  }
0xfd: {  	v17 =	vld [tilespmem:s1+$0x270];
	v18 =	vadd.f32 v20, v6;
	v19 =	vadd.f32 v14, v7  }
0xfe: {  	s0 =	simm.s32 $0x0;
	v14 =	vld [tilespmem:s1+$0x260];
	s1 =	simm.s32 $0xEA80;
	v20 =	vadd.f32 v25, v2;
	v21 =	vadd.f32 v26, v3  }
.LBB2_7:
0xff: {  	v2 =	vld [tilespmem:s1+$0x200];
	v3 =	vadd.f32 v12, v18;
	v6 =	vadd.f32 v15, v19  }
0x100: {  	v7 =	vld [tilespmem:s1+$0x210];
	v4 =	vadd.f32 v4, v20;
	v5 =	vadd.f32 v5, v21  }
0x101: {  	v15 =	vld [tilespmem:s1+$0x220];
	v3 =	vadd.f32 v13, v3;
	v6 =	vadd.f32 v16, v6  }
0x102: {  	v13 =	vld [tilespmem:s1+$0x230];
	v16 =	vadd.f32 v0, v4;
	v18 =	vadd.f32 v1, v5  }
0x103: {  	v0 =	vld [tilespmem:s1+$0x240];
	v3 =	vadd.f32 v14, v3;
	v6 =	vadd.f32 v17, v6  }
0x104: {  	v1 =	vld [tilespmem:s1+$0x250]  }
0x105: {  	v12 =	vld [tilespmem:s1+$0x180]  }
0x106: {  	v14 =	vld [tilespmem:s1+$0x190]  }
0x107: {  	v17 =	vld [tilespmem:s1+$0x1A0]  }
0x108: {  	v19 =	vld [tilespmem:s1+$0x1B0]  }
0x109: {  	v4 =	vld [tilespmem:s1+$0x1C0]  }
0x10a: {  	v5 =	vld [tilespmem:s1+$0x1D0]  }
0x10b: {  	v20 =	vld [tilespmem:s1+$0x100]  }
0x10c: {  	v21 =	vld [tilespmem:s1+$0x110]  }
0x10d: {  	v22 =	vld [tilespmem:s1+$0x120]  }
0x10e: {  	v23 =	vld [tilespmem:s1+$0x130]  }
0x10f: {  	v24 =	vld [tilespmem:s1+$0x80]  }
0x110: {  	v25 =	vld [tilespmem:s1+$0x90]  }
0x111: {  	v26 =	vld [tilespmem:s1+$0x0]  }
0x112: {  	v27 =	vld [tilespmem:s1+$0x10]  }
0x113: {  	v28 =	vld [tilespmem:s1+$0x20]  }
0x114: {  	v29 =	vld [tilespmem:s1+$0x30]  }
0x115: {  	v30 =	vld [tilespmem:s1+$0xA0]  }
0x116: {  	v31 =	vld [tilespmem:s1+$0xB0]  }
0x117: {  	v32 =	vld [tilespmem:s1+$0x140]  }
0x118: {  	v8 =	vadd.f32 v26, v8;
	v9 =	vadd.f32 v27, v9;
	v26 =	vld [tilespmem:s1+$0x150]  }
0x119: {  	v10 =	vadd.f32 v28, v10;
	v11 =	vadd.f32 v29, v11;
	v27 =	vld [tilespmem:s1+$0xC0]  }
0x11a: {  	v8 =	vadd.f32 v24, v8;
	v9 =	vadd.f32 v25, v9;
	v24 =	vld [tilespmem:s1+$0xD0]  }
0x11b: {  	v10 =	vadd.f32 v30, v10;
	v25 =	vld [tilespmem:s1+$0x40];
	v11 =	vadd.f32 v31, v11  }
0x11c: {  	v8 =	vadd.f32 v20, v8;
	v9 =	vadd.f32 v21, v9;
	v28 =	vld [tilespmem:s1+$0x50]  }
0x11d: {  	v10 =	vadd.f32 v22, v10;
	v20 =	vld [tilespmem:s1+$0x60];
	v11 =	vadd.f32 v23, v11  }
0x11e: {  	s0 =	sadd.s32 $0x5, s0;
	v8 =	vadd.f32 v12, v8;
	v9 =	vadd.f32 v14, v9;
	v21 =	vld [tilespmem:s1+$0x70]  }
0x11f: {  	p0 =	slt.u32 s0, $0x5F;
	v10 =	vadd.f32 v17, v10;
	v14 =	vld [tilespmem:s1+$0xE0];
	v11 =	vadd.f32 v19, v11  }
0x120: {  	v8 =	vadd.f32 v2, v8;
	v9 =	vadd.f32 v7, v9;
	v17 =	vld [tilespmem:s1+$0xF0]  }
0x121: {  	v10 =	vadd.f32 v15, v10;
	v12 =	vld [tilespmem:s1+$0x160];
	v11 =	vadd.f32 v13, v11  }
.Ltmp2:
0x122: {  	v2 =	vadd.f32 v25, v16;
	v7 =	vadd.f32 v28, v18;
	v15 =	vld [tilespmem:s1+$0x170];
	(pc) =	sbr.rel @p0 .LBB2_7-.Ltmp2, $4  }
0x123: {  	v3 =	vadd.f32 v20, v3;
	v6 =	vadd.f32 v21, v6;
	v13 =	vld [tilespmem:s1+$0x1E0]  }
0x124: {  	v2 =	vadd.f32 v27, v2;
	v7 =	vadd.f32 v24, v7;
	v16 =	vld [tilespmem:s1+$0x1F0]  }
0x125: {  	v18 =	vadd.f32 v14, v3;
	v19 =	vadd.f32 v17, v6;
	v14 =	vld [tilespmem:s1+$0x260]  }
0x126: {  	v20 =	vadd.f32 v32, v2;
	v21 =	vadd.f32 v26, v7;
	v17 =	vld [tilespmem:s1+$0x270];
	s1 =	sadd.s32 $0x280, s1  }
0x127: {  	s0 =	sadd.s32 $0x400, s31  }
0x128: {  	[tilespmem:s13], [sflag:$0x3] =	stream.indirect.gather [hbm4b:s2+s8], $0x80, s0, s8, $0xb8;
	[tilespmem:$0x1F800] =	vst v63  }
0x129: {  	_ =	swait.ge [sflag:s23], $0x3200  }
0x12a: {  	[sflag:s23] =	ssyncset.done $0x0  }
0x12b: {  	s1 =	simm.s32 $0x11C00;
	[sflag:s23] =	ssyncadd.s32 $0xFFFFCE00  }
0x12c: {  	v22 =	vld [tilespmem:s1+$0x200]  }
0x12d: {  	v23 =	vld [tilespmem:s1+$0x210]  }
0x12e: {  	v24 =	vld [tilespmem:s1+$0x220]  }
0x12f: {  	v25 =	vld [tilespmem:s1+$0x230]  }
0x130: {  	v2 =	vld [tilespmem:s1+$0x240]  }
0x131: {  	v3 =	vld [tilespmem:s1+$0x250]  }
0x132: {  	v26 =	vld [tilespmem:s1+$0x180]  }
0x133: {  	v27 =	vld [tilespmem:s1+$0x190]  }
0x134: {  	v28 =	vld [tilespmem:s1+$0x1A0]  }
0x135: {  	v29 =	vld [tilespmem:s1+$0x1B0]  }
0x136: {  	v7 =	vld [tilespmem:s1+$0x1C0]  }
0x137: {  	v6 =	vld [tilespmem:s1+$0x1D0]  }
0x138: {  	v30 =	vld [tilespmem:s1+$0x100]  }
0x139: {  	v31 =	vld [tilespmem:s1+$0x110]  }
0x13a: {  	v32 =	vld [tilespmem:s1+$0x120]  }
0x13b: {  	v33 =	vld [tilespmem:s1+$0x130]  }
0x13c: {  	v34 =	vld [tilespmem:s1+$0x80]  }
0x13d: {  	v35 =	vld [tilespmem:s1+$0x90]  }
0x13e: {  	v36 =	vld [tilespmem:s1+$0x0]  }
0x13f: {  	v37 =	vld [tilespmem:s1+$0x10]  }
0x140: {  	v12 =	vadd.f32 v12, v18;
	v15 =	vadd.f32 v15, v19;
	v18 =	vld [tilespmem:s1+$0x20]  }
0x141: {  	v4 =	vadd.f32 v4, v20;
	v5 =	vadd.f32 v5, v21;
	v19 =	vld [tilespmem:s1+$0x30]  }
0x142: {  	v12 =	vadd.f32 v13, v12;
	v13 =	vadd.f32 v16, v15;
	v15 =	vld [tilespmem:s1+$0xA0]  }
0x143: {  	v16 =	vadd.f32 v0, v4;
	v60 =	vadd.f32 v1, v5;
	v0 =	vld [tilespmem:s1+$0xB0]  }
0x144: {  	v12 =	vadd.f32 v14, v12;
	v13 =	vadd.f32 v17, v13;
	v17 =	vld [tilespmem:s1+$0x140]  }
0x145: {  	v1 =	vadd.f32 v36, v8;
	v4 =	vadd.f32 v37, v9;
	v9 =	vld [tilespmem:s1+$0x40]  }
0x146: {  	v5 =	vadd.f32 v18, v10;
	v8 =	vadd.f32 v19, v11;
	v11 =	vld [tilespmem:s1+$0x50]  }
0x147: {  	v18 =	vld [tilespmem:s1+$0x70];
	v1 =	vadd.f32 v34, v1;
	v4 =	vadd.f32 v35, v4  }
0x148: {  	v14 =	vld [tilespmem:s1+$0xD0];
	v5 =	vadd.f32 v15, v5;
	v0 =	vadd.f32 v0, v8  }
0x149: {  	v15 =	vld [tilespmem:s1+$0x60];
	v1 =	vadd.f32 v30, v1;
	v4 =	vadd.f32 v31, v4  }
0x14a: {  	v10 =	vld [tilespmem:s1+$0xC0];
	v5 =	vadd.f32 v32, v5;
	v0 =	vadd.f32 v33, v0  }
0x14b: {  	v63 =	vld [tilespmem:s1+$0xF0];
	v16 =	vadd.f32 v9, v16;
	v20 =	vadd.f32 v11, v60  }
0x14c: {  	v61 =	vld [tilespmem:s1+$0x150];
	v13 =	vadd.f32 v18, v13;
	v1 =	vadd.f32 v26, v1  }
0x14d: {  	v19 =	vld [tilespmem:s1+$0xE0];
	v4 =	vadd.f32 v27, v4;
	v62 =	vadd.f32 v28, v5  }
0x14e: {  	v8 =	vld [tilespmem:s1+$0x160];
	v0 =	vadd.f32 v29, v0;
	v15 =	vadd.f32 v15, v12  }
0x14f: {  	v11 =	vld [tilespmem:s1+$0x170];
	v16 =	vadd.f32 v10, v16;
	v18 =	vadd.f32 v14, v20  }
0x150: {  	v9 =	vld [tilespmem:s1+$0x1E0];
	v14 =	vadd.f32 v63, v13;
	v5 =	vadd.f32 v22, v1  }
0x151: {  	v12 =	vld [tilespmem:s1+$0x1F0];
	v4 =	vadd.f32 v23, v4;
	v1 =	vadd.f32 v24, v62  }
0x152: {  	v10 =	vld [tilespmem:s1+$0x260];
	v0 =	vadd.f32 v25, v0;
	v15 =	vadd.f32 v19, v15  }
0x153: {  	s0 =	simm.s32 $0x0;
	v13 =	vld [tilespmem:s1+$0x270];
	s1 =	simm.s32 $0x11E80;
	v17 =	vadd.f32 v17, v16;
	v16 =	vadd.f32 v61, v18  }
.LBB2_9:
0x154: {  	v18 =	vld [tilespmem:s1+$0x200];
	v8 =	vadd.f32 v8, v15;
	v11 =	vadd.f32 v11, v14  }
0x155: {  	v14 =	vld [tilespmem:s1+$0x210];
	v7 =	vadd.f32 v7, v17;
	v6 =	vadd.f32 v6, v16  }
0x156: {  	v15 =	vld [tilespmem:s1+$0x220];
	v8 =	vadd.f32 v9, v8;
	v9 =	vadd.f32 v12, v11  }
0x157: {  	v11 =	vld [tilespmem:s1+$0x230];
	v12 =	vadd.f32 v2, v7;
	v16 =	vadd.f32 v3, v6  }
0x158: {  	v2 =	vld [tilespmem:s1+$0x240];
	v10 =	vadd.f32 v10, v8;
	v9 =	vadd.f32 v13, v9  }
0x159: {  	v3 =	vld [tilespmem:s1+$0x250]  }
0x15a: {  	v8 =	vld [tilespmem:s1+$0x180]  }
0x15b: {  	v13 =	vld [tilespmem:s1+$0x190]  }
0x15c: {  	v17 =	vld [tilespmem:s1+$0x1A0]  }
0x15d: {  	v19 =	vld [tilespmem:s1+$0x1B0]  }
0x15e: {  	v7 =	vld [tilespmem:s1+$0x1C0]  }
0x15f: {  	v6 =	vld [tilespmem:s1+$0x1D0]  }
0x160: {  	v20 =	vld [tilespmem:s1+$0x100]  }
0x161: {  	v21 =	vld [tilespmem:s1+$0x110]  }
0x162: {  	v22 =	vld [tilespmem:s1+$0x120]  }
0x163: {  	v23 =	vld [tilespmem:s1+$0x130]  }
0x164: {  	v24 =	vld [tilespmem:s1+$0x80]  }
0x165: {  	v25 =	vld [tilespmem:s1+$0x90]  }
0x166: {  	v26 =	vld [tilespmem:s1+$0x0]  }
0x167: {  	v27 =	vld [tilespmem:s1+$0x10]  }
0x168: {  	v28 =	vld [tilespmem:s1+$0x20]  }
0x169: {  	v29 =	vld [tilespmem:s1+$0x30]  }
0x16a: {  	v30 =	vld [tilespmem:s1+$0xA0]  }
0x16b: {  	v31 =	vld [tilespmem:s1+$0xB0]  }
0x16c: {  	v32 =	vld [tilespmem:s1+$0x140]  }
0x16d: {  	v5 =	vadd.f32 v26, v5;
	v4 =	vadd.f32 v27, v4;
	v26 =	vld [tilespmem:s1+$0x150]  }
0x16e: {  	v1 =	vadd.f32 v28, v1;
	v0 =	vadd.f32 v29, v0;
	v27 =	vld [tilespmem:s1+$0xC0]  }
0x16f: {  	v5 =	vadd.f32 v24, v5;
	v4 =	vadd.f32 v25, v4;
	v24 =	vld [tilespmem:s1+$0xD0]  }
0x170: {  	v1 =	vadd.f32 v30, v1;
	v25 =	vld [tilespmem:s1+$0x40];
	v0 =	vadd.f32 v31, v0  }
0x171: {  	v5 =	vadd.f32 v20, v5;
	v4 =	vadd.f32 v21, v4;
	v28 =	vld [tilespmem:s1+$0x50]  }
0x172: {  	v1 =	vadd.f32 v22, v1;
	v20 =	vld [tilespmem:s1+$0x60];
	v0 =	vadd.f32 v23, v0  }
0x173: {  	s0 =	sadd.s32 $0x5, s0;
	v5 =	vadd.f32 v8, v5;
	v4 =	vadd.f32 v13, v4;
	v21 =	vld [tilespmem:s1+$0x70]  }
0x174: {  	p0 =	slt.u32 s0, $0x5F;
	v1 =	vadd.f32 v17, v1;
	v13 =	vld [tilespmem:s1+$0xE0];
	v0 =	vadd.f32 v19, v0  }
0x175: {  	v5 =	vadd.f32 v18, v5;
	v4 =	vadd.f32 v14, v4;
	v17 =	vld [tilespmem:s1+$0xF0]  }
0x176: {  	v1 =	vadd.f32 v15, v1;
	v8 =	vld [tilespmem:s1+$0x160];
	v0 =	vadd.f32 v11, v0  }
.Ltmp3:
0x177: {  	v12 =	vadd.f32 v25, v12;
	v14 =	vadd.f32 v28, v16;
	v11 =	vld [tilespmem:s1+$0x170];
	(pc) =	sbr.rel @p0 .LBB2_9-.Ltmp3, $4  }
0x178: {  	v10 =	vadd.f32 v20, v10;
	v16 =	vadd.f32 v21, v9;
	v9 =	vld [tilespmem:s1+$0x1E0]  }
0x179: {  	v18 =	vadd.f32 v27, v12;
	v19 =	vadd.f32 v24, v14;
	v12 =	vld [tilespmem:s1+$0x1F0]  }
0x17a: {  	v15 =	vadd.f32 v13, v10;
	v14 =	vadd.f32 v17, v16;
	v10 =	vld [tilespmem:s1+$0x260]  }
0x17b: {  	v17 =	vadd.f32 v32, v18;
	v16 =	vadd.f32 v26, v19;
	v13 =	vld [tilespmem:s1+$0x270];
	s1 =	sadd.s32 $0x280, s1  }
0x17c: {  	s0 =	sadd.s32 $0x480, s31  }
0x17d: {  	[tilespmem:s15], [sflag:$0x4] =	stream.indirect.gather [hbm4b:s2+s8], $0x80, s0, s8, $0xb8;
	[tilespmem:$0x1F800] =	vst v63  }
0x17e: {  	v8 =	vadd.f32 v8, v15;
	v7 =	vadd.f32 v7, v17;
	[tilespmem:s30+$0x1B880] =	vst v5  }
0x17f: {  	v6 =	vadd.f32 v6, v16;
	v5 =	vadd.f32 v11, v14;
	[tilespmem:s30+$0x1B890] =	vst v4  }
0x180: {  	v4 =	vadd.f32 v9, v8;
	[tilespmem:s30+$0x1B8A0] =	vst v1;
	v2 =	vadd.f32 v2, v7  }
0x181: {  	[tilespmem:s30+$0x1B8B0] =	vst v0;
	v3 =	vadd.f32 v3, v6;
	v1 =	vadd.f32 v12, v5  }
0x182: {  	v0 =	vadd.f32 v10, v4;
	[tilespmem:s30+$0x1B8C0] =	vst v2  }
0x183: {  	[tilespmem:s30+$0x1B8D0] =	vst v3;
	v1 =	vadd.f32 v13, v1  }
0x184: {  	[tilespmem:s30+$0x1B8E0] =	vst v0  }
0x185: {  	[tilespmem:s30+$0x1B8F0] =	vst v1  }
0x186: {  	_ =	swait.ge [sflag:s24], $0x3200  }
0x187: {  	[sflag:s24] =	ssyncset.done $0x0  }
0x188: {  	s1 =	simm.s32 $0x15000;
	[sflag:s24] =	ssyncadd.s32 $0xFFFFCE00  }
0x189: {  	v2 =	vld [tilespmem:s1+$0x200]  }
0x18a: {  	v3 =	vld [tilespmem:s1+$0x210]  }
0x18b: {  	v6 =	vld [tilespmem:s1+$0x220]  }
0x18c: {  	v7 =	vld [tilespmem:s1+$0x230]  }
0x18d: {  	v0 =	vld [tilespmem:s1+$0x240]  }
0x18e: {  	v1 =	vld [tilespmem:s1+$0x250]  }
0x18f: {  	v8 =	vld [tilespmem:s1+$0x180]  }
0x190: {  	v9 =	vld [tilespmem:s1+$0x190]  }
0x191: {  	v10 =	vld [tilespmem:s1+$0x1A0]  }
0x192: {  	v11 =	vld [tilespmem:s1+$0x1B0]  }
0x193: {  	v4 =	vld [tilespmem:s1+$0x1C0]  }
0x194: {  	v5 =	vld [tilespmem:s1+$0x1D0]  }
0x195: {  	v12 =	vld [tilespmem:s1+$0x100]  }
0x196: {  	v13 =	vld [tilespmem:s1+$0x110]  }
0x197: {  	v14 =	vld [tilespmem:s1+$0x120]  }
0x198: {  	v15 =	vld [tilespmem:s1+$0x130]  }
0x199: {  	v16 =	vld [tilespmem:s1+$0x80]  }
0x19a: {  	v17 =	vld [tilespmem:s1+$0x90]  }
0x19b: {  	v18 =	vld [tilespmem:s1+$0x0]  }
0x19c: {  	v19 =	vld [tilespmem:s1+$0x10]  }
0x19d: {  	v20 =	vld [tilespmem:s1+$0x20]  }
0x19e: {  	v21 =	vld [tilespmem:s1+$0x30]  }
0x19f: {  	v22 =	vld [tilespmem:s1+$0xA0]  }
0x1a0: {  	v23 =	vld [tilespmem:s1+$0xB0]  }
0x1a1: {  	v24 =	vimm.f32 $0.0e+00;
	v25 =	vld [tilespmem:s1+$0x140]  }
0x1a2: {  	v26 =	vld [tilespmem:s1+$0x150];
	v18 =	vadd.f32 v18, v24;
	v19 =	vadd.f32 v19, v24  }
0x1a3: {  	v27 =	vld [tilespmem:s1+$0xC0];
	v20 =	vadd.f32 v20, v24;
	v21 =	vadd.f32 v21, v24  }
0x1a4: {  	v16 =	vadd.f32 v16, v18;
	v17 =	vadd.f32 v17, v19;
	v18 =	vld [tilespmem:s1+$0xD0]  }
0x1a5: {  	v19 =	vld [tilespmem:s1+$0x40];
	v20 =	vadd.f32 v22, v20;
	v21 =	vadd.f32 v23, v21  }
0x1a6: {  	v22 =	vld [tilespmem:s1+$0x50];
	v12 =	vadd.f32 v12, v16;
	v13 =	vadd.f32 v13, v17  }
0x1a7: {  	v16 =	vld [tilespmem:s1+$0x60];
	v14 =	vadd.f32 v14, v20;
	v15 =	vadd.f32 v15, v21  }
0x1a8: {  	v17 =	vld [tilespmem:s1+$0x70];
	v8 =	vadd.f32 v8, v12;
	v9 =	vadd.f32 v9, v13  }
0x1a9: {  	v20 =	vld [tilespmem:s1+$0xE0];
	v10 =	vadd.f32 v10, v14;
	v11 =	vadd.f32 v11, v15  }
0x1aa: {  	v14 =	vld [tilespmem:s1+$0xF0];
	v8 =	vadd.f32 v2, v8;
	v9 =	vadd.f32 v3, v9  }
0x1ab: {  	v12 =	vld [tilespmem:s1+$0x160];
	v10 =	vadd.f32 v6, v10;
	v11 =	vadd.f32 v7, v11  }
0x1ac: {  	v15 =	vld [tilespmem:s1+$0x170];
	v2 =	vadd.f32 v19, v24;
	v3 =	vadd.f32 v22, v24  }
0x1ad: {  	v13 =	vld [tilespmem:s1+$0x1E0];
	v6 =	vadd.f32 v16, v24;
	v7 =	vadd.f32 v17, v24  }
0x1ae: {  	v16 =	vld [tilespmem:s1+$0x1F0];
	v2 =	vadd.f32 v27, v2;
	v3 =	vadd.f32 v18, v3  }
0x1af: {  	v17 =	vld [tilespmem:s1+$0x270];
	v18 =	vadd.f32 v20, v6;
	v19 =	vadd.f32 v14, v7  }
0x1b0: {  	s0 =	simm.s32 $0x0;
	v14 =	vld [tilespmem:s1+$0x260];
	s1 =	simm.s32 $0x15280;
	v20 =	vadd.f32 v25, v2;
	v21 =	vadd.f32 v26, v3  }
.LBB2_11:
0x1b1: {  	v2 =	vld [tilespmem:s1+$0x200];
	v3 =	vadd.f32 v12, v18;
	v6 =	vadd.f32 v15, v19  }
0x1b2: {  	v7 =	vld [tilespmem:s1+$0x210];
	v4 =	vadd.f32 v4, v20;
	v5 =	vadd.f32 v5, v21  }
0x1b3: {  	v15 =	vld [tilespmem:s1+$0x220];
	v3 =	vadd.f32 v13, v3;
	v6 =	vadd.f32 v16, v6  }
0x1b4: {  	v13 =	vld [tilespmem:s1+$0x230];
	v16 =	vadd.f32 v0, v4;
	v18 =	vadd.f32 v1, v5  }
0x1b5: {  	v0 =	vld [tilespmem:s1+$0x240];
	v3 =	vadd.f32 v14, v3;
	v6 =	vadd.f32 v17, v6  }
0x1b6: {  	v1 =	vld [tilespmem:s1+$0x250]  }
0x1b7: {  	v12 =	vld [tilespmem:s1+$0x180]  }
0x1b8: {  	v14 =	vld [tilespmem:s1+$0x190]  }
0x1b9: {  	v17 =	vld [tilespmem:s1+$0x1A0]  }
0x1ba: {  	v19 =	vld [tilespmem:s1+$0x1B0]  }
0x1bb: {  	v4 =	vld [tilespmem:s1+$0x1C0]  }
0x1bc: {  	v5 =	vld [tilespmem:s1+$0x1D0]  }
0x1bd: {  	v20 =	vld [tilespmem:s1+$0x100]  }
0x1be: {  	v21 =	vld [tilespmem:s1+$0x110]  }
0x1bf: {  	v22 =	vld [tilespmem:s1+$0x120]  }
0x1c0: {  	v23 =	vld [tilespmem:s1+$0x130]  }
0x1c1: {  	v24 =	vld [tilespmem:s1+$0x80]  }
0x1c2: {  	v25 =	vld [tilespmem:s1+$0x90]  }
0x1c3: {  	v26 =	vld [tilespmem:s1+$0x0]  }
0x1c4: {  	v27 =	vld [tilespmem:s1+$0x10]  }
0x1c5: {  	v28 =	vld [tilespmem:s1+$0x20]  }
0x1c6: {  	v29 =	vld [tilespmem:s1+$0x30]  }
0x1c7: {  	v30 =	vld [tilespmem:s1+$0xA0]  }
0x1c8: {  	v31 =	vld [tilespmem:s1+$0xB0]  }
0x1c9: {  	v32 =	vld [tilespmem:s1+$0x140]  }
0x1ca: {  	v8 =	vadd.f32 v26, v8;
	v9 =	vadd.f32 v27, v9;
	v26 =	vld [tilespmem:s1+$0x150]  }
0x1cb: {  	v10 =	vadd.f32 v28, v10;
	v11 =	vadd.f32 v29, v11;
	v27 =	vld [tilespmem:s1+$0xC0]  }
0x1cc: {  	v8 =	vadd.f32 v24, v8;
	v9 =	vadd.f32 v25, v9;
	v24 =	vld [tilespmem:s1+$0xD0]  }
0x1cd: {  	v10 =	vadd.f32 v30, v10;
	v25 =	vld [tilespmem:s1+$0x40];
	v11 =	vadd.f32 v31, v11  }
0x1ce: {  	v8 =	vadd.f32 v20, v8;
	v9 =	vadd.f32 v21, v9;
	v28 =	vld [tilespmem:s1+$0x50]  }
0x1cf: {  	v10 =	vadd.f32 v22, v10;
	v20 =	vld [tilespmem:s1+$0x60];
	v11 =	vadd.f32 v23, v11  }
0x1d0: {  	s0 =	sadd.s32 $0x5, s0;
	v8 =	vadd.f32 v12, v8;
	v9 =	vadd.f32 v14, v9;
	v21 =	vld [tilespmem:s1+$0x70]  }
0x1d1: {  	p0 =	slt.u32 s0, $0x5F;
	v10 =	vadd.f32 v17, v10;
	v14 =	vld [tilespmem:s1+$0xE0];
	v11 =	vadd.f32 v19, v11  }
0x1d2: {  	v8 =	vadd.f32 v2, v8;
	v9 =	vadd.f32 v7, v9;
	v17 =	vld [tilespmem:s1+$0xF0]  }
0x1d3: {  	v10 =	vadd.f32 v15, v10;
	v12 =	vld [tilespmem:s1+$0x160];
	v11 =	vadd.f32 v13, v11  }
.Ltmp4:
0x1d4: {  	v2 =	vadd.f32 v25, v16;
	v7 =	vadd.f32 v28, v18;
	v15 =	vld [tilespmem:s1+$0x170];
	(pc) =	sbr.rel @p0 .LBB2_11-.Ltmp4, $4  }
0x1d5: {  	v3 =	vadd.f32 v20, v3;
	v6 =	vadd.f32 v21, v6;
	v13 =	vld [tilespmem:s1+$0x1E0]  }
0x1d6: {  	v2 =	vadd.f32 v27, v2;
	v7 =	vadd.f32 v24, v7;
	v16 =	vld [tilespmem:s1+$0x1F0]  }
0x1d7: {  	v18 =	vadd.f32 v14, v3;
	v19 =	vadd.f32 v17, v6;
	v14 =	vld [tilespmem:s1+$0x260]  }
0x1d8: {  	v20 =	vadd.f32 v32, v2;
	v21 =	vadd.f32 v26, v7;
	v17 =	vld [tilespmem:s1+$0x270];
	s1 =	sadd.s32 $0x280, s1  }
0x1d9: {  	s0 =	smul.u32 $0x3, s29;
	_ =	sdelay $0x1  }
0x1da: {  	p0 =	seq.s32 s29, $0x29;
	s0 =	sadd.s32 $0x5, s0  }
0x1db: {  	s0 =	sshll.u32 @!p0 s0, $0x8  }
0x1dc: {  	s1 =	simm.s32 @!p0 $0x15000;
	s31 =	sand.u32 @!p0 $0x3FFFFF00, s0;
	s0 =	simm.s32 @!p0 $0x64  }
0x1dd: {  	[tilespmem:s1], [sflag:$0x5] =	stream.indirect.gather @!p0 [hbm4b:s2+s0], $0x80, s31, s0, $0xb8;
	[tilespmem:$0x1F800] =	vst v63  }
0x1de: {  	_ =	swait.ge [sflag:s25], $0x3200  }
0x1df: {  	[sflag:s25] =	ssyncset.done $0x0  }
0x1e0: {  	s1 =	simm.s32 $0x18400;
	[sflag:s25] =	ssyncadd.s32 $0xFFFFCE00  }
0x1e1: {  	v22 =	vld [tilespmem:s1+$0x200]  }
0x1e2: {  	v23 =	vld [tilespmem:s1+$0x210]  }
0x1e3: {  	v24 =	vld [tilespmem:s1+$0x220]  }
0x1e4: {  	v25 =	vld [tilespmem:s1+$0x230]  }
0x1e5: {  	v2 =	vld [tilespmem:s1+$0x240]  }
0x1e6: {  	v3 =	vld [tilespmem:s1+$0x250]  }
0x1e7: {  	v26 =	vld [tilespmem:s1+$0x180]  }
0x1e8: {  	v27 =	vld [tilespmem:s1+$0x190]  }
0x1e9: {  	v28 =	vld [tilespmem:s1+$0x1A0]  }
0x1ea: {  	v29 =	vld [tilespmem:s1+$0x1B0]  }
0x1eb: {  	v7 =	vld [tilespmem:s1+$0x1C0]  }
0x1ec: {  	v6 =	vld [tilespmem:s1+$0x1D0]  }
0x1ed: {  	v30 =	vld [tilespmem:s1+$0x100]  }
0x1ee: {  	v31 =	vld [tilespmem:s1+$0x110]  }
0x1ef: {  	v32 =	vld [tilespmem:s1+$0x120]  }
0x1f0: {  	v33 =	vld [tilespmem:s1+$0x130]  }
0x1f1: {  	v34 =	vld [tilespmem:s1+$0x80]  }
0x1f2: {  	v35 =	vld [tilespmem:s1+$0x90]  }
0x1f3: {  	v36 =	vld [tilespmem:s1+$0x0]  }
0x1f4: {  	v37 =	vld [tilespmem:s1+$0x10]  }
0x1f5: {  	v12 =	vadd.f32 v12, v18;
	v15 =	vadd.f32 v15, v19;
	v18 =	vld [tilespmem:s1+$0x20]  }
0x1f6: {  	v4 =	vadd.f32 v4, v20;
	v5 =	vadd.f32 v5, v21;
	v19 =	vld [tilespmem:s1+$0x30]  }
0x1f7: {  	v12 =	vadd.f32 v13, v12;
	v13 =	vadd.f32 v16, v15;
	v15 =	vld [tilespmem:s1+$0xA0]  }
0x1f8: {  	v16 =	vadd.f32 v0, v4;
	v60 =	vadd.f32 v1, v5;
	v0 =	vld [tilespmem:s1+$0xB0]  }
0x1f9: {  	v12 =	vadd.f32 v14, v12;
	v13 =	vadd.f32 v17, v13;
	v17 =	vld [tilespmem:s1+$0x140]  }
0x1fa: {  	v1 =	vadd.f32 v36, v8;
	v4 =	vadd.f32 v37, v9;
	v9 =	vld [tilespmem:s1+$0x40]  }
0x1fb: {  	v5 =	vadd.f32 v18, v10;
	v8 =	vadd.f32 v19, v11;
	v11 =	vld [tilespmem:s1+$0x50]  }
0x1fc: {  	v18 =	vld [tilespmem:s1+$0x70];
	v1 =	vadd.f32 v34, v1;
	v4 =	vadd.f32 v35, v4  }
0x1fd: {  	v14 =	vld [tilespmem:s1+$0xD0];
	v5 =	vadd.f32 v15, v5;
	v0 =	vadd.f32 v0, v8  }
0x1fe: {  	v15 =	vld [tilespmem:s1+$0x60];
	v1 =	vadd.f32 v30, v1;
	v4 =	vadd.f32 v31, v4  }
0x1ff: {  	v10 =	vld [tilespmem:s1+$0xC0];
	v5 =	vadd.f32 v32, v5;
	v0 =	vadd.f32 v33, v0  }
0x200: {  	v63 =	vld [tilespmem:s1+$0xF0];
	v16 =	vadd.f32 v9, v16;
	v20 =	vadd.f32 v11, v60  }
0x201: {  	v61 =	vld [tilespmem:s1+$0x150];
	v13 =	vadd.f32 v18, v13;
	v1 =	vadd.f32 v26, v1  }
0x202: {  	v19 =	vld [tilespmem:s1+$0xE0];
	v4 =	vadd.f32 v27, v4;
	v62 =	vadd.f32 v28, v5  }
0x203: {  	v8 =	vld [tilespmem:s1+$0x160];
	v0 =	vadd.f32 v29, v0;
	v15 =	vadd.f32 v15, v12  }
0x204: {  	v11 =	vld [tilespmem:s1+$0x170];
	v16 =	vadd.f32 v10, v16;
	v18 =	vadd.f32 v14, v20  }
0x205: {  	v9 =	vld [tilespmem:s1+$0x1E0];
	v14 =	vadd.f32 v63, v13;
	v5 =	vadd.f32 v22, v1  }
0x206: {  	v12 =	vld [tilespmem:s1+$0x1F0];
	v4 =	vadd.f32 v23, v4;
	v1 =	vadd.f32 v24, v62  }
0x207: {  	v10 =	vld [tilespmem:s1+$0x260];
	v0 =	vadd.f32 v25, v0;
	v15 =	vadd.f32 v19, v15  }
0x208: {  	s0 =	simm.s32 $0x0;
	v13 =	vld [tilespmem:s1+$0x270];
	s1 =	simm.s32 $0x18680;
	v17 =	vadd.f32 v17, v16;
	v16 =	vadd.f32 v61, v18  }
.LBB2_13:
0x209: {  	v18 =	vld [tilespmem:s1+$0x200];
	v8 =	vadd.f32 v8, v15;
	v11 =	vadd.f32 v11, v14  }
0x20a: {  	v14 =	vld [tilespmem:s1+$0x210];
	v7 =	vadd.f32 v7, v17;
	v6 =	vadd.f32 v6, v16  }
0x20b: {  	v15 =	vld [tilespmem:s1+$0x220];
	v8 =	vadd.f32 v9, v8;
	v9 =	vadd.f32 v12, v11  }
0x20c: {  	v11 =	vld [tilespmem:s1+$0x230];
	v12 =	vadd.f32 v2, v7;
	v16 =	vadd.f32 v3, v6  }
0x20d: {  	v2 =	vld [tilespmem:s1+$0x240];
	v10 =	vadd.f32 v10, v8;
	v9 =	vadd.f32 v13, v9  }
0x20e: {  	v3 =	vld [tilespmem:s1+$0x250]  }
0x20f: {  	v8 =	vld [tilespmem:s1+$0x180]  }
0x210: {  	v13 =	vld [tilespmem:s1+$0x190]  }
0x211: {  	v17 =	vld [tilespmem:s1+$0x1A0]  }
0x212: {  	v19 =	vld [tilespmem:s1+$0x1B0]  }
0x213: {  	v7 =	vld [tilespmem:s1+$0x1C0]  }
0x214: {  	v6 =	vld [tilespmem:s1+$0x1D0]  }
0x215: {  	v20 =	vld [tilespmem:s1+$0x100]  }
0x216: {  	v21 =	vld [tilespmem:s1+$0x110]  }
0x217: {  	v22 =	vld [tilespmem:s1+$0x120]  }
0x218: {  	v23 =	vld [tilespmem:s1+$0x130]  }
0x219: {  	v24 =	vld [tilespmem:s1+$0x80]  }
0x21a: {  	v25 =	vld [tilespmem:s1+$0x90]  }
0x21b: {  	v26 =	vld [tilespmem:s1+$0x0]  }
0x21c: {  	v27 =	vld [tilespmem:s1+$0x10]  }
0x21d: {  	v28 =	vld [tilespmem:s1+$0x20]  }
0x21e: {  	v29 =	vld [tilespmem:s1+$0x30]  }
0x21f: {  	v30 =	vld [tilespmem:s1+$0xA0]  }
0x220: {  	v31 =	vld [tilespmem:s1+$0xB0]  }
0x221: {  	v32 =	vld [tilespmem:s1+$0x140]  }
0x222: {  	v5 =	vadd.f32 v26, v5;
	v4 =	vadd.f32 v27, v4;
	v26 =	vld [tilespmem:s1+$0x150]  }
0x223: {  	v1 =	vadd.f32 v28, v1;
	v0 =	vadd.f32 v29, v0;
	v27 =	vld [tilespmem:s1+$0xC0]  }
0x224: {  	v5 =	vadd.f32 v24, v5;
	v4 =	vadd.f32 v25, v4;
	v24 =	vld [tilespmem:s1+$0xD0]  }
0x225: {  	v1 =	vadd.f32 v30, v1;
	v25 =	vld [tilespmem:s1+$0x40];
	v0 =	vadd.f32 v31, v0  }
0x226: {  	v5 =	vadd.f32 v20, v5;
	v4 =	vadd.f32 v21, v4;
	v28 =	vld [tilespmem:s1+$0x50]  }
0x227: {  	v1 =	vadd.f32 v22, v1;
	v20 =	vld [tilespmem:s1+$0x60];
	v0 =	vadd.f32 v23, v0  }
0x228: {  	s0 =	sadd.s32 $0x5, s0;
	v5 =	vadd.f32 v8, v5;
	v4 =	vadd.f32 v13, v4;
	v21 =	vld [tilespmem:s1+$0x70]  }
0x229: {  	p1 =	slt.u32 s0, $0x5F;
	v1 =	vadd.f32 v17, v1;
	v13 =	vld [tilespmem:s1+$0xE0];
	v0 =	vadd.f32 v19, v0  }
0x22a: {  	v5 =	vadd.f32 v18, v5;
	v4 =	vadd.f32 v14, v4;
	v17 =	vld [tilespmem:s1+$0xF0]  }
0x22b: {  	v1 =	vadd.f32 v15, v1;
	v8 =	vld [tilespmem:s1+$0x160];
	v0 =	vadd.f32 v11, v0  }
.Ltmp5:
0x22c: {  	v12 =	vadd.f32 v25, v12;
	v14 =	vadd.f32 v28, v16;
	v11 =	vld [tilespmem:s1+$0x170];
	(pc) =	sbr.rel @p1 .LBB2_13-.Ltmp5, $4  }
0x22d: {  	v10 =	vadd.f32 v20, v10;
	v16 =	vadd.f32 v21, v9;
	v9 =	vld [tilespmem:s1+$0x1E0]  }
0x22e: {  	v18 =	vadd.f32 v27, v12;
	v19 =	vadd.f32 v24, v14;
	v12 =	vld [tilespmem:s1+$0x1F0]  }
0x22f: {  	v15 =	vadd.f32 v13, v10;
	v14 =	vadd.f32 v17, v16;
	v10 =	vld [tilespmem:s1+$0x260]  }
0x230: {  	v17 =	vadd.f32 v32, v18;
	v16 =	vadd.f32 v26, v19;
	v13 =	vld [tilespmem:s1+$0x270];
	s1 =	sadd.s32 $0x280, s1  }
0x231: {  	s0 =	sor.u32 @!p0 $0x80, s31;
	s1 =	simm.s32 @!p0 $0x64;
	s31 =	simm.s32 @!p0 $0x18400  }
0x232: {  	[tilespmem:s31], [sflag:$0x6] =	stream.indirect.gather @!p0 [hbm4b:s2+s1], $0x80, s0, s1, $0xb8;
	[tilespmem:$0x1F800] =	vst v63  }
0x233: {  	v8 =	vadd.f32 v8, v15;
	v7 =	vadd.f32 v7, v17;
	[tilespmem:s30+$0x1B900] =	vst v5  }
0x234: {  	v60 =	vadd.f32 v11, v14;
	s29 =	sadd.s32 $0x1, s29;
	v6 =	vadd.f32 v6, v16;
	[tilespmem:s30+$0x1B910] =	vst v4  }
0x235: {  	p0 =	sne.s32 s29, $0x2A;
	v61 =	vadd.f32 v9, v8;
	[tilespmem:s30+$0x1B920] =	vst v1;
	v2 =	vadd.f32 v2, v7  }
.Ltmp6:
0x236: {  	v62 =	vadd.f32 v12, v60;
	[tilespmem:s30+$0x1B930] =	vst v0;
	v3 =	vadd.f32 v3, v6;
	(pc) =	sbr.rel @p0 .LBB2_2-.Ltmp6, $4  }
0x237: {  	v63 =	vadd.f32 v10, v61;
	[tilespmem:s30+$0x1B940] =	vst v2  }
0x238: {  	v1 =	vadd.f32 v13, v62;
	[tilespmem:s30+$0x1B950] =	vst v3  }
0x239: {  	[tilespmem:s30+$0x1B960] =	vst v63  }
0x23a: {  	[tilespmem:s30+$0x1B970] =	vst v1  }
0x23b: {  	_ =	swait.ge [sflag:s20], $0x3200  }
0x23c: {  	[sflag:s20] =	ssyncset.done $0x0  }
0x23d: {  	s1 =	simm.s32 $0x8140;
	[sflag:s20] =	ssyncadd.s32 $0xFFFFCE00  }
0x23e: {  	v2 =	vld [tilespmem:s1+$0xC0]  }
0x23f: {  	v3 =	vld [tilespmem:s1+$0xD0]  }
0x240: {  	v6 =	vld [tilespmem:s1+$0xE0]  }
0x241: {  	v7 =	vld [tilespmem:s1+$0xF0]  }
0x242: {  	v0 =	vld [tilespmem:s1+$0x100]  }
0x243: {  	v1 =	vld [tilespmem:s1+$0x110]  }
0x244: {  	v8 =	vld [tilespmem:s1+$0x40]  }
0x245: {  	v9 =	vld [tilespmem:s1+$0x50]  }
0x246: {  	v10 =	vld [tilespmem:s1+$0x60]  }
0x247: {  	v11 =	vld [tilespmem:s1+$0x70]  }
0x248: {  	v4 =	vld [tilespmem:s1+$0x80]  }
0x249: {  	v5 =	vld [tilespmem:s1+$0x90]  }
0x24a: {  	v12 =	vld [tilespmem:s1+$0xFFFFFFC0]  }
0x24b: {  	v13 =	vld [tilespmem:s1+$0xFFFFFFD0]  }
0x24c: {  	v14 =	vld [tilespmem:s1+$0xFFFFFFE0]  }
0x24d: {  	v15 =	vld [tilespmem:s1+$0xFFFFFFF0]  }
0x24e: {  	v16 =	vld [tilespmem:s1+$0xFFFFFF40]  }
0x24f: {  	v17 =	vld [tilespmem:s1+$0xFFFFFF50]  }
0x250: {  	v18 =	vld [tilespmem:s1+$0xFFFFFEC0]  }
0x251: {  	v19 =	vld [tilespmem:s1+$0xFFFFFED0]  }
0x252: {  	v20 =	vld [tilespmem:s1+$0xFFFFFEE0]  }
0x253: {  	v21 =	vld [tilespmem:s1+$0xFFFFFEF0]  }
0x254: {  	v22 =	vld [tilespmem:s1+$0xFFFFFF60]  }
0x255: {  	v23 =	vld [tilespmem:s1+$0xFFFFFF70]  }
0x256: {  	v24 =	vimm.f32 $0.0e+00;
	v25 =	vld [tilespmem:s1+$0x0]  }
0x257: {  	v26 =	vld [tilespmem:s1+$0x10];
	v18 =	vadd.f32 v18, v24;
	v19 =	vadd.f32 v19, v24  }
0x258: {  	v27 =	vld [tilespmem:s1+$0xFFFFFF80];
	v20 =	vadd.f32 v20, v24;
	v21 =	vadd.f32 v21, v24  }
0x259: {  	v16 =	vadd.f32 v16, v18;
	v17 =	vadd.f32 v17, v19;
	v18 =	vld [tilespmem:s1+$0xFFFFFF90]  }
0x25a: {  	v19 =	vld [tilespmem:s1+$0xFFFFFF00];
	v20 =	vadd.f32 v22, v20;
	v21 =	vadd.f32 v23, v21  }
0x25b: {  	v22 =	vld [tilespmem:s1+$0xFFFFFF10];
	v12 =	vadd.f32 v12, v16;
	v13 =	vadd.f32 v13, v17  }
0x25c: {  	v16 =	vld [tilespmem:s1+$0xFFFFFF20];
	v14 =	vadd.f32 v14, v20;
	v15 =	vadd.f32 v15, v21  }
0x25d: {  	v17 =	vld [tilespmem:s1+$0xFFFFFF30];
	v8 =	vadd.f32 v8, v12;
	v9 =	vadd.f32 v9, v13  }
0x25e: {  	v20 =	vld [tilespmem:s1+$0xFFFFFFA0];
	v10 =	vadd.f32 v10, v14;
	v11 =	vadd.f32 v11, v15  }
0x25f: {  	v14 =	vld [tilespmem:s1+$0xFFFFFFB0];
	v8 =	vadd.f32 v2, v8;
	v9 =	vadd.f32 v3, v9  }
0x260: {  	v12 =	vld [tilespmem:s1+$0x20];
	v10 =	vadd.f32 v6, v10;
	v11 =	vadd.f32 v7, v11  }
0x261: {  	v15 =	vld [tilespmem:s1+$0x30];
	v2 =	vadd.f32 v19, v24;
	v3 =	vadd.f32 v22, v24  }
0x262: {  	v13 =	vld [tilespmem:s1+$0xA0];
	v6 =	vadd.f32 v16, v24;
	v7 =	vadd.f32 v17, v24  }
0x263: {  	v16 =	vld [tilespmem:s1+$0xB0];
	v2 =	vadd.f32 v27, v2;
	v3 =	vadd.f32 v18, v3  }
0x264: {  	v17 =	vld [tilespmem:s1+$0x130];
	v18 =	vadd.f32 v20, v6;
	v19 =	vadd.f32 v14, v7  }
0x265: {  	s0 =	simm.s32 $0x0;
	v14 =	vld [tilespmem:s1+$0x120];
	s1 =	simm.s32 $0x83C0;
	v20 =	vadd.f32 v25, v2;
	v21 =	vadd.f32 v26, v3  }
.LBB2_16:
0x266: {  	v2 =	vld [tilespmem:s1+$0xC0];
	v3 =	vadd.f32 v12, v18;
	v6 =	vadd.f32 v15, v19  }
0x267: {  	v7 =	vld [tilespmem:s1+$0xD0];
	v4 =	vadd.f32 v4, v20;
	v5 =	vadd.f32 v5, v21  }
0x268: {  	v15 =	vld [tilespmem:s1+$0xE0];
	v3 =	vadd.f32 v13, v3;
	v6 =	vadd.f32 v16, v6  }
0x269: {  	v13 =	vld [tilespmem:s1+$0xF0];
	v16 =	vadd.f32 v0, v4;
	v18 =	vadd.f32 v1, v5  }
0x26a: {  	v0 =	vld [tilespmem:s1+$0x100];
	v3 =	vadd.f32 v14, v3;
	v6 =	vadd.f32 v17, v6  }
0x26b: {  	v1 =	vld [tilespmem:s1+$0x110]  }
0x26c: {  	v12 =	vld [tilespmem:s1+$0x40]  }
0x26d: {  	v14 =	vld [tilespmem:s1+$0x50]  }
0x26e: {  	v17 =	vld [tilespmem:s1+$0x60]  }
0x26f: {  	v19 =	vld [tilespmem:s1+$0x70]  }
0x270: {  	v4 =	vld [tilespmem:s1+$0x80]  }
0x271: {  	v5 =	vld [tilespmem:s1+$0x90]  }
0x272: {  	v20 =	vld [tilespmem:s1+$0xFFFFFFC0]  }
0x273: {  	v21 =	vld [tilespmem:s1+$0xFFFFFFD0]  }
0x274: {  	v22 =	vld [tilespmem:s1+$0xFFFFFFE0]  }
0x275: {  	v23 =	vld [tilespmem:s1+$0xFFFFFFF0]  }
0x276: {  	v24 =	vld [tilespmem:s1+$0xFFFFFF40]  }
0x277: {  	v25 =	vld [tilespmem:s1+$0xFFFFFF50]  }
0x278: {  	v26 =	vld [tilespmem:s1+$0xFFFFFEC0]  }
0x279: {  	v27 =	vld [tilespmem:s1+$0xFFFFFED0]  }
0x27a: {  	v28 =	vld [tilespmem:s1+$0xFFFFFEE0]  }
0x27b: {  	v29 =	vld [tilespmem:s1+$0xFFFFFEF0]  }
0x27c: {  	v30 =	vld [tilespmem:s1+$0xFFFFFF60]  }
0x27d: {  	v31 =	vld [tilespmem:s1+$0xFFFFFF70]  }
0x27e: {  	v32 =	vld [tilespmem:s1+$0x0]  }
0x27f: {  	v8 =	vadd.f32 v26, v8;
	v9 =	vadd.f32 v27, v9;
	v26 =	vld [tilespmem:s1+$0x10]  }
0x280: {  	v10 =	vadd.f32 v28, v10;
	v11 =	vadd.f32 v29, v11;
	v27 =	vld [tilespmem:s1+$0xFFFFFF80]  }
0x281: {  	v8 =	vadd.f32 v24, v8;
	v9 =	vadd.f32 v25, v9;
	v24 =	vld [tilespmem:s1+$0xFFFFFF90]  }
0x282: {  	v10 =	vadd.f32 v30, v10;
	v25 =	vld [tilespmem:s1+$0xFFFFFF00];
	v11 =	vadd.f32 v31, v11  }
0x283: {  	v8 =	vadd.f32 v20, v8;
	v9 =	vadd.f32 v21, v9;
	v28 =	vld [tilespmem:s1+$0xFFFFFF10]  }
0x284: {  	v10 =	vadd.f32 v22, v10;
	v20 =	vld [tilespmem:s1+$0xFFFFFF20];
	v11 =	vadd.f32 v23, v11  }
0x285: {  	s0 =	sadd.s32 $0x5, s0;
	v8 =	vadd.f32 v12, v8;
	v9 =	vadd.f32 v14, v9;
	v21 =	vld [tilespmem:s1+$0xFFFFFF30]  }
0x286: {  	p0 =	slt.u32 s0, $0x5F;
	v10 =	vadd.f32 v17, v10;
	v14 =	vld [tilespmem:s1+$0xFFFFFFA0];
	v11 =	vadd.f32 v19, v11  }
0x287: {  	v8 =	vadd.f32 v2, v8;
	v9 =	vadd.f32 v7, v9;
	v17 =	vld [tilespmem:s1+$0xFFFFFFB0]  }
0x288: {  	v10 =	vadd.f32 v15, v10;
	v12 =	vld [tilespmem:s1+$0x20];
	v11 =	vadd.f32 v13, v11  }
.Ltmp7:
0x289: {  	v2 =	vadd.f32 v25, v16;
	v7 =	vadd.f32 v28, v18;
	v15 =	vld [tilespmem:s1+$0x30];
	(pc) =	sbr.rel @p0 .LBB2_16-.Ltmp7, $4  }
0x28a: {  	v3 =	vadd.f32 v20, v3;
	v6 =	vadd.f32 v21, v6;
	v13 =	vld [tilespmem:s1+$0xA0]  }
0x28b: {  	v2 =	vadd.f32 v27, v2;
	v7 =	vadd.f32 v24, v7;
	v16 =	vld [tilespmem:s1+$0xB0]  }
0x28c: {  	v18 =	vadd.f32 v14, v3;
	v19 =	vadd.f32 v17, v6;
	v14 =	vld [tilespmem:s1+$0x120]  }
0x28d: {  	v20 =	vadd.f32 v32, v2;
	v21 =	vadd.f32 v26, v7;
	v17 =	vld [tilespmem:s1+$0x130];
	s1 =	sadd.s32 $0x280, s1  }
0x28e: {  	_ =	swait.ge [sflag:s21], $0x3200  }
0x28f: {  	[sflag:s21] =	ssyncset.done $0x0  }
0x290: {  	s1 =	simm.s32 $0xB670;
	[sflag:s21] =	ssyncadd.s32 $0xFFFFCE00  }
0x291: {  	v22 =	vld [tilespmem:s1+$0xFFFFFF90]  }
0x292: {  	v23 =	vld [tilespmem:s1+$0xFFFFFFA0]  }
0x293: {  	v24 =	vld [tilespmem:s1+$0xFFFFFFB0]  }
0x294: {  	v25 =	vld [tilespmem:s1+$0xFFFFFFC0]  }
0x295: {  	v2 =	vld [tilespmem:s1+$0xFFFFFFD0]  }
0x296: {  	v3 =	vld [tilespmem:s1+$0xFFFFFFE0]  }
0x297: {  	v26 =	vld [tilespmem:s1+$0xFFFFFF10]  }
0x298: {  	v27 =	vld [tilespmem:s1+$0xFFFFFF20]  }
0x299: {  	v28 =	vld [tilespmem:s1+$0xFFFFFF30]  }
0x29a: {  	v29 =	vld [tilespmem:s1+$0xFFFFFF40]  }
0x29b: {  	v7 =	vld [tilespmem:s1+$0xFFFFFF50]  }
0x29c: {  	v6 =	vld [tilespmem:s1+$0xFFFFFF60]  }
0x29d: {  	v30 =	vld [tilespmem:s1+$0xFFFFFE90]  }
0x29e: {  	v31 =	vld [tilespmem:s1+$0xFFFFFEA0]  }
0x29f: {  	v32 =	vld [tilespmem:s1+$0xFFFFFEB0]  }
0x2a0: {  	v33 =	vld [tilespmem:s1+$0xFFFFFEC0]  }
0x2a1: {  	v34 =	vld [tilespmem:s1+$0xFFFFFE10]  }
0x2a2: {  	v35 =	vld [tilespmem:s1+$0xFFFFFE20]  }
0x2a3: {  	v36 =	vld [tilespmem:s1+$0xFFFFFD90]  }
0x2a4: {  	v37 =	vld [tilespmem:s1+$0xFFFFFDA0]  }
0x2a5: {  	v12 =	vadd.f32 v12, v18;
	v15 =	vadd.f32 v15, v19;
	v18 =	vld [tilespmem:s1+$0xFFFFFDB0]  }
0x2a6: {  	v4 =	vadd.f32 v4, v20;
	v5 =	vadd.f32 v5, v21;
	v19 =	vld [tilespmem:s1+$0xFFFFFDC0]  }
0x2a7: {  	v12 =	vadd.f32 v13, v12;
	v13 =	vadd.f32 v16, v15;
	v15 =	vld [tilespmem:s1+$0xFFFFFE30]  }
0x2a8: {  	v16 =	vadd.f32 v0, v4;
	v60 =	vadd.f32 v1, v5;
	v0 =	vld [tilespmem:s1+$0xFFFFFE40]  }
0x2a9: {  	v61 =	vld [tilespmem:s1+$0xFFFFFEE0];
	v12 =	vadd.f32 v14, v12;
	v13 =	vadd.f32 v17, v13  }
0x2aa: {  	v1 =	vadd.f32 v36, v8;
	v4 =	vadd.f32 v37, v9;
	v9 =	vld [tilespmem:s1+$0xFFFFFDD0]  }
0x2ab: {  	v5 =	vadd.f32 v18, v10;
	v8 =	vadd.f32 v19, v11;
	v11 =	vld [tilespmem:s1+$0xFFFFFDE0]  }
0x2ac: {  	v18 =	vld [tilespmem:s1+$0xFFFFFE00];
	v1 =	vadd.f32 v34, v1;
	v4 =	vadd.f32 v35, v4  }
0x2ad: {  	v14 =	vld [tilespmem:s1+$0xFFFFFE60];
	v5 =	vadd.f32 v15, v5;
	v0 =	vadd.f32 v0, v8  }
0x2ae: {  	v15 =	vld [tilespmem:s1+$0xFFFFFDF0];
	v1 =	vadd.f32 v30, v1;
	v4 =	vadd.f32 v31, v4  }
0x2af: {  	v10 =	vld [tilespmem:s1+$0xFFFFFE50];
	v5 =	vadd.f32 v32, v5;
	v0 =	vadd.f32 v33, v0  }
0x2b0: {  	v63 =	vld [tilespmem:s1+$0xFFFFFE80];
	v16 =	vadd.f32 v9, v16;
	v20 =	vadd.f32 v11, v60  }
0x2b1: {  	v17 =	vld [tilespmem:s1+$0xFFFFFED0];
	v13 =	vadd.f32 v18, v13;
	v1 =	vadd.f32 v26, v1  }
0x2b2: {  	v19 =	vld [tilespmem:s1+$0xFFFFFE70];
	v4 =	vadd.f32 v27, v4;
	v62 =	vadd.f32 v28, v5  }
0x2b3: {  	v8 =	vld [tilespmem:s1+$0xFFFFFEF0];
	v0 =	vadd.f32 v29, v0;
	v15 =	vadd.f32 v15, v12  }
0x2b4: {  	v11 =	vld [tilespmem:s1+$0xFFFFFF00];
	v16 =	vadd.f32 v10, v16;
	v18 =	vadd.f32 v14, v20  }
0x2b5: {  	v9 =	vld [tilespmem:s1+$0xFFFFFF70];
	v14 =	vadd.f32 v63, v13;
	v5 =	vadd.f32 v22, v1  }
0x2b6: {  	v12 =	vld [tilespmem:s1+$0xFFFFFF80];
	v4 =	vadd.f32 v23, v4;
	v1 =	vadd.f32 v24, v62  }
0x2b7: {  	v10 =	vld [tilespmem:s1+$0xFFFFFFF0];
	v0 =	vadd.f32 v25, v0;
	v15 =	vadd.f32 v19, v15  }
0x2b8: {  	s0 =	simm.s32 $0x0;
	v13 =	vld [tilespmem:s1+$0x0];
	s1 =	simm.s32 $0xB8F0;
	v17 =	vadd.f32 v17, v16;
	v16 =	vadd.f32 v61, v18  }
.LBB2_18:
0x2b9: {  	v18 =	vld [tilespmem:s1+$0xFFFFFF90];
	v8 =	vadd.f32 v8, v15;
	v11 =	vadd.f32 v11, v14  }
0x2ba: {  	v14 =	vld [tilespmem:s1+$0xFFFFFFA0];
	v7 =	vadd.f32 v7, v17;
	v6 =	vadd.f32 v6, v16  }
0x2bb: {  	v15 =	vld [tilespmem:s1+$0xFFFFFFB0];
	v8 =	vadd.f32 v9, v8;
	v9 =	vadd.f32 v12, v11  }
0x2bc: {  	v11 =	vld [tilespmem:s1+$0xFFFFFFC0];
	v12 =	vadd.f32 v2, v7;
	v16 =	vadd.f32 v3, v6  }
0x2bd: {  	v2 =	vld [tilespmem:s1+$0xFFFFFFD0];
	v10 =	vadd.f32 v10, v8;
	v9 =	vadd.f32 v13, v9  }
0x2be: {  	v3 =	vld [tilespmem:s1+$0xFFFFFFE0]  }
0x2bf: {  	v8 =	vld [tilespmem:s1+$0xFFFFFF10]  }
0x2c0: {  	v13 =	vld [tilespmem:s1+$0xFFFFFF20]  }
0x2c1: {  	v17 =	vld [tilespmem:s1+$0xFFFFFF30]  }
0x2c2: {  	v19 =	vld [tilespmem:s1+$0xFFFFFF40]  }
0x2c3: {  	v7 =	vld [tilespmem:s1+$0xFFFFFF50]  }
0x2c4: {  	v6 =	vld [tilespmem:s1+$0xFFFFFF60]  }
0x2c5: {  	v20 =	vld [tilespmem:s1+$0xFFFFFE90]  }
0x2c6: {  	v21 =	vld [tilespmem:s1+$0xFFFFFEA0]  }
0x2c7: {  	v22 =	vld [tilespmem:s1+$0xFFFFFEB0]  }
0x2c8: {  	v23 =	vld [tilespmem:s1+$0xFFFFFEC0]  }
0x2c9: {  	v24 =	vld [tilespmem:s1+$0xFFFFFE10]  }
0x2ca: {  	v25 =	vld [tilespmem:s1+$0xFFFFFE20]  }
0x2cb: {  	v26 =	vld [tilespmem:s1+$0xFFFFFD90]  }
0x2cc: {  	v27 =	vld [tilespmem:s1+$0xFFFFFDA0]  }
0x2cd: {  	v28 =	vld [tilespmem:s1+$0xFFFFFDB0]  }
0x2ce: {  	v29 =	vld [tilespmem:s1+$0xFFFFFDC0]  }
0x2cf: {  	v30 =	vld [tilespmem:s1+$0xFFFFFE30]  }
0x2d0: {  	v31 =	vld [tilespmem:s1+$0xFFFFFE40]  }
0x2d1: {  	v32 =	vld [tilespmem:s1+$0xFFFFFED0]  }
0x2d2: {  	v5 =	vadd.f32 v26, v5;
	v4 =	vadd.f32 v27, v4;
	v26 =	vld [tilespmem:s1+$0xFFFFFEE0]  }
0x2d3: {  	v1 =	vadd.f32 v28, v1;
	v0 =	vadd.f32 v29, v0;
	v27 =	vld [tilespmem:s1+$0xFFFFFE50]  }
0x2d4: {  	v5 =	vadd.f32 v24, v5;
	v4 =	vadd.f32 v25, v4;
	v24 =	vld [tilespmem:s1+$0xFFFFFE60]  }
0x2d5: {  	v1 =	vadd.f32 v30, v1;
	v25 =	vld [tilespmem:s1+$0xFFFFFDD0];
	v0 =	vadd.f32 v31, v0  }
0x2d6: {  	v5 =	vadd.f32 v20, v5;
	v4 =	vadd.f32 v21, v4;
	v28 =	vld [tilespmem:s1+$0xFFFFFDE0]  }
0x2d7: {  	v1 =	vadd.f32 v22, v1;
	v20 =	vld [tilespmem:s1+$0xFFFFFDF0];
	v0 =	vadd.f32 v23, v0  }
0x2d8: {  	s0 =	sadd.s32 $0x5, s0;
	v5 =	vadd.f32 v8, v5;
	v4 =	vadd.f32 v13, v4;
	v21 =	vld [tilespmem:s1+$0xFFFFFE00]  }
0x2d9: {  	p0 =	slt.u32 s0, $0x5F;
	v1 =	vadd.f32 v17, v1;
	v13 =	vld [tilespmem:s1+$0xFFFFFE70];
	v0 =	vadd.f32 v19, v0  }
0x2da: {  	v5 =	vadd.f32 v18, v5;
	v4 =	vadd.f32 v14, v4;
	v17 =	vld [tilespmem:s1+$0xFFFFFE80]  }
0x2db: {  	v1 =	vadd.f32 v15, v1;
	v8 =	vld [tilespmem:s1+$0xFFFFFEF0];
	v0 =	vadd.f32 v11, v0  }
.Ltmp8:
0x2dc: {  	v12 =	vadd.f32 v25, v12;
	v14 =	vadd.f32 v28, v16;
	v11 =	vld [tilespmem:s1+$0xFFFFFF00];
	(pc) =	sbr.rel @p0 .LBB2_18-.Ltmp8, $4  }
0x2dd: {  	v10 =	vadd.f32 v20, v10;
	v16 =	vadd.f32 v21, v9;
	v9 =	vld [tilespmem:s1+$0xFFFFFF70]  }
0x2de: {  	v18 =	vadd.f32 v27, v12;
	v19 =	vadd.f32 v24, v14;
	v12 =	vld [tilespmem:s1+$0xFFFFFF80]  }
0x2df: {  	v15 =	vadd.f32 v13, v10;
	v14 =	vadd.f32 v17, v16;
	v10 =	vld [tilespmem:s1+$0xFFFFFFF0]  }
0x2e0: {  	v17 =	vadd.f32 v32, v18;
	v16 =	vadd.f32 v26, v19;
	v13 =	vld [tilespmem:s1+$0x0];
	s1 =	sadd.s32 $0x280, s1  }
0x2e1: {  	_ = 	snop  }
0x2e2: {  	v8 =	vadd.f32 v8, v15;
	[tilespmem:$0x1F700] =	vst v5;
	v7 =	vadd.f32 v7, v17  }
0x2e3: {  	v5 =	vadd.f32 v11, v14;
	[tilespmem:$0x1F710] =	vst v4;
	v6 =	vadd.f32 v6, v16  }
0x2e4: {  	[tilespmem:$0x1F720] =	vst v1;
	v4 =	vadd.f32 v9, v8;
	v2 =	vadd.f32 v2, v7  }
0x2e5: {  	[tilespmem:$0x1F730] =	vst v0;
	v1 =	vadd.f32 v12, v5;
	v3 =	vadd.f32 v3, v6  }
0x2e6: {  	v0 =	vadd.f32 v10, v4;
	[tilespmem:$0x1F740] =	vst v2  }
0x2e7: {  	v1 =	vadd.f32 v13, v1;
	[tilespmem:$0x1F750] =	vst v3  }
0x2e8: {  	[tilespmem:$0x1F760] =	vst v0  }
0x2e9: {  	[tilespmem:$0x1F770] =	vst v1  }
0x2ea: {  	_ =	swait.ge [sflag:s22], $0x3200  }
0x2eb: {  	[sflag:s22] =	ssyncset.done $0x0  }
0x2ec: {  	s1 =	simm.s32 $0xE800;
	[sflag:s22] =	ssyncadd.s32 $0xFFFFCE00  }
0x2ed: {  	v2 =	vld [tilespmem:s1+$0x200]  }
0x2ee: {  	v3 =	vld [tilespmem:s1+$0x210]  }
0x2ef: {  	v6 =	vld [tilespmem:s1+$0x220]  }
0x2f0: {  	v7 =	vld [tilespmem:s1+$0x230]  }
0x2f1: {  	v0 =	vld [tilespmem:s1+$0x240]  }
0x2f2: {  	v1 =	vld [tilespmem:s1+$0x250]  }
0x2f3: {  	v8 =	vld [tilespmem:s1+$0x180]  }
0x2f4: {  	v9 =	vld [tilespmem:s1+$0x190]  }
0x2f5: {  	v10 =	vld [tilespmem:s1+$0x1A0]  }
0x2f6: {  	v11 =	vld [tilespmem:s1+$0x1B0]  }
0x2f7: {  	v4 =	vld [tilespmem:s1+$0x1C0]  }
0x2f8: {  	v5 =	vld [tilespmem:s1+$0x1D0]  }
0x2f9: {  	v12 =	vld [tilespmem:s1+$0x100]  }
0x2fa: {  	v13 =	vld [tilespmem:s1+$0x110]  }
0x2fb: {  	v14 =	vld [tilespmem:s1+$0x120]  }
0x2fc: {  	v15 =	vld [tilespmem:s1+$0x130]  }
0x2fd: {  	v16 =	vld [tilespmem:s1+$0x80]  }
0x2fe: {  	v17 =	vld [tilespmem:s1+$0x90]  }
0x2ff: {  	v18 =	vld [tilespmem:s1+$0x0]  }
0x300: {  	v19 =	vld [tilespmem:s1+$0x10]  }
0x301: {  	v20 =	vld [tilespmem:s1+$0x20]  }
0x302: {  	v21 =	vld [tilespmem:s1+$0x30]  }
0x303: {  	v22 =	vld [tilespmem:s1+$0xA0]  }
0x304: {  	v23 =	vld [tilespmem:s1+$0xB0]  }
0x305: {  	v24 =	vimm.f32 $0.0e+00;
	v25 =	vld [tilespmem:s1+$0x140]  }
0x306: {  	v26 =	vld [tilespmem:s1+$0x150];
	v18 =	vadd.f32 v18, v24;
	v19 =	vadd.f32 v19, v24  }
0x307: {  	v27 =	vld [tilespmem:s1+$0xC0];
	v20 =	vadd.f32 v20, v24;
	v21 =	vadd.f32 v21, v24  }
0x308: {  	v16 =	vadd.f32 v16, v18;
	v17 =	vadd.f32 v17, v19;
	v18 =	vld [tilespmem:s1+$0xD0]  }
0x309: {  	v19 =	vld [tilespmem:s1+$0x40];
	v20 =	vadd.f32 v22, v20;
	v21 =	vadd.f32 v23, v21  }
0x30a: {  	v22 =	vld [tilespmem:s1+$0x50];
	v12 =	vadd.f32 v12, v16;
	v13 =	vadd.f32 v13, v17  }
0x30b: {  	v16 =	vld [tilespmem:s1+$0x60];
	v14 =	vadd.f32 v14, v20;
	v15 =	vadd.f32 v15, v21  }
0x30c: {  	v17 =	vld [tilespmem:s1+$0x70];
	v8 =	vadd.f32 v8, v12;
	v9 =	vadd.f32 v9, v13  }
0x30d: {  	v20 =	vld [tilespmem:s1+$0xE0];
	v10 =	vadd.f32 v10, v14;
	v11 =	vadd.f32 v11, v15  }
0x30e: {  	v14 =	vld [tilespmem:s1+$0xF0];
	v8 =	vadd.f32 v2, v8;
	v9 =	vadd.f32 v3, v9  }
0x30f: {  	v12 =	vld [tilespmem:s1+$0x160];
	v10 =	vadd.f32 v6, v10;
	v11 =	vadd.f32 v7, v11  }
0x310: {  	v15 =	vld [tilespmem:s1+$0x170];
	v2 =	vadd.f32 v19, v24;
	v3 =	vadd.f32 v22, v24  }
0x311: {  	v13 =	vld [tilespmem:s1+$0x1E0];
	v6 =	vadd.f32 v16, v24;
	v7 =	vadd.f32 v17, v24  }
0x312: {  	v16 =	vld [tilespmem:s1+$0x1F0];
	v2 =	vadd.f32 v27, v2;
	v3 =	vadd.f32 v18, v3  }
0x313: {  	v17 =	vld [tilespmem:s1+$0x270];
	v18 =	vadd.f32 v20, v6;
	v19 =	vadd.f32 v14, v7  }
0x314: {  	s0 =	simm.s32 $0x0;
	v14 =	vld [tilespmem:s1+$0x260];
	s1 =	simm.s32 $0xEA80;
	v20 =	vadd.f32 v25, v2;
	v21 =	vadd.f32 v26, v3  }
.LBB2_20:
0x315: {  	v2 =	vld [tilespmem:s1+$0x200];
	v3 =	vadd.f32 v12, v18;
	v6 =	vadd.f32 v15, v19  }
0x316: {  	v7 =	vld [tilespmem:s1+$0x210];
	v4 =	vadd.f32 v4, v20;
	v5 =	vadd.f32 v5, v21  }
0x317: {  	v15 =	vld [tilespmem:s1+$0x220];
	v3 =	vadd.f32 v13, v3;
	v6 =	vadd.f32 v16, v6  }
0x318: {  	v13 =	vld [tilespmem:s1+$0x230];
	v16 =	vadd.f32 v0, v4;
	v18 =	vadd.f32 v1, v5  }
0x319: {  	v0 =	vld [tilespmem:s1+$0x240];
	v3 =	vadd.f32 v14, v3;
	v6 =	vadd.f32 v17, v6  }
0x31a: {  	v1 =	vld [tilespmem:s1+$0x250]  }
0x31b: {  	v12 =	vld [tilespmem:s1+$0x180]  }
0x31c: {  	v14 =	vld [tilespmem:s1+$0x190]  }
0x31d: {  	v17 =	vld [tilespmem:s1+$0x1A0]  }
0x31e: {  	v19 =	vld [tilespmem:s1+$0x1B0]  }
0x31f: {  	v4 =	vld [tilespmem:s1+$0x1C0]  }
0x320: {  	v5 =	vld [tilespmem:s1+$0x1D0]  }
0x321: {  	v20 =	vld [tilespmem:s1+$0x100]  }
0x322: {  	v21 =	vld [tilespmem:s1+$0x110]  }
0x323: {  	v22 =	vld [tilespmem:s1+$0x120]  }
0x324: {  	v23 =	vld [tilespmem:s1+$0x130]  }
0x325: {  	v24 =	vld [tilespmem:s1+$0x80]  }
0x326: {  	v25 =	vld [tilespmem:s1+$0x90]  }
0x327: {  	v26 =	vld [tilespmem:s1+$0x0]  }
0x328: {  	v27 =	vld [tilespmem:s1+$0x10]  }
0x329: {  	v28 =	vld [tilespmem:s1+$0x20]  }
0x32a: {  	v29 =	vld [tilespmem:s1+$0x30]  }
0x32b: {  	v30 =	vld [tilespmem:s1+$0xA0]  }
0x32c: {  	v31 =	vld [tilespmem:s1+$0xB0]  }
0x32d: {  	v32 =	vld [tilespmem:s1+$0x140]  }
0x32e: {  	v8 =	vadd.f32 v26, v8;
	v9 =	vadd.f32 v27, v9;
	v26 =	vld [tilespmem:s1+$0x150]  }
0x32f: {  	v10 =	vadd.f32 v28, v10;
	v11 =	vadd.f32 v29, v11;
	v27 =	vld [tilespmem:s1+$0xC0]  }
0x330: {  	v8 =	vadd.f32 v24, v8;
	v9 =	vadd.f32 v25, v9;
	v24 =	vld [tilespmem:s1+$0xD0]  }
0x331: {  	v10 =	vadd.f32 v30, v10;
	v25 =	vld [tilespmem:s1+$0x40];
	v11 =	vadd.f32 v31, v11  }
0x332: {  	v8 =	vadd.f32 v20, v8;
	v9 =	vadd.f32 v21, v9;
	v28 =	vld [tilespmem:s1+$0x50]  }
0x333: {  	v10 =	vadd.f32 v22, v10;
	v20 =	vld [tilespmem:s1+$0x60];
	v11 =	vadd.f32 v23, v11  }
0x334: {  	s0 =	sadd.s32 $0x5, s0;
	v8 =	vadd.f32 v12, v8;
	v9 =	vadd.f32 v14, v9;
	v21 =	vld [tilespmem:s1+$0x70]  }
0x335: {  	p0 =	slt.u32 s0, $0x5F;
	v10 =	vadd.f32 v17, v10;
	v14 =	vld [tilespmem:s1+$0xE0];
	v11 =	vadd.f32 v19, v11  }
0x336: {  	v8 =	vadd.f32 v2, v8;
	v9 =	vadd.f32 v7, v9;
	v17 =	vld [tilespmem:s1+$0xF0]  }
0x337: {  	v10 =	vadd.f32 v15, v10;
	v12 =	vld [tilespmem:s1+$0x160];
	v11 =	vadd.f32 v13, v11  }
.Ltmp9:
0x338: {  	v2 =	vadd.f32 v25, v16;
	v7 =	vadd.f32 v28, v18;
	v15 =	vld [tilespmem:s1+$0x170];
	(pc) =	sbr.rel @p0 .LBB2_20-.Ltmp9, $4  }
0x339: {  	v3 =	vadd.f32 v20, v3;
	v6 =	vadd.f32 v21, v6;
	v13 =	vld [tilespmem:s1+$0x1E0]  }
0x33a: {  	v2 =	vadd.f32 v27, v2;
	v7 =	vadd.f32 v24, v7;
	v16 =	vld [tilespmem:s1+$0x1F0]  }
0x33b: {  	v18 =	vadd.f32 v14, v3;
	v19 =	vadd.f32 v17, v6;
	v14 =	vld [tilespmem:s1+$0x260]  }
0x33c: {  	v20 =	vadd.f32 v32, v2;
	v21 =	vadd.f32 v26, v7;
	v17 =	vld [tilespmem:s1+$0x270];
	s1 =	sadd.s32 $0x280, s1  }
0x33d: {  	_ =	swait.ge [sflag:s23], $0x3200  }
0x33e: {  	[sflag:s23] =	ssyncset.done $0x0  }
0x33f: {  	s1 =	simm.s32 $0x11C00;
	[sflag:s23] =	ssyncadd.s32 $0xFFFFCE00  }
0x340: {  	v22 =	vld [tilespmem:s1+$0x200]  }
0x341: {  	v23 =	vld [tilespmem:s1+$0x210]  }
0x342: {  	v24 =	vld [tilespmem:s1+$0x220]  }
0x343: {  	v25 =	vld [tilespmem:s1+$0x230]  }
0x344: {  	v2 =	vld [tilespmem:s1+$0x240]  }
0x345: {  	v3 =	vld [tilespmem:s1+$0x250]  }
0x346: {  	v26 =	vld [tilespmem:s1+$0x180]  }
0x347: {  	v27 =	vld [tilespmem:s1+$0x190]  }
0x348: {  	v28 =	vld [tilespmem:s1+$0x1A0]  }
0x349: {  	v29 =	vld [tilespmem:s1+$0x1B0]  }
0x34a: {  	v7 =	vld [tilespmem:s1+$0x1C0]  }
0x34b: {  	v6 =	vld [tilespmem:s1+$0x1D0]  }
0x34c: {  	v30 =	vld [tilespmem:s1+$0x100]  }
0x34d: {  	v31 =	vld [tilespmem:s1+$0x110]  }
0x34e: {  	v32 =	vld [tilespmem:s1+$0x120]  }
0x34f: {  	v33 =	vld [tilespmem:s1+$0x130]  }
0x350: {  	v34 =	vld [tilespmem:s1+$0x80]  }
0x351: {  	v35 =	vld [tilespmem:s1+$0x90]  }
0x352: {  	v36 =	vld [tilespmem:s1+$0x0]  }
0x353: {  	v37 =	vld [tilespmem:s1+$0x10]  }
0x354: {  	v12 =	vadd.f32 v12, v18;
	v15 =	vadd.f32 v15, v19;
	v18 =	vld [tilespmem:s1+$0x20]  }
0x355: {  	v4 =	vadd.f32 v4, v20;
	v5 =	vadd.f32 v5, v21;
	v19 =	vld [tilespmem:s1+$0x30]  }
0x356: {  	v12 =	vadd.f32 v13, v12;
	v13 =	vadd.f32 v16, v15;
	v15 =	vld [tilespmem:s1+$0xA0]  }
0x357: {  	v16 =	vadd.f32 v0, v4;
	v60 =	vadd.f32 v1, v5;
	v0 =	vld [tilespmem:s1+$0xB0]  }
0x358: {  	v61 =	vld [tilespmem:s1+$0x150];
	v12 =	vadd.f32 v14, v12;
	v13 =	vadd.f32 v17, v13  }
0x359: {  	v1 =	vadd.f32 v36, v8;
	v4 =	vadd.f32 v37, v9;
	v9 =	vld [tilespmem:s1+$0x40]  }
0x35a: {  	v5 =	vadd.f32 v18, v10;
	v8 =	vadd.f32 v19, v11;
	v11 =	vld [tilespmem:s1+$0x50]  }
0x35b: {  	v18 =	vld [tilespmem:s1+$0x70];
	v1 =	vadd.f32 v34, v1;
	v4 =	vadd.f32 v35, v4  }
0x35c: {  	v14 =	vld [tilespmem:s1+$0xD0];
	v5 =	vadd.f32 v15, v5;
	v0 =	vadd.f32 v0, v8  }
0x35d: {  	v15 =	vld [tilespmem:s1+$0x60];
	v1 =	vadd.f32 v30, v1;
	v4 =	vadd.f32 v31, v4  }
0x35e: {  	v10 =	vld [tilespmem:s1+$0xC0];
	v5 =	vadd.f32 v32, v5;
	v0 =	vadd.f32 v33, v0  }
0x35f: {  	v63 =	vld [tilespmem:s1+$0xF0];
	v16 =	vadd.f32 v9, v16;
	v20 =	vadd.f32 v11, v60  }
0x360: {  	v17 =	vld [tilespmem:s1+$0x140];
	v13 =	vadd.f32 v18, v13;
	v1 =	vadd.f32 v26, v1  }
0x361: {  	v19 =	vld [tilespmem:s1+$0xE0];
	v4 =	vadd.f32 v27, v4;
	v62 =	vadd.f32 v28, v5  }
0x362: {  	v8 =	vld [tilespmem:s1+$0x160];
	v0 =	vadd.f32 v29, v0;
	v15 =	vadd.f32 v15, v12  }
0x363: {  	v11 =	vld [tilespmem:s1+$0x170];
	v16 =	vadd.f32 v10, v16;
	v18 =	vadd.f32 v14, v20  }
0x364: {  	v9 =	vld [tilespmem:s1+$0x1E0];
	v14 =	vadd.f32 v63, v13;
	v5 =	vadd.f32 v22, v1  }
0x365: {  	v12 =	vld [tilespmem:s1+$0x1F0];
	v4 =	vadd.f32 v23, v4;
	v1 =	vadd.f32 v24, v62  }
0x366: {  	v10 =	vld [tilespmem:s1+$0x260];
	v0 =	vadd.f32 v25, v0;
	v15 =	vadd.f32 v19, v15  }
0x367: {  	s0 =	simm.s32 $0x0;
	v13 =	vld [tilespmem:s1+$0x270];
	s1 =	simm.s32 $0x11E80;
	v17 =	vadd.f32 v17, v16;
	v16 =	vadd.f32 v61, v18  }
.LBB2_22:
0x368: {  	v18 =	vld [tilespmem:s1+$0x200];
	v8 =	vadd.f32 v8, v15;
	v11 =	vadd.f32 v11, v14  }
0x369: {  	v14 =	vld [tilespmem:s1+$0x210];
	v7 =	vadd.f32 v7, v17;
	v6 =	vadd.f32 v6, v16  }
0x36a: {  	v15 =	vld [tilespmem:s1+$0x220];
	v8 =	vadd.f32 v9, v8;
	v9 =	vadd.f32 v12, v11  }
0x36b: {  	v11 =	vld [tilespmem:s1+$0x230];
	v12 =	vadd.f32 v2, v7;
	v16 =	vadd.f32 v3, v6  }
0x36c: {  	v2 =	vld [tilespmem:s1+$0x240];
	v10 =	vadd.f32 v10, v8;
	v9 =	vadd.f32 v13, v9  }
0x36d: {  	v3 =	vld [tilespmem:s1+$0x250]  }
0x36e: {  	v8 =	vld [tilespmem:s1+$0x180]  }
0x36f: {  	v13 =	vld [tilespmem:s1+$0x190]  }
0x370: {  	v17 =	vld [tilespmem:s1+$0x1A0]  }
0x371: {  	v19 =	vld [tilespmem:s1+$0x1B0]  }
0x372: {  	v7 =	vld [tilespmem:s1+$0x1C0]  }
0x373: {  	v6 =	vld [tilespmem:s1+$0x1D0]  }
0x374: {  	v20 =	vld [tilespmem:s1+$0x100]  }
0x375: {  	v21 =	vld [tilespmem:s1+$0x110]  }
0x376: {  	v22 =	vld [tilespmem:s1+$0x120]  }
0x377: {  	v23 =	vld [tilespmem:s1+$0x130]  }
0x378: {  	v24 =	vld [tilespmem:s1+$0x80]  }
0x379: {  	v25 =	vld [tilespmem:s1+$0x90]  }
0x37a: {  	v26 =	vld [tilespmem:s1+$0x0]  }
0x37b: {  	v27 =	vld [tilespmem:s1+$0x10]  }
0x37c: {  	v28 =	vld [tilespmem:s1+$0x20]  }
0x37d: {  	v29 =	vld [tilespmem:s1+$0x30]  }
0x37e: {  	v30 =	vld [tilespmem:s1+$0xA0]  }
0x37f: {  	v31 =	vld [tilespmem:s1+$0xB0]  }
0x380: {  	v32 =	vld [tilespmem:s1+$0x140]  }
0x381: {  	v5 =	vadd.f32 v26, v5;
	v4 =	vadd.f32 v27, v4;
	v26 =	vld [tilespmem:s1+$0x150]  }
0x382: {  	v1 =	vadd.f32 v28, v1;
	v0 =	vadd.f32 v29, v0;
	v27 =	vld [tilespmem:s1+$0xC0]  }
0x383: {  	v5 =	vadd.f32 v24, v5;
	v4 =	vadd.f32 v25, v4;
	v24 =	vld [tilespmem:s1+$0xD0]  }
0x384: {  	v1 =	vadd.f32 v30, v1;
	v25 =	vld [tilespmem:s1+$0x40];
	v0 =	vadd.f32 v31, v0  }
0x385: {  	v5 =	vadd.f32 v20, v5;
	v4 =	vadd.f32 v21, v4;
	v28 =	vld [tilespmem:s1+$0x50]  }
0x386: {  	v1 =	vadd.f32 v22, v1;
	v20 =	vld [tilespmem:s1+$0x60];
	v0 =	vadd.f32 v23, v0  }
0x387: {  	s0 =	sadd.s32 $0x5, s0;
	v5 =	vadd.f32 v8, v5;
	v4 =	vadd.f32 v13, v4;
	v21 =	vld [tilespmem:s1+$0x70]  }
0x388: {  	p0 =	slt.u32 s0, $0x5F;
	v1 =	vadd.f32 v17, v1;
	v13 =	vld [tilespmem:s1+$0xE0];
	v0 =	vadd.f32 v19, v0  }
0x389: {  	v5 =	vadd.f32 v18, v5;
	v4 =	vadd.f32 v14, v4;
	v17 =	vld [tilespmem:s1+$0xF0]  }
0x38a: {  	v1 =	vadd.f32 v15, v1;
	v8 =	vld [tilespmem:s1+$0x160];
	v0 =	vadd.f32 v11, v0  }
.Ltmp10:
0x38b: {  	v12 =	vadd.f32 v25, v12;
	v14 =	vadd.f32 v28, v16;
	v11 =	vld [tilespmem:s1+$0x170];
	(pc) =	sbr.rel @p0 .LBB2_22-.Ltmp10, $4  }
0x38c: {  	v10 =	vadd.f32 v20, v10;
	v16 =	vadd.f32 v21, v9;
	v9 =	vld [tilespmem:s1+$0x1E0]  }
0x38d: {  	v18 =	vadd.f32 v27, v12;
	v19 =	vadd.f32 v24, v14;
	v12 =	vld [tilespmem:s1+$0x1F0]  }
0x38e: {  	v15 =	vadd.f32 v13, v10;
	v14 =	vadd.f32 v17, v16;
	v10 =	vld [tilespmem:s1+$0x260]  }
0x38f: {  	v17 =	vadd.f32 v32, v18;
	v16 =	vadd.f32 v26, v19;
	v13 =	vld [tilespmem:s1+$0x270];
	s1 =	sadd.s32 $0x280, s1  }
0x390: {  	_ = 	snop  }
0x391: {  	v8 =	vadd.f32 v8, v15;
	[tilespmem:$0x1F780] =	vst v5;
	v7 =	vadd.f32 v7, v17  }
0x392: {  	v60 =	vadd.f32 v11, v14;
	[tilespmem:$0x1F790] =	vst v4;
	v6 =	vadd.f32 v6, v16  }
0x393: {  	[tilespmem:$0x1F7A0] =	vst v1;
	v61 =	vadd.f32 v9, v8;
	v2 =	vadd.f32 v2, v7  }
0x394: {  	[tilespmem:$0x1F7B0] =	vst v0;
	v62 =	vadd.f32 v12, v60;
	v3 =	vadd.f32 v3, v6  }
0x395: {  	v63 =	vadd.f32 v10, v61;
	[tilespmem:$0x1F7C0] =	vst v2  }
0x396: {  	s28 =	sadd.s32 $0x1, s28;
	v1 =	vadd.f32 v13, v62;
	[tilespmem:$0x1F7D0] =	vst v3  }
0x397: {  	p0 =	sne.s32 s28, s6;
	[tilespmem:$0x1F7E0] =	vst v63  }
.Ltmp11:
0x398: {  	[tilespmem:$0x1F7F0] =	vst v1;
	(pc) =	sbr.rel @p0 .LBB2_1-.Ltmp11, $4  }
0x399: {  	[hbm4b:s5+s3] =	stream.linear.scatter [tilespmem:s26], [sflag:$0x7], $0x4000, $0x38;
	[tilespmem:$0x1F800] =	vst v63  }
0x39a: {  	_ =	swait.ge [sflag:s7], $0x4000  }
0x39b: {  	[sflag:s7] =	ssyncset.done $0x0  }
0x39c: {  	[sflag:s7] =	ssyncadd.s32 $0xFFFFC000  }
0x39d: {  	_ =	sfence.sel $0x180000  }
0x39e: {  	[bflag:$0x0] =	sbarrier.arrive $0xFFFF  }
0x39f: {  	_ =	strace $0x90000047  }
0x3a0: {  	s0 =	stileid.u32;
	[bflag:$0x2] =	sbarrier.arrive $0xFFFF  }
0x3a1: {  	p0 =	sne.s32 s0, $0x0;
	s0 =	rddreg [dreg:$0x2]  }
0x3a2: {  	s0 =	sadd.s32 @!p0 $0x100000, s0  }
0x3a3: {  	[sflag:s0] =	ssyncadd.tile.s32 @!p0 $0x1;
	_ =	shalt  }
.Lfunc_end2:
_tile_overlayer_lowered:
.L_overlay_start_2:
0x3a4: {  	(tag) =	ssettag $0x2  }
0x3a5: {  	s0 =	rddreg [dreg:$0x0];
	s2 =	stileid.u32  }
0x3a6: {  	s1 =	rddreg [dreg:$0x1];
	p0 =	sne.s32 s2, $0x0  }
0x3a7: {  	s3 =	rddreg [dreg:$0x2];
	[bflag:$0x3] =	sbarrier.arrive $0xFFFF;
	s2 =	simm.s32 @!p0 $0x1C07  }
0x3a8: {  	[timem:s3], [sflag:s2] =	dma.local @!p0 [hbm:s0], s1  }
0x3a9: {  	s0 =	simm.s32 @!p0 $0x7  }
0x3aa: {  	_ =	swait.ge @!p0 [sflag:s0], s1  }
0x3ab: {  	s1 =	ssub.s32 @!p0 $0x0, s1;
	[sflag:s0] =	ssyncset.done @!p0 $0x0  }
0x3ac: {  	[sflag:s0] =	ssyncadd.s32 @!p0 s1  }
0x3ad: {  	[bflag:$0x3] =	sbarrier.arrive $0xFFFF  }
0x3ae: {  	_ =	shalt  }

</sc_bundles>
